<compile_context>
chip_gen: v7x
topology: tpu7x:2x2x1
jax: 0.10.2.dev20260603
libtpu: 0.0.44.dev20260713+nightly
codegen_flags: <defaults>
</compile_context>

<pallas_src>
import functools
import jax
import jax.numpy as jnp
from jax import lax
from jax.experimental import pallas as pl
from jax.experimental.pallas import tpu as pltpu
from jax.experimental.pallas import tpu_sc as plsc

N_NODES = 10000
N_EDGES = 320000
IN_DIM = 128
HID = 256
OUT = 128

NC = 2
NS = 16
CHUNK = 80
EPT = N_EDGES // NS
NCHUNK = -(-EPT // CHUNK)
EPAD = NCHUNK * CHUNK - EPT
PPB = NS * NCHUNK
ACC_ROWS = 10016
RPT = 624
TAIL = N_NODES - NS * RPT
ZTAIL = ACC_ROWS - NS * RPT
HALF = 5120


def _seg_body(n_phases):

    def body(table, pairs, z128, out, idx_v, rows_v, sems, acc, sem):
        c = lax.axis_index("c")
        s = lax.axis_index("s")
        rbase = pl.multiple_of(s * RPT, 8)
        for p in range(n_phases):
            blk = c * n_phases + p
            pltpu.sync_copy(z128, acc.at[pl.ds(rbase, RPT)])

            @pl.when(s == 0)
            def _():
                pltpu.sync_copy(z128.at[pl.ds(0, ZTAIL)],
                                acc.at[pl.ds(NS * RPT, ZTAIL)])

            plsc.subcore_barrier()
            pbase = blk * PPB + s * NCHUNK

            def load_and_fire(t, b):
                pltpu.sync_copy(pairs.at[pbase + t], idx_v.at[b])
                pltpu.async_copy(table.at[idx_v.at[b, 0]], rows_v.at[b],
                                 sems.at[b])

            load_and_fire(0, 0)

            def chunk(t, carry):
                b = lax.rem(t, 2)

                @pl.when(t + 1 < NCHUNK)
                def _():
                    load_and_fire(t + 1, 1 - b)

                pltpu.make_async_copy(table.at[idx_v.at[b, 0]], rows_v.at[b],
                                      sems.at[b]).wait()
                pltpu.sync_copy(rows_v.at[b], acc.at[idx_v.at[b, 1]], add=True)
                return carry

            lax.fori_loop(0, NCHUNK, chunk, 0)
            plsc.subcore_barrier()
            obase = pl.multiple_of(blk * N_NODES + rbase, 8)
            pltpu.sync_copy(acc.at[pl.ds(rbase, RPT)],
                            out.at[pl.ds(obase, RPT)])

            @pl.when(s == 0)
            def _():
                tb = pl.multiple_of(blk * N_NODES + NS * RPT, 8)
                pltpu.sync_copy(acc.at[pl.ds(NS * RPT, TAIL)],
                                out.at[pl.ds(tb, TAIL)])

            plsc.subcore_barrier()

    return body


def _deg_body(pairs, z3, identh, dout, idx_v, ldeg, idv, sems, dshared, sem):
    c = lax.axis_index("c")
    s = lax.axis_index("s")
    pltpu.sync_copy(identh, idv)

    @pl.when(s == 0)
    def _():
        pltpu.sync_copy(z3.at[0], dshared.at[pl.ds(0, 40)])
        pltpu.sync_copy(z3.at[1], dshared.at[pl.ds(40, 40)])

    plsc.subcore_barrier()
    pbase = c * PPB + s * NCHUNK
    iota16 = lax.iota(jnp.int32, 16)

    def hist(buf, lo):
        for q in range(CHUNK // 16):
            v = idx_v[buf, 1, pl.ds(q * 16, 16)]
            vv = v - lo
            m = jnp.logical_and(vv >= 0, vv < HALF)
            vc = jnp.clip(vv, 0, HALF - 1)
            hi = lax.shift_right_logical(vc, 7)
            lo7 = lax.bitwise_and(vc, 127)
            cur = plsc.load_gather(ldeg, [iota16, hi, lo7], mask=m)
            plsc.store_scatter(ldeg, [iota16, hi, lo7], cur + 1.0, mask=m)

    def fire(t, buf):
        pltpu.async_copy(pairs.at[pbase + t], idx_v.at[buf], sems.at[buf])

    def drain(t, buf):
        pltpu.make_async_copy(pairs.at[pbase + t], idx_v.at[buf],
                              sems.at[buf]).wait()

    for half in range(2):
        lo = half * HALF
        pltpu.sync_copy(z3, ldeg)
        fire(0, 0)

        def chunk(tt, carry):
            t0 = tt * 2
            fire(t0 + 1, 1)
            drain(t0, 0)
            hist(0, lo)

            @pl.when(t0 + 2 < NCHUNK)
            def _():
                fire(t0 + 2, 0)

            drain(t0 + 1, 1)
            hist(1, lo)
            return carry

        lax.fori_loop(0, NCHUNK // 2, chunk, 0)
        for k2 in range(16):
            pltpu.sync_copy(ldeg.at[k2], dshared.at[idv.at[half]], add=True)
    plsc.subcore_barrier()

    @pl.when(s == 0)
    def _():
        pltpu.sync_copy(dshared, dout.at[pl.ds(c * 80, 80)])


@functools.lru_cache(maxsize=1)
def _sc_kernels():
    mesh = plsc.VectorSubcoreMesh(core_axis_name="c", subcore_axis_name="s")
    seg_scratch = [
        pltpu.VMEM((2, 2, CHUNK), jnp.int32),
        pltpu.VMEM((2, CHUNK, IN_DIM), jnp.float32),
        pltpu.SemaphoreType.DMA((2,)),
        pltpu.VMEM_SHARED((ACC_ROWS, IN_DIM), jnp.float32),
        pltpu.SemaphoreType.DMA,
    ]
    seg1 = pl.kernel(
        _seg_body(1),
        out_type=jax.ShapeDtypeStruct((NC * N_NODES, IN_DIM), jnp.float32),
        mesh=mesh,
        scratch_types=list(seg_scratch),
    )
    seg2 = pl.kernel(
        _seg_body(2),
        out_type=jax.ShapeDtypeStruct((2 * NC * N_NODES, IN_DIM), jnp.float32),
        mesh=mesh,
        scratch_types=list(seg_scratch),
    )
    deg = pl.kernel(
        _deg_body,
        out_type=jax.ShapeDtypeStruct((NC * 80, 128), jnp.float32),
        compiler_params=pltpu.CompilerParams(needs_layout_passes=False),
        mesh=mesh,
        scratch_types=[
            pltpu.VMEM((2, 2, CHUNK), jnp.int32),
            pltpu.VMEM((16, 40, 128), jnp.float32),
            pltpu.VMEM((2, 40), jnp.int32),
            pltpu.SemaphoreType.DMA((2,)),
            pltpu.VMEM_SHARED((80, 128), jnp.float32),
            pltpu.SemaphoreType.DMA,
        ],
    )
    return seg1, seg2, deg


R = 400
NB = N_NODES // R


def _tc1_body(feats_ref, s1_ref, deg_ref, ws_ref, wn_ref, b_ref, y_ref):
    d = jnp.maximum(deg_ref[...], 1.0)
    hn = s1_ref[...] / d
    y = (jnp.dot(feats_ref[...], ws_ref[0], preferred_element_type=jnp.float32)
         + jnp.dot(hn, wn_ref[0], preferred_element_type=jnp.float32)
         + b_ref[0, 0:1, :])
    y_ref[...] = jnp.maximum(y, 0.0)


def _tc1(feats, s1, deg, ws, wn, b):
    return pl.pallas_call(
        _tc1_body,
        grid=(NB, 4),
        in_specs=[
            pl.BlockSpec((R, IN_DIM), lambda i, j: (i, 0)),
            pl.BlockSpec((R, IN_DIM), lambda i, j: ((j // 2) * NB + i, 0)),
            pl.BlockSpec((R, 1), lambda i, j: ((j // 2) * NB + i, 0)),
            pl.BlockSpec((1, IN_DIM, IN_DIM), lambda i, j: (j // 2, 0, j % 2)),
            pl.BlockSpec((1, IN_DIM, IN_DIM), lambda i, j: (j // 2, 0, j % 2)),
            pl.BlockSpec((1, 8, IN_DIM), lambda i, j: (j // 2, 0, j % 2)),
        ],
        out_specs=pl.BlockSpec((R, IN_DIM), lambda i, j: (j * NB + i, 0)),
        out_shape=jax.ShapeDtypeStruct((2 * NC * N_NODES, IN_DIM), jnp.float32),
    )(feats, s1, deg, ws, wn, b)


def _tc2_body(yl_ref, yr_ref, s2l_ref, s2r_ref, deg_ref,
              ws_ref, wn_ref, b_ref, wl_ref, out_ref, acc_ref):
    bidx = pl.program_id(0)
    i = pl.program_id(1)
    h1 = jnp.concatenate([yl_ref[...], yr_ref[...]], axis=1)
    d = jnp.maximum(deg_ref[...], 1.0)
    hn = jnp.concatenate([s2l_ref[...], s2r_ref[...]], axis=1) / d
    h2 = (jnp.dot(h1, ws_ref[0], preferred_element_type=jnp.float32)
          + jnp.dot(hn, wn_ref[0], preferred_element_type=jnp.float32)
          + b_ref[0, 0:1, :])
    h2 = jnp.maximum(h2, 0.0)
    colsum = jnp.sum(h2, axis=0, keepdims=True)

    @pl.when(i == 0)
    def _():
        acc_ref[pl.ds(bidx, 1), :] = colsum

    @pl.when(i > 0)
    def _():
        acc_ref[pl.ds(bidx, 1), :] = acc_ref[pl.ds(bidx, 1), :] + colsum

    @pl.when(jnp.logical_and(bidx == 1, i == NB - 1))
    def _():
        inv = 1.0 / N_NODES
        ra = jnp.dot(acc_ref[0:1, :] * inv, wl_ref[0],
                     preferred_element_type=jnp.float32)
        ra = jnp.maximum(ra, 0.0)
        rb = jnp.dot(acc_ref[1:2, :] * inv, wl_ref[1],
                     preferred_element_type=jnp.float32)
        out_ref[...] = jax.nn.sigmoid((ra + rb) * 0.5)


def _tc2(y, s2, deg, ws, wn, b, wl):
    return pl.pallas_call(
        _tc2_body,
        grid=(2, NB),
        in_specs=[
            pl.BlockSpec((R, IN_DIM), lambda bi, i: ((bi * 2) * NB + i, 0)),
            pl.BlockSpec((R, IN_DIM), lambda bi, i: ((bi * 2 + 1) * NB + i, 0)),
            pl.BlockSpec((R, IN_DIM), lambda bi, i: ((bi * 2) * NB + i, 0)),
            pl.BlockSpec((R, IN_DIM), lambda bi, i: ((bi * 2 + 1) * NB + i, 0)),
            pl.BlockSpec((R, 1), lambda bi, i: (bi * NB + i, 0)),
            pl.BlockSpec((1, HID, HID), lambda bi, i: (bi, 0, 0)),
            pl.BlockSpec((1, HID, HID), lambda bi, i: (bi, 0, 0)),
            pl.BlockSpec((1, 8, HID), lambda bi, i: (bi, 0, 0)),
            pl.BlockSpec((2, HID, OUT), lambda bi, i: (0, 0, 0)),
        ],
        out_specs=pl.BlockSpec((1, OUT), lambda bi, i: (0, 0)),
        out_shape=jax.ShapeDtypeStruct((1, OUT), jnp.float32),
        scratch_shapes=[pltpu.VMEM((8, HID), jnp.float32)],
    )(y, y, s2, s2, deg, ws, wn, b, wl)


def kernel(feats, edge_index1, edge_index2,
           W1_self_a, W1_neigh_a, b1_a, W2_self_a, W2_neigh_a, b2_a, Wl_a,
           W1_self_b, W1_neigh_b, b1_b, W2_self_b, W2_neigh_b, b2_b, Wl_b):
    e1 = edge_index1.astype(jnp.int32)
    e2 = edge_index2.astype(jnp.int32)

    def pack(src, dst, srcoff):
        s = jnp.pad((src + srcoff).reshape(NS, EPT), ((0, 0), (0, EPAD)))
        d = jnp.pad(dst.reshape(NS, EPT), ((0, 0), (0, EPAD)),
                    constant_values=N_NODES)
        s = s.reshape(NS, NCHUNK, 1, CHUNK)
        d = d.reshape(NS, NCHUNK, 1, CHUNK)
        return jnp.concatenate([s, d], axis=2).reshape(PPB, 2, CHUNK)

    pairs1 = jnp.concatenate([pack(e1[0], e1[1], 0),
                              pack(e2[0], e2[1], 0)])
    pairs2 = jnp.concatenate([pack(e1[0], e1[1], 0),
                              pack(e1[0], e1[1], N_NODES),
                              pack(e2[0], e2[1], 2 * N_NODES),
                              pack(e2[0], e2[1], 3 * N_NODES)])
    z128 = jnp.zeros((RPT, IN_DIM), jnp.float32)
    z3 = jnp.zeros((16, 40, 128), jnp.float32)
    ident2 = jnp.arange(2 * 40, dtype=jnp.int32).reshape(2, 40)

    sc_seg1, sc_seg2, sc_deg = _sc_kernels()
    s1 = sc_seg1(feats, pairs1, z128)
    deg_raw = sc_deg(pairs1, z3, ident2)
    deg = deg_raw.reshape(NC, 80 * 128)[:, :N_NODES].reshape(NC * N_NODES, 1)

    ws1 = jnp.stack([W1_self_a, W1_self_b])
    wn1 = jnp.stack([W1_neigh_a, W1_neigh_b])
    b1 = jnp.tile(jnp.stack([b1_a, b1_b])[:, None, :], (1, 8, 1))
    y = _tc1(feats, s1, deg, ws1, wn1, b1)

    s2 = sc_seg2(y, pairs2, z128)

    ws2 = jnp.stack([W2_self_a, W2_self_b])
    wn2 = jnp.stack([W2_neigh_a, W2_neigh_b])
    b2 = jnp.tile(jnp.stack([b2_a, b2_b])[:, None, :], (1, 8, 1))
    wl = jnp.stack([Wl_a, Wl_b])
    return _tc2(y, s2, deg, ws2, wn2, b2, wl)

# --- scband reference (transcript-rebuilt; emitter-appended) ---
"""Pipeline reference for scband-my-model-12747462934931 (READ-ONLY COPY).

The authoritative reference and input builder live on the scoring server;
editing this copy changes nothing except your own understanding.
"""

import jax, jax.numpy as jnp
import numpy as np

N_NODES = 10000
N_EDGES = 320000
IN_DIM = 128
HID = 256
OUT = 128


def _sage_conv(feat_src, feat_dst, src, dst, W_self, W_neigh, b, n_nodes):
    # DGL SAGEConv with aggregator_type='mean' (eval mode: feat_drop is identity):
    # h_neigh = mean over incoming neighbors of feat_src; h = fc_self(feat_dst) + fc_neigh(h_neigh) + bias
    msg = feat_src[src]
    neigh_sum = jax.ops.segment_sum(msg, dst, num_segments=n_nodes)
    deg = jax.ops.segment_sum(jnp.ones((src.shape[0],), dtype=feat_src.dtype), dst, num_segments=n_nodes)
    h_neigh = neigh_sum / jnp.maximum(deg, 1.0)[:, None]
    return feat_dst @ W_self + h_neigh @ W_neigh + b


def _graphsage_branch(edge_index, feats, p, act, n_nodes):
    src = edge_index[0]
    dst = edge_index[1]
    h = jax.nn.relu(_sage_conv(feats, feats, src, dst, p['W1_self'], p['W1_neigh'], p['b1'], n_nodes))
    h = jax.nn.relu(_sage_conv(h, h, src, dst, p['W2_self'], p['W2_neigh'], p['b2'], n_nodes))
    # dgl.mean_nodes over a single graph -> [1, HID]
    rep = jnp.mean(h, axis=0, keepdims=True)
    rep = rep @ p['Wl']
    if act == 'relu':
        rep = jax.nn.relu(rep)
    return rep


def setup_inputs(seed: int = 0) -> dict:
    key = jax.random.key(seed)
    ks = jax.random.split(key, 20)
    feats = jax.random.normal(ks[0], (N_NODES, IN_DIM), dtype=jnp.float32)
    edge_index1 = jax.random.randint(ks[1], (2, N_EDGES), 0, N_NODES, dtype=jnp.int64) if jax.config.jax_enable_x64 else jax.random.randint(ks[1], (2, N_EDGES), 0, N_NODES).astype(jnp.int32)
    edge_index2 = jax.random.randint(ks[2], (2, N_EDGES), 0, N_NODES).astype(edge_index1.dtype)
    def lin(k, fan_in, fan_out):
        s = 1.0 / np.sqrt(fan_in)
        return jax.random.uniform(k, (fan_in, fan_out), minval=-s, maxval=s, dtype=jnp.float32)
    d = {'feats': feats, 'edge_index1': edge_index1, 'edge_index2': edge_index2}
    i = 3
    for tag in ['a', 'b']:
        d[f'W1_self_{tag}'] = lin(ks[i], IN_DIM, HID); i += 1
        d[f'W1_neigh_{tag}'] = lin(ks[i], IN_DIM, HID); i += 1
        d[f'b1_{tag}'] = jnp.zeros((HID,), dtype=jnp.float32)
        d[f'W2_self_{tag}'] = lin(ks[i], HID, HID); i += 1
        d[f'W2_neigh_{tag}'] = lin(ks[i], HID, HID); i += 1
        d[f'b2_{tag}'] = jnp.zeros((HID,), dtype=jnp.float32)
        d[f'Wl_{tag}'] = lin(ks[i], HID, OUT); i += 1
    return d


def reference(feats, edge_index1, edge_index2,
              W1_self_a, W1_neigh_a, b1_a, W2_self_a, W2_neigh_a, b2_a, Wl_a,
              W1_self_b, W1_neigh_b, b1_b, W2_self_b, W2_neigh_b, b2_b, Wl_b):
    pa = {'W1_self': W1_self_a, 'W1_neigh': W1_neigh_a, 'b1': b1_a,
          'W2_self': W2_self_a, 'W2_neigh': W2_neigh_a, 'b2': b2_a, 'Wl': Wl_a}
    pb = {'W1_self': W1_self_b, 'W1_neigh': W1_neigh_b, 'b1': b1_b,
          'W2_self': W2_self_b, 'W2_neigh': W2_neigh_b, 'b2': b2_b, 'Wl': Wl_b}
    r1 = _graphsage_branch(edge_index1, feats, pa, 'relu', N_NODES)
    r2 = _graphsage_branch(edge_index2, feats, pb, None, N_NODES)
    return jax.nn.sigmoid((r1 + r2) / 2.0)

if __name__ == "__main__":
    import jax
    _d = setup_inputs()
    print(jax.jit(kernel)(*tuple(_d.values())))

</pallas_src>

<mosaic_0001>
#map = affine_map<(d0, d1) -> (0, 0, 0)>
#map1 = affine_map<(d0, d1) -> (0, 0)>
module attributes {stable_mosaic.version = 14 : i64} {
  func.func @_deg_body(%arg0: i32, %arg1: i32, %arg2: memref<8000x2x80xi32, #tpu.memory_space<hbm>>, %arg3: memref<16x40x128xf32, #tpu.memory_space<hbm>>, %arg4: memref<2x40xi32, #tpu.memory_space<hbm>>, %arg5: memref<160x128xf32, #tpu.memory_space<hbm>>, %arg6: memref<2x2x80xi32, #tpu.memory_space<vmem>>, %arg7: memref<16x40x128xf32, #tpu.memory_space<vmem>>, %arg8: memref<2x40xi32, #tpu.memory_space<vmem>>, %arg9: memref<2x!tpu.dma_semaphore, #tpu.memory_space<semaphore_mem>>, %arg10: memref<80x128xf32, #tpu.memory_space<vmem_shared>>, %arg11: memref<!tpu.dma_semaphore, #tpu.memory_space<semaphore_mem>>) attributes {dimension_semantics = [#tpu.dimension_semantics<core_parallel>, #tpu.dimension_semantics<subcore_parallel>], iteration_bounds = array<i64: 2, 16>, scalar_prefetch = 0 : i64, scratch_operands = 6 : i64, tpu.core_type = #tpu.core_type<sc_vector_subcore>, window_params = [{transform_indices = #map}, {transform_indices = #map}, {transform_indices = #map1}, {transform_indices = #map1}]} {
    "tpu.region"() ({
      %run_scoped3A_128 = tpu.sem_alloc : memref<!tpu.dma_semaphore, #tpu.memory_space<semaphore_mem>>
      tpu.enqueue_dma source(%arg4 : memref<2x40xi32, #tpu.memory_space<hbm>>) target(%arg8 : memref<2x40xi32, #tpu.memory_space<vmem>>) target_semaphore(%run_scoped3A_128 : memref<!tpu.dma_semaphore, #tpu.memory_space<semaphore_mem>>)
      tpu.wait_dma2 semaphore(%run_scoped3A_128 : memref<!tpu.dma_semaphore, #tpu.memory_space<semaphore_mem>>) src(%arg4 : memref<2x40xi32, #tpu.memory_space<hbm>>) dst(%arg8 : memref<2x40xi32, #tpu.memory_space<vmem>>)
      tpu.yield
    }) : () -> ()
    %eq3A = arith.constant 0 : i32
    %eq3A_0 = arith.cmpi eq, %arg1, %eq3A : i32
    %convert_element_type3A = arith.extui %eq3A_0 : i1 to i32
    %cond3A = arith.constant 0 : i32
    %cond3A_1 = arith.cmpi ne, %convert_element_type3A, %cond3A : i32
    scf.if %cond3A_1 {
      %run_scoped3A_128 = arith.constant 0 : i32
      "tpu.region"() ({
        %run_scoped3A_130 = tpu.sem_alloc : memref<!tpu.dma_semaphore, #tpu.memory_space<semaphore_mem>>
        %dma_start3A_131 = arith.constant 0 : i32
        %dma_start3A_132 = arith.constant 0 : i32
        %dma_start3A_133 = tpu.memref_slice %arg10[%dma_start3A_131, %dma_start3A_132] : memref<80x128xf32, #tpu.memory_space<vmem_shared>> -> memref<40x128xf32, #tpu.memory_space<vmem_shared>>
        %dma_start3A_134 = arith.constant 0 : i32
        %dma_start3A_135 = arith.constant 0 : i32
        %dma_start3A_136 = tpu.memref_slice %arg3[%run_scoped3A_128, %dma_start3A_134, %dma_start3A_135] : memref<16x40x128xf32, #tpu.memory_space<hbm>> -> memref<1x40x128xf32, #tpu.memory_space<hbm>>
        %dma_start3A_137 = tpu.memref_squeeze %dma_start3A_136 : memref<1x40x128xf32, #tpu.memory_space<hbm>> -> memref<40x128xf32, #tpu.memory_space<hbm>>
        tpu.enqueue_dma source(%dma_start3A_137 : memref<40x128xf32, #tpu.memory_space<hbm>>) target(%dma_start3A_133 : memref<40x128xf32, #tpu.memory_space<vmem_shared>>) target_semaphore(%run_scoped3A_130 : memref<!tpu.dma_semaphore, #tpu.memory_space<semaphore_mem>>)
        %dma_wait3A = arith.constant 0 : i32
        %dma_wait3A_138 = arith.constant 0 : i32
        %dma_wait3A_139 = tpu.memref_slice %arg10[%dma_wait3A, %dma_wait3A_138] : memref<80x128xf32, #tpu.memory_space<vmem_shared>> -> memref<40x128xf32, #tpu.memory_space<vmem_shared>>
        %dma_wait3A_140 = arith.constant 0 : i32
        %dma_wait3A_141 = arith.constant 0 : i32
        %dma_wait3A_142 = tpu.memref_slice %arg3[%run_scoped3A_128, %dma_wait3A_140, %dma_wait3A_141] : memref<16x40x128xf32, #tpu.memory_space<hbm>> -> memref<1x40x128xf32, #tpu.memory_space<hbm>>
        %dma_wait3A_143 = tpu.memref_squeeze %dma_wait3A_142 : memref<1x40x128xf32, #tpu.memory_space<hbm>> -> memref<40x128xf32, #tpu.memory_space<hbm>>
        tpu.wait_dma2 semaphore(%run_scoped3A_130 : memref<!tpu.dma_semaphore, #tpu.memory_space<semaphore_mem>>) src(%dma_wait3A_143 : memref<40x128xf32, #tpu.memory_space<hbm>>) dst(%dma_wait3A_139 : memref<40x128xf32, #tpu.memory_space<vmem_shared>>)
        tpu.yield
      }) : () -> ()
      %run_scoped3A_129 = arith.constant 1 : i32
      "tpu.region"() ({
        %run_scoped3A_130 = tpu.sem_alloc : memref<!tpu.dma_semaphore, #tpu.memory_space<semaphore_mem>>
        %dma_start3A_131 = arith.constant 40 : i32
        %dma_start3A_132 = arith.constant 0 : i32
        %dma_start3A_133 = tpu.memref_slice %arg10[%dma_start3A_131, %dma_start3A_132] : memref<80x128xf32, #tpu.memory_space<vmem_shared>> -> memref<40x128xf32, #tpu.memory_space<vmem_shared>>
        %dma_start3A_134 = arith.constant 0 : i32
        %dma_start3A_135 = arith.constant 0 : i32
        %dma_start3A_136 = tpu.memref_slice %arg3[%run_scoped3A_129, %dma_start3A_134, %dma_start3A_135] : memref<16x40x128xf32, #tpu.memory_space<hbm>> -> memref<1x40x128xf32, #tpu.memory_space<hbm>>
        %dma_start3A_137 = tpu.memref_squeeze %dma_start3A_136 : memref<1x40x128xf32, #tpu.memory_space<hbm>> -> memref<40x128xf32, #tpu.memory_space<hbm>>
        tpu.enqueue_dma source(%dma_start3A_137 : memref<40x128xf32, #tpu.memory_space<hbm>>) target(%dma_start3A_133 : memref<40x128xf32, #tpu.memory_space<vmem_shared>>) target_semaphore(%run_scoped3A_130 : memref<!tpu.dma_semaphore, #tpu.memory_space<semaphore_mem>>)
        %dma_wait3A = arith.constant 40 : i32
        %dma_wait3A_138 = arith.constant 0 : i32
        %dma_wait3A_139 = tpu.memref_slice %arg10[%dma_wait3A, %dma_wait3A_138] : memref<80x128xf32, #tpu.memory_space<vmem_shared>> -> memref<40x128xf32, #tpu.memory_space<vmem_shared>>
        %dma_wait3A_140 = arith.constant 0 : i32
        %dma_wait3A_141 = arith.constant 0 : i32
        %dma_wait3A_142 = tpu.memref_slice %arg3[%run_scoped3A_129, %dma_wait3A_140, %dma_wait3A_141] : memref<16x40x128xf32, #tpu.memory_space<hbm>> -> memref<1x40x128xf32, #tpu.memory_space<hbm>>
        %dma_wait3A_143 = tpu.memref_squeeze %dma_wait3A_142 : memref<1x40x128xf32, #tpu.memory_space<hbm>> -> memref<40x128xf32, #tpu.memory_space<hbm>>
        tpu.wait_dma2 semaphore(%run_scoped3A_130 : memref<!tpu.dma_semaphore, #tpu.memory_space<semaphore_mem>>) src(%dma_wait3A_143 : memref<40x128xf32, #tpu.memory_space<hbm>>) dst(%dma_wait3A_139 : memref<40x128xf32, #tpu.memory_space<vmem_shared>>)
        tpu.yield
      }) : () -> ()
    } else {
    }
    %barrier3A = arith.constant 0 : index
    tpu.barrier barrier_id(%barrier3A)
    %mul3A = arith.constant 4000 : i32
    %mul3A_2 = arith.muli %arg0, %mul3A : i32
    %mul3A_3 = arith.constant 250 : i32
    %mul3A_4 = arith.muli %arg1, %mul3A_3 : i32
    %add3A = arith.addi %mul3A_2, %mul3A_4 : i32
    %iota3A = tpu.iota {dimensions = array<i32: 0>} : vector<16xi32>
    "tpu.region"() ({
      %run_scoped3A_128 = tpu.sem_alloc : memref<!tpu.dma_semaphore, #tpu.memory_space<semaphore_mem>>
      tpu.enqueue_dma source(%arg3 : memref<16x40x128xf32, #tpu.memory_space<hbm>>) target(%arg7 : memref<16x40x128xf32, #tpu.memory_space<vmem>>) target_semaphore(%run_scoped3A_128 : memref<!tpu.dma_semaphore, #tpu.memory_space<semaphore_mem>>)
      tpu.wait_dma2 semaphore(%run_scoped3A_128 : memref<!tpu.dma_semaphore, #tpu.memory_space<semaphore_mem>>) src(%arg3 : memref<16x40x128xf32, #tpu.memory_space<hbm>>) dst(%arg7 : memref<16x40x128xf32, #tpu.memory_space<vmem>>)
      tpu.yield
    }) : () -> ()
    %add3A_5 = arith.constant 0 : i32
    %add3A_6 = arith.addi %add3A, %add3A_5 : i32
    %dma_start3A = arith.constant 0 : i32
    %dma_start3A_7 = arith.constant 0 : i32
    %dma_start3A_8 = arith.constant 0 : i32
    %dma_start3A_9 = arith.constant 0 : i32
    %dma_start3A_10 = tpu.memref_slice %arg6[%dma_start3A, %dma_start3A_8, %dma_start3A_9] : memref<2x2x80xi32, #tpu.memory_space<vmem>> -> memref<1x2x80xi32, #tpu.memory_space<vmem>>
    %dma_start3A_11 = tpu.memref_squeeze %dma_start3A_10 : memref<1x2x80xi32, #tpu.memory_space<vmem>> -> memref<2x80xi32, #tpu.memory_space<vmem>>
    %dma_start3A_12 = arith.constant 0 : i32
    %dma_start3A_13 = arith.constant 0 : i32
    %dma_start3A_14 = tpu.memref_slice %arg2[%add3A_6, %dma_start3A_12, %dma_start3A_13] : memref<8000x2x80xi32, #tpu.memory_space<hbm>> -> memref<1x2x80xi32, #tpu.memory_space<hbm>>
    %dma_start3A_15 = tpu.memref_squeeze %dma_start3A_14 : memref<1x2x80xi32, #tpu.memory_space<hbm>> -> memref<2x80xi32, #tpu.memory_space<hbm>>
    %dma_start3A_16 = tpu.memref_slice %arg9[%dma_start3A_7] : memref<2x!tpu.dma_semaphore, #tpu.memory_space<semaphore_mem>> -> memref<1x!tpu.dma_semaphore, #tpu.memory_space<semaphore_mem>>
    %dma_start3A_17 = tpu.memref_squeeze %dma_start3A_16 : memref<1x!tpu.dma_semaphore, #tpu.memory_space<semaphore_mem>> -> memref<!tpu.dma_semaphore, #tpu.memory_space<semaphore_mem>>
    %dma_start3A_18 = arith.constant 0 : i32
    %dma_start3A_19 = arith.constant 0 : i32
    %dma_start3A_20 = tpu.memref_slice %arg6[%dma_start3A, %dma_start3A_18, %dma_start3A_19] : memref<2x2x80xi32, #tpu.memory_space<vmem>> -> memref<1x2x80xi32, #tpu.memory_space<vmem>>
    %dma_start3A_21 = tpu.memref_squeeze %dma_start3A_20 : memref<1x2x80xi32, #tpu.memory_space<vmem>> -> memref<2x80xi32, #tpu.memory_space<vmem>>
    %dma_start3A_22 = arith.constant 0 : i32
    %dma_start3A_23 = arith.constant 0 : i32
    %dma_start3A_24 = tpu.memref_slice %arg2[%add3A_6, %dma_start3A_22, %dma_start3A_23] : memref<8000x2x80xi32, #tpu.memory_space<hbm>> -> memref<1x2x80xi32, #tpu.memory_space<hbm>>
    %dma_start3A_25 = tpu.memref_squeeze %dma_start3A_24 : memref<1x2x80xi32, #tpu.memory_space<hbm>> -> memref<2x80xi32, #tpu.memory_space<hbm>>
    tpu.enqueue_dma source(%dma_start3A_25 : memref<2x80xi32, #tpu.memory_space<hbm>>) target(%dma_start3A_21 : memref<2x80xi32, #tpu.memory_space<vmem>>) target_semaphore(%dma_start3A_17 : memref<!tpu.dma_semaphore, #tpu.memory_space<semaphore_mem>>)
    %scan3A = arith.constant 0 : i32
    %scan3A_26 = arith.constant 0 : i32
    %scan3A_27 = arith.constant 125 : i32
    %scan3A_28 = arith.addi %scan3A_26, %scan3A_27 : i32
    %scan3A_29 = arith.constant 1 : i32
    scf.for %scan3A_128 = %scan3A_26 to %scan3A_28 step %scan3A_29  : i32 {
      %mul3A_129 = arith.constant 2 : i32
      %mul3A_130 = arith.muli %scan3A_128, %mul3A_129 : i32
      %add3A_131 = arith.constant 1 : i32
      %add3A_132 = arith.addi %mul3A_130, %add3A_131 : i32
      %add3A_133 = arith.addi %add3A, %add3A_132 : i32
      %dma_start3A_134 = arith.constant 1 : i32
      %dma_start3A_135 = arith.constant 1 : i32
      %dma_start3A_136 = arith.constant 0 : i32
      %dma_start3A_137 = arith.constant 0 : i32
      %dma_start3A_138 = tpu.memref_slice %arg6[%dma_start3A_134, %dma_start3A_136, %dma_start3A_137] : memref<2x2x80xi32, #tpu.memory_space<vmem>> -> memref<1x2x80xi32, #tpu.memory_space<vmem>>
      %dma_start3A_139 = tpu.memref_squeeze %dma_start3A_138 : memref<1x2x80xi32, #tpu.memory_space<vmem>> -> memref<2x80xi32, #tpu.memory_space<vmem>>
      %dma_start3A_140 = arith.constant 0 : i32
      %dma_start3A_141 = arith.constant 0 : i32
      %dma_start3A_142 = tpu.memref_slice %arg2[%add3A_133, %dma_start3A_140, %dma_start3A_141] : memref<8000x2x80xi32, #tpu.memory_space<hbm>> -> memref<1x2x80xi32, #tpu.memory_space<hbm>>
      %dma_start3A_143 = tpu.memref_squeeze %dma_start3A_142 : memref<1x2x80xi32, #tpu.memory_space<hbm>> -> memref<2x80xi32, #tpu.memory_space<hbm>>
      %dma_start3A_144 = tpu.memref_slice %arg9[%dma_start3A_135] : memref<2x!tpu.dma_semaphore, #tpu.memory_space<semaphore_mem>> -> memref<1x!tpu.dma_semaphore, #tpu.memory_space<semaphore_mem>>
      %dma_start3A_145 = tpu.memref_squeeze %dma_start3A_144 : memref<1x!tpu.dma_semaphore, #tpu.memory_space<semaphore_mem>> -> memref<!tpu.dma_semaphore, #tpu.memory_space<semaphore_mem>>
      %dma_start3A_146 = arith.constant 0 : i32
      %dma_start3A_147 = arith.constant 0 : i32
      %dma_start3A_148 = tpu.memref_slice %arg6[%dma_start3A_134, %dma_start3A_146, %dma_start3A_147] : memref<2x2x80xi32, #tpu.memory_space<vmem>> -> memref<1x2x80xi32, #tpu.memory_space<vmem>>
      %dma_start3A_149 = tpu.memref_squeeze %dma_start3A_148 : memref<1x2x80xi32, #tpu.memory_space<vmem>> -> memref<2x80xi32, #tpu.memory_space<vmem>>
      %dma_start3A_150 = arith.constant 0 : i32
      %dma_start3A_151 = arith.constant 0 : i32
      %dma_start3A_152 = tpu.memref_slice %arg2[%add3A_133, %dma_start3A_150, %dma_start3A_151] : memref<8000x2x80xi32, #tpu.memory_space<hbm>> -> memref<1x2x80xi32, #tpu.memory_space<hbm>>
      %dma_start3A_153 = tpu.memref_squeeze %dma_start3A_152 : memref<1x2x80xi32, #tpu.memory_space<hbm>> -> memref<2x80xi32, #tpu.memory_space<hbm>>
      tpu.enqueue_dma source(%dma_start3A_153 : memref<2x80xi32, #tpu.memory_space<hbm>>) target(%dma_start3A_149 : memref<2x80xi32, #tpu.memory_space<vmem>>) target_semaphore(%dma_start3A_145 : memref<!tpu.dma_semaphore, #tpu.memory_space<semaphore_mem>>)
      %add3A_154 = arith.addi %add3A, %mul3A_130 : i32
      %dma_wait3A = arith.constant 0 : i32
      %dma_wait3A_155 = arith.constant 0 : i32
      %dma_wait3A_156 = arith.constant 0 : i32
      %dma_wait3A_157 = arith.constant 0 : i32
      %dma_wait3A_158 = tpu.memref_slice %arg6[%dma_wait3A, %dma_wait3A_156, %dma_wait3A_157] : memref<2x2x80xi32, #tpu.memory_space<vmem>> -> memref<1x2x80xi32, #tpu.memory_space<vmem>>
      %dma_wait3A_159 = tpu.memref_squeeze %dma_wait3A_158 : memref<1x2x80xi32, #tpu.memory_space<vmem>> -> memref<2x80xi32, #tpu.memory_space<vmem>>
      %dma_wait3A_160 = arith.constant 0 : i32
      %dma_wait3A_161 = arith.constant 0 : i32
      %dma_wait3A_162 = tpu.memref_slice %arg2[%add3A_154, %dma_wait3A_160, %dma_wait3A_161] : memref<8000x2x80xi32, #tpu.memory_space<hbm>> -> memref<1x2x80xi32, #tpu.memory_space<hbm>>
      %dma_wait3A_163 = tpu.memref_squeeze %dma_wait3A_162 : memref<1x2x80xi32, #tpu.memory_space<hbm>> -> memref<2x80xi32, #tpu.memory_space<hbm>>
      %dma_wait3A_164 = tpu.memref_slice %arg9[%dma_wait3A_155] : memref<2x!tpu.dma_semaphore, #tpu.memory_space<semaphore_mem>> -> memref<1x!tpu.dma_semaphore, #tpu.memory_space<semaphore_mem>>
      %dma_wait3A_165 = tpu.memref_squeeze %dma_wait3A_164 : memref<1x!tpu.dma_semaphore, #tpu.memory_space<semaphore_mem>> -> memref<!tpu.dma_semaphore, #tpu.memory_space<semaphore_mem>>
      %dma_wait3A_166 = arith.constant 0 : i32
      %dma_wait3A_167 = arith.constant 0 : i32
      %dma_wait3A_168 = tpu.memref_slice %arg6[%dma_wait3A, %dma_wait3A_166, %dma_wait3A_167] : memref<2x2x80xi32, #tpu.memory_space<vmem>> -> memref<1x2x80xi32, #tpu.memory_space<vmem>>
      %dma_wait3A_169 = tpu.memref_squeeze %dma_wait3A_168 : memref<1x2x80xi32, #tpu.memory_space<vmem>> -> memref<2x80xi32, #tpu.memory_space<vmem>>
      %dma_wait3A_170 = arith.constant 0 : i32
      %dma_wait3A_171 = arith.constant 0 : i32
      %dma_wait3A_172 = tpu.memref_slice %arg2[%add3A_154, %dma_wait3A_170, %dma_wait3A_171] : memref<8000x2x80xi32, #tpu.memory_space<hbm>> -> memref<1x2x80xi32, #tpu.memory_space<hbm>>
      %dma_wait3A_173 = tpu.memref_squeeze %dma_wait3A_172 : memref<1x2x80xi32, #tpu.memory_space<hbm>> -> memref<2x80xi32, #tpu.memory_space<hbm>>
      tpu.wait_dma2 semaphore(%dma_wait3A_165 : memref<!tpu.dma_semaphore, #tpu.memory_space<semaphore_mem>>) src(%dma_wait3A_173 : memref<2x80xi32, #tpu.memory_space<hbm>>) dst(%dma_wait3A_169 : memref<2x80xi32, #tpu.memory_space<vmem>>)
      %get3A = arith.constant 0 : i32
      %get3A_174 = arith.constant 1 : i32
      %get3A_175 = arith.index_cast %get3A : i32 to index
      %get3A_176 = arith.index_cast %get3A_174 : i32 to index
      %get3A_177 = arith.constant 0 : index
      %get3A_178 = tpu.vector_load %arg6[%get3A_175, %get3A_176, %get3A_177] {strides = array<i32>} : memref<2x2x80xi32, #tpu.memory_space<vmem>>, vector<16xi32>,
      %sub3A = arith.constant 0 : i32
      %sub3A_179 = vector.broadcast %sub3A : i32 to vector<16xi32>
      %sub3A_180 = arith.subi %get3A_178, %sub3A_179 : vector<16xi32>
      %ge3A = arith.constant 0 : i32
      %ge3A_181 = vector.broadcast %ge3A : i32 to vector<16xi32>
      %ge3A_182 = arith.cmpi sge, %sub3A_180, %ge3A_181 : vector<16xi32>
      %lt3A = arith.constant 5120 : i32
      %lt3A_183 = vector.broadcast %lt3A : i32 to vector<16xi32>
      %lt3A_184 = arith.cmpi slt, %sub3A_180, %lt3A_183 : vector<16xi32>
      %and3A = arith.andi %ge3A_182, %lt3A_184 : vector<16xi1>
      %jit3A = arith.constant 0 : i32
      %jit3A_185 = arith.constant 5119 : i32
      %max3A = vector.broadcast %jit3A : i32 to vector<16xi32>
      %max3A_186 = arith.maxsi %max3A, %sub3A_180 : vector<16xi32>
      %min3A = vector.broadcast %jit3A_185 : i32 to vector<16xi32>
      %min3A_187 = arith.minsi %min3A, %max3A_186 : vector<16xi32>
      %shift_right_logical3A = arith.constant 7 : i32
      %shift_right_logical3A_188 = vector.broadcast %shift_right_logical3A : i32 to vector<16xi32>
      %shift_right_logical3A_189 = arith.shrui %min3A_187, %shift_right_logical3A_188 : vector<16xi32>
      %and3A_190 = arith.constant 127 : i32
      %and3A_191 = vector.broadcast %and3A_190 : i32 to vector<16xi32>
      %and3A_192 = arith.andi %min3A_187, %and3A_191 : vector<16xi32>
      %gather3A = tpu.vector_load_idx %arg7[%iota3A, %shift_right_logical3A_189, %and3A_192] masked %and3A : memref<16x40x128xf32, #tpu.memory_space<vmem>>[vector<16xi32>, vector<16xi32>, vector<16xi32>], vector<16xf32>, vector<16xi1>
      %add3A_193 = arith.constant 1.000000e+00 : f32
      %add3A_194 = vector.broadcast %add3A_193 : f32 to vector<16xf32>
      %add3A_195 = arith.addf %gather3A, %add3A_194 : vector<16xf32>
      tpu.vector_store_idx %arg7[%iota3A, %shift_right_logical3A_189, %and3A_192], %add3A_195 masked %and3A : memref<16x40x128xf32, #tpu.memory_space<vmem>>[vector<16xi32>, vector<16xi32>, vector<16xi32>], vector<16xf32>, vector<16xi1>
      %get3A_196 = arith.constant 0 : i32
      %get3A_197 = arith.constant 1 : i32
      %get3A_198 = arith.index_cast %get3A_196 : i32 to index
      %get3A_199 = arith.index_cast %get3A_197 : i32 to index
      %get3A_200 = arith.constant 16 : index
      %get3A_201 = tpu.vector_load %arg6[%get3A_198, %get3A_199, %get3A_200] {strides = array<i32>} : memref<2x2x80xi32, #tpu.memory_space<vmem>>, vector<16xi32>,
      %sub3A_202 = arith.constant 0 : i32
      %sub3A_203 = vector.broadcast %sub3A_202 : i32 to vector<16xi32>
      %sub3A_204 = arith.subi %get3A_201, %sub3A_203 : vector<16xi32>
      %ge3A_205 = arith.constant 0 : i32
      %ge3A_206 = vector.broadcast %ge3A_205 : i32 to vector<16xi32>
      %ge3A_207 = arith.cmpi sge, %sub3A_204, %ge3A_206 : vector<16xi32>
      %lt3A_208 = arith.constant 5120 : i32
      %lt3A_209 = vector.broadcast %lt3A_208 : i32 to vector<16xi32>
      %lt3A_210 = arith.cmpi slt, %sub3A_204, %lt3A_209 : vector<16xi32>
      %and3A_211 = arith.andi %ge3A_207, %lt3A_210 : vector<16xi1>
      %jit3A_212 = arith.constant 0 : i32
      %jit3A_213 = arith.constant 5119 : i32
      %max3A_214 = vector.broadcast %jit3A_212 : i32 to vector<16xi32>
      %max3A_215 = arith.maxsi %max3A_214, %sub3A_204 : vector<16xi32>
      %min3A_216 = vector.broadcast %jit3A_213 : i32 to vector<16xi32>
      %min3A_217 = arith.minsi %min3A_216, %max3A_215 : vector<16xi32>
      %shift_right_logical3A_218 = arith.constant 7 : i32
      %shift_right_logical3A_219 = vector.broadcast %shift_right_logical3A_218 : i32 to vector<16xi32>
      %shift_right_logical3A_220 = arith.shrui %min3A_217, %shift_right_logical3A_219 : vector<16xi32>
      %and3A_221 = arith.constant 127 : i32
      %and3A_222 = vector.broadcast %and3A_221 : i32 to vector<16xi32>
      %and3A_223 = arith.andi %min3A_217, %and3A_222 : vector<16xi32>
      %gather3A_224 = tpu.vector_load_idx %arg7[%iota3A, %shift_right_logical3A_220, %and3A_223] masked %and3A_211 : memref<16x40x128xf32, #tpu.memory_space<vmem>>[vector<16xi32>, vector<16xi32>, vector<16xi32>], vector<16xf32>, vector<16xi1>
      %add3A_225 = arith.constant 1.000000e+00 : f32
      %add3A_226 = vector.broadcast %add3A_225 : f32 to vector<16xf32>
      %add3A_227 = arith.addf %gather3A_224, %add3A_226 : vector<16xf32>
      tpu.vector_store_idx %arg7[%iota3A, %shift_right_logical3A_220, %and3A_223], %add3A_227 masked %and3A_211 : memref<16x40x128xf32, #tpu.memory_space<vmem>>[vector<16xi32>, vector<16xi32>, vector<16xi32>], vector<16xf32>, vector<16xi1>
      %get3A_228 = arith.constant 0 : i32
      %get3A_229 = arith.constant 1 : i32
      %get3A_230 = arith.index_cast %get3A_228 : i32 to index
      %get3A_231 = arith.index_cast %get3A_229 : i32 to index
      %get3A_232 = arith.constant 32 : index
      %get3A_233 = tpu.vector_load %arg6[%get3A_230, %get3A_231, %get3A_232] {strides = array<i32>} : memref<2x2x80xi32, #tpu.memory_space<vmem>>, vector<16xi32>,
      %sub3A_234 = arith.constant 0 : i32
      %sub3A_235 = vector.broadcast %sub3A_234 : i32 to vector<16xi32>
      %sub3A_236 = arith.subi %get3A_233, %sub3A_235 : vector<16xi32>
      %ge3A_237 = arith.constant 0 : i32
      %ge3A_238 = vector.broadcast %ge3A_237 : i32 to vector<16xi32>
      %ge3A_239 = arith.cmpi sge, %sub3A_236, %ge3A_238 : vector<16xi32>
      %lt3A_240 = arith.constant 5120 : i32
      %lt3A_241 = vector.broadcast %lt3A_240 : i32 to vector<16xi32>
      %lt3A_242 = arith.cmpi slt, %sub3A_236, %lt3A_241 : vector<16xi32>
      %and3A_243 = arith.andi %ge3A_239, %lt3A_242 : vector<16xi1>
      %jit3A_244 = arith.constant 0 : i32
      %jit3A_245 = arith.constant 5119 : i32
      %max3A_246 = vector.broadcast %jit3A_244 : i32 to vector<16xi32>
      %max3A_247 = arith.maxsi %max3A_246, %sub3A_236 : vector<16xi32>
      %min3A_248 = vector.broadcast %jit3A_245 : i32 to vector<16xi32>
      %min3A_249 = arith.minsi %min3A_248, %max3A_247 : vector<16xi32>
      %shift_right_logical3A_250 = arith.constant 7 : i32
      %shift_right_logical3A_251 = vector.broadcast %shift_right_logical3A_250 : i32 to vector<16xi32>
      %shift_right_logical3A_252 = arith.shrui %min3A_249, %shift_right_logical3A_251 : vector<16xi32>
      %and3A_253 = arith.constant 127 : i32
      %and3A_254 = vector.broadcast %and3A_253 : i32 to vector<16xi32>
      %and3A_255 = arith.andi %min3A_249, %and3A_254 : vector<16xi32>
      %gather3A_256 = tpu.vector_load_idx %arg7[%iota3A, %shift_right_logical3A_252, %and3A_255] masked %and3A_243 : memref<16x40x128xf32, #tpu.memory_space<vmem>>[vector<16xi32>, vector<16xi32>, vector<16xi32>], vector<16xf32>, vector<16xi1>
      %add3A_257 = arith.constant 1.000000e+00 : f32
      %add3A_258 = vector.broadcast %add3A_257 : f32 to vector<16xf32>
      %add3A_259 = arith.addf %gather3A_256, %add3A_258 : vector<16xf32>
      tpu.vector_store_idx %arg7[%iota3A, %shift_right_logical3A_252, %and3A_255], %add3A_259 masked %and3A_243 : memref<16x40x128xf32, #tpu.memory_space<vmem>>[vector<16xi32>, vector<16xi32>, vector<16xi32>], vector<16xf32>, vector<16xi1>
      %get3A_260 = arith.constant 0 : i32
      %get3A_261 = arith.constant 1 : i32
      %get3A_262 = arith.index_cast %get3A_260 : i32 to index
      %get3A_263 = arith.index_cast %get3A_261 : i32 to index
      %get3A_264 = arith.constant 48 : index
      %get3A_265 = tpu.vector_load %arg6[%get3A_262, %get3A_263, %get3A_264] {strides = array<i32>} : memref<2x2x80xi32, #tpu.memory_space<vmem>>, vector<16xi32>,
      %sub3A_266 = arith.constant 0 : i32
      %sub3A_267 = vector.broadcast %sub3A_266 : i32 to vector<16xi32>
      %sub3A_268 = arith.subi %get3A_265, %sub3A_267 : vector<16xi32>
      %ge3A_269 = arith.constant 0 : i32
      %ge3A_270 = vector.broadcast %ge3A_269 : i32 to vector<16xi32>
      %ge3A_271 = arith.cmpi sge, %sub3A_268, %ge3A_270 : vector<16xi32>
      %lt3A_272 = arith.constant 5120 : i32
      %lt3A_273 = vector.broadcast %lt3A_272 : i32 to vector<16xi32>
      %lt3A_274 = arith.cmpi slt, %sub3A_268, %lt3A_273 : vector<16xi32>
      %and3A_275 = arith.andi %ge3A_271, %lt3A_274 : vector<16xi1>
      %jit3A_276 = arith.constant 0 : i32
      %jit3A_277 = arith.constant 5119 : i32
      %max3A_278 = vector.broadcast %jit3A_276 : i32 to vector<16xi32>
      %max3A_279 = arith.maxsi %max3A_278, %sub3A_268 : vector<16xi32>
      %min3A_280 = vector.broadcast %jit3A_277 : i32 to vector<16xi32>
      %min3A_281 = arith.minsi %min3A_280, %max3A_279 : vector<16xi32>
      %shift_right_logical3A_282 = arith.constant 7 : i32
      %shift_right_logical3A_283 = vector.broadcast %shift_right_logical3A_282 : i32 to vector<16xi32>
      %shift_right_logical3A_284 = arith.shrui %min3A_281, %shift_right_logical3A_283 : vector<16xi32>
      %and3A_285 = arith.constant 127 : i32
      %and3A_286 = vector.broadcast %and3A_285 : i32 to vector<16xi32>
      %and3A_287 = arith.andi %min3A_281, %and3A_286 : vector<16xi32>
      %gather3A_288 = tpu.vector_load_idx %arg7[%iota3A, %shift_right_logical3A_284, %and3A_287] masked %and3A_275 : memref<16x40x128xf32, #tpu.memory_space<vmem>>[vector<16xi32>, vector<16xi32>, vector<16xi32>], vector<16xf32>, vector<16xi1>
      %add3A_289 = arith.constant 1.000000e+00 : f32
      %add3A_290 = vector.broadcast %add3A_289 : f32 to vector<16xf32>
      %add3A_291 = arith.addf %gather3A_288, %add3A_290 : vector<16xf32>
      tpu.vector_store_idx %arg7[%iota3A, %shift_right_logical3A_284, %and3A_287], %add3A_291 masked %and3A_275 : memref<16x40x128xf32, #tpu.memory_space<vmem>>[vector<16xi32>, vector<16xi32>, vector<16xi32>], vector<16xf32>, vector<16xi1>
      %get3A_292 = arith.constant 0 : i32
      %get3A_293 = arith.constant 1 : i32
      %get3A_294 = arith.index_cast %get3A_292 : i32 to index
      %get3A_295 = arith.index_cast %get3A_293 : i32 to index
      %get3A_296 = arith.constant 64 : index
      %get3A_297 = tpu.vector_load %arg6[%get3A_294, %get3A_295, %get3A_296] {strides = array<i32>} : memref<2x2x80xi32, #tpu.memory_space<vmem>>, vector<16xi32>,
      %sub3A_298 = arith.constant 0 : i32
      %sub3A_299 = vector.broadcast %sub3A_298 : i32 to vector<16xi32>
      %sub3A_300 = arith.subi %get3A_297, %sub3A_299 : vector<16xi32>
      %ge3A_301 = arith.constant 0 : i32
      %ge3A_302 = vector.broadcast %ge3A_301 : i32 to vector<16xi32>
      %ge3A_303 = arith.cmpi sge, %sub3A_300, %ge3A_302 : vector<16xi32>
      %lt3A_304 = arith.constant 5120 : i32
      %lt3A_305 = vector.broadcast %lt3A_304 : i32 to vector<16xi32>
      %lt3A_306 = arith.cmpi slt, %sub3A_300, %lt3A_305 : vector<16xi32>
      %and3A_307 = arith.andi %ge3A_303, %lt3A_306 : vector<16xi1>
      %jit3A_308 = arith.constant 0 : i32
      %jit3A_309 = arith.constant 5119 : i32
      %max3A_310 = vector.broadcast %jit3A_308 : i32 to vector<16xi32>
      %max3A_311 = arith.maxsi %max3A_310, %sub3A_300 : vector<16xi32>
      %min3A_312 = vector.broadcast %jit3A_309 : i32 to vector<16xi32>
      %min3A_313 = arith.minsi %min3A_312, %max3A_311 : vector<16xi32>
      %shift_right_logical3A_314 = arith.constant 7 : i32
      %shift_right_logical3A_315 = vector.broadcast %shift_right_logical3A_314 : i32 to vector<16xi32>
      %shift_right_logical3A_316 = arith.shrui %min3A_313, %shift_right_logical3A_315 : vector<16xi32>
      %and3A_317 = arith.constant 127 : i32
      %and3A_318 = vector.broadcast %and3A_317 : i32 to vector<16xi32>
      %and3A_319 = arith.andi %min3A_313, %and3A_318 : vector<16xi32>
      %gather3A_320 = tpu.vector_load_idx %arg7[%iota3A, %shift_right_logical3A_316, %and3A_319] masked %and3A_307 : memref<16x40x128xf32, #tpu.memory_space<vmem>>[vector<16xi32>, vector<16xi32>, vector<16xi32>], vector<16xf32>, vector<16xi1>
      %add3A_321 = arith.constant 1.000000e+00 : f32
      %add3A_322 = vector.broadcast %add3A_321 : f32 to vector<16xf32>
      %add3A_323 = arith.addf %gather3A_320, %add3A_322 : vector<16xf32>
      tpu.vector_store_idx %arg7[%iota3A, %shift_right_logical3A_316, %and3A_319], %add3A_323 masked %and3A_307 : memref<16x40x128xf32, #tpu.memory_space<vmem>>[vector<16xi32>, vector<16xi32>, vector<16xi32>], vector<16xf32>, vector<16xi1>
      %add3A_324 = arith.constant 2 : i32
      %add3A_325 = arith.addi %mul3A_130, %add3A_324 : i32
      %lt3A_326 = arith.constant 250 : i32
      %lt3A_327 = arith.cmpi slt, %add3A_325, %lt3A_326 : i32
      %convert_element_type3A_328 = arith.extui %lt3A_327 : i1 to i32
      %cond3A_329 = arith.constant 0 : i32
      %cond3A_330 = arith.cmpi ne, %convert_element_type3A_328, %cond3A_329 : i32
      scf.if %cond3A_330 {
        %add3A_514 = arith.constant 2 : i32
        %add3A_515 = arith.addi %mul3A_130, %add3A_514 : i32
        %add3A_516 = arith.addi %add3A, %add3A_515 : i32
        %dma_start3A_517 = arith.constant 0 : i32
        %dma_start3A_518 = arith.constant 0 : i32
        %dma_start3A_519 = arith.constant 0 : i32
        %dma_start3A_520 = arith.constant 0 : i32
        %dma_start3A_521 = tpu.memref_slice %arg6[%dma_start3A_517, %dma_start3A_519, %dma_start3A_520] : memref<2x2x80xi32, #tpu.memory_space<vmem>> -> memref<1x2x80xi32, #tpu.memory_space<vmem>>
        %dma_start3A_522 = tpu.memref_squeeze %dma_start3A_521 : memref<1x2x80xi32, #tpu.memory_space<vmem>> -> memref<2x80xi32, #tpu.memory_space<vmem>>
        %dma_start3A_523 = arith.constant 0 : i32
        %dma_start3A_524 = arith.constant 0 : i32
        %dma_start3A_525 = tpu.memref_slice %arg2[%add3A_516, %dma_start3A_523, %dma_start3A_524] : memref<8000x2x80xi32, #tpu.memory_space<hbm>> -> memref<1x2x80xi32, #tpu.memory_space<hbm>>
        %dma_start3A_526 = tpu.memref_squeeze %dma_start3A_525 : memref<1x2x80xi32, #tpu.memory_space<hbm>> -> memref<2x80xi32, #tpu.memory_space<hbm>>
        %dma_start3A_527 = tpu.memref_slice %arg9[%dma_start3A_518] : memref<2x!tpu.dma_semaphore, #tpu.memory_space<semaphore_mem>> -> memref<1x!tpu.dma_semaphore, #tpu.memory_space<semaphore_mem>>
        %dma_start3A_528 = tpu.memref_squeeze %dma_start3A_527 : memref<1x!tpu.dma_semaphore, #tpu.memory_space<semaphore_mem>> -> memref<!tpu.dma_semaphore, #tpu.memory_space<semaphore_mem>>
        %dma_start3A_529 = arith.constant 0 : i32
        %dma_start3A_530 = arith.constant 0 : i32
        %dma_start3A_531 = tpu.memref_slice %arg6[%dma_start3A_517, %dma_start3A_529, %dma_start3A_530] : memref<2x2x80xi32, #tpu.memory_space<vmem>> -> memref<1x2x80xi32, #tpu.memory_space<vmem>>
        %dma_start3A_532 = tpu.memref_squeeze %dma_start3A_531 : memref<1x2x80xi32, #tpu.memory_space<vmem>> -> memref<2x80xi32, #tpu.memory_space<vmem>>
        %dma_start3A_533 = arith.constant 0 : i32
        %dma_start3A_534 = arith.constant 0 : i32
        %dma_start3A_535 = tpu.memref_slice %arg2[%add3A_516, %dma_start3A_533, %dma_start3A_534] : memref<8000x2x80xi32, #tpu.memory_space<hbm>> -> memref<1x2x80xi32, #tpu.memory_space<hbm>>
        %dma_start3A_536 = tpu.memref_squeeze %dma_start3A_535 : memref<1x2x80xi32, #tpu.memory_space<hbm>> -> memref<2x80xi32, #tpu.memory_space<hbm>>
        tpu.enqueue_dma source(%dma_start3A_536 : memref<2x80xi32, #tpu.memory_space<hbm>>) target(%dma_start3A_532 : memref<2x80xi32, #tpu.memory_space<vmem>>) target_semaphore(%dma_start3A_528 : memref<!tpu.dma_semaphore, #tpu.memory_space<semaphore_mem>>)
      } else {
      }
      %add3A_331 = arith.constant 1 : i32
      %add3A_332 = arith.addi %mul3A_130, %add3A_331 : i32
      %add3A_333 = arith.addi %add3A, %add3A_332 : i32
      %dma_wait3A_334 = arith.constant 1 : i32
      %dma_wait3A_335 = arith.constant 1 : i32
      %dma_wait3A_336 = arith.constant 0 : i32
      %dma_wait3A_337 = arith.constant 0 : i32
      %dma_wait3A_338 = tpu.memref_slice %arg6[%dma_wait3A_334, %dma_wait3A_336, %dma_wait3A_337] : memref<2x2x80xi32, #tpu.memory_space<vmem>> -> memref<1x2x80xi32, #tpu.memory_space<vmem>>
      %dma_wait3A_339 = tpu.memref_squeeze %dma_wait3A_338 : memref<1x2x80xi32, #tpu.memory_space<vmem>> -> memref<2x80xi32, #tpu.memory_space<vmem>>
      %dma_wait3A_340 = arith.constant 0 : i32
      %dma_wait3A_341 = arith.constant 0 : i32
      %dma_wait3A_342 = tpu.memref_slice %arg2[%add3A_333, %dma_wait3A_340, %dma_wait3A_341] : memref<8000x2x80xi32, #tpu.memory_space<hbm>> -> memref<1x2x80xi32, #tpu.memory_space<hbm>>
      %dma_wait3A_343 = tpu.memref_squeeze %dma_wait3A_342 : memref<1x2x80xi32, #tpu.memory_space<hbm>> -> memref<2x80xi32, #tpu.memory_space<hbm>>
      %dma_wait3A_344 = tpu.memref_slice %arg9[%dma_wait3A_335] : memref<2x!tpu.dma_semaphore, #tpu.memory_space<semaphore_mem>> -> memref<1x!tpu.dma_semaphore, #tpu.memory_space<semaphore_mem>>
      %dma_wait3A_345 = tpu.memref_squeeze %dma_wait3A_344 : memref<1x!tpu.dma_semaphore, #tpu.memory_space<semaphore_mem>> -> memref<!tpu.dma_semaphore, #tpu.memory_space<semaphore_mem>>
      %dma_wait3A_346 = arith.constant 0 : i32
      %dma_wait3A_347 = arith.constant 0 : i32
      %dma_wait3A_348 = tpu.memref_slice %arg6[%dma_wait3A_334, %dma_wait3A_346, %dma_wait3A_347] : memref<2x2x80xi32, #tpu.memory_space<vmem>> -> memref<1x2x80xi32, #tpu.memory_space<vmem>>
      %dma_wait3A_349 = tpu.memref_squeeze %dma_wait3A_348 : memref<1x2x80xi32, #tpu.memory_space<vmem>> -> memref<2x80xi32, #tpu.memory_space<vmem>>
      %dma_wait3A_350 = arith.constant 0 : i32
      %dma_wait3A_351 = arith.constant 0 : i32
      %dma_wait3A_352 = tpu.memref_slice %arg2[%add3A_333, %dma_wait3A_350, %dma_wait3A_351] : memref<8000x2x80xi32, #tpu.memory_space<hbm>> -> memref<1x2x80xi32, #tpu.memory_space<hbm>>
      %dma_wait3A_353 = tpu.memref_squeeze %dma_wait3A_352 : memref<1x2x80xi32, #tpu.memory_space<hbm>> -> memref<2x80xi32, #tpu.memory_space<hbm>>
      tpu.wait_dma2 semaphore(%dma_wait3A_345 : memref<!tpu.dma_semaphore, #tpu.memory_space<semaphore_mem>>) src(%dma_wait3A_353 : memref<2x80xi32, #tpu.memory_space<hbm>>) dst(%dma_wait3A_349 : memref<2x80xi32, #tpu.memory_space<vmem>>)
      %get3A_354 = arith.constant 1 : i32
      %get3A_355 = arith.constant 1 : i32
      %get3A_356 = arith.index_cast %get3A_354 : i32 to index
      %get3A_357 = arith.index_cast %get3A_355 : i32 to index
      %get3A_358 = arith.constant 0 : index
      %get3A_359 = tpu.vector_load %arg6[%get3A_356, %get3A_357, %get3A_358] {strides = array<i32>} : memref<2x2x80xi32, #tpu.memory_space<vmem>>, vector<16xi32>,
      %sub3A_360 = arith.constant 0 : i32
      %sub3A_361 = vector.broadcast %sub3A_360 : i32 to vector<16xi32>
      %sub3A_362 = arith.subi %get3A_359, %sub3A_361 : vector<16xi32>
      %ge3A_363 = arith.constant 0 : i32
      %ge3A_364 = vector.broadcast %ge3A_363 : i32 to vector<16xi32>
      %ge3A_365 = arith.cmpi sge, %sub3A_362, %ge3A_364 : vector<16xi32>
      %lt3A_366 = arith.constant 5120 : i32
      %lt3A_367 = vector.broadcast %lt3A_366 : i32 to vector<16xi32>
      %lt3A_368 = arith.cmpi slt, %sub3A_362, %lt3A_367 : vector<16xi32>
      %and3A_369 = arith.andi %ge3A_365, %lt3A_368 : vector<16xi1>
      %jit3A_370 = arith.constant 0 : i32
      %jit3A_371 = arith.constant 5119 : i32
      %max3A_372 = vector.broadcast %jit3A_370 : i32 to vector<16xi32>
      %max3A_373 = arith.maxsi %max3A_372, %sub3A_362 : vector<16xi32>
      %min3A_374 = vector.broadcast %jit3A_371 : i32 to vector<16xi32>
      %min3A_375 = arith.minsi %min3A_374, %max3A_373 : vector<16xi32>
      %shift_right_logical3A_376 = arith.constant 7 : i32
      %shift_right_logical3A_377 = vector.broadcast %shift_right_logical3A_376 : i32 to vector<16xi32>
      %shift_right_logical3A_378 = arith.shrui %min3A_375, %shift_right_logical3A_377 : vector<16xi32>
      %and3A_379 = arith.constant 127 : i32
      %and3A_380 = vector.broadcast %and3A_379 : i32 to vector<16xi32>
      %and3A_381 = arith.andi %min3A_375, %and3A_380 : vector<16xi32>
      %gather3A_382 = tpu.vector_load_idx %arg7[%iota3A, %shift_right_logical3A_378, %and3A_381] masked %and3A_369 : memref<16x40x128xf32, #tpu.memory_space<vmem>>[vector<16xi32>, vector<16xi32>, vector<16xi32>], vector<16xf32>, vector<16xi1>
      %add3A_383 = arith.constant 1.000000e+00 : f32
      %add3A_384 = vector.broadcast %add3A_383 : f32 to vector<16xf32>
      %add3A_385 = arith.addf %gather3A_382, %add3A_384 : vector<16xf32>
      tpu.vector_store_idx %arg7[%iota3A, %shift_right_logical3A_378, %and3A_381], %add3A_385 masked %and3A_369 : memref<16x40x128xf32, #tpu.memory_space<vmem>>[vector<16xi32>, vector<16xi32>, vector<16xi32>], vector<16xf32>, vector<16xi1>
      %get3A_386 = arith.constant 1 : i32
      %get3A_387 = arith.constant 1 : i32
      %get3A_388 = arith.index_cast %get3A_386 : i32 to index
      %get3A_389 = arith.index_cast %get3A_387 : i32 to index
      %get3A_390 = arith.constant 16 : index
      %get3A_391 = tpu.vector_load %arg6[%get3A_388, %get3A_389, %get3A_390] {strides = array<i32>} : memref<2x2x80xi32, #tpu.memory_space<vmem>>, vector<16xi32>,
      %sub3A_392 = arith.constant 0 : i32
      %sub3A_393 = vector.broadcast %sub3A_392 : i32 to vector<16xi32>
      %sub3A_394 = arith.subi %get3A_391, %sub3A_393 : vector<16xi32>
      %ge3A_395 = arith.constant 0 : i32
      %ge3A_396 = vector.broadcast %ge3A_395 : i32 to vector<16xi32>
      %ge3A_397 = arith.cmpi sge, %sub3A_394, %ge3A_396 : vector<16xi32>
      %lt3A_398 = arith.constant 5120 : i32
      %lt3A_399 = vector.broadcast %lt3A_398 : i32 to vector<16xi32>
      %lt3A_400 = arith.cmpi slt, %sub3A_394, %lt3A_399 : vector<16xi32>
      %and3A_401 = arith.andi %ge3A_397, %lt3A_400 : vector<16xi1>
      %jit3A_402 = arith.constant 0 : i32
      %jit3A_403 = arith.constant 5119 : i32
      %max3A_404 = vector.broadcast %jit3A_402 : i32 to vector<16xi32>
      %max3A_405 = arith.maxsi %max3A_404, %sub3A_394 : vector<16xi32>
      %min3A_406 = vector.broadcast %jit3A_403 : i32 to vector<16xi32>
      %min3A_407 = arith.minsi %min3A_406, %max3A_405 : vector<16xi32>
      %shift_right_logical3A_408 = arith.constant 7 : i32
      %shift_right_logical3A_409 = vector.broadcast %shift_right_logical3A_408 : i32 to vector<16xi32>
      %shift_right_logical3A_410 = arith.shrui %min3A_407, %shift_right_logical3A_409 : vector<16xi32>
      %and3A_411 = arith.constant 127 : i32
      %and3A_412 = vector.broadcast %and3A_411 : i32 to vector<16xi32>
      %and3A_413 = arith.andi %min3A_407, %and3A_412 : vector<16xi32>
      %gather3A_414 = tpu.vector_load_idx %arg7[%iota3A, %shift_right_logical3A_410, %and3A_413] masked %and3A_401 : memref<16x40x128xf32, #tpu.memory_space<vmem>>[vector<16xi32>, vector<16xi32>, vector<16xi32>], vector<16xf32>, vector<16xi1>
      %add3A_415 = arith.constant 1.000000e+00 : f32
      %add3A_416 = vector.broadcast %add3A_415 : f32 to vector<16xf32>
      %add3A_417 = arith.addf %gather3A_414, %add3A_416 : vector<16xf32>
      tpu.vector_store_idx %arg7[%iota3A, %shift_right_logical3A_410, %and3A_413], %add3A_417 masked %and3A_401 : memref<16x40x128xf32, #tpu.memory_space<vmem>>[vector<16xi32>, vector<16xi32>, vector<16xi32>], vector<16xf32>, vector<16xi1>
      %get3A_418 = arith.constant 1 : i32
      %get3A_419 = arith.constant 1 : i32
      %get3A_420 = arith.index_cast %get3A_418 : i32 to index
      %get3A_421 = arith.index_cast %get3A_419 : i32 to index
      %get3A_422 = arith.constant 32 : index
      %get3A_423 = tpu.vector_load %arg6[%get3A_420, %get3A_421, %get3A_422] {strides = array<i32>} : memref<2x2x80xi32, #tpu.memory_space<vmem>>, vector<16xi32>,
      %sub3A_424 = arith.constant 0 : i32
      %sub3A_425 = vector.broadcast %sub3A_424 : i32 to vector<16xi32>
      %sub3A_426 = arith.subi %get3A_423, %sub3A_425 : vector<16xi32>
      %ge3A_427 = arith.constant 0 : i32
      %ge3A_428 = vector.broadcast %ge3A_427 : i32 to vector<16xi32>
      %ge3A_429 = arith.cmpi sge, %sub3A_426, %ge3A_428 : vector<16xi32>
      %lt3A_430 = arith.constant 5120 : i32
      %lt3A_431 = vector.broadcast %lt3A_430 : i32 to vector<16xi32>
      %lt3A_432 = arith.cmpi slt, %sub3A_426, %lt3A_431 : vector<16xi32>
      %and3A_433 = arith.andi %ge3A_429, %lt3A_432 : vector<16xi1>
      %jit3A_434 = arith.constant 0 : i32
      %jit3A_435 = arith.constant 5119 : i32
      %max3A_436 = vector.broadcast %jit3A_434 : i32 to vector<16xi32>
      %max3A_437 = arith.maxsi %max3A_436, %sub3A_426 : vector<16xi32>
      %min3A_438 = vector.broadcast %jit3A_435 : i32 to vector<16xi32>
      %min3A_439 = arith.minsi %min3A_438, %max3A_437 : vector<16xi32>
      %shift_right_logical3A_440 = arith.constant 7 : i32
      %shift_right_logical3A_441 = vector.broadcast %shift_right_logical3A_440 : i32 to vector<16xi32>
      %shift_right_logical3A_442 = arith.shrui %min3A_439, %shift_right_logical3A_441 : vector<16xi32>
      %and3A_443 = arith.constant 127 : i32
      %and3A_444 = vector.broadcast %and3A_443 : i32 to vector<16xi32>
      %and3A_445 = arith.andi %min3A_439, %and3A_444 : vector<16xi32>
      %gather3A_446 = tpu.vector_load_idx %arg7[%iota3A, %shift_right_logical3A_442, %and3A_445] masked %and3A_433 : memref<16x40x128xf32, #tpu.memory_space<vmem>>[vector<16xi32>, vector<16xi32>, vector<16xi32>], vector<16xf32>, vector<16xi1>
      %add3A_447 = arith.constant 1.000000e+00 : f32
      %add3A_448 = vector.broadcast %add3A_447 : f32 to vector<16xf32>
      %add3A_449 = arith.addf %gather3A_446, %add3A_448 : vector<16xf32>
      tpu.vector_store_idx %arg7[%iota3A, %shift_right_logical3A_442, %and3A_445], %add3A_449 masked %and3A_433 : memref<16x40x128xf32, #tpu.memory_space<vmem>>[vector<16xi32>, vector<16xi32>, vector<16xi32>], vector<16xf32>, vector<16xi1>
      %get3A_450 = arith.constant 1 : i32
      %get3A_451 = arith.constant 1 : i32
      %get3A_452 = arith.index_cast %get3A_450 : i32 to index
      %get3A_453 = arith.index_cast %get3A_451 : i32 to index
      %get3A_454 = arith.constant 48 : index
      %get3A_455 = tpu.vector_load %arg6[%get3A_452, %get3A_453, %get3A_454] {strides = array<i32>} : memref<2x2x80xi32, #tpu.memory_space<vmem>>, vector<16xi32>,
      %sub3A_456 = arith.constant 0 : i32
      %sub3A_457 = vector.broadcast %sub3A_456 : i32 to vector<16xi32>
      %sub3A_458 = arith.subi %get3A_455, %sub3A_457 : vector<16xi32>
      %ge3A_459 = arith.constant 0 : i32
      %ge3A_460 = vector.broadcast %ge3A_459 : i32 to vector<16xi32>
      %ge3A_461 = arith.cmpi sge, %sub3A_458, %ge3A_460 : vector<16xi32>
      %lt3A_462 = arith.constant 5120 : i32
      %lt3A_463 = vector.broadcast %lt3A_462 : i32 to vector<16xi32>
      %lt3A_464 = arith.cmpi slt, %sub3A_458, %lt3A_463 : vector<16xi32>
      %and3A_465 = arith.andi %ge3A_461, %lt3A_464 : vector<16xi1>
      %jit3A_466 = arith.constant 0 : i32
      %jit3A_467 = arith.constant 5119 : i32
      %max3A_468 = vector.broadcast %jit3A_466 : i32 to vector<16xi32>
      %max3A_469 = arith.maxsi %max3A_468, %sub3A_458 : vector<16xi32>
      %min3A_470 = vector.broadcast %jit3A_467 : i32 to vector<16xi32>
      %min3A_471 = arith.minsi %min3A_470, %max3A_469 : vector<16xi32>
      %shift_right_logical3A_472 = arith.constant 7 : i32
      %shift_right_logical3A_473 = vector.broadcast %shift_right_logical3A_472 : i32 to vector<16xi32>
      %shift_right_logical3A_474 = arith.shrui %min3A_471, %shift_right_logical3A_473 : vector<16xi32>
      %and3A_475 = arith.constant 127 : i32
      %and3A_476 = vector.broadcast %and3A_475 : i32 to vector<16xi32>
      %and3A_477 = arith.andi %min3A_471, %and3A_476 : vector<16xi32>
      %gather3A_478 = tpu.vector_load_idx %arg7[%iota3A, %shift_right_logical3A_474, %and3A_477] masked %and3A_465 : memref<16x40x128xf32, #tpu.memory_space<vmem>>[vector<16xi32>, vector<16xi32>, vector<16xi32>], vector<16xf32>, vector<16xi1>
      %add3A_479 = arith.constant 1.000000e+00 : f32
      %add3A_480 = vector.broadcast %add3A_479 : f32 to vector<16xf32>
      %add3A_481 = arith.addf %gather3A_478, %add3A_480 : vector<16xf32>
      tpu.vector_store_idx %arg7[%iota3A, %shift_right_logical3A_474, %and3A_477], %add3A_481 masked %and3A_465 : memref<16x40x128xf32, #tpu.memory_space<vmem>>[vector<16xi32>, vector<16xi32>, vector<16xi32>], vector<16xf32>, vector<16xi1>
      %get3A_482 = arith.constant 1 : i32
      %get3A_483 = arith.constant 1 : i32
      %get3A_484 = arith.index_cast %get3A_482 : i32 to index
      %get3A_485 = arith.index_cast %get3A_483 : i32 to index
      %get3A_486 = arith.constant 64 : index
      %get3A_487 = tpu.vector_load %arg6[%get3A_484, %get3A_485, %get3A_486] {strides = array<i32>} : memref<2x2x80xi32, #tpu.memory_space<vmem>>, vector<16xi32>,
      %sub3A_488 = arith.constant 0 : i32
      %sub3A_489 = vector.broadcast %sub3A_488 : i32 to vector<16xi32>
      %sub3A_490 = arith.subi %get3A_487, %sub3A_489 : vector<16xi32>
      %ge3A_491 = arith.constant 0 : i32
      %ge3A_492 = vector.broadcast %ge3A_491 : i32 to vector<16xi32>
      %ge3A_493 = arith.cmpi sge, %sub3A_490, %ge3A_492 : vector<16xi32>
      %lt3A_494 = arith.constant 5120 : i32
      %lt3A_495 = vector.broadcast %lt3A_494 : i32 to vector<16xi32>
      %lt3A_496 = arith.cmpi slt, %sub3A_490, %lt3A_495 : vector<16xi32>
      %and3A_497 = arith.andi %ge3A_493, %lt3A_496 : vector<16xi1>
      %jit3A_498 = arith.constant 0 : i32
      %jit3A_499 = arith.constant 5119 : i32
      %max3A_500 = vector.broadcast %jit3A_498 : i32 to vector<16xi32>
      %max3A_501 = arith.maxsi %max3A_500, %sub3A_490 : vector<16xi32>
      %min3A_502 = vector.broadcast %jit3A_499 : i32 to vector<16xi32>
      %min3A_503 = arith.minsi %min3A_502, %max3A_501 : vector<16xi32>
      %shift_right_logical3A_504 = arith.constant 7 : i32
      %shift_right_logical3A_505 = vector.broadcast %shift_right_logical3A_504 : i32 to vector<16xi32>
      %shift_right_logical3A_506 = arith.shrui %min3A_503, %shift_right_logical3A_505 : vector<16xi32>
      %and3A_507 = arith.constant 127 : i32
      %and3A_508 = vector.broadcast %and3A_507 : i32 to vector<16xi32>
      %and3A_509 = arith.andi %min3A_503, %and3A_508 : vector<16xi32>
      %gather3A_510 = tpu.vector_load_idx %arg7[%iota3A, %shift_right_logical3A_506, %and3A_509] masked %and3A_497 : memref<16x40x128xf32, #tpu.memory_space<vmem>>[vector<16xi32>, vector<16xi32>, vector<16xi32>], vector<16xf32>, vector<16xi1>
      %add3A_511 = arith.constant 1.000000e+00 : f32
      %add3A_512 = vector.broadcast %add3A_511 : f32 to vector<16xf32>
      %add3A_513 = arith.addf %gather3A_510, %add3A_512 : vector<16xf32>
      tpu.vector_store_idx %arg7[%iota3A, %shift_right_logical3A_506, %and3A_509], %add3A_513 masked %and3A_497 : memref<16x40x128xf32, #tpu.memory_space<vmem>>[vector<16xi32>, vector<16xi32>, vector<16xi32>], vector<16xf32>, vector<16xi1>
    }
    %scan3A_30 = arith.constant 125 : i32
    %run_scoped3A = arith.constant 0 : i32
    %run_scoped3A_31 = arith.constant 0 : i32
    "tpu.region"() ({
      %run_scoped3A_128 = tpu.sem_alloc : memref<!tpu.dma_semaphore, #tpu.memory_space<semaphore_mem>>
      %dma_start3A_129 = arith.constant 0 : i32
      %dma_start3A_130 = arith.constant 0 : i32
      %dma_start3A_131 = tpu.memref_slice %arg7[%run_scoped3A, %dma_start3A_129, %dma_start3A_130] : memref<16x40x128xf32, #tpu.memory_space<vmem>> -> memref<1x40x128xf32, #tpu.memory_space<vmem>>
      %dma_start3A_132 = tpu.memref_squeeze %dma_start3A_131 : memref<1x40x128xf32, #tpu.memory_space<vmem>> -> memref<40x128xf32, #tpu.memory_space<vmem>>
      %dma_start3A_133 = arith.constant 0 : i32
      %dma_start3A_134 = tpu.memref_slice %arg8[%run_scoped3A_31, %dma_start3A_133] : memref<2x40xi32, #tpu.memory_space<vmem>> -> memref<1x40xi32, #tpu.memory_space<vmem>>
      %dma_start3A_135 = tpu.memref_squeeze %dma_start3A_134 : memref<1x40xi32, #tpu.memory_space<vmem>> -> memref<40xi32, #tpu.memory_space<vmem>>
      %dma_start3A_136 = arith.constant 0 : i32
      %dma_start3A_137 = arith.constant 0 : i32
      %dma_start3A_138 = tpu.memref_slice %arg10[%dma_start3A_136, %dma_start3A_137] : memref<80x128xf32, #tpu.memory_space<vmem_shared>> -> memref<80x128xf32, #tpu.memory_space<vmem_shared>>
      tpu.enqueue_indirect_dma source(%dma_start3A_132 : memref<40x128xf32, #tpu.memory_space<vmem>>) target(%dma_start3A_138 : memref<80x128xf32, #tpu.memory_space<vmem_shared>>) offsets(%dma_start3A_135 : memref<40xi32, #tpu.memory_space<vmem>>) semaphore(%run_scoped3A_128 : memref<!tpu.dma_semaphore, #tpu.memory_space<semaphore_mem>>) {add = true}
      %dma_wait3A = arith.constant 0 : i32
      %dma_wait3A_139 = arith.constant 0 : i32
      %dma_wait3A_140 = tpu.memref_slice %arg7[%run_scoped3A, %dma_wait3A, %dma_wait3A_139] : memref<16x40x128xf32, #tpu.memory_space<vmem>> -> memref<1x40x128xf32, #tpu.memory_space<vmem>>
      %dma_wait3A_141 = tpu.memref_squeeze %dma_wait3A_140 : memref<1x40x128xf32, #tpu.memory_space<vmem>> -> memref<40x128xf32, #tpu.memory_space<vmem>>
      %dma_wait3A_142 = arith.constant 0 : i32
      %dma_wait3A_143 = tpu.memref_slice %arg8[%run_scoped3A_31, %dma_wait3A_142] : memref<2x40xi32, #tpu.memory_space<vmem>> -> memref<1x40xi32, #tpu.memory_space<vmem>>
      %dma_wait3A_144 = tpu.memref_squeeze %dma_wait3A_143 : memref<1x40xi32, #tpu.memory_space<vmem>> -> memref<40xi32, #tpu.memory_space<vmem>>
      %dma_wait3A_145 = arith.constant 0 : i32
      %dma_wait3A_146 = arith.constant 0 : i32
      %dma_wait3A_147 = tpu.memref_slice %arg10[%dma_wait3A_145, %dma_wait3A_146] : memref<80x128xf32, #tpu.memory_space<vmem_shared>> -> memref<80x128xf32, #tpu.memory_space<vmem_shared>>
      tpu.wait_indirect_dma semaphore(%run_scoped3A_128 : memref<!tpu.dma_semaphore, #tpu.memory_space<semaphore_mem>>) src(%dma_wait3A_141 : memref<40x128xf32, #tpu.memory_space<vmem>>) dst(%dma_wait3A_147 : memref<80x128xf32, #tpu.memory_space<vmem_shared>>)
      tpu.yield
    }) : () -> ()
    %run_scoped3A_32 = arith.constant 1 : i32
    %run_scoped3A_33 = arith.constant 0 : i32
    "tpu.region"() ({
      %run_scoped3A_128 = tpu.sem_alloc : memref<!tpu.dma_semaphore, #tpu.memory_space<semaphore_mem>>
      %dma_start3A_129 = arith.constant 0 : i32
      %dma_start3A_130 = arith.constant 0 : i32
      %dma_start3A_131 = tpu.memref_slice %arg7[%run_scoped3A_32, %dma_start3A_129, %dma_start3A_130] : memref<16x40x128xf32, #tpu.memory_space<vmem>> -> memref<1x40x128xf32, #tpu.memory_space<vmem>>
      %dma_start3A_132 = tpu.memref_squeeze %dma_start3A_131 : memref<1x40x128xf32, #tpu.memory_space<vmem>> -> memref<40x128xf32, #tpu.memory_space<vmem>>
      %dma_start3A_133 = arith.constant 0 : i32
      %dma_start3A_134 = tpu.memref_slice %arg8[%run_scoped3A_33, %dma_start3A_133] : memref<2x40xi32, #tpu.memory_space<vmem>> -> memref<1x40xi32, #tpu.memory_space<vmem>>
      %dma_start3A_135 = tpu.memref_squeeze %dma_start3A_134 : memref<1x40xi32, #tpu.memory_space<vmem>> -> memref<40xi32, #tpu.memory_space<vmem>>
      %dma_start3A_136 = arith.constant 0 : i32
      %dma_start3A_137 = arith.constant 0 : i32
      %dma_start3A_138 = tpu.memref_slice %arg10[%dma_start3A_136, %dma_start3A_137] : memref<80x128xf32, #tpu.memory_space<vmem_shared>> -> memref<80x128xf32, #tpu.memory_space<vmem_shared>>
      tpu.enqueue_indirect_dma source(%dma_start3A_132 : memref<40x128xf32, #tpu.memory_space<vmem>>) target(%dma_start3A_138 : memref<80x128xf32, #tpu.memory_space<vmem_shared>>) offsets(%dma_start3A_135 : memref<40xi32, #tpu.memory_space<vmem>>) semaphore(%run_scoped3A_128 : memref<!tpu.dma_semaphore, #tpu.memory_space<semaphore_mem>>) {add = true}
      %dma_wait3A = arith.constant 0 : i32
      %dma_wait3A_139 = arith.constant 0 : i32
      %dma_wait3A_140 = tpu.memref_slice %arg7[%run_scoped3A_32, %dma_wait3A, %dma_wait3A_139] : memref<16x40x128xf32, #tpu.memory_space<vmem>> -> memref<1x40x128xf32, #tpu.memory_space<vmem>>
      %dma_wait3A_141 = tpu.memref_squeeze %dma_wait3A_140 : memref<1x40x128xf32, #tpu.memory_space<vmem>> -> memref<40x128xf32, #tpu.memory_space<vmem>>
      %dma_wait3A_142 = arith.constant 0 : i32
      %dma_wait3A_143 = tpu.memref_slice %arg8[%run_scoped3A_33, %dma_wait3A_142] : memref<2x40xi32, #tpu.memory_space<vmem>> -> memref<1x40xi32, #tpu.memory_space<vmem>>
      %dma_wait3A_144 = tpu.memref_squeeze %dma_wait3A_143 : memref<1x40xi32, #tpu.memory_space<vmem>> -> memref<40xi32, #tpu.memory_space<vmem>>
      %dma_wait3A_145 = arith.constant 0 : i32
      %dma_wait3A_146 = arith.constant 0 : i32
      %dma_wait3A_147 = tpu.memref_slice %arg10[%dma_wait3A_145, %dma_wait3A_146] : memref<80x128xf32, #tpu.memory_space<vmem_shared>> -> memref<80x128xf32, #tpu.memory_space<vmem_shared>>
      tpu.wait_indirect_dma semaphore(%run_scoped3A_128 : memref<!tpu.dma_semaphore, #tpu.memory_space<semaphore_mem>>) src(%dma_wait3A_141 : memref<40x128xf32, #tpu.memory_space<vmem>>) dst(%dma_wait3A_147 : memref<80x128xf32, #tpu.memory_space<vmem_shared>>)
      tpu.yield
    }) : () -> ()
    %run_scoped3A_34 = arith.constant 2 : i32
    %run_scoped3A_35 = arith.constant 0 : i32
    "tpu.region"() ({
      %run_scoped3A_128 = tpu.sem_alloc : memref<!tpu.dma_semaphore, #tpu.memory_space<semaphore_mem>>
      %dma_start3A_129 = arith.constant 0 : i32
      %dma_start3A_130 = arith.constant 0 : i32
      %dma_start3A_131 = tpu.memref_slice %arg7[%run_scoped3A_34, %dma_start3A_129, %dma_start3A_130] : memref<16x40x128xf32, #tpu.memory_space<vmem>> -> memref<1x40x128xf32, #tpu.memory_space<vmem>>
      %dma_start3A_132 = tpu.memref_squeeze %dma_start3A_131 : memref<1x40x128xf32, #tpu.memory_space<vmem>> -> memref<40x128xf32, #tpu.memory_space<vmem>>
      %dma_start3A_133 = arith.constant 0 : i32
      %dma_start3A_134 = tpu.memref_slice %arg8[%run_scoped3A_35, %dma_start3A_133] : memref<2x40xi32, #tpu.memory_space<vmem>> -> memref<1x40xi32, #tpu.memory_space<vmem>>
      %dma_start3A_135 = tpu.memref_squeeze %dma_start3A_134 : memref<1x40xi32, #tpu.memory_space<vmem>> -> memref<40xi32, #tpu.memory_space<vmem>>
      %dma_start3A_136 = arith.constant 0 : i32
      %dma_start3A_137 = arith.constant 0 : i32
      %dma_start3A_138 = tpu.memref_slice %arg10[%dma_start3A_136, %dma_start3A_137] : memref<80x128xf32, #tpu.memory_space<vmem_shared>> -> memref<80x128xf32, #tpu.memory_space<vmem_shared>>
      tpu.enqueue_indirect_dma source(%dma_start3A_132 : memref<40x128xf32, #tpu.memory_space<vmem>>) target(%dma_start3A_138 : memref<80x128xf32, #tpu.memory_space<vmem_shared>>) offsets(%dma_start3A_135 : memref<40xi32, #tpu.memory_space<vmem>>) semaphore(%run_scoped3A_128 : memref<!tpu.dma_semaphore, #tpu.memory_space<semaphore_mem>>) {add = true}
      %dma_wait3A = arith.constant 0 : i32
      %dma_wait3A_139 = arith.constant 0 : i32
      %dma_wait3A_140 = tpu.memref_slice %arg7[%run_scoped3A_34, %dma_wait3A, %dma_wait3A_139] : memref<16x40x128xf32, #tpu.memory_space<vmem>> -> memref<1x40x128xf32, #tpu.memory_space<vmem>>
      %dma_wait3A_141 = tpu.memref_squeeze %dma_wait3A_140 : memref<1x40x128xf32, #tpu.memory_space<vmem>> -> memref<40x128xf32, #tpu.memory_space<vmem>>
      %dma_wait3A_142 = arith.constant 0 : i32
      %dma_wait3A_143 = tpu.memref_slice %arg8[%run_scoped3A_35, %dma_wait3A_142] : memref<2x40xi32, #tpu.memory_space<vmem>> -> memref<1x40xi32, #tpu.memory_space<vmem>>
      %dma_wait3A_144 = tpu.memref_squeeze %dma_wait3A_143 : memref<1x40xi32, #tpu.memory_space<vmem>> -> memref<40xi32, #tpu.memory_space<vmem>>
      %dma_wait3A_145 = arith.constant 0 : i32
      %dma_wait3A_146 = arith.constant 0 : i32
      %dma_wait3A_147 = tpu.memref_slice %arg10[%dma_wait3A_145, %dma_wait3A_146] : memref<80x128xf32, #tpu.memory_space<vmem_shared>> -> memref<80x128xf32, #tpu.memory_space<vmem_shared>>
      tpu.wait_indirect_dma semaphore(%run_scoped3A_128 : memref<!tpu.dma_semaphore, #tpu.memory_space<semaphore_mem>>) src(%dma_wait3A_141 : memref<40x128xf32, #tpu.memory_space<vmem>>) dst(%dma_wait3A_147 : memref<80x128xf32, #tpu.memory_space<vmem_shared>>)
      tpu.yield
    }) : () -> ()
    %run_scoped3A_36 = arith.constant 3 : i32
    %run_scoped3A_37 = arith.constant 0 : i32
    "tpu.region"() ({
      %run_scoped3A_128 = tpu.sem_alloc : memref<!tpu.dma_semaphore, #tpu.memory_space<semaphore_mem>>
      %dma_start3A_129 = arith.constant 0 : i32
      %dma_start3A_130 = arith.constant 0 : i32
      %dma_start3A_131 = tpu.memref_slice %arg7[%run_scoped3A_36, %dma_start3A_129, %dma_start3A_130] : memref<16x40x128xf32, #tpu.memory_space<vmem>> -> memref<1x40x128xf32, #tpu.memory_space<vmem>>
      %dma_start3A_132 = tpu.memref_squeeze %dma_start3A_131 : memref<1x40x128xf32, #tpu.memory_space<vmem>> -> memref<40x128xf32, #tpu.memory_space<vmem>>
      %dma_start3A_133 = arith.constant 0 : i32
      %dma_start3A_134 = tpu.memref_slice %arg8[%run_scoped3A_37, %dma_start3A_133] : memref<2x40xi32, #tpu.memory_space<vmem>> -> memref<1x40xi32, #tpu.memory_space<vmem>>
      %dma_start3A_135 = tpu.memref_squeeze %dma_start3A_134 : memref<1x40xi32, #tpu.memory_space<vmem>> -> memref<40xi32, #tpu.memory_space<vmem>>
      %dma_start3A_136 = arith.constant 0 : i32
      %dma_start3A_137 = arith.constant 0 : i32
      %dma_start3A_138 = tpu.memref_slice %arg10[%dma_start3A_136, %dma_start3A_137] : memref<80x128xf32, #tpu.memory_space<vmem_shared>> -> memref<80x128xf32, #tpu.memory_space<vmem_shared>>
      tpu.enqueue_indirect_dma source(%dma_start3A_132 : memref<40x128xf32, #tpu.memory_space<vmem>>) target(%dma_start3A_138 : memref<80x128xf32, #tpu.memory_space<vmem_shared>>) offsets(%dma_start3A_135 : memref<40xi32, #tpu.memory_space<vmem>>) semaphore(%run_scoped3A_128 : memref<!tpu.dma_semaphore, #tpu.memory_space<semaphore_mem>>) {add = true}
      %dma_wait3A = arith.constant 0 : i32
      %dma_wait3A_139 = arith.constant 0 : i32
      %dma_wait3A_140 = tpu.memref_slice %arg7[%run_scoped3A_36, %dma_wait3A, %dma_wait3A_139] : memref<16x40x128xf32, #tpu.memory_space<vmem>> -> memref<1x40x128xf32, #tpu.memory_space<vmem>>
      %dma_wait3A_141 = tpu.memref_squeeze %dma_wait3A_140 : memref<1x40x128xf32, #tpu.memory_space<vmem>> -> memref<40x128xf32, #tpu.memory_space<vmem>>
      %dma_wait3A_142 = arith.constant 0 : i32
      %dma_wait3A_143 = tpu.memref_slice %arg8[%run_scoped3A_37, %dma_wait3A_142] : memref<2x40xi32, #tpu.memory_space<vmem>> -> memref<1x40xi32, #tpu.memory_space<vmem>>
      %dma_wait3A_144 = tpu.memref_squeeze %dma_wait3A_143 : memref<1x40xi32, #tpu.memory_space<vmem>> -> memref<40xi32, #tpu.memory_space<vmem>>
      %dma_wait3A_145 = arith.constant 0 : i32
      %dma_wait3A_146 = arith.constant 0 : i32
      %dma_wait3A_147 = tpu.memref_slice %arg10[%dma_wait3A_145, %dma_wait3A_146] : memref<80x128xf32, #tpu.memory_space<vmem_shared>> -> memref<80x128xf32, #tpu.memory_space<vmem_shared>>
      tpu.wait_indirect_dma semaphore(%run_scoped3A_128 : memref<!tpu.dma_semaphore, #tpu.memory_space<semaphore_mem>>) src(%dma_wait3A_141 : memref<40x128xf32, #tpu.memory_space<vmem>>) dst(%dma_wait3A_147 : memref<80x128xf32, #tpu.memory_space<vmem_shared>>)
      tpu.yield
    }) : () -> ()
    %run_scoped3A_38 = arith.constant 4 : i32
    %run_scoped3A_39 = arith.constant 0 : i32
    "tpu.region"() ({
      %run_scoped3A_128 = tpu.sem_alloc : memref<!tpu.dma_semaphore, #tpu.memory_space<semaphore_mem>>
      %dma_start3A_129 = arith.constant 0 : i32
      %dma_start3A_130 = arith.constant 0 : i32
      %dma_start3A_131 = tpu.memref_slice %arg7[%run_scoped3A_38, %dma_start3A_129, %dma_start3A_130] : memref<16x40x128xf32, #tpu.memory_space<vmem>> -> memref<1x40x128xf32, #tpu.memory_space<vmem>>
      %dma_start3A_132 = tpu.memref_squeeze %dma_start3A_131 : memref<1x40x128xf32, #tpu.memory_space<vmem>> -> memref<40x128xf32, #tpu.memory_space<vmem>>
      %dma_start3A_133 = arith.constant 0 : i32
      %dma_start3A_134 = tpu.memref_slice %arg8[%run_scoped3A_39, %dma_start3A_133] : memref<2x40xi32, #tpu.memory_space<vmem>> -> memref<1x40xi32, #tpu.memory_space<vmem>>
      %dma_start3A_135 = tpu.memref_squeeze %dma_start3A_134 : memref<1x40xi32, #tpu.memory_space<vmem>> -> memref<40xi32, #tpu.memory_space<vmem>>
      %dma_start3A_136 = arith.constant 0 : i32
      %dma_start3A_137 = arith.constant 0 : i32
      %dma_start3A_138 = tpu.memref_slice %arg10[%dma_start3A_136, %dma_start3A_137] : memref<80x128xf32, #tpu.memory_space<vmem_shared>> -> memref<80x128xf32, #tpu.memory_space<vmem_shared>>
      tpu.enqueue_indirect_dma source(%dma_start3A_132 : memref<40x128xf32, #tpu.memory_space<vmem>>) target(%dma_start3A_138 : memref<80x128xf32, #tpu.memory_space<vmem_shared>>) offsets(%dma_start3A_135 : memref<40xi32, #tpu.memory_space<vmem>>) semaphore(%run_scoped3A_128 : memref<!tpu.dma_semaphore, #tpu.memory_space<semaphore_mem>>) {add = true}
      %dma_wait3A = arith.constant 0 : i32
      %dma_wait3A_139 = arith.constant 0 : i32
      %dma_wait3A_140 = tpu.memref_slice %arg7[%run_scoped3A_38, %dma_wait3A, %dma_wait3A_139] : memref<16x40x128xf32, #tpu.memory_space<vmem>> -> memref<1x40x128xf32, #tpu.memory_space<vmem>>
      %dma_wait3A_141 = tpu.memref_squeeze %dma_wait3A_140 : memref<1x40x128xf32, #tpu.memory_space<vmem>> -> memref<40x128xf32, #tpu.memory_space<vmem>>
      %dma_wait3A_142 = arith.constant 0 : i32
      %dma_wait3A_143 = tpu.memref_slice %arg8[%run_scoped3A_39, %dma_wait3A_142] : memref<2x40xi32, #tpu.memory_space<vmem>> -> memref<1x40xi32, #tpu.memory_space<vmem>>
      %dma_wait3A_144 = tpu.memref_squeeze %dma_wait3A_143 : memref<1x40xi32, #tpu.memory_space<vmem>> -> memref<40xi32, #tpu.memory_space<vmem>>
      %dma_wait3A_145 = arith.constant 0 : i32
      %dma_wait3A_146 = arith.constant 0 : i32
      %dma_wait3A_147 = tpu.memref_slice %arg10[%dma_wait3A_145, %dma_wait3A_146] : memref<80x128xf32, #tpu.memory_space<vmem_shared>> -> memref<80x128xf32, #tpu.memory_space<vmem_shared>>
      tpu.wait_indirect_dma semaphore(%run_scoped3A_128 : memref<!tpu.dma_semaphore, #tpu.memory_space<semaphore_mem>>) src(%dma_wait3A_141 : memref<40x128xf32, #tpu.memory_space<vmem>>) dst(%dma_wait3A_147 : memref<80x128xf32, #tpu.memory_space<vmem_shared>>)
      tpu.yield
    }) : () -> ()
    %run_scoped3A_40 = arith.constant 5 : i32
    %run_scoped3A_41 = arith.constant 0 : i32
    "tpu.region"() ({
      %run_scoped3A_128 = tpu.sem_alloc : memref<!tpu.dma_semaphore, #tpu.memory_space<semaphore_mem>>
      %dma_start3A_129 = arith.constant 0 : i32
      %dma_start3A_130 = arith.constant 0 : i32
      %dma_start3A_131 = tpu.memref_slice %arg7[%run_scoped3A_40, %dma_start3A_129, %dma_start3A_130] : memref<16x40x128xf32, #tpu.memory_space<vmem>> -> memref<1x40x128xf32, #tpu.memory_space<vmem>>
      %dma_start3A_132 = tpu.memref_squeeze %dma_start3A_131 : memref<1x40x128xf32, #tpu.memory_space<vmem>> -> memref<40x128xf32, #tpu.memory_space<vmem>>
      %dma_start3A_133 = arith.constant 0 : i32
      %dma_start3A_134 = tpu.memref_slice %arg8[%run_scoped3A_41, %dma_start3A_133] : memref<2x40xi32, #tpu.memory_space<vmem>> -> memref<1x40xi32, #tpu.memory_space<vmem>>
      %dma_start3A_135 = tpu.memref_squeeze %dma_start3A_134 : memref<1x40xi32, #tpu.memory_space<vmem>> -> memref<40xi32, #tpu.memory_space<vmem>>
      %dma_start3A_136 = arith.constant 0 : i32
      %dma_start3A_137 = arith.constant 0 : i32
      %dma_start3A_138 = tpu.memref_slice %arg10[%dma_start3A_136, %dma_start3A_137] : memref<80x128xf32, #tpu.memory_space<vmem_shared>> -> memref<80x128xf32, #tpu.memory_space<vmem_shared>>
      tpu.enqueue_indirect_dma source(%dma_start3A_132 : memref<40x128xf32, #tpu.memory_space<vmem>>) target(%dma_start3A_138 : memref<80x128xf32, #tpu.memory_space<vmem_shared>>) offsets(%dma_start3A_135 : memref<40xi32, #tpu.memory_space<vmem>>) semaphore(%run_scoped3A_128 : memref<!tpu.dma_semaphore, #tpu.memory_space<semaphore_mem>>) {add = true}
      %dma_wait3A = arith.constant 0 : i32
      %dma_wait3A_139 = arith.constant 0 : i32
      %dma_wait3A_140 = tpu.memref_slice %arg7[%run_scoped3A_40, %dma_wait3A, %dma_wait3A_139] : memref<16x40x128xf32, #tpu.memory_space<vmem>> -> memref<1x40x128xf32, #tpu.memory_space<vmem>>
      %dma_wait3A_141 = tpu.memref_squeeze %dma_wait3A_140 : memref<1x40x128xf32, #tpu.memory_space<vmem>> -> memref<40x128xf32, #tpu.memory_space<vmem>>
      %dma_wait3A_142 = arith.constant 0 : i32
      %dma_wait3A_143 = tpu.memref_slice %arg8[%run_scoped3A_41, %dma_wait3A_142] : memref<2x40xi32, #tpu.memory_space<vmem>> -> memref<1x40xi32, #tpu.memory_space<vmem>>
      %dma_wait3A_144 = tpu.memref_squeeze %dma_wait3A_143 : memref<1x40xi32, #tpu.memory_space<vmem>> -> memref<40xi32, #tpu.memory_space<vmem>>
      %dma_wait3A_145 = arith.constant 0 : i32
      %dma_wait3A_146 = arith.constant 0 : i32
      %dma_wait3A_147 = tpu.memref_slice %arg10[%dma_wait3A_145, %dma_wait3A_146] : memref<80x128xf32, #tpu.memory_space<vmem_shared>> -> memref<80x128xf32, #tpu.memory_space<vmem_shared>>
      tpu.wait_indirect_dma semaphore(%run_scoped3A_128 : memref<!tpu.dma_semaphore, #tpu.memory_space<semaphore_mem>>) src(%dma_wait3A_141 : memref<40x128xf32, #tpu.memory_space<vmem>>) dst(%dma_wait3A_147 : memref<80x128xf32, #tpu.memory_space<vmem_shared>>)
      tpu.yield
    }) : () -> ()
    %run_scoped3A_42 = arith.constant 6 : i32
    %run_scoped3A_43 = arith.constant 0 : i32
    "tpu.region"() ({
      %run_scoped3A_128 = tpu.sem_alloc : memref<!tpu.dma_semaphore, #tpu.memory_space<semaphore_mem>>
      %dma_start3A_129 = arith.constant 0 : i32
      %dma_start3A_130 = arith.constant 0 : i32
      %dma_start3A_131 = tpu.memref_slice %arg7[%run_scoped3A_42, %dma_start3A_129, %dma_start3A_130] : memref<16x40x128xf32, #tpu.memory_space<vmem>> -> memref<1x40x128xf32, #tpu.memory_space<vmem>>
      %dma_start3A_132 = tpu.memref_squeeze %dma_start3A_131 : memref<1x40x128xf32, #tpu.memory_space<vmem>> -> memref<40x128xf32, #tpu.memory_space<vmem>>
      %dma_start3A_133 = arith.constant 0 : i32
      %dma_start3A_134 = tpu.memref_slice %arg8[%run_scoped3A_43, %dma_start3A_133] : memref<2x40xi32, #tpu.memory_space<vmem>> -> memref<1x40xi32, #tpu.memory_space<vmem>>
      %dma_start3A_135 = tpu.memref_squeeze %dma_start3A_134 : memref<1x40xi32, #tpu.memory_space<vmem>> -> memref<40xi32, #tpu.memory_space<vmem>>
      %dma_start3A_136 = arith.constant 0 : i32
      %dma_start3A_137 = arith.constant 0 : i32
      %dma_start3A_138 = tpu.memref_slice %arg10[%dma_start3A_136, %dma_start3A_137] : memref<80x128xf32, #tpu.memory_space<vmem_shared>> -> memref<80x128xf32, #tpu.memory_space<vmem_shared>>
      tpu.enqueue_indirect_dma source(%dma_start3A_132 : memref<40x128xf32, #tpu.memory_space<vmem>>) target(%dma_start3A_138 : memref<80x128xf32, #tpu.memory_space<vmem_shared>>) offsets(%dma_start3A_135 : memref<40xi32, #tpu.memory_space<vmem>>) semaphore(%run_scoped3A_128 : memref<!tpu.dma_semaphore, #tpu.memory_space<semaphore_mem>>) {add = true}
      %dma_wait3A = arith.constant 0 : i32
      %dma_wait3A_139 = arith.constant 0 : i32
      %dma_wait3A_140 = tpu.memref_slice %arg7[%run_scoped3A_42, %dma_wait3A, %dma_wait3A_139] : memref<16x40x128xf32, #tpu.memory_space<vmem>> -> memref<1x40x128xf32, #tpu.memory_space<vmem>>
      %dma_wait3A_141 = tpu.memref_squeeze %dma_wait3A_140 : memref<1x40x128xf32, #tpu.memory_space<vmem>> -> memref<40x128xf32, #tpu.memory_space<vmem>>
      %dma_wait3A_142 = arith.constant 0 : i32
      %dma_wait3A_143 = tpu.memref_slice %arg8[%run_scoped3A_43, %dma_wait3A_142] : memref<2x40xi32, #tpu.memory_space<vmem>> -> memref<1x40xi32, #tpu.memory_space<vmem>>
      %dma_wait3A_144 = tpu.memref_squeeze %dma_wait3A_143 : memref<1x40xi32, #tpu.memory_space<vmem>> -> memref<40xi32, #tpu.memory_space<vmem>>
      %dma_wait3A_145 = arith.constant 0 : i32
      %dma_wait3A_146 = arith.constant 0 : i32
      %dma_wait3A_147 = tpu.memref_slice %arg10[%dma_wait3A_145, %dma_wait3A_146] : memref<80x128xf32, #tpu.memory_space<vmem_shared>> -> memref<80x128xf32, #tpu.memory_space<vmem_shared>>
      tpu.wait_indirect_dma semaphore(%run_scoped3A_128 : memref<!tpu.dma_semaphore, #tpu.memory_space<semaphore_mem>>) src(%dma_wait3A_141 : memref<40x128xf32, #tpu.memory_space<vmem>>) dst(%dma_wait3A_147 : memref<80x128xf32, #tpu.memory_space<vmem_shared>>)
      tpu.yield
    }) : () -> ()
    %run_scoped3A_44 = arith.constant 7 : i32
    %run_scoped3A_45 = arith.constant 0 : i32
    "tpu.region"() ({
      %run_scoped3A_128 = tpu.sem_alloc : memref<!tpu.dma_semaphore, #tpu.memory_space<semaphore_mem>>
      %dma_start3A_129 = arith.constant 0 : i32
      %dma_start3A_130 = arith.constant 0 : i32
      %dma_start3A_131 = tpu.memref_slice %arg7[%run_scoped3A_44, %dma_start3A_129, %dma_start3A_130] : memref<16x40x128xf32, #tpu.memory_space<vmem>> -> memref<1x40x128xf32, #tpu.memory_space<vmem>>
      %dma_start3A_132 = tpu.memref_squeeze %dma_start3A_131 : memref<1x40x128xf32, #tpu.memory_space<vmem>> -> memref<40x128xf32, #tpu.memory_space<vmem>>
      %dma_start3A_133 = arith.constant 0 : i32
      %dma_start3A_134 = tpu.memref_slice %arg8[%run_scoped3A_45, %dma_start3A_133] : memref<2x40xi32, #tpu.memory_space<vmem>> -> memref<1x40xi32, #tpu.memory_space<vmem>>
      %dma_start3A_135 = tpu.memref_squeeze %dma_start3A_134 : memref<1x40xi32, #tpu.memory_space<vmem>> -> memref<40xi32, #tpu.memory_space<vmem>>
      %dma_start3A_136 = arith.constant 0 : i32
      %dma_start3A_137 = arith.constant 0 : i32
      %dma_start3A_138 = tpu.memref_slice %arg10[%dma_start3A_136, %dma_start3A_137] : memref<80x128xf32, #tpu.memory_space<vmem_shared>> -> memref<80x128xf32, #tpu.memory_space<vmem_shared>>
      tpu.enqueue_indirect_dma source(%dma_start3A_132 : memref<40x128xf32, #tpu.memory_space<vmem>>) target(%dma_start3A_138 : memref<80x128xf32, #tpu.memory_space<vmem_shared>>) offsets(%dma_start3A_135 : memref<40xi32, #tpu.memory_space<vmem>>) semaphore(%run_scoped3A_128 : memref<!tpu.dma_semaphore, #tpu.memory_space<semaphore_mem>>) {add = true}
      %dma_wait3A = arith.constant 0 : i32
      %dma_wait3A_139 = arith.constant 0 : i32
      %dma_wait3A_140 = tpu.memref_slice %arg7[%run_scoped3A_44, %dma_wait3A, %dma_wait3A_139] : memref<16x40x128xf32, #tpu.memory_space<vmem>> -> memref<1x40x128xf32, #tpu.memory_space<vmem>>
      %dma_wait3A_141 = tpu.memref_squeeze %dma_wait3A_140 : memref<1x40x128xf32, #tpu.memory_space<vmem>> -> memref<40x128xf32, #tpu.memory_space<vmem>>
      %dma_wait3A_142 = arith.constant 0 : i32
      %dma_wait3A_143 = tpu.memref_slice %arg8[%run_scoped3A_45, %dma_wait3A_142] : memref<2x40xi32, #tpu.memory_space<vmem>> -> memref<1x40xi32, #tpu.memory_space<vmem>>
      %dma_wait3A_144 = tpu.memref_squeeze %dma_wait3A_143 : memref<1x40xi32, #tpu.memory_space<vmem>> -> memref<40xi32, #tpu.memory_space<vmem>>
      %dma_wait3A_145 = arith.constant 0 : i32
      %dma_wait3A_146 = arith.constant 0 : i32
      %dma_wait3A_147 = tpu.memref_slice %arg10[%dma_wait3A_145, %dma_wait3A_146] : memref<80x128xf32, #tpu.memory_space<vmem_shared>> -> memref<80x128xf32, #tpu.memory_space<vmem_shared>>
      tpu.wait_indirect_dma semaphore(%run_scoped3A_128 : memref<!tpu.dma_semaphore, #tpu.memory_space<semaphore_mem>>) src(%dma_wait3A_141 : memref<40x128xf32, #tpu.memory_space<vmem>>) dst(%dma_wait3A_147 : memref<80x128xf32, #tpu.memory_space<vmem_shared>>)
      tpu.yield
    }) : () -> ()
    %run_scoped3A_46 = arith.constant 8 : i32
    %run_scoped3A_47 = arith.constant 0 : i32
    "tpu.region"() ({
      %run_scoped3A_128 = tpu.sem_alloc : memref<!tpu.dma_semaphore, #tpu.memory_space<semaphore_mem>>
      %dma_start3A_129 = arith.constant 0 : i32
      %dma_start3A_130 = arith.constant 0 : i32
      %dma_start3A_131 = tpu.memref_slice %arg7[%run_scoped3A_46, %dma_start3A_129, %dma_start3A_130] : memref<16x40x128xf32, #tpu.memory_space<vmem>> -> memref<1x40x128xf32, #tpu.memory_space<vmem>>
      %dma_start3A_132 = tpu.memref_squeeze %dma_start3A_131 : memref<1x40x128xf32, #tpu.memory_space<vmem>> -> memref<40x128xf32, #tpu.memory_space<vmem>>
      %dma_start3A_133 = arith.constant 0 : i32
      %dma_start3A_134 = tpu.memref_slice %arg8[%run_scoped3A_47, %dma_start3A_133] : memref<2x40xi32, #tpu.memory_space<vmem>> -> memref<1x40xi32, #tpu.memory_space<vmem>>
      %dma_start3A_135 = tpu.memref_squeeze %dma_start3A_134 : memref<1x40xi32, #tpu.memory_space<vmem>> -> memref<40xi32, #tpu.memory_space<vmem>>
      %dma_start3A_136 = arith.constant 0 : i32
      %dma_start3A_137 = arith.constant 0 : i32
      %dma_start3A_138 = tpu.memref_slice %arg10[%dma_start3A_136, %dma_start3A_137] : memref<80x128xf32, #tpu.memory_space<vmem_shared>> -> memref<80x128xf32, #tpu.memory_space<vmem_shared>>
      tpu.enqueue_indirect_dma source(%dma_start3A_132 : memref<40x128xf32, #tpu.memory_space<vmem>>) target(%dma_start3A_138 : memref<80x128xf32, #tpu.memory_space<vmem_shared>>) offsets(%dma_start3A_135 : memref<40xi32, #tpu.memory_space<vmem>>) semaphore(%run_scoped3A_128 : memref<!tpu.dma_semaphore, #tpu.memory_space<semaphore_mem>>) {add = true}
      %dma_wait3A = arith.constant 0 : i32
      %dma_wait3A_139 = arith.constant 0 : i32
      %dma_wait3A_140 = tpu.memref_slice %arg7[%run_scoped3A_46, %dma_wait3A, %dma_wait3A_139] : memref<16x40x128xf32, #tpu.memory_space<vmem>> -> memref<1x40x128xf32, #tpu.memory_space<vmem>>
      %dma_wait3A_141 = tpu.memref_squeeze %dma_wait3A_140 : memref<1x40x128xf32, #tpu.memory_space<vmem>> -> memref<40x128xf32, #tpu.memory_space<vmem>>
      %dma_wait3A_142 = arith.constant 0 : i32
      %dma_wait3A_143 = tpu.memref_slice %arg8[%run_scoped3A_47, %dma_wait3A_142] : memref<2x40xi32, #tpu.memory_space<vmem>> -> memref<1x40xi32, #tpu.memory_space<vmem>>
      %dma_wait3A_144 = tpu.memref_squeeze %dma_wait3A_143 : memref<1x40xi32, #tpu.memory_space<vmem>> -> memref<40xi32, #tpu.memory_space<vmem>>
      %dma_wait3A_145 = arith.constant 0 : i32
      %dma_wait3A_146 = arith.constant 0 : i32
      %dma_wait3A_147 = tpu.memref_slice %arg10[%dma_wait3A_145, %dma_wait3A_146] : memref<80x128xf32, #tpu.memory_space<vmem_shared>> -> memref<80x128xf32, #tpu.memory_space<vmem_shared>>
      tpu.wait_indirect_dma semaphore(%run_scoped3A_128 : memref<!tpu.dma_semaphore, #tpu.memory_space<semaphore_mem>>) src(%dma_wait3A_141 : memref<40x128xf32, #tpu.memory_space<vmem>>) dst(%dma_wait3A_147 : memref<80x128xf32, #tpu.memory_space<vmem_shared>>)
      tpu.yield
    }) : () -> ()
    %run_scoped3A_48 = arith.constant 9 : i32
    %run_scoped3A_49 = arith.constant 0 : i32
    "tpu.region"() ({
      %run_scoped3A_128 = tpu.sem_alloc : memref<!tpu.dma_semaphore, #tpu.memory_space<semaphore_mem>>
      %dma_start3A_129 = arith.constant 0 : i32
      %dma_start3A_130 = arith.constant 0 : i32
      %dma_start3A_131 = tpu.memref_slice %arg7[%run_scoped3A_48, %dma_start3A_129, %dma_start3A_130] : memref<16x40x128xf32, #tpu.memory_space<vmem>> -> memref<1x40x128xf32, #tpu.memory_space<vmem>>
      %dma_start3A_132 = tpu.memref_squeeze %dma_start3A_131 : memref<1x40x128xf32, #tpu.memory_space<vmem>> -> memref<40x128xf32, #tpu.memory_space<vmem>>
      %dma_start3A_133 = arith.constant 0 : i32
      %dma_start3A_134 = tpu.memref_slice %arg8[%run_scoped3A_49, %dma_start3A_133] : memref<2x40xi32, #tpu.memory_space<vmem>> -> memref<1x40xi32, #tpu.memory_space<vmem>>
      %dma_start3A_135 = tpu.memref_squeeze %dma_start3A_134 : memref<1x40xi32, #tpu.memory_space<vmem>> -> memref<40xi32, #tpu.memory_space<vmem>>
      %dma_start3A_136 = arith.constant 0 : i32
      %dma_start3A_137 = arith.constant 0 : i32
      %dma_start3A_138 = tpu.memref_slice %arg10[%dma_start3A_136, %dma_start3A_137] : memref<80x128xf32, #tpu.memory_space<vmem_shared>> -> memref<80x128xf32, #tpu.memory_space<vmem_shared>>
      tpu.enqueue_indirect_dma source(%dma_start3A_132 : memref<40x128xf32, #tpu.memory_space<vmem>>) target(%dma_start3A_138 : memref<80x128xf32, #tpu.memory_space<vmem_shared>>) offsets(%dma_start3A_135 : memref<40xi32, #tpu.memory_space<vmem>>) semaphore(%run_scoped3A_128 : memref<!tpu.dma_semaphore, #tpu.memory_space<semaphore_mem>>) {add = true}
      %dma_wait3A = arith.constant 0 : i32
      %dma_wait3A_139 = arith.constant 0 : i32
      %dma_wait3A_140 = tpu.memref_slice %arg7[%run_scoped3A_48, %dma_wait3A, %dma_wait3A_139] : memref<16x40x128xf32, #tpu.memory_space<vmem>> -> memref<1x40x128xf32, #tpu.memory_space<vmem>>
      %dma_wait3A_141 = tpu.memref_squeeze %dma_wait3A_140 : memref<1x40x128xf32, #tpu.memory_space<vmem>> -> memref<40x128xf32, #tpu.memory_space<vmem>>
      %dma_wait3A_142 = arith.constant 0 : i32
      %dma_wait3A_143 = tpu.memref_slice %arg8[%run_scoped3A_49, %dma_wait3A_142] : memref<2x40xi32, #tpu.memory_space<vmem>> -> memref<1x40xi32, #tpu.memory_space<vmem>>
      %dma_wait3A_144 = tpu.memref_squeeze %dma_wait3A_143 : memref<1x40xi32, #tpu.memory_space<vmem>> -> memref<40xi32, #tpu.memory_space<vmem>>
      %dma_wait3A_145 = arith.constant 0 : i32
      %dma_wait3A_146 = arith.constant 0 : i32
      %dma_wait3A_147 = tpu.memref_slice %arg10[%dma_wait3A_145, %dma_wait3A_146] : memref<80x128xf32, #tpu.memory_space<vmem_shared>> -> memref<80x128xf32, #tpu.memory_space<vmem_shared>>
      tpu.wait_indirect_dma semaphore(%run_scoped3A_128 : memref<!tpu.dma_semaphore, #tpu.memory_space<semaphore_mem>>) src(%dma_wait3A_141 : memref<40x128xf32, #tpu.memory_space<vmem>>) dst(%dma_wait3A_147 : memref<80x128xf32, #tpu.memory_space<vmem_shared>>)
      tpu.yield
    }) : () -> ()
    %run_scoped3A_50 = arith.constant 10 : i32
    %run_scoped3A_51 = arith.constant 0 : i32
    "tpu.region"() ({
      %run_scoped3A_128 = tpu.sem_alloc : memref<!tpu.dma_semaphore, #tpu.memory_space<semaphore_mem>>
      %dma_start3A_129 = arith.constant 0 : i32
      %dma_start3A_130 = arith.constant 0 : i32
      %dma_start3A_131 = tpu.memref_slice %arg7[%run_scoped3A_50, %dma_start3A_129, %dma_start3A_130] : memref<16x40x128xf32, #tpu.memory_space<vmem>> -> memref<1x40x128xf32, #tpu.memory_space<vmem>>
      %dma_start3A_132 = tpu.memref_squeeze %dma_start3A_131 : memref<1x40x128xf32, #tpu.memory_space<vmem>> -> memref<40x128xf32, #tpu.memory_space<vmem>>
      %dma_start3A_133 = arith.constant 0 : i32
      %dma_start3A_134 = tpu.memref_slice %arg8[%run_scoped3A_51, %dma_start3A_133] : memref<2x40xi32, #tpu.memory_space<vmem>> -> memref<1x40xi32, #tpu.memory_space<vmem>>
      %dma_start3A_135 = tpu.memref_squeeze %dma_start3A_134 : memref<1x40xi32, #tpu.memory_space<vmem>> -> memref<40xi32, #tpu.memory_space<vmem>>
      %dma_start3A_136 = arith.constant 0 : i32
      %dma_start3A_137 = arith.constant 0 : i32
      %dma_start3A_138 = tpu.memref_slice %arg10[%dma_start3A_136, %dma_start3A_137] : memref<80x128xf32, #tpu.memory_space<vmem_shared>> -> memref<80x128xf32, #tpu.memory_space<vmem_shared>>
      tpu.enqueue_indirect_dma source(%dma_start3A_132 : memref<40x128xf32, #tpu.memory_space<vmem>>) target(%dma_start3A_138 : memref<80x128xf32, #tpu.memory_space<vmem_shared>>) offsets(%dma_start3A_135 : memref<40xi32, #tpu.memory_space<vmem>>) semaphore(%run_scoped3A_128 : memref<!tpu.dma_semaphore, #tpu.memory_space<semaphore_mem>>) {add = true}
      %dma_wait3A = arith.constant 0 : i32
      %dma_wait3A_139 = arith.constant 0 : i32
      %dma_wait3A_140 = tpu.memref_slice %arg7[%run_scoped3A_50, %dma_wait3A, %dma_wait3A_139] : memref<16x40x128xf32, #tpu.memory_space<vmem>> -> memref<1x40x128xf32, #tpu.memory_space<vmem>>
      %dma_wait3A_141 = tpu.memref_squeeze %dma_wait3A_140 : memref<1x40x128xf32, #tpu.memory_space<vmem>> -> memref<40x128xf32, #tpu.memory_space<vmem>>
      %dma_wait3A_142 = arith.constant 0 : i32
      %dma_wait3A_143 = tpu.memref_slice %arg8[%run_scoped3A_51, %dma_wait3A_142] : memref<2x40xi32, #tpu.memory_space<vmem>> -> memref<1x40xi32, #tpu.memory_space<vmem>>
      %dma_wait3A_144 = tpu.memref_squeeze %dma_wait3A_143 : memref<1x40xi32, #tpu.memory_space<vmem>> -> memref<40xi32, #tpu.memory_space<vmem>>
      %dma_wait3A_145 = arith.constant 0 : i32
      %dma_wait3A_146 = arith.constant 0 : i32
      %dma_wait3A_147 = tpu.memref_slice %arg10[%dma_wait3A_145, %dma_wait3A_146] : memref<80x128xf32, #tpu.memory_space<vmem_shared>> -> memref<80x128xf32, #tpu.memory_space<vmem_shared>>
      tpu.wait_indirect_dma semaphore(%run_scoped3A_128 : memref<!tpu.dma_semaphore, #tpu.memory_space<semaphore_mem>>) src(%dma_wait3A_141 : memref<40x128xf32, #tpu.memory_space<vmem>>) dst(%dma_wait3A_147 : memref<80x128xf32, #tpu.memory_space<vmem_shared>>)
      tpu.yield
    }) : () -> ()
    %run_scoped3A_52 = arith.constant 11 : i32
    %run_scoped3A_53 = arith.constant 0 : i32
    "tpu.region"() ({
      %run_scoped3A_128 = tpu.sem_alloc : memref<!tpu.dma_semaphore, #tpu.memory_space<semaphore_mem>>
      %dma_start3A_129 = arith.constant 0 : i32
      %dma_start3A_130 = arith.constant 0 : i32
      %dma_start3A_131 = tpu.memref_slice %arg7[%run_scoped3A_52, %dma_start3A_129, %dma_start3A_130] : memref<16x40x128xf32, #tpu.memory_space<vmem>> -> memref<1x40x128xf32, #tpu.memory_space<vmem>>
      %dma_start3A_132 = tpu.memref_squeeze %dma_start3A_131 : memref<1x40x128xf32, #tpu.memory_space<vmem>> -> memref<40x128xf32, #tpu.memory_space<vmem>>
      %dma_start3A_133 = arith.constant 0 : i32
      %dma_start3A_134 = tpu.memref_slice %arg8[%run_scoped3A_53, %dma_start3A_133] : memref<2x40xi32, #tpu.memory_space<vmem>> -> memref<1x40xi32, #tpu.memory_space<vmem>>
      %dma_start3A_135 = tpu.memref_squeeze %dma_start3A_134 : memref<1x40xi32, #tpu.memory_space<vmem>> -> memref<40xi32, #tpu.memory_space<vmem>>
      %dma_start3A_136 = arith.constant 0 : i32
      %dma_start3A_137 = arith.constant 0 : i32
      %dma_start3A_138 = tpu.memref_slice %arg10[%dma_start3A_136, %dma_start3A_137] : memref<80x128xf32, #tpu.memory_space<vmem_shared>> -> memref<80x128xf32, #tpu.memory_space<vmem_shared>>
      tpu.enqueue_indirect_dma source(%dma_start3A_132 : memref<40x128xf32, #tpu.memory_space<vmem>>) target(%dma_start3A_138 : memref<80x128xf32, #tpu.memory_space<vmem_shared>>) offsets(%dma_start3A_135 : memref<40xi32, #tpu.memory_space<vmem>>) semaphore(%run_scoped3A_128 : memref<!tpu.dma_semaphore, #tpu.memory_space<semaphore_mem>>) {add = true}
      %dma_wait3A = arith.constant 0 : i32
      %dma_wait3A_139 = arith.constant 0 : i32
      %dma_wait3A_140 = tpu.memref_slice %arg7[%run_scoped3A_52, %dma_wait3A, %dma_wait3A_139] : memref<16x40x128xf32, #tpu.memory_space<vmem>> -> memref<1x40x128xf32, #tpu.memory_space<vmem>>
      %dma_wait3A_141 = tpu.memref_squeeze %dma_wait3A_140 : memref<1x40x128xf32, #tpu.memory_space<vmem>> -> memref<40x128xf32, #tpu.memory_space<vmem>>
      %dma_wait3A_142 = arith.constant 0 : i32
      %dma_wait3A_143 = tpu.memref_slice %arg8[%run_scoped3A_53, %dma_wait3A_142] : memref<2x40xi32, #tpu.memory_space<vmem>> -> memref<1x40xi32, #tpu.memory_space<vmem>>
      %dma_wait3A_144 = tpu.memref_squeeze %dma_wait3A_143 : memref<1x40xi32, #tpu.memory_space<vmem>> -> memref<40xi32, #tpu.memory_space<vmem>>
      %dma_wait3A_145 = arith.constant 0 : i32
      %dma_wait3A_146 = arith.constant 0 : i32
      %dma_wait3A_147 = tpu.memref_slice %arg10[%dma_wait3A_145, %dma_wait3A_146] : memref<80x128xf32, #tpu.memory_space<vmem_shared>> -> memref<80x128xf32, #tpu.memory_space<vmem_shared>>
      tpu.wait_indirect_dma semaphore(%run_scoped3A_128 : memref<!tpu.dma_semaphore, #tpu.memory_space<semaphore_mem>>) src(%dma_wait3A_141 : memref<40x128xf32, #tpu.memory_space<vmem>>) dst(%dma_wait3A_147 : memref<80x128xf32, #tpu.memory_space<vmem_shared>>)
      tpu.yield
    }) : () -> ()
    %run_scoped3A_54 = arith.constant 12 : i32
    %run_scoped3A_55 = arith.constant 0 : i32
    "tpu.region"() ({
      %run_scoped3A_128 = tpu.sem_alloc : memref<!tpu.dma_semaphore, #tpu.memory_space<semaphore_mem>>
      %dma_start3A_129 = arith.constant 0 : i32
      %dma_start3A_130 = arith.constant 0 : i32
      %dma_start3A_131 = tpu.memref_slice %arg7[%run_scoped3A_54, %dma_start3A_129, %dma_start3A_130] : memref<16x40x128xf32, #tpu.memory_space<vmem>> -> memref<1x40x128xf32, #tpu.memory_space<vmem>>
      %dma_start3A_132 = tpu.memref_squeeze %dma_start3A_131 : memref<1x40x128xf32, #tpu.memory_space<vmem>> -> memref<40x128xf32, #tpu.memory_space<vmem>>
      %dma_start3A_133 = arith.constant 0 : i32
      %dma_start3A_134 = tpu.memref_slice %arg8[%run_scoped3A_55, %dma_start3A_133] : memref<2x40xi32, #tpu.memory_space<vmem>> -> memref<1x40xi32, #tpu.memory_space<vmem>>
      %dma_start3A_135 = tpu.memref_squeeze %dma_start3A_134 : memref<1x40xi32, #tpu.memory_space<vmem>> -> memref<40xi32, #tpu.memory_space<vmem>>
      %dma_start3A_136 = arith.constant 0 : i32
      %dma_start3A_137 = arith.constant 0 : i32
      %dma_start3A_138 = tpu.memref_slice %arg10[%dma_start3A_136, %dma_start3A_137] : memref<80x128xf32, #tpu.memory_space<vmem_shared>> -> memref<80x128xf32, #tpu.memory_space<vmem_shared>>
      tpu.enqueue_indirect_dma source(%dma_start3A_132 : memref<40x128xf32, #tpu.memory_space<vmem>>) target(%dma_start3A_138 : memref<80x128xf32, #tpu.memory_space<vmem_shared>>) offsets(%dma_start3A_135 : memref<40xi32, #tpu.memory_space<vmem>>) semaphore(%run_scoped3A_128 : memref<!tpu.dma_semaphore, #tpu.memory_space<semaphore_mem>>) {add = true}
      %dma_wait3A = arith.constant 0 : i32
      %dma_wait3A_139 = arith.constant 0 : i32
      %dma_wait3A_140 = tpu.memref_slice %arg7[%run_scoped3A_54, %dma_wait3A, %dma_wait3A_139] : memref<16x40x128xf32, #tpu.memory_space<vmem>> -> memref<1x40x128xf32, #tpu.memory_space<vmem>>
      %dma_wait3A_141 = tpu.memref_squeeze %dma_wait3A_140 : memref<1x40x128xf32, #tpu.memory_space<vmem>> -> memref<40x128xf32, #tpu.memory_space<vmem>>
      %dma_wait3A_142 = arith.constant 0 : i32
      %dma_wait3A_143 = tpu.memref_slice %arg8[%run_scoped3A_55, %dma_wait3A_142] : memref<2x40xi32, #tpu.memory_space<vmem>> -> memref<1x40xi32, #tpu.memory_space<vmem>>
      %dma_wait3A_144 = tpu.memref_squeeze %dma_wait3A_143 : memref<1x40xi32, #tpu.memory_space<vmem>> -> memref<40xi32, #tpu.memory_space<vmem>>
      %dma_wait3A_145 = arith.constant 0 : i32
      %dma_wait3A_146 = arith.constant 0 : i32
      %dma_wait3A_147 = tpu.memref_slice %arg10[%dma_wait3A_145, %dma_wait3A_146] : memref<80x128xf32, #tpu.memory_space<vmem_shared>> -> memref<80x128xf32, #tpu.memory_space<vmem_shared>>
      tpu.wait_indirect_dma semaphore(%run_scoped3A_128 : memref<!tpu.dma_semaphore, #tpu.memory_space<semaphore_mem>>) src(%dma_wait3A_141 : memref<40x128xf32, #tpu.memory_space<vmem>>) dst(%dma_wait3A_147 : memref<80x128xf32, #tpu.memory_space<vmem_shared>>)
      tpu.yield
    }) : () -> ()
    %run_scoped3A_56 = arith.constant 13 : i32
    %run_scoped3A_57 = arith.constant 0 : i32
    "tpu.region"() ({
      %run_scoped3A_128 = tpu.sem_alloc : memref<!tpu.dma_semaphore, #tpu.memory_space<semaphore_mem>>
      %dma_start3A_129 = arith.constant 0 : i32
      %dma_start3A_130 = arith.constant 0 : i32
      %dma_start3A_131 = tpu.memref_slice %arg7[%run_scoped3A_56, %dma_start3A_129, %dma_start3A_130] : memref<16x40x128xf32, #tpu.memory_space<vmem>> -> memref<1x40x128xf32, #tpu.memory_space<vmem>>
      %dma_start3A_132 = tpu.memref_squeeze %dma_start3A_131 : memref<1x40x128xf32, #tpu.memory_space<vmem>> -> memref<40x128xf32, #tpu.memory_space<vmem>>
      %dma_start3A_133 = arith.constant 0 : i32
      %dma_start3A_134 = tpu.memref_slice %arg8[%run_scoped3A_57, %dma_start3A_133] : memref<2x40xi32, #tpu.memory_space<vmem>> -> memref<1x40xi32, #tpu.memory_space<vmem>>
      %dma_start3A_135 = tpu.memref_squeeze %dma_start3A_134 : memref<1x40xi32, #tpu.memory_space<vmem>> -> memref<40xi32, #tpu.memory_space<vmem>>
      %dma_start3A_136 = arith.constant 0 : i32
      %dma_start3A_137 = arith.constant 0 : i32
      %dma_start3A_138 = tpu.memref_slice %arg10[%dma_start3A_136, %dma_start3A_137] : memref<80x128xf32, #tpu.memory_space<vmem_shared>> -> memref<80x128xf32, #tpu.memory_space<vmem_shared>>
      tpu.enqueue_indirect_dma source(%dma_start3A_132 : memref<40x128xf32, #tpu.memory_space<vmem>>) target(%dma_start3A_138 : memref<80x128xf32, #tpu.memory_space<vmem_shared>>) offsets(%dma_start3A_135 : memref<40xi32, #tpu.memory_space<vmem>>) semaphore(%run_scoped3A_128 : memref<!tpu.dma_semaphore, #tpu.memory_space<semaphore_mem>>) {add = true}
      %dma_wait3A = arith.constant 0 : i32
      %dma_wait3A_139 = arith.constant 0 : i32
      %dma_wait3A_140 = tpu.memref_slice %arg7[%run_scoped3A_56, %dma_wait3A, %dma_wait3A_139] : memref<16x40x128xf32, #tpu.memory_space<vmem>> -> memref<1x40x128xf32, #tpu.memory_space<vmem>>
      %dma_wait3A_141 = tpu.memref_squeeze %dma_wait3A_140 : memref<1x40x128xf32, #tpu.memory_space<vmem>> -> memref<40x128xf32, #tpu.memory_space<vmem>>
      %dma_wait3A_142 = arith.constant 0 : i32
      %dma_wait3A_143 = tpu.memref_slice %arg8[%run_scoped3A_57, %dma_wait3A_142] : memref<2x40xi32, #tpu.memory_space<vmem>> -> memref<1x40xi32, #tpu.memory_space<vmem>>
      %dma_wait3A_144 = tpu.memref_squeeze %dma_wait3A_143 : memref<1x40xi32, #tpu.memory_space<vmem>> -> memref<40xi32, #tpu.memory_space<vmem>>
      %dma_wait3A_145 = arith.constant 0 : i32
      %dma_wait3A_146 = arith.constant 0 : i32
      %dma_wait3A_147 = tpu.memref_slice %arg10[%dma_wait3A_145, %dma_wait3A_146] : memref<80x128xf32, #tpu.memory_space<vmem_shared>> -> memref<80x128xf32, #tpu.memory_space<vmem_shared>>
      tpu.wait_indirect_dma semaphore(%run_scoped3A_128 : memref<!tpu.dma_semaphore, #tpu.memory_space<semaphore_mem>>) src(%dma_wait3A_141 : memref<40x128xf32, #tpu.memory_space<vmem>>) dst(%dma_wait3A_147 : memref<80x128xf32, #tpu.memory_space<vmem_shared>>)
      tpu.yield
    }) : () -> ()
    %run_scoped3A_58 = arith.constant 14 : i32
    %run_scoped3A_59 = arith.constant 0 : i32
    "tpu.region"() ({
      %run_scoped3A_128 = tpu.sem_alloc : memref<!tpu.dma_semaphore, #tpu.memory_space<semaphore_mem>>
      %dma_start3A_129 = arith.constant 0 : i32
      %dma_start3A_130 = arith.constant 0 : i32
      %dma_start3A_131 = tpu.memref_slice %arg7[%run_scoped3A_58, %dma_start3A_129, %dma_start3A_130] : memref<16x40x128xf32, #tpu.memory_space<vmem>> -> memref<1x40x128xf32, #tpu.memory_space<vmem>>
      %dma_start3A_132 = tpu.memref_squeeze %dma_start3A_131 : memref<1x40x128xf32, #tpu.memory_space<vmem>> -> memref<40x128xf32, #tpu.memory_space<vmem>>
      %dma_start3A_133 = arith.constant 0 : i32
      %dma_start3A_134 = tpu.memref_slice %arg8[%run_scoped3A_59, %dma_start3A_133] : memref<2x40xi32, #tpu.memory_space<vmem>> -> memref<1x40xi32, #tpu.memory_space<vmem>>
      %dma_start3A_135 = tpu.memref_squeeze %dma_start3A_134 : memref<1x40xi32, #tpu.memory_space<vmem>> -> memref<40xi32, #tpu.memory_space<vmem>>
      %dma_start3A_136 = arith.constant 0 : i32
      %dma_start3A_137 = arith.constant 0 : i32
      %dma_start3A_138 = tpu.memref_slice %arg10[%dma_start3A_136, %dma_start3A_137] : memref<80x128xf32, #tpu.memory_space<vmem_shared>> -> memref<80x128xf32, #tpu.memory_space<vmem_shared>>
      tpu.enqueue_indirect_dma source(%dma_start3A_132 : memref<40x128xf32, #tpu.memory_space<vmem>>) target(%dma_start3A_138 : memref<80x128xf32, #tpu.memory_space<vmem_shared>>) offsets(%dma_start3A_135 : memref<40xi32, #tpu.memory_space<vmem>>) semaphore(%run_scoped3A_128 : memref<!tpu.dma_semaphore, #tpu.memory_space<semaphore_mem>>) {add = true}
      %dma_wait3A = arith.constant 0 : i32
      %dma_wait3A_139 = arith.constant 0 : i32
      %dma_wait3A_140 = tpu.memref_slice %arg7[%run_scoped3A_58, %dma_wait3A, %dma_wait3A_139] : memref<16x40x128xf32, #tpu.memory_space<vmem>> -> memref<1x40x128xf32, #tpu.memory_space<vmem>>
      %dma_wait3A_141 = tpu.memref_squeeze %dma_wait3A_140 : memref<1x40x128xf32, #tpu.memory_space<vmem>> -> memref<40x128xf32, #tpu.memory_space<vmem>>
      %dma_wait3A_142 = arith.constant 0 : i32
      %dma_wait3A_143 = tpu.memref_slice %arg8[%run_scoped3A_59, %dma_wait3A_142] : memref<2x40xi32, #tpu.memory_space<vmem>> -> memref<1x40xi32, #tpu.memory_space<vmem>>
      %dma_wait3A_144 = tpu.memref_squeeze %dma_wait3A_143 : memref<1x40xi32, #tpu.memory_space<vmem>> -> memref<40xi32, #tpu.memory_space<vmem>>
      %dma_wait3A_145 = arith.constant 0 : i32
      %dma_wait3A_146 = arith.constant 0 : i32
      %dma_wait3A_147 = tpu.memref_slice %arg10[%dma_wait3A_145, %dma_wait3A_146] : memref<80x128xf32, #tpu.memory_space<vmem_shared>> -> memref<80x128xf32, #tpu.memory_space<vmem_shared>>
      tpu.wait_indirect_dma semaphore(%run_scoped3A_128 : memref<!tpu.dma_semaphore, #tpu.memory_space<semaphore_mem>>) src(%dma_wait3A_141 : memref<40x128xf32, #tpu.memory_space<vmem>>) dst(%dma_wait3A_147 : memref<80x128xf32, #tpu.memory_space<vmem_shared>>)
      tpu.yield
    }) : () -> ()
    %run_scoped3A_60 = arith.constant 15 : i32
    %run_scoped3A_61 = arith.constant 0 : i32
    "tpu.region"() ({
      %run_scoped3A_128 = tpu.sem_alloc : memref<!tpu.dma_semaphore, #tpu.memory_space<semaphore_mem>>
      %dma_start3A_129 = arith.constant 0 : i32
      %dma_start3A_130 = arith.constant 0 : i32
      %dma_start3A_131 = tpu.memref_slice %arg7[%run_scoped3A_60, %dma_start3A_129, %dma_start3A_130] : memref<16x40x128xf32, #tpu.memory_space<vmem>> -> memref<1x40x128xf32, #tpu.memory_space<vmem>>
      %dma_start3A_132 = tpu.memref_squeeze %dma_start3A_131 : memref<1x40x128xf32, #tpu.memory_space<vmem>> -> memref<40x128xf32, #tpu.memory_space<vmem>>
      %dma_start3A_133 = arith.constant 0 : i32
      %dma_start3A_134 = tpu.memref_slice %arg8[%run_scoped3A_61, %dma_start3A_133] : memref<2x40xi32, #tpu.memory_space<vmem>> -> memref<1x40xi32, #tpu.memory_space<vmem>>
      %dma_start3A_135 = tpu.memref_squeeze %dma_start3A_134 : memref<1x40xi32, #tpu.memory_space<vmem>> -> memref<40xi32, #tpu.memory_space<vmem>>
      %dma_start3A_136 = arith.constant 0 : i32
      %dma_start3A_137 = arith.constant 0 : i32
      %dma_start3A_138 = tpu.memref_slice %arg10[%dma_start3A_136, %dma_start3A_137] : memref<80x128xf32, #tpu.memory_space<vmem_shared>> -> memref<80x128xf32, #tpu.memory_space<vmem_shared>>
      tpu.enqueue_indirect_dma source(%dma_start3A_132 : memref<40x128xf32, #tpu.memory_space<vmem>>) target(%dma_start3A_138 : memref<80x128xf32, #tpu.memory_space<vmem_shared>>) offsets(%dma_start3A_135 : memref<40xi32, #tpu.memory_space<vmem>>) semaphore(%run_scoped3A_128 : memref<!tpu.dma_semaphore, #tpu.memory_space<semaphore_mem>>) {add = true}
      %dma_wait3A = arith.constant 0 : i32
      %dma_wait3A_139 = arith.constant 0 : i32
      %dma_wait3A_140 = tpu.memref_slice %arg7[%run_scoped3A_60, %dma_wait3A, %dma_wait3A_139] : memref<16x40x128xf32, #tpu.memory_space<vmem>> -> memref<1x40x128xf32, #tpu.memory_space<vmem>>
      %dma_wait3A_141 = tpu.memref_squeeze %dma_wait3A_140 : memref<1x40x128xf32, #tpu.memory_space<vmem>> -> memref<40x128xf32, #tpu.memory_space<vmem>>
      %dma_wait3A_142 = arith.constant 0 : i32
      %dma_wait3A_143 = tpu.memref_slice %arg8[%run_scoped3A_61, %dma_wait3A_142] : memref<2x40xi32, #tpu.memory_space<vmem>> -> memref<1x40xi32, #tpu.memory_space<vmem>>
      %dma_wait3A_144 = tpu.memref_squeeze %dma_wait3A_143 : memref<1x40xi32, #tpu.memory_space<vmem>> -> memref<40xi32, #tpu.memory_space<vmem>>
      %dma_wait3A_145 = arith.constant 0 : i32
      %dma_wait3A_146 = arith.constant 0 : i32
      %dma_wait3A_147 = tpu.memref_slice %arg10[%dma_wait3A_145, %dma_wait3A_146] : memref<80x128xf32, #tpu.memory_space<vmem_shared>> -> memref<80x128xf32, #tpu.memory_space<vmem_shared>>
      tpu.wait_indirect_dma semaphore(%run_scoped3A_128 : memref<!tpu.dma_semaphore, #tpu.memory_space<semaphore_mem>>) src(%dma_wait3A_141 : memref<40x128xf32, #tpu.memory_space<vmem>>) dst(%dma_wait3A_147 : memref<80x128xf32, #tpu.memory_space<vmem_shared>>)
      tpu.yield
    }) : () -> ()
    "tpu.region"() ({
      %run_scoped3A_128 = tpu.sem_alloc : memref<!tpu.dma_semaphore, #tpu.memory_space<semaphore_mem>>
      tpu.enqueue_dma source(%arg3 : memref<16x40x128xf32, #tpu.memory_space<hbm>>) target(%arg7 : memref<16x40x128xf32, #tpu.memory_space<vmem>>) target_semaphore(%run_scoped3A_128 : memref<!tpu.dma_semaphore, #tpu.memory_space<semaphore_mem>>)
      tpu.wait_dma2 semaphore(%run_scoped3A_128 : memref<!tpu.dma_semaphore, #tpu.memory_space<semaphore_mem>>) src(%arg3 : memref<16x40x128xf32, #tpu.memory_space<hbm>>) dst(%arg7 : memref<16x40x128xf32, #tpu.memory_space<vmem>>)
      tpu.yield
    }) : () -> ()
    %add3A_62 = arith.constant 0 : i32
    %add3A_63 = arith.addi %add3A, %add3A_62 : i32
    %dma_start3A_64 = arith.constant 0 : i32
    %dma_start3A_65 = arith.constant 0 : i32
    %dma_start3A_66 = arith.constant 0 : i32
    %dma_start3A_67 = arith.constant 0 : i32
    %dma_start3A_68 = tpu.memref_slice %arg6[%dma_start3A_64, %dma_start3A_66, %dma_start3A_67] : memref<2x2x80xi32, #tpu.memory_space<vmem>> -> memref<1x2x80xi32, #tpu.memory_space<vmem>>
    %dma_start3A_69 = tpu.memref_squeeze %dma_start3A_68 : memref<1x2x80xi32, #tpu.memory_space<vmem>> -> memref<2x80xi32, #tpu.memory_space<vmem>>
    %dma_start3A_70 = arith.constant 0 : i32
    %dma_start3A_71 = arith.constant 0 : i32
    %dma_start3A_72 = tpu.memref_slice %arg2[%add3A_63, %dma_start3A_70, %dma_start3A_71] : memref<8000x2x80xi32, #tpu.memory_space<hbm>> -> memref<1x2x80xi32, #tpu.memory_space<hbm>>
    %dma_start3A_73 = tpu.memref_squeeze %dma_start3A_72 : memref<1x2x80xi32, #tpu.memory_space<hbm>> -> memref<2x80xi32, #tpu.memory_space<hbm>>
    %dma_start3A_74 = tpu.memref_slice %arg9[%dma_start3A_65] : memref<2x!tpu.dma_semaphore, #tpu.memory_space<semaphore_mem>> -> memref<1x!tpu.dma_semaphore, #tpu.memory_space<semaphore_mem>>
    %dma_start3A_75 = tpu.memref_squeeze %dma_start3A_74 : memref<1x!tpu.dma_semaphore, #tpu.memory_space<semaphore_mem>> -> memref<!tpu.dma_semaphore, #tpu.memory_space<semaphore_mem>>
    %dma_start3A_76 = arith.constant 0 : i32
    %dma_start3A_77 = arith.constant 0 : i32
    %dma_start3A_78 = tpu.memref_slice %arg6[%dma_start3A_64, %dma_start3A_76, %dma_start3A_77] : memref<2x2x80xi32, #tpu.memory_space<vmem>> -> memref<1x2x80xi32, #tpu.memory_space<vmem>>
    %dma_start3A_79 = tpu.memref_squeeze %dma_start3A_78 : memref<1x2x80xi32, #tpu.memory_space<vmem>> -> memref<2x80xi32, #tpu.memory_space<vmem>>
    %dma_start3A_80 = arith.constant 0 : i32
    %dma_start3A_81 = arith.constant 0 : i32
    %dma_start3A_82 = tpu.memref_slice %arg2[%add3A_63, %dma_start3A_80, %dma_start3A_81] : memref<8000x2x80xi32, #tpu.memory_space<hbm>> -> memref<1x2x80xi32, #tpu.memory_space<hbm>>
    %dma_start3A_83 = tpu.memref_squeeze %dma_start3A_82 : memref<1x2x80xi32, #tpu.memory_space<hbm>> -> memref<2x80xi32, #tpu.memory_space<hbm>>
    tpu.enqueue_dma source(%dma_start3A_83 : memref<2x80xi32, #tpu.memory_space<hbm>>) target(%dma_start3A_79 : memref<2x80xi32, #tpu.memory_space<vmem>>) target_semaphore(%dma_start3A_75 : memref<!tpu.dma_semaphore, #tpu.memory_space<semaphore_mem>>)
    %scan3A_84 = arith.constant 0 : i32
    %scan3A_85 = arith.constant 0 : i32
    %scan3A_86 = arith.constant 125 : i32
    %scan3A_87 = arith.addi %scan3A_85, %scan3A_86 : i32
    %scan3A_88 = arith.constant 1 : i32
    scf.for %scan3A_128 = %scan3A_85 to %scan3A_87 step %scan3A_88  : i32 {
      %mul3A_129 = arith.constant 2 : i32
      %mul3A_130 = arith.muli %scan3A_128, %mul3A_129 : i32
      %add3A_131 = arith.constant 1 : i32
      %add3A_132 = arith.addi %mul3A_130, %add3A_131 : i32
      %add3A_133 = arith.addi %add3A, %add3A_132 : i32
      %dma_start3A_134 = arith.constant 1 : i32
      %dma_start3A_135 = arith.constant 1 : i32
      %dma_start3A_136 = arith.constant 0 : i32
      %dma_start3A_137 = arith.constant 0 : i32
      %dma_start3A_138 = tpu.memref_slice %arg6[%dma_start3A_134, %dma_start3A_136, %dma_start3A_137] : memref<2x2x80xi32, #tpu.memory_space<vmem>> -> memref<1x2x80xi32, #tpu.memory_space<vmem>>
      %dma_start3A_139 = tpu.memref_squeeze %dma_start3A_138 : memref<1x2x80xi32, #tpu.memory_space<vmem>> -> memref<2x80xi32, #tpu.memory_space<vmem>>
      %dma_start3A_140 = arith.constant 0 : i32
      %dma_start3A_141 = arith.constant 0 : i32
      %dma_start3A_142 = tpu.memref_slice %arg2[%add3A_133, %dma_start3A_140, %dma_start3A_141] : memref<8000x2x80xi32, #tpu.memory_space<hbm>> -> memref<1x2x80xi32, #tpu.memory_space<hbm>>
      %dma_start3A_143 = tpu.memref_squeeze %dma_start3A_142 : memref<1x2x80xi32, #tpu.memory_space<hbm>> -> memref<2x80xi32, #tpu.memory_space<hbm>>
      %dma_start3A_144 = tpu.memref_slice %arg9[%dma_start3A_135] : memref<2x!tpu.dma_semaphore, #tpu.memory_space<semaphore_mem>> -> memref<1x!tpu.dma_semaphore, #tpu.memory_space<semaphore_mem>>
      %dma_start3A_145 = tpu.memref_squeeze %dma_start3A_144 : memref<1x!tpu.dma_semaphore, #tpu.memory_space<semaphore_mem>> -> memref<!tpu.dma_semaphore, #tpu.memory_space<semaphore_mem>>
      %dma_start3A_146 = arith.constant 0 : i32
      %dma_start3A_147 = arith.constant 0 : i32
      %dma_start3A_148 = tpu.memref_slice %arg6[%dma_start3A_134, %dma_start3A_146, %dma_start3A_147] : memref<2x2x80xi32, #tpu.memory_space<vmem>> -> memref<1x2x80xi32, #tpu.memory_space<vmem>>
      %dma_start3A_149 = tpu.memref_squeeze %dma_start3A_148 : memref<1x2x80xi32, #tpu.memory_space<vmem>> -> memref<2x80xi32, #tpu.memory_space<vmem>>
      %dma_start3A_150 = arith.constant 0 : i32
      %dma_start3A_151 = arith.constant 0 : i32
      %dma_start3A_152 = tpu.memref_slice %arg2[%add3A_133, %dma_start3A_150, %dma_start3A_151] : memref<8000x2x80xi32, #tpu.memory_space<hbm>> -> memref<1x2x80xi32, #tpu.memory_space<hbm>>
      %dma_start3A_153 = tpu.memref_squeeze %dma_start3A_152 : memref<1x2x80xi32, #tpu.memory_space<hbm>> -> memref<2x80xi32, #tpu.memory_space<hbm>>
      tpu.enqueue_dma source(%dma_start3A_153 : memref<2x80xi32, #tpu.memory_space<hbm>>) target(%dma_start3A_149 : memref<2x80xi32, #tpu.memory_space<vmem>>) target_semaphore(%dma_start3A_145 : memref<!tpu.dma_semaphore, #tpu.memory_space<semaphore_mem>>)
      %add3A_154 = arith.addi %add3A, %mul3A_130 : i32
      %dma_wait3A = arith.constant 0 : i32
      %dma_wait3A_155 = arith.constant 0 : i32
      %dma_wait3A_156 = arith.constant 0 : i32
      %dma_wait3A_157 = arith.constant 0 : i32
      %dma_wait3A_158 = tpu.memref_slice %arg6[%dma_wait3A, %dma_wait3A_156, %dma_wait3A_157] : memref<2x2x80xi32, #tpu.memory_space<vmem>> -> memref<1x2x80xi32, #tpu.memory_space<vmem>>
      %dma_wait3A_159 = tpu.memref_squeeze %dma_wait3A_158 : memref<1x2x80xi32, #tpu.memory_space<vmem>> -> memref<2x80xi32, #tpu.memory_space<vmem>>
      %dma_wait3A_160 = arith.constant 0 : i32
      %dma_wait3A_161 = arith.constant 0 : i32
      %dma_wait3A_162 = tpu.memref_slice %arg2[%add3A_154, %dma_wait3A_160, %dma_wait3A_161] : memref<8000x2x80xi32, #tpu.memory_space<hbm>> -> memref<1x2x80xi32, #tpu.memory_space<hbm>>
      %dma_wait3A_163 = tpu.memref_squeeze %dma_wait3A_162 : memref<1x2x80xi32, #tpu.memory_space<hbm>> -> memref<2x80xi32, #tpu.memory_space<hbm>>
      %dma_wait3A_164 = tpu.memref_slice %arg9[%dma_wait3A_155] : memref<2x!tpu.dma_semaphore, #tpu.memory_space<semaphore_mem>> -> memref<1x!tpu.dma_semaphore, #tpu.memory_space<semaphore_mem>>
      %dma_wait3A_165 = tpu.memref_squeeze %dma_wait3A_164 : memref<1x!tpu.dma_semaphore, #tpu.memory_space<semaphore_mem>> -> memref<!tpu.dma_semaphore, #tpu.memory_space<semaphore_mem>>
      %dma_wait3A_166 = arith.constant 0 : i32
      %dma_wait3A_167 = arith.constant 0 : i32
      %dma_wait3A_168 = tpu.memref_slice %arg6[%dma_wait3A, %dma_wait3A_166, %dma_wait3A_167] : memref<2x2x80xi32, #tpu.memory_space<vmem>> -> memref<1x2x80xi32, #tpu.memory_space<vmem>>
      %dma_wait3A_169 = tpu.memref_squeeze %dma_wait3A_168 : memref<1x2x80xi32, #tpu.memory_space<vmem>> -> memref<2x80xi32, #tpu.memory_space<vmem>>
      %dma_wait3A_170 = arith.constant 0 : i32
      %dma_wait3A_171 = arith.constant 0 : i32
      %dma_wait3A_172 = tpu.memref_slice %arg2[%add3A_154, %dma_wait3A_170, %dma_wait3A_171] : memref<8000x2x80xi32, #tpu.memory_space<hbm>> -> memref<1x2x80xi32, #tpu.memory_space<hbm>>
      %dma_wait3A_173 = tpu.memref_squeeze %dma_wait3A_172 : memref<1x2x80xi32, #tpu.memory_space<hbm>> -> memref<2x80xi32, #tpu.memory_space<hbm>>
      tpu.wait_dma2 semaphore(%dma_wait3A_165 : memref<!tpu.dma_semaphore, #tpu.memory_space<semaphore_mem>>) src(%dma_wait3A_173 : memref<2x80xi32, #tpu.memory_space<hbm>>) dst(%dma_wait3A_169 : memref<2x80xi32, #tpu.memory_space<vmem>>)
      %get3A = arith.constant 0 : i32
      %get3A_174 = arith.constant 1 : i32
      %get3A_175 = arith.index_cast %get3A : i32 to index
      %get3A_176 = arith.index_cast %get3A_174 : i32 to index
      %get3A_177 = arith.constant 0 : index
      %get3A_178 = tpu.vector_load %arg6[%get3A_175, %get3A_176, %get3A_177] {strides = array<i32>} : memref<2x2x80xi32, #tpu.memory_space<vmem>>, vector<16xi32>,
      %sub3A = arith.constant 5120 : i32
      %sub3A_179 = vector.broadcast %sub3A : i32 to vector<16xi32>
      %sub3A_180 = arith.subi %get3A_178, %sub3A_179 : vector<16xi32>
      %ge3A = arith.constant 0 : i32
      %ge3A_181 = vector.broadcast %ge3A : i32 to vector<16xi32>
      %ge3A_182 = arith.cmpi sge, %sub3A_180, %ge3A_181 : vector<16xi32>
      %lt3A = arith.constant 5120 : i32
      %lt3A_183 = vector.broadcast %lt3A : i32 to vector<16xi32>
      %lt3A_184 = arith.cmpi slt, %sub3A_180, %lt3A_183 : vector<16xi32>
      %and3A = arith.andi %ge3A_182, %lt3A_184 : vector<16xi1>
      %jit3A = arith.constant 0 : i32
      %jit3A_185 = arith.constant 5119 : i32
      %max3A = vector.broadcast %jit3A : i32 to vector<16xi32>
      %max3A_186 = arith.maxsi %max3A, %sub3A_180 : vector<16xi32>
      %min3A = vector.broadcast %jit3A_185 : i32 to vector<16xi32>
      %min3A_187 = arith.minsi %min3A, %max3A_186 : vector<16xi32>
      %shift_right_logical3A = arith.constant 7 : i32
      %shift_right_logical3A_188 = vector.broadcast %shift_right_logical3A : i32 to vector<16xi32>
      %shift_right_logical3A_189 = arith.shrui %min3A_187, %shift_right_logical3A_188 : vector<16xi32>
      %and3A_190 = arith.constant 127 : i32
      %and3A_191 = vector.broadcast %and3A_190 : i32 to vector<16xi32>
      %and3A_192 = arith.andi %min3A_187, %and3A_191 : vector<16xi32>
      %gather3A = tpu.vector_load_idx %arg7[%iota3A, %shift_right_logical3A_189, %and3A_192] masked %and3A : memref<16x40x128xf32, #tpu.memory_space<vmem>>[vector<16xi32>, vector<16xi32>, vector<16xi32>], vector<16xf32>, vector<16xi1>
      %add3A_193 = arith.constant 1.000000e+00 : f32
      %add3A_194 = vector.broadcast %add3A_193 : f32 to vector<16xf32>
      %add3A_195 = arith.addf %gather3A, %add3A_194 : vector<16xf32>
      tpu.vector_store_idx %arg7[%iota3A, %shift_right_logical3A_189, %and3A_192], %add3A_195 masked %and3A : memref<16x40x128xf32, #tpu.memory_space<vmem>>[vector<16xi32>, vector<16xi32>, vector<16xi32>], vector<16xf32>, vector<16xi1>
      %get3A_196 = arith.constant 0 : i32
      %get3A_197 = arith.constant 1 : i32
      %get3A_198 = arith.index_cast %get3A_196 : i32 to index
      %get3A_199 = arith.index_cast %get3A_197 : i32 to index
      %get3A_200 = arith.constant 16 : index
      %get3A_201 = tpu.vector_load %arg6[%get3A_198, %get3A_199, %get3A_200] {strides = array<i32>} : memref<2x2x80xi32, #tpu.memory_space<vmem>>, vector<16xi32>,
      %sub3A_202 = arith.constant 5120 : i32
      %sub3A_203 = vector.broadcast %sub3A_202 : i32 to vector<16xi32>
      %sub3A_204 = arith.subi %get3A_201, %sub3A_203 : vector<16xi32>
      %ge3A_205 = arith.constant 0 : i32
      %ge3A_206 = vector.broadcast %ge3A_205 : i32 to vector<16xi32>
      %ge3A_207 = arith.cmpi sge, %sub3A_204, %ge3A_206 : vector<16xi32>
      %lt3A_208 = arith.constant 5120 : i32
      %lt3A_209 = vector.broadcast %lt3A_208 : i32 to vector<16xi32>
      %lt3A_210 = arith.cmpi slt, %sub3A_204, %lt3A_209 : vector<16xi32>
      %and3A_211 = arith.andi %ge3A_207, %lt3A_210 : vector<16xi1>
      %jit3A_212 = arith.constant 0 : i32
      %jit3A_213 = arith.constant 5119 : i32
      %max3A_214 = vector.broadcast %jit3A_212 : i32 to vector<16xi32>
      %max3A_215 = arith.maxsi %max3A_214, %sub3A_204 : vector<16xi32>
      %min3A_216 = vector.broadcast %jit3A_213 : i32 to vector<16xi32>
      %min3A_217 = arith.minsi %min3A_216, %max3A_215 : vector<16xi32>
      %shift_right_logical3A_218 = arith.constant 7 : i32
      %shift_right_logical3A_219 = vector.broadcast %shift_right_logical3A_218 : i32 to vector<16xi32>
      %shift_right_logical3A_220 = arith.shrui %min3A_217, %shift_right_logical3A_219 : vector<16xi32>
      %and3A_221 = arith.constant 127 : i32
      %and3A_222 = vector.broadcast %and3A_221 : i32 to vector<16xi32>
      %and3A_223 = arith.andi %min3A_217, %and3A_222 : vector<16xi32>
      %gather3A_224 = tpu.vector_load_idx %arg7[%iota3A, %shift_right_logical3A_220, %and3A_223] masked %and3A_211 : memref<16x40x128xf32, #tpu.memory_space<vmem>>[vector<16xi32>, vector<16xi32>, vector<16xi32>], vector<16xf32>, vector<16xi1>
      %add3A_225 = arith.constant 1.000000e+00 : f32
      %add3A_226 = vector.broadcast %add3A_225 : f32 to vector<16xf32>
      %add3A_227 = arith.addf %gather3A_224, %add3A_226 : vector<16xf32>
      tpu.vector_store_idx %arg7[%iota3A, %shift_right_logical3A_220, %and3A_223], %add3A_227 masked %and3A_211 : memref<16x40x128xf32, #tpu.memory_space<vmem>>[vector<16xi32>, vector<16xi32>, vector<16xi32>], vector<16xf32>, vector<16xi1>
      %get3A_228 = arith.constant 0 : i32
      %get3A_229 = arith.constant 1 : i32
      %get3A_230 = arith.index_cast %get3A_228 : i32 to index
      %get3A_231 = arith.index_cast %get3A_229 : i32 to index
      %get3A_232 = arith.constant 32 : index
      %get3A_233 = tpu.vector_load %arg6[%get3A_230, %get3A_231, %get3A_232] {strides = array<i32>} : memref<2x2x80xi32, #tpu.memory_space<vmem>>, vector<16xi32>,
      %sub3A_234 = arith.constant 5120 : i32
      %sub3A_235 = vector.broadcast %sub3A_234 : i32 to vector<16xi32>
      %sub3A_236 = arith.subi %get3A_233, %sub3A_235 : vector<16xi32>
      %ge3A_237 = arith.constant 0 : i32
      %ge3A_238 = vector.broadcast %ge3A_237 : i32 to vector<16xi32>
      %ge3A_239 = arith.cmpi sge, %sub3A_236, %ge3A_238 : vector<16xi32>
      %lt3A_240 = arith.constant 5120 : i32
      %lt3A_241 = vector.broadcast %lt3A_240 : i32 to vector<16xi32>
      %lt3A_242 = arith.cmpi slt, %sub3A_236, %lt3A_241 : vector<16xi32>
      %and3A_243 = arith.andi %ge3A_239, %lt3A_242 : vector<16xi1>
      %jit3A_244 = arith.constant 0 : i32
      %jit3A_245 = arith.constant 5119 : i32
      %max3A_246 = vector.broadcast %jit3A_244 : i32 to vector<16xi32>
      %max3A_247 = arith.maxsi %max3A_246, %sub3A_236 : vector<16xi32>
      %min3A_248 = vector.broadcast %jit3A_245 : i32 to vector<16xi32>
      %min3A_249 = arith.minsi %min3A_248, %max3A_247 : vector<16xi32>
      %shift_right_logical3A_250 = arith.constant 7 : i32
      %shift_right_logical3A_251 = vector.broadcast %shift_right_logical3A_250 : i32 to vector<16xi32>
      %shift_right_logical3A_252 = arith.shrui %min3A_249, %shift_right_logical3A_251 : vector<16xi32>
      %and3A_253 = arith.constant 127 : i32
      %and3A_254 = vector.broadcast %and3A_253 : i32 to vector<16xi32>
      %and3A_255 = arith.andi %min3A_249, %and3A_254 : vector<16xi32>
      %gather3A_256 = tpu.vector_load_idx %arg7[%iota3A, %shift_right_logical3A_252, %and3A_255] masked %and3A_243 : memref<16x40x128xf32, #tpu.memory_space<vmem>>[vector<16xi32>, vector<16xi32>, vector<16xi32>], vector<16xf32>, vector<16xi1>
      %add3A_257 = arith.constant 1.000000e+00 : f32
      %add3A_258 = vector.broadcast %add3A_257 : f32 to vector<16xf32>
      %add3A_259 = arith.addf %gather3A_256, %add3A_258 : vector<16xf32>
      tpu.vector_store_idx %arg7[%iota3A, %shift_right_logical3A_252, %and3A_255], %add3A_259 masked %and3A_243 : memref<16x40x128xf32, #tpu.memory_space<vmem>>[vector<16xi32>, vector<16xi32>, vector<16xi32>], vector<16xf32>, vector<16xi1>
      %get3A_260 = arith.constant 0 : i32
      %get3A_261 = arith.constant 1 : i32
      %get3A_262 = arith.index_cast %get3A_260 : i32 to index
      %get3A_263 = arith.index_cast %get3A_261 : i32 to index
      %get3A_264 = arith.constant 48 : index
      %get3A_265 = tpu.vector_load %arg6[%get3A_262, %get3A_263, %get3A_264] {strides = array<i32>} : memref<2x2x80xi32, #tpu.memory_space<vmem>>, vector<16xi32>,
      %sub3A_266 = arith.constant 5120 : i32
      %sub3A_267 = vector.broadcast %sub3A_266 : i32 to vector<16xi32>
      %sub3A_268 = arith.subi %get3A_265, %sub3A_267 : vector<16xi32>
      %ge3A_269 = arith.constant 0 : i32
      %ge3A_270 = vector.broadcast %ge3A_269 : i32 to vector<16xi32>
      %ge3A_271 = arith.cmpi sge, %sub3A_268, %ge3A_270 : vector<16xi32>
      %lt3A_272 = arith.constant 5120 : i32
      %lt3A_273 = vector.broadcast %lt3A_272 : i32 to vector<16xi32>
      %lt3A_274 = arith.cmpi slt, %sub3A_268, %lt3A_273 : vector<16xi32>
      %and3A_275 = arith.andi %ge3A_271, %lt3A_274 : vector<16xi1>
      %jit3A_276 = arith.constant 0 : i32
      %jit3A_277 = arith.constant 5119 : i32
      %max3A_278 = vector.broadcast %jit3A_276 : i32 to vector<16xi32>
      %max3A_279 = arith.maxsi %max3A_278, %sub3A_268 : vector<16xi32>
      %min3A_280 = vector.broadcast %jit3A_277 : i32 to vector<16xi32>
      %min3A_281 = arith.minsi %min3A_280, %max3A_279 : vector<16xi32>
      %shift_right_logical3A_282 = arith.constant 7 : i32
      %shift_right_logical3A_283 = vector.broadcast %shift_right_logical3A_282 : i32 to vector<16xi32>
      %shift_right_logical3A_284 = arith.shrui %min3A_281, %shift_right_logical3A_283 : vector<16xi32>
      %and3A_285 = arith.constant 127 : i32
      %and3A_286 = vector.broadcast %and3A_285 : i32 to vector<16xi32>
      %and3A_287 = arith.andi %min3A_281, %and3A_286 : vector<16xi32>
      %gather3A_288 = tpu.vector_load_idx %arg7[%iota3A, %shift_right_logical3A_284, %and3A_287] masked %and3A_275 : memref<16x40x128xf32, #tpu.memory_space<vmem>>[vector<16xi32>, vector<16xi32>, vector<16xi32>], vector<16xf32>, vector<16xi1>
      %add3A_289 = arith.constant 1.000000e+00 : f32
      %add3A_290 = vector.broadcast %add3A_289 : f32 to vector<16xf32>
      %add3A_291 = arith.addf %gather3A_288, %add3A_290 : vector<16xf32>
      tpu.vector_store_idx %arg7[%iota3A, %shift_right_logical3A_284, %and3A_287], %add3A_291 masked %and3A_275 : memref<16x40x128xf32, #tpu.memory_space<vmem>>[vector<16xi32>, vector<16xi32>, vector<16xi32>], vector<16xf32>, vector<16xi1>
      %get3A_292 = arith.constant 0 : i32
      %get3A_293 = arith.constant 1 : i32
      %get3A_294 = arith.index_cast %get3A_292 : i32 to index
      %get3A_295 = arith.index_cast %get3A_293 : i32 to index
      %get3A_296 = arith.constant 64 : index
      %get3A_297 = tpu.vector_load %arg6[%get3A_294, %get3A_295, %get3A_296] {strides = array<i32>} : memref<2x2x80xi32, #tpu.memory_space<vmem>>, vector<16xi32>,
      %sub3A_298 = arith.constant 5120 : i32
      %sub3A_299 = vector.broadcast %sub3A_298 : i32 to vector<16xi32>
      %sub3A_300 = arith.subi %get3A_297, %sub3A_299 : vector<16xi32>
      %ge3A_301 = arith.constant 0 : i32
      %ge3A_302 = vector.broadcast %ge3A_301 : i32 to vector<16xi32>
      %ge3A_303 = arith.cmpi sge, %sub3A_300, %ge3A_302 : vector<16xi32>
      %lt3A_304 = arith.constant 5120 : i32
      %lt3A_305 = vector.broadcast %lt3A_304 : i32 to vector<16xi32>
      %lt3A_306 = arith.cmpi slt, %sub3A_300, %lt3A_305 : vector<16xi32>
      %and3A_307 = arith.andi %ge3A_303, %lt3A_306 : vector<16xi1>
      %jit3A_308 = arith.constant 0 : i32
      %jit3A_309 = arith.constant 5119 : i32
      %max3A_310 = vector.broadcast %jit3A_308 : i32 to vector<16xi32>
      %max3A_311 = arith.maxsi %max3A_310, %sub3A_300 : vector<16xi32>
      %min3A_312 = vector.broadcast %jit3A_309 : i32 to vector<16xi32>
      %min3A_313 = arith.minsi %min3A_312, %max3A_311 : vector<16xi32>
      %shift_right_logical3A_314 = arith.constant 7 : i32
      %shift_right_logical3A_315 = vector.broadcast %shift_right_logical3A_314 : i32 to vector<16xi32>
      %shift_right_logical3A_316 = arith.shrui %min3A_313, %shift_right_logical3A_315 : vector<16xi32>
      %and3A_317 = arith.constant 127 : i32
      %and3A_318 = vector.broadcast %and3A_317 : i32 to vector<16xi32>
      %and3A_319 = arith.andi %min3A_313, %and3A_318 : vector<16xi32>
      %gather3A_320 = tpu.vector_load_idx %arg7[%iota3A, %shift_right_logical3A_316, %and3A_319] masked %and3A_307 : memref<16x40x128xf32, #tpu.memory_space<vmem>>[vector<16xi32>, vector<16xi32>, vector<16xi32>], vector<16xf32>, vector<16xi1>
      %add3A_321 = arith.constant 1.000000e+00 : f32
      %add3A_322 = vector.broadcast %add3A_321 : f32 to vector<16xf32>
      %add3A_323 = arith.addf %gather3A_320, %add3A_322 : vector<16xf32>
      tpu.vector_store_idx %arg7[%iota3A, %shift_right_logical3A_316, %and3A_319], %add3A_323 masked %and3A_307 : memref<16x40x128xf32, #tpu.memory_space<vmem>>[vector<16xi32>, vector<16xi32>, vector<16xi32>], vector<16xf32>, vector<16xi1>
      %add3A_324 = arith.constant 2 : i32
      %add3A_325 = arith.addi %mul3A_130, %add3A_324 : i32
      %lt3A_326 = arith.constant 250 : i32
      %lt3A_327 = arith.cmpi slt, %add3A_325, %lt3A_326 : i32
      %convert_element_type3A_328 = arith.extui %lt3A_327 : i1 to i32
      %cond3A_329 = arith.constant 0 : i32
      %cond3A_330 = arith.cmpi ne, %convert_element_type3A_328, %cond3A_329 : i32
      scf.if %cond3A_330 {
        %add3A_514 = arith.constant 2 : i32
        %add3A_515 = arith.addi %mul3A_130, %add3A_514 : i32
        %add3A_516 = arith.addi %add3A, %add3A_515 : i32
        %dma_start3A_517 = arith.constant 0 : i32
        %dma_start3A_518 = arith.constant 0 : i32
        %dma_start3A_519 = arith.constant 0 : i32
        %dma_start3A_520 = arith.constant 0 : i32
        %dma_start3A_521 = tpu.memref_slice %arg6[%dma_start3A_517, %dma_start3A_519, %dma_start3A_520] : memref<2x2x80xi32, #tpu.memory_space<vmem>> -> memref<1x2x80xi32, #tpu.memory_space<vmem>>
        %dma_start3A_522 = tpu.memref_squeeze %dma_start3A_521 : memref<1x2x80xi32, #tpu.memory_space<vmem>> -> memref<2x80xi32, #tpu.memory_space<vmem>>
        %dma_start3A_523 = arith.constant 0 : i32
        %dma_start3A_524 = arith.constant 0 : i32
        %dma_start3A_525 = tpu.memref_slice %arg2[%add3A_516, %dma_start3A_523, %dma_start3A_524] : memref<8000x2x80xi32, #tpu.memory_space<hbm>> -> memref<1x2x80xi32, #tpu.memory_space<hbm>>
        %dma_start3A_526 = tpu.memref_squeeze %dma_start3A_525 : memref<1x2x80xi32, #tpu.memory_space<hbm>> -> memref<2x80xi32, #tpu.memory_space<hbm>>
        %dma_start3A_527 = tpu.memref_slice %arg9[%dma_start3A_518] : memref<2x!tpu.dma_semaphore, #tpu.memory_space<semaphore_mem>> -> memref<1x!tpu.dma_semaphore, #tpu.memory_space<semaphore_mem>>
        %dma_start3A_528 = tpu.memref_squeeze %dma_start3A_527 : memref<1x!tpu.dma_semaphore, #tpu.memory_space<semaphore_mem>> -> memref<!tpu.dma_semaphore, #tpu.memory_space<semaphore_mem>>
        %dma_start3A_529 = arith.constant 0 : i32
        %dma_start3A_530 = arith.constant 0 : i32
        %dma_start3A_531 = tpu.memref_slice %arg6[%dma_start3A_517, %dma_start3A_529, %dma_start3A_530] : memref<2x2x80xi32, #tpu.memory_space<vmem>> -> memref<1x2x80xi32, #tpu.memory_space<vmem>>
        %dma_start3A_532 = tpu.memref_squeeze %dma_start3A_531 : memref<1x2x80xi32, #tpu.memory_space<vmem>> -> memref<2x80xi32, #tpu.memory_space<vmem>>
        %dma_start3A_533 = arith.constant 0 : i32
        %dma_start3A_534 = arith.constant 0 : i32
        %dma_start3A_535 = tpu.memref_slice %arg2[%add3A_516, %dma_start3A_533, %dma_start3A_534] : memref<8000x2x80xi32, #tpu.memory_space<hbm>> -> memref<1x2x80xi32, #tpu.memory_space<hbm>>
        %dma_start3A_536 = tpu.memref_squeeze %dma_start3A_535 : memref<1x2x80xi32, #tpu.memory_space<hbm>> -> memref<2x80xi32, #tpu.memory_space<hbm>>
        tpu.enqueue_dma source(%dma_start3A_536 : memref<2x80xi32, #tpu.memory_space<hbm>>) target(%dma_start3A_532 : memref<2x80xi32, #tpu.memory_space<vmem>>) target_semaphore(%dma_start3A_528 : memref<!tpu.dma_semaphore, #tpu.memory_space<semaphore_mem>>)
      } else {
      }
      %add3A_331 = arith.constant 1 : i32
      %add3A_332 = arith.addi %mul3A_130, %add3A_331 : i32
      %add3A_333 = arith.addi %add3A, %add3A_332 : i32
      %dma_wait3A_334 = arith.constant 1 : i32
      %dma_wait3A_335 = arith.constant 1 : i32
      %dma_wait3A_336 = arith.constant 0 : i32
      %dma_wait3A_337 = arith.constant 0 : i32
      %dma_wait3A_338 = tpu.memref_slice %arg6[%dma_wait3A_334, %dma_wait3A_336, %dma_wait3A_337] : memref<2x2x80xi32, #tpu.memory_space<vmem>> -> memref<1x2x80xi32, #tpu.memory_space<vmem>>
      %dma_wait3A_339 = tpu.memref_squeeze %dma_wait3A_338 : memref<1x2x80xi32, #tpu.memory_space<vmem>> -> memref<2x80xi32, #tpu.memory_space<vmem>>
      %dma_wait3A_340 = arith.constant 0 : i32
      %dma_wait3A_341 = arith.constant 0 : i32
      %dma_wait3A_342 = tpu.memref_slice %arg2[%add3A_333, %dma_wait3A_340, %dma_wait3A_341] : memref<8000x2x80xi32, #tpu.memory_space<hbm>> -> memref<1x2x80xi32, #tpu.memory_space<hbm>>
      %dma_wait3A_343 = tpu.memref_squeeze %dma_wait3A_342 : memref<1x2x80xi32, #tpu.memory_space<hbm>> -> memref<2x80xi32, #tpu.memory_space<hbm>>
      %dma_wait3A_344 = tpu.memref_slice %arg9[%dma_wait3A_335] : memref<2x!tpu.dma_semaphore, #tpu.memory_space<semaphore_mem>> -> memref<1x!tpu.dma_semaphore, #tpu.memory_space<semaphore_mem>>
      %dma_wait3A_345 = tpu.memref_squeeze %dma_wait3A_344 : memref<1x!tpu.dma_semaphore, #tpu.memory_space<semaphore_mem>> -> memref<!tpu.dma_semaphore, #tpu.memory_space<semaphore_mem>>
      %dma_wait3A_346 = arith.constant 0 : i32
      %dma_wait3A_347 = arith.constant 0 : i32
      %dma_wait3A_348 = tpu.memref_slice %arg6[%dma_wait3A_334, %dma_wait3A_346, %dma_wait3A_347] : memref<2x2x80xi32, #tpu.memory_space<vmem>> -> memref<1x2x80xi32, #tpu.memory_space<vmem>>
      %dma_wait3A_349 = tpu.memref_squeeze %dma_wait3A_348 : memref<1x2x80xi32, #tpu.memory_space<vmem>> -> memref<2x80xi32, #tpu.memory_space<vmem>>
      %dma_wait3A_350 = arith.constant 0 : i32
      %dma_wait3A_351 = arith.constant 0 : i32
      %dma_wait3A_352 = tpu.memref_slice %arg2[%add3A_333, %dma_wait3A_350, %dma_wait3A_351] : memref<8000x2x80xi32, #tpu.memory_space<hbm>> -> memref<1x2x80xi32, #tpu.memory_space<hbm>>
      %dma_wait3A_353 = tpu.memref_squeeze %dma_wait3A_352 : memref<1x2x80xi32, #tpu.memory_space<hbm>> -> memref<2x80xi32, #tpu.memory_space<hbm>>
      tpu.wait_dma2 semaphore(%dma_wait3A_345 : memref<!tpu.dma_semaphore, #tpu.memory_space<semaphore_mem>>) src(%dma_wait3A_353 : memref<2x80xi32, #tpu.memory_space<hbm>>) dst(%dma_wait3A_349 : memref<2x80xi32, #tpu.memory_space<vmem>>)
      %get3A_354 = arith.constant 1 : i32
      %get3A_355 = arith.constant 1 : i32
      %get3A_356 = arith.index_cast %get3A_354 : i32 to index
      %get3A_357 = arith.index_cast %get3A_355 : i32 to index
      %get3A_358 = arith.constant 0 : index
      %get3A_359 = tpu.vector_load %arg6[%get3A_356, %get3A_357, %get3A_358] {strides = array<i32>} : memref<2x2x80xi32, #tpu.memory_space<vmem>>, vector<16xi32>,
      %sub3A_360 = arith.constant 5120 : i32
      %sub3A_361 = vector.broadcast %sub3A_360 : i32 to vector<16xi32>
      %sub3A_362 = arith.subi %get3A_359, %sub3A_361 : vector<16xi32>
      %ge3A_363 = arith.constant 0 : i32
      %ge3A_364 = vector.broadcast %ge3A_363 : i32 to vector<16xi32>
      %ge3A_365 = arith.cmpi sge, %sub3A_362, %ge3A_364 : vector<16xi32>
      %lt3A_366 = arith.constant 5120 : i32
      %lt3A_367 = vector.broadcast %lt3A_366 : i32 to vector<16xi32>
      %lt3A_368 = arith.cmpi slt, %sub3A_362, %lt3A_367 : vector<16xi32>
      %and3A_369 = arith.andi %ge3A_365, %lt3A_368 : vector<16xi1>
      %jit3A_370 = arith.constant 0 : i32
      %jit3A_371 = arith.constant 5119 : i32
      %max3A_372 = vector.broadcast %jit3A_370 : i32 to vector<16xi32>
      %max3A_373 = arith.maxsi %max3A_372, %sub3A_362 : vector<16xi32>
      %min3A_374 = vector.broadcast %jit3A_371 : i32 to vector<16xi32>
      %min3A_375 = arith.minsi %min3A_374, %max3A_373 : vector<16xi32>
      %shift_right_logical3A_376 = arith.constant 7 : i32
      %shift_right_logical3A_377 = vector.broadcast %shift_right_logical3A_376 : i32 to vector<16xi32>
      %shift_right_logical3A_378 = arith.shrui %min3A_375, %shift_right_logical3A_377 : vector<16xi32>
      %and3A_379 = arith.constant 127 : i32
      %and3A_380 = vector.broadcast %and3A_379 : i32 to vector<16xi32>
      %and3A_381 = arith.andi %min3A_375, %and3A_380 : vector<16xi32>
      %gather3A_382 = tpu.vector_load_idx %arg7[%iota3A, %shift_right_logical3A_378, %and3A_381] masked %and3A_369 : memref<16x40x128xf32, #tpu.memory_space<vmem>>[vector<16xi32>, vector<16xi32>, vector<16xi32>], vector<16xf32>, vector<16xi1>
      %add3A_383 = arith.constant 1.000000e+00 : f32
      %add3A_384 = vector.broadcast %add3A_383 : f32 to vector<16xf32>
      %add3A_385 = arith.addf %gather3A_382, %add3A_384 : vector<16xf32>
      tpu.vector_store_idx %arg7[%iota3A, %shift_right_logical3A_378, %and3A_381], %add3A_385 masked %and3A_369 : memref<16x40x128xf32, #tpu.memory_space<vmem>>[vector<16xi32>, vector<16xi32>, vector<16xi32>], vector<16xf32>, vector<16xi1>
      %get3A_386 = arith.constant 1 : i32
      %get3A_387 = arith.constant 1 : i32
      %get3A_388 = arith.index_cast %get3A_386 : i32 to index
      %get3A_389 = arith.index_cast %get3A_387 : i32 to index
      %get3A_390 = arith.constant 16 : index
      %get3A_391 = tpu.vector_load %arg6[%get3A_388, %get3A_389, %get3A_390] {strides = array<i32>} : memref<2x2x80xi32, #tpu.memory_space<vmem>>, vector<16xi32>,
      %sub3A_392 = arith.constant 5120 : i32
      %sub3A_393 = vector.broadcast %sub3A_392 : i32 to vector<16xi32>
      %sub3A_394 = arith.subi %get3A_391, %sub3A_393 : vector<16xi32>
      %ge3A_395 = arith.constant 0 : i32
      %ge3A_396 = vector.broadcast %ge3A_395 : i32 to vector<16xi32>
      %ge3A_397 = arith.cmpi sge, %sub3A_394, %ge3A_396 : vector<16xi32>
      %lt3A_398 = arith.constant 5120 : i32
      %lt3A_399 = vector.broadcast %lt3A_398 : i32 to vector<16xi32>
      %lt3A_400 = arith.cmpi slt, %sub3A_394, %lt3A_399 : vector<16xi32>
      %and3A_401 = arith.andi %ge3A_397, %lt3A_400 : vector<16xi1>
      %jit3A_402 = arith.constant 0 : i32
      %jit3A_403 = arith.constant 5119 : i32
      %max3A_404 = vector.broadcast %jit3A_402 : i32 to vector<16xi32>
      %max3A_405 = arith.maxsi %max3A_404, %sub3A_394 : vector<16xi32>
      %min3A_406 = vector.broadcast %jit3A_403 : i32 to vector<16xi32>
      %min3A_407 = arith.minsi %min3A_406, %max3A_405 : vector<16xi32>
      %shift_right_logical3A_408 = arith.constant 7 : i32
      %shift_right_logical3A_409 = vector.broadcast %shift_right_logical3A_408 : i32 to vector<16xi32>
      %shift_right_logical3A_410 = arith.shrui %min3A_407, %shift_right_logical3A_409 : vector<16xi32>
      %and3A_411 = arith.constant 127 : i32
      %and3A_412 = vector.broadcast %and3A_411 : i32 to vector<16xi32>
      %and3A_413 = arith.andi %min3A_407, %and3A_412 : vector<16xi32>
      %gather3A_414 = tpu.vector_load_idx %arg7[%iota3A, %shift_right_logical3A_410, %and3A_413] masked %and3A_401 : memref<16x40x128xf32, #tpu.memory_space<vmem>>[vector<16xi32>, vector<16xi32>, vector<16xi32>], vector<16xf32>, vector<16xi1>
      %add3A_415 = arith.constant 1.000000e+00 : f32
      %add3A_416 = vector.broadcast %add3A_415 : f32 to vector<16xf32>
      %add3A_417 = arith.addf %gather3A_414, %add3A_416 : vector<16xf32>
      tpu.vector_store_idx %arg7[%iota3A, %shift_right_logical3A_410, %and3A_413], %add3A_417 masked %and3A_401 : memref<16x40x128xf32, #tpu.memory_space<vmem>>[vector<16xi32>, vector<16xi32>, vector<16xi32>], vector<16xf32>, vector<16xi1>
      %get3A_418 = arith.constant 1 : i32
      %get3A_419 = arith.constant 1 : i32
      %get3A_420 = arith.index_cast %get3A_418 : i32 to index
      %get3A_421 = arith.index_cast %get3A_419 : i32 to index
      %get3A_422 = arith.constant 32 : index
      %get3A_423 = tpu.vector_load %arg6[%get3A_420, %get3A_421, %get3A_422] {strides = array<i32>} : memref<2x2x80xi32, #tpu.memory_space<vmem>>, vector<16xi32>,
      %sub3A_424 = arith.constant 5120 : i32
      %sub3A_425 = vector.broadcast %sub3A_424 : i32 to vector<16xi32>
      %sub3A_426 = arith.subi %get3A_423, %sub3A_425 : vector<16xi32>
      %ge3A_427 = arith.constant 0 : i32
      %ge3A_428 = vector.broadcast %ge3A_427 : i32 to vector<16xi32>
      %ge3A_429 = arith.cmpi sge, %sub3A_426, %ge3A_428 : vector<16xi32>
      %lt3A_430 = arith.constant 5120 : i32
      %lt3A_431 = vector.broadcast %lt3A_430 : i32 to vector<16xi32>
      %lt3A_432 = arith.cmpi slt, %sub3A_426, %lt3A_431 : vector<16xi32>
      %and3A_433 = arith.andi %ge3A_429, %lt3A_432 : vector<16xi1>
      %jit3A_434 = arith.constant 0 : i32
      %jit3A_435 = arith.constant 5119 : i32
      %max3A_436 = vector.broadcast %jit3A_434 : i32 to vector<16xi32>
      %max3A_437 = arith.maxsi %max3A_436, %sub3A_426 : vector<16xi32>
      %min3A_438 = vector.broadcast %jit3A_435 : i32 to vector<16xi32>
      %min3A_439 = arith.minsi %min3A_438, %max3A_437 : vector<16xi32>
      %shift_right_logical3A_440 = arith.constant 7 : i32
      %shift_right_logical3A_441 = vector.broadcast %shift_right_logical3A_440 : i32 to vector<16xi32>
      %shift_right_logical3A_442 = arith.shrui %min3A_439, %shift_right_logical3A_441 : vector<16xi32>
      %and3A_443 = arith.constant 127 : i32
      %and3A_444 = vector.broadcast %and3A_443 : i32 to vector<16xi32>
      %and3A_445 = arith.andi %min3A_439, %and3A_444 : vector<16xi32>
      %gather3A_446 = tpu.vector_load_idx %arg7[%iota3A, %shift_right_logical3A_442, %and3A_445] masked %and3A_433 : memref<16x40x128xf32, #tpu.memory_space<vmem>>[vector<16xi32>, vector<16xi32>, vector<16xi32>], vector<16xf32>, vector<16xi1>
      %add3A_447 = arith.constant 1.000000e+00 : f32
      %add3A_448 = vector.broadcast %add3A_447 : f32 to vector<16xf32>
      %add3A_449 = arith.addf %gather3A_446, %add3A_448 : vector<16xf32>
      tpu.vector_store_idx %arg7[%iota3A, %shift_right_logical3A_442, %and3A_445], %add3A_449 masked %and3A_433 : memref<16x40x128xf32, #tpu.memory_space<vmem>>[vector<16xi32>, vector<16xi32>, vector<16xi32>], vector<16xf32>, vector<16xi1>
      %get3A_450 = arith.constant 1 : i32
      %get3A_451 = arith.constant 1 : i32
      %get3A_452 = arith.index_cast %get3A_450 : i32 to index
      %get3A_453 = arith.index_cast %get3A_451 : i32 to index
      %get3A_454 = arith.constant 48 : index
      %get3A_455 = tpu.vector_load %arg6[%get3A_452, %get3A_453, %get3A_454] {strides = array<i32>} : memref<2x2x80xi32, #tpu.memory_space<vmem>>, vector<16xi32>,
      %sub3A_456 = arith.constant 5120 : i32
      %sub3A_457 = vector.broadcast %sub3A_456 : i32 to vector<16xi32>
      %sub3A_458 = arith.subi %get3A_455, %sub3A_457 : vector<16xi32>
      %ge3A_459 = arith.constant 0 : i32
      %ge3A_460 = vector.broadcast %ge3A_459 : i32 to vector<16xi32>
      %ge3A_461 = arith.cmpi sge, %sub3A_458, %ge3A_460 : vector<16xi32>
      %lt3A_462 = arith.constant 5120 : i32
      %lt3A_463 = vector.broadcast %lt3A_462 : i32 to vector<16xi32>
      %lt3A_464 = arith.cmpi slt, %sub3A_458, %lt3A_463 : vector<16xi32>
      %and3A_465 = arith.andi %ge3A_461, %lt3A_464 : vector<16xi1>
      %jit3A_466 = arith.constant 0 : i32
      %jit3A_467 = arith.constant 5119 : i32
      %max3A_468 = vector.broadcast %jit3A_466 : i32 to vector<16xi32>
      %max3A_469 = arith.maxsi %max3A_468, %sub3A_458 : vector<16xi32>
      %min3A_470 = vector.broadcast %jit3A_467 : i32 to vector<16xi32>
      %min3A_471 = arith.minsi %min3A_470, %max3A_469 : vector<16xi32>
      %shift_right_logical3A_472 = arith.constant 7 : i32
      %shift_right_logical3A_473 = vector.broadcast %shift_right_logical3A_472 : i32 to vector<16xi32>
      %shift_right_logical3A_474 = arith.shrui %min3A_471, %shift_right_logical3A_473 : vector<16xi32>
      %and3A_475 = arith.constant 127 : i32
      %and3A_476 = vector.broadcast %and3A_475 : i32 to vector<16xi32>
      %and3A_477 = arith.andi %min3A_471, %and3A_476 : vector<16xi32>
      %gather3A_478 = tpu.vector_load_idx %arg7[%iota3A, %shift_right_logical3A_474, %and3A_477] masked %and3A_465 : memref<16x40x128xf32, #tpu.memory_space<vmem>>[vector<16xi32>, vector<16xi32>, vector<16xi32>], vector<16xf32>, vector<16xi1>
      %add3A_479 = arith.constant 1.000000e+00 : f32
      %add3A_480 = vector.broadcast %add3A_479 : f32 to vector<16xf32>
      %add3A_481 = arith.addf %gather3A_478, %add3A_480 : vector<16xf32>
      tpu.vector_store_idx %arg7[%iota3A, %shift_right_logical3A_474, %and3A_477], %add3A_481 masked %and3A_465 : memref<16x40x128xf32, #tpu.memory_space<vmem>>[vector<16xi32>, vector<16xi32>, vector<16xi32>], vector<16xf32>, vector<16xi1>
      %get3A_482 = arith.constant 1 : i32
      %get3A_483 = arith.constant 1 : i32
      %get3A_484 = arith.index_cast %get3A_482 : i32 to index
      %get3A_485 = arith.index_cast %get3A_483 : i32 to index
      %get3A_486 = arith.constant 64 : index
      %get3A_487 = tpu.vector_load %arg6[%get3A_484, %get3A_485, %get3A_486] {strides = array<i32>} : memref<2x2x80xi32, #tpu.memory_space<vmem>>, vector<16xi32>,
      %sub3A_488 = arith.constant 5120 : i32
      %sub3A_489 = vector.broadcast %sub3A_488 : i32 to vector<16xi32>
      %sub3A_490 = arith.subi %get3A_487, %sub3A_489 : vector<16xi32>
      %ge3A_491 = arith.constant 0 : i32
      %ge3A_492 = vector.broadcast %ge3A_491 : i32 to vector<16xi32>
      %ge3A_493 = arith.cmpi sge, %sub3A_490, %ge3A_492 : vector<16xi32>
      %lt3A_494 = arith.constant 5120 : i32
      %lt3A_495 = vector.broadcast %lt3A_494 : i32 to vector<16xi32>
      %lt3A_496 = arith.cmpi slt, %sub3A_490, %lt3A_495 : vector<16xi32>
      %and3A_497 = arith.andi %ge3A_493, %lt3A_496 : vector<16xi1>
      %jit3A_498 = arith.constant 0 : i32
      %jit3A_499 = arith.constant 5119 : i32
      %max3A_500 = vector.broadcast %jit3A_498 : i32 to vector<16xi32>
      %max3A_501 = arith.maxsi %max3A_500, %sub3A_490 : vector<16xi32>
      %min3A_502 = vector.broadcast %jit3A_499 : i32 to vector<16xi32>
      %min3A_503 = arith.minsi %min3A_502, %max3A_501 : vector<16xi32>
      %shift_right_logical3A_504 = arith.constant 7 : i32
      %shift_right_logical3A_505 = vector.broadcast %shift_right_logical3A_504 : i32 to vector<16xi32>
      %shift_right_logical3A_506 = arith.shrui %min3A_503, %shift_right_logical3A_505 : vector<16xi32>
      %and3A_507 = arith.constant 127 : i32
      %and3A_508 = vector.broadcast %and3A_507 : i32 to vector<16xi32>
      %and3A_509 = arith.andi %min3A_503, %and3A_508 : vector<16xi32>
      %gather3A_510 = tpu.vector_load_idx %arg7[%iota3A, %shift_right_logical3A_506, %and3A_509] masked %and3A_497 : memref<16x40x128xf32, #tpu.memory_space<vmem>>[vector<16xi32>, vector<16xi32>, vector<16xi32>], vector<16xf32>, vector<16xi1>
      %add3A_511 = arith.constant 1.000000e+00 : f32
      %add3A_512 = vector.broadcast %add3A_511 : f32 to vector<16xf32>
      %add3A_513 = arith.addf %gather3A_510, %add3A_512 : vector<16xf32>
      tpu.vector_store_idx %arg7[%iota3A, %shift_right_logical3A_506, %and3A_509], %add3A_513 masked %and3A_497 : memref<16x40x128xf32, #tpu.memory_space<vmem>>[vector<16xi32>, vector<16xi32>, vector<16xi32>], vector<16xf32>, vector<16xi1>
    }
    %scan3A_89 = arith.constant 125 : i32
    %run_scoped3A_90 = arith.constant 0 : i32
    %run_scoped3A_91 = arith.constant 1 : i32
    "tpu.region"() ({
      %run_scoped3A_128 = tpu.sem_alloc : memref<!tpu.dma_semaphore, #tpu.memory_space<semaphore_mem>>
      %dma_start3A_129 = arith.constant 0 : i32
      %dma_start3A_130 = arith.constant 0 : i32
      %dma_start3A_131 = tpu.memref_slice %arg7[%run_scoped3A_90, %dma_start3A_129, %dma_start3A_130] : memref<16x40x128xf32, #tpu.memory_space<vmem>> -> memref<1x40x128xf32, #tpu.memory_space<vmem>>
      %dma_start3A_132 = tpu.memref_squeeze %dma_start3A_131 : memref<1x40x128xf32, #tpu.memory_space<vmem>> -> memref<40x128xf32, #tpu.memory_space<vmem>>
      %dma_start3A_133 = arith.constant 0 : i32
      %dma_start3A_134 = tpu.memref_slice %arg8[%run_scoped3A_91, %dma_start3A_133] : memref<2x40xi32, #tpu.memory_space<vmem>> -> memref<1x40xi32, #tpu.memory_space<vmem>>
      %dma_start3A_135 = tpu.memref_squeeze %dma_start3A_134 : memref<1x40xi32, #tpu.memory_space<vmem>> -> memref<40xi32, #tpu.memory_space<vmem>>
      %dma_start3A_136 = arith.constant 0 : i32
      %dma_start3A_137 = arith.constant 0 : i32
      %dma_start3A_138 = tpu.memref_slice %arg10[%dma_start3A_136, %dma_start3A_137] : memref<80x128xf32, #tpu.memory_space<vmem_shared>> -> memref<80x128xf32, #tpu.memory_space<vmem_shared>>
      tpu.enqueue_indirect_dma source(%dma_start3A_132 : memref<40x128xf32, #tpu.memory_space<vmem>>) target(%dma_start3A_138 : memref<80x128xf32, #tpu.memory_space<vmem_shared>>) offsets(%dma_start3A_135 : memref<40xi32, #tpu.memory_space<vmem>>) semaphore(%run_scoped3A_128 : memref<!tpu.dma_semaphore, #tpu.memory_space<semaphore_mem>>) {add = true}
      %dma_wait3A = arith.constant 0 : i32
      %dma_wait3A_139 = arith.constant 0 : i32
      %dma_wait3A_140 = tpu.memref_slice %arg7[%run_scoped3A_90, %dma_wait3A, %dma_wait3A_139] : memref<16x40x128xf32, #tpu.memory_space<vmem>> -> memref<1x40x128xf32, #tpu.memory_space<vmem>>
      %dma_wait3A_141 = tpu.memref_squeeze %dma_wait3A_140 : memref<1x40x128xf32, #tpu.memory_space<vmem>> -> memref<40x128xf32, #tpu.memory_space<vmem>>
      %dma_wait3A_142 = arith.constant 0 : i32
      %dma_wait3A_143 = tpu.memref_slice %arg8[%run_scoped3A_91, %dma_wait3A_142] : memref<2x40xi32, #tpu.memory_space<vmem>> -> memref<1x40xi32, #tpu.memory_space<vmem>>
      %dma_wait3A_144 = tpu.memref_squeeze %dma_wait3A_143 : memref<1x40xi32, #tpu.memory_space<vmem>> -> memref<40xi32, #tpu.memory_space<vmem>>
      %dma_wait3A_145 = arith.constant 0 : i32
      %dma_wait3A_146 = arith.constant 0 : i32
      %dma_wait3A_147 = tpu.memref_slice %arg10[%dma_wait3A_145, %dma_wait3A_146] : memref<80x128xf32, #tpu.memory_space<vmem_shared>> -> memref<80x128xf32, #tpu.memory_space<vmem_shared>>
      tpu.wait_indirect_dma semaphore(%run_scoped3A_128 : memref<!tpu.dma_semaphore, #tpu.memory_space<semaphore_mem>>) src(%dma_wait3A_141 : memref<40x128xf32, #tpu.memory_space<vmem>>) dst(%dma_wait3A_147 : memref<80x128xf32, #tpu.memory_space<vmem_shared>>)
      tpu.yield
    }) : () -> ()
    %run_scoped3A_92 = arith.constant 1 : i32
    %run_scoped3A_93 = arith.constant 1 : i32
    "tpu.region"() ({
      %run_scoped3A_128 = tpu.sem_alloc : memref<!tpu.dma_semaphore, #tpu.memory_space<semaphore_mem>>
      %dma_start3A_129 = arith.constant 0 : i32
      %dma_start3A_130 = arith.constant 0 : i32
      %dma_start3A_131 = tpu.memref_slice %arg7[%run_scoped3A_92, %dma_start3A_129, %dma_start3A_130] : memref<16x40x128xf32, #tpu.memory_space<vmem>> -> memref<1x40x128xf32, #tpu.memory_space<vmem>>
      %dma_start3A_132 = tpu.memref_squeeze %dma_start3A_131 : memref<1x40x128xf32, #tpu.memory_space<vmem>> -> memref<40x128xf32, #tpu.memory_space<vmem>>
      %dma_start3A_133 = arith.constant 0 : i32
      %dma_start3A_134 = tpu.memref_slice %arg8[%run_scoped3A_93, %dma_start3A_133] : memref<2x40xi32, #tpu.memory_space<vmem>> -> memref<1x40xi32, #tpu.memory_space<vmem>>
      %dma_start3A_135 = tpu.memref_squeeze %dma_start3A_134 : memref<1x40xi32, #tpu.memory_space<vmem>> -> memref<40xi32, #tpu.memory_space<vmem>>
      %dma_start3A_136 = arith.constant 0 : i32
      %dma_start3A_137 = arith.constant 0 : i32
      %dma_start3A_138 = tpu.memref_slice %arg10[%dma_start3A_136, %dma_start3A_137] : memref<80x128xf32, #tpu.memory_space<vmem_shared>> -> memref<80x128xf32, #tpu.memory_space<vmem_shared>>
      tpu.enqueue_indirect_dma source(%dma_start3A_132 : memref<40x128xf32, #tpu.memory_space<vmem>>) target(%dma_start3A_138 : memref<80x128xf32, #tpu.memory_space<vmem_shared>>) offsets(%dma_start3A_135 : memref<40xi32, #tpu.memory_space<vmem>>) semaphore(%run_scoped3A_128 : memref<!tpu.dma_semaphore, #tpu.memory_space<semaphore_mem>>) {add = true}
      %dma_wait3A = arith.constant 0 : i32
      %dma_wait3A_139 = arith.constant 0 : i32
      %dma_wait3A_140 = tpu.memref_slice %arg7[%run_scoped3A_92, %dma_wait3A, %dma_wait3A_139] : memref<16x40x128xf32, #tpu.memory_space<vmem>> -> memref<1x40x128xf32, #tpu.memory_space<vmem>>
      %dma_wait3A_141 = tpu.memref_squeeze %dma_wait3A_140 : memref<1x40x128xf32, #tpu.memory_space<vmem>> -> memref<40x128xf32, #tpu.memory_space<vmem>>
      %dma_wait3A_142 = arith.constant 0 : i32
      %dma_wait3A_143 = tpu.memref_slice %arg8[%run_scoped3A_93, %dma_wait3A_142] : memref<2x40xi32, #tpu.memory_space<vmem>> -> memref<1x40xi32, #tpu.memory_space<vmem>>
      %dma_wait3A_144 = tpu.memref_squeeze %dma_wait3A_143 : memref<1x40xi32, #tpu.memory_space<vmem>> -> memref<40xi32, #tpu.memory_space<vmem>>
      %dma_wait3A_145 = arith.constant 0 : i32
      %dma_wait3A_146 = arith.constant 0 : i32
      %dma_wait3A_147 = tpu.memref_slice %arg10[%dma_wait3A_145, %dma_wait3A_146] : memref<80x128xf32, #tpu.memory_space<vmem_shared>> -> memref<80x128xf32, #tpu.memory_space<vmem_shared>>
      tpu.wait_indirect_dma semaphore(%run_scoped3A_128 : memref<!tpu.dma_semaphore, #tpu.memory_space<semaphore_mem>>) src(%dma_wait3A_141 : memref<40x128xf32, #tpu.memory_space<vmem>>) dst(%dma_wait3A_147 : memref<80x128xf32, #tpu.memory_space<vmem_shared>>)
      tpu.yield
    }) : () -> ()
    %run_scoped3A_94 = arith.constant 2 : i32
    %run_scoped3A_95 = arith.constant 1 : i32
    "tpu.region"() ({
      %run_scoped3A_128 = tpu.sem_alloc : memref<!tpu.dma_semaphore, #tpu.memory_space<semaphore_mem>>
      %dma_start3A_129 = arith.constant 0 : i32
      %dma_start3A_130 = arith.constant 0 : i32
      %dma_start3A_131 = tpu.memref_slice %arg7[%run_scoped3A_94, %dma_start3A_129, %dma_start3A_130] : memref<16x40x128xf32, #tpu.memory_space<vmem>> -> memref<1x40x128xf32, #tpu.memory_space<vmem>>
      %dma_start3A_132 = tpu.memref_squeeze %dma_start3A_131 : memref<1x40x128xf32, #tpu.memory_space<vmem>> -> memref<40x128xf32, #tpu.memory_space<vmem>>
      %dma_start3A_133 = arith.constant 0 : i32
      %dma_start3A_134 = tpu.memref_slice %arg8[%run_scoped3A_95, %dma_start3A_133] : memref<2x40xi32, #tpu.memory_space<vmem>> -> memref<1x40xi32, #tpu.memory_space<vmem>>
      %dma_start3A_135 = tpu.memref_squeeze %dma_start3A_134 : memref<1x40xi32, #tpu.memory_space<vmem>> -> memref<40xi32, #tpu.memory_space<vmem>>
      %dma_start3A_136 = arith.constant 0 : i32
      %dma_start3A_137 = arith.constant 0 : i32
      %dma_start3A_138 = tpu.memref_slice %arg10[%dma_start3A_136, %dma_start3A_137] : memref<80x128xf32, #tpu.memory_space<vmem_shared>> -> memref<80x128xf32, #tpu.memory_space<vmem_shared>>
      tpu.enqueue_indirect_dma source(%dma_start3A_132 : memref<40x128xf32, #tpu.memory_space<vmem>>) target(%dma_start3A_138 : memref<80x128xf32, #tpu.memory_space<vmem_shared>>) offsets(%dma_start3A_135 : memref<40xi32, #tpu.memory_space<vmem>>) semaphore(%run_scoped3A_128 : memref<!tpu.dma_semaphore, #tpu.memory_space<semaphore_mem>>) {add = true}
      %dma_wait3A = arith.constant 0 : i32
      %dma_wait3A_139 = arith.constant 0 : i32
      %dma_wait3A_140 = tpu.memref_slice %arg7[%run_scoped3A_94, %dma_wait3A, %dma_wait3A_139] : memref<16x40x128xf32, #tpu.memory_space<vmem>> -> memref<1x40x128xf32, #tpu.memory_space<vmem>>
      %dma_wait3A_141 = tpu.memref_squeeze %dma_wait3A_140 : memref<1x40x128xf32, #tpu.memory_space<vmem>> -> memref<40x128xf32, #tpu.memory_space<vmem>>
      %dma_wait3A_142 = arith.constant 0 : i32
      %dma_wait3A_143 = tpu.memref_slice %arg8[%run_scoped3A_95, %dma_wait3A_142] : memref<2x40xi32, #tpu.memory_space<vmem>> -> memref<1x40xi32, #tpu.memory_space<vmem>>
      %dma_wait3A_144 = tpu.memref_squeeze %dma_wait3A_143 : memref<1x40xi32, #tpu.memory_space<vmem>> -> memref<40xi32, #tpu.memory_space<vmem>>
      %dma_wait3A_145 = arith.constant 0 : i32
      %dma_wait3A_146 = arith.constant 0 : i32
      %dma_wait3A_147 = tpu.memref_slice %arg10[%dma_wait3A_145, %dma_wait3A_146] : memref<80x128xf32, #tpu.memory_space<vmem_shared>> -> memref<80x128xf32, #tpu.memory_space<vmem_shared>>
      tpu.wait_indirect_dma semaphore(%run_scoped3A_128 : memref<!tpu.dma_semaphore, #tpu.memory_space<semaphore_mem>>) src(%dma_wait3A_141 : memref<40x128xf32, #tpu.memory_space<vmem>>) dst(%dma_wait3A_147 : memref<80x128xf32, #tpu.memory_space<vmem_shared>>)
      tpu.yield
    }) : () -> ()
    %run_scoped3A_96 = arith.constant 3 : i32
    %run_scoped3A_97 = arith.constant 1 : i32
    "tpu.region"() ({
      %run_scoped3A_128 = tpu.sem_alloc : memref<!tpu.dma_semaphore, #tpu.memory_space<semaphore_mem>>
      %dma_start3A_129 = arith.constant 0 : i32
      %dma_start3A_130 = arith.constant 0 : i32
      %dma_start3A_131 = tpu.memref_slice %arg7[%run_scoped3A_96, %dma_start3A_129, %dma_start3A_130] : memref<16x40x128xf32, #tpu.memory_space<vmem>> -> memref<1x40x128xf32, #tpu.memory_space<vmem>>
      %dma_start3A_132 = tpu.memref_squeeze %dma_start3A_131 : memref<1x40x128xf32, #tpu.memory_space<vmem>> -> memref<40x128xf32, #tpu.memory_space<vmem>>
      %dma_start3A_133 = arith.constant 0 : i32
      %dma_start3A_134 = tpu.memref_slice %arg8[%run_scoped3A_97, %dma_start3A_133] : memref<2x40xi32, #tpu.memory_space<vmem>> -> memref<1x40xi32, #tpu.memory_space<vmem>>
      %dma_start3A_135 = tpu.memref_squeeze %dma_start3A_134 : memref<1x40xi32, #tpu.memory_space<vmem>> -> memref<40xi32, #tpu.memory_space<vmem>>
      %dma_start3A_136 = arith.constant 0 : i32
      %dma_start3A_137 = arith.constant 0 : i32
      %dma_start3A_138 = tpu.memref_slice %arg10[%dma_start3A_136, %dma_start3A_137] : memref<80x128xf32, #tpu.memory_space<vmem_shared>> -> memref<80x128xf32, #tpu.memory_space<vmem_shared>>
      tpu.enqueue_indirect_dma source(%dma_start3A_132 : memref<40x128xf32, #tpu.memory_space<vmem>>) target(%dma_start3A_138 : memref<80x128xf32, #tpu.memory_space<vmem_shared>>) offsets(%dma_start3A_135 : memref<40xi32, #tpu.memory_space<vmem>>) semaphore(%run_scoped3A_128 : memref<!tpu.dma_semaphore, #tpu.memory_space<semaphore_mem>>) {add = true}
      %dma_wait3A = arith.constant 0 : i32
      %dma_wait3A_139 = arith.constant 0 : i32
      %dma_wait3A_140 = tpu.memref_slice %arg7[%run_scoped3A_96, %dma_wait3A, %dma_wait3A_139] : memref<16x40x128xf32, #tpu.memory_space<vmem>> -> memref<1x40x128xf32, #tpu.memory_space<vmem>>
      %dma_wait3A_141 = tpu.memref_squeeze %dma_wait3A_140 : memref<1x40x128xf32, #tpu.memory_space<vmem>> -> memref<40x128xf32, #tpu.memory_space<vmem>>
      %dma_wait3A_142 = arith.constant 0 : i32
      %dma_wait3A_143 = tpu.memref_slice %arg8[%run_scoped3A_97, %dma_wait3A_142] : memref<2x40xi32, #tpu.memory_space<vmem>> -> memref<1x40xi32, #tpu.memory_space<vmem>>
      %dma_wait3A_144 = tpu.memref_squeeze %dma_wait3A_143 : memref<1x40xi32, #tpu.memory_space<vmem>> -> memref<40xi32, #tpu.memory_space<vmem>>
      %dma_wait3A_145 = arith.constant 0 : i32
      %dma_wait3A_146 = arith.constant 0 : i32
      %dma_wait3A_147 = tpu.memref_slice %arg10[%dma_wait3A_145, %dma_wait3A_146] : memref<80x128xf32, #tpu.memory_space<vmem_shared>> -> memref<80x128xf32, #tpu.memory_space<vmem_shared>>
      tpu.wait_indirect_dma semaphore(%run_scoped3A_128 : memref<!tpu.dma_semaphore, #tpu.memory_space<semaphore_mem>>) src(%dma_wait3A_141 : memref<40x128xf32, #tpu.memory_space<vmem>>) dst(%dma_wait3A_147 : memref<80x128xf32, #tpu.memory_space<vmem_shared>>)
      tpu.yield
    }) : () -> ()
    %run_scoped3A_98 = arith.constant 4 : i32
    %run_scoped3A_99 = arith.constant 1 : i32
    "tpu.region"() ({
      %run_scoped3A_128 = tpu.sem_alloc : memref<!tpu.dma_semaphore, #tpu.memory_space<semaphore_mem>>
      %dma_start3A_129 = arith.constant 0 : i32
      %dma_start3A_130 = arith.constant 0 : i32
      %dma_start3A_131 = tpu.memref_slice %arg7[%run_scoped3A_98, %dma_start3A_129, %dma_start3A_130] : memref<16x40x128xf32, #tpu.memory_space<vmem>> -> memref<1x40x128xf32, #tpu.memory_space<vmem>>
      %dma_start3A_132 = tpu.memref_squeeze %dma_start3A_131 : memref<1x40x128xf32, #tpu.memory_space<vmem>> -> memref<40x128xf32, #tpu.memory_space<vmem>>
      %dma_start3A_133 = arith.constant 0 : i32
      %dma_start3A_134 = tpu.memref_slice %arg8[%run_scoped3A_99, %dma_start3A_133] : memref<2x40xi32, #tpu.memory_space<vmem>> -> memref<1x40xi32, #tpu.memory_space<vmem>>
      %dma_start3A_135 = tpu.memref_squeeze %dma_start3A_134 : memref<1x40xi32, #tpu.memory_space<vmem>> -> memref<40xi32, #tpu.memory_space<vmem>>
      %dma_start3A_136 = arith.constant 0 : i32
      %dma_start3A_137 = arith.constant 0 : i32
      %dma_start3A_138 = tpu.memref_slice %arg10[%dma_start3A_136, %dma_start3A_137] : memref<80x128xf32, #tpu.memory_space<vmem_shared>> -> memref<80x128xf32, #tpu.memory_space<vmem_shared>>
      tpu.enqueue_indirect_dma source(%dma_start3A_132 : memref<40x128xf32, #tpu.memory_space<vmem>>) target(%dma_start3A_138 : memref<80x128xf32, #tpu.memory_space<vmem_shared>>) offsets(%dma_start3A_135 : memref<40xi32, #tpu.memory_space<vmem>>) semaphore(%run_scoped3A_128 : memref<!tpu.dma_semaphore, #tpu.memory_space<semaphore_mem>>) {add = true}
      %dma_wait3A = arith.constant 0 : i32
      %dma_wait3A_139 = arith.constant 0 : i32
      %dma_wait3A_140 = tpu.memref_slice %arg7[%run_scoped3A_98, %dma_wait3A, %dma_wait3A_139] : memref<16x40x128xf32, #tpu.memory_space<vmem>> -> memref<1x40x128xf32, #tpu.memory_space<vmem>>
      %dma_wait3A_141 = tpu.memref_squeeze %dma_wait3A_140 : memref<1x40x128xf32, #tpu.memory_space<vmem>> -> memref<40x128xf32, #tpu.memory_space<vmem>>
      %dma_wait3A_142 = arith.constant 0 : i32
      %dma_wait3A_143 = tpu.memref_slice %arg8[%run_scoped3A_99, %dma_wait3A_142] : memref<2x40xi32, #tpu.memory_space<vmem>> -> memref<1x40xi32, #tpu.memory_space<vmem>>
      %dma_wait3A_144 = tpu.memref_squeeze %dma_wait3A_143 : memref<1x40xi32, #tpu.memory_space<vmem>> -> memref<40xi32, #tpu.memory_space<vmem>>
      %dma_wait3A_145 = arith.constant 0 : i32
      %dma_wait3A_146 = arith.constant 0 : i32
      %dma_wait3A_147 = tpu.memref_slice %arg10[%dma_wait3A_145, %dma_wait3A_146] : memref<80x128xf32, #tpu.memory_space<vmem_shared>> -> memref<80x128xf32, #tpu.memory_space<vmem_shared>>
      tpu.wait_indirect_dma semaphore(%run_scoped3A_128 : memref<!tpu.dma_semaphore, #tpu.memory_space<semaphore_mem>>) src(%dma_wait3A_141 : memref<40x128xf32, #tpu.memory_space<vmem>>) dst(%dma_wait3A_147 : memref<80x128xf32, #tpu.memory_space<vmem_shared>>)
      tpu.yield
    }) : () -> ()
    %run_scoped3A_100 = arith.constant 5 : i32
    %run_scoped3A_101 = arith.constant 1 : i32
    "tpu.region"() ({
      %run_scoped3A_128 = tpu.sem_alloc : memref<!tpu.dma_semaphore, #tpu.memory_space<semaphore_mem>>
      %dma_start3A_129 = arith.constant 0 : i32
      %dma_start3A_130 = arith.constant 0 : i32
      %dma_start3A_131 = tpu.memref_slice %arg7[%run_scoped3A_100, %dma_start3A_129, %dma_start3A_130] : memref<16x40x128xf32, #tpu.memory_space<vmem>> -> memref<1x40x128xf32, #tpu.memory_space<vmem>>
      %dma_start3A_132 = tpu.memref_squeeze %dma_start3A_131 : memref<1x40x128xf32, #tpu.memory_space<vmem>> -> memref<40x128xf32, #tpu.memory_space<vmem>>
      %dma_start3A_133 = arith.constant 0 : i32
      %dma_start3A_134 = tpu.memref_slice %arg8[%run_scoped3A_101, %dma_start3A_133] : memref<2x40xi32, #tpu.memory_space<vmem>> -> memref<1x40xi32, #tpu.memory_space<vmem>>
      %dma_start3A_135 = tpu.memref_squeeze %dma_start3A_134 : memref<1x40xi32, #tpu.memory_space<vmem>> -> memref<40xi32, #tpu.memory_space<vmem>>
      %dma_start3A_136 = arith.constant 0 : i32
      %dma_start3A_137 = arith.constant 0 : i32
      %dma_start3A_138 = tpu.memref_slice %arg10[%dma_start3A_136, %dma_start3A_137] : memref<80x128xf32, #tpu.memory_space<vmem_shared>> -> memref<80x128xf32, #tpu.memory_space<vmem_shared>>
      tpu.enqueue_indirect_dma source(%dma_start3A_132 : memref<40x128xf32, #tpu.memory_space<vmem>>) target(%dma_start3A_138 : memref<80x128xf32, #tpu.memory_space<vmem_shared>>) offsets(%dma_start3A_135 : memref<40xi32, #tpu.memory_space<vmem>>) semaphore(%run_scoped3A_128 : memref<!tpu.dma_semaphore, #tpu.memory_space<semaphore_mem>>) {add = true}
      %dma_wait3A = arith.constant 0 : i32
      %dma_wait3A_139 = arith.constant 0 : i32
      %dma_wait3A_140 = tpu.memref_slice %arg7[%run_scoped3A_100, %dma_wait3A, %dma_wait3A_139] : memref<16x40x128xf32, #tpu.memory_space<vmem>> -> memref<1x40x128xf32, #tpu.memory_space<vmem>>
      %dma_wait3A_141 = tpu.memref_squeeze %dma_wait3A_140 : memref<1x40x128xf32, #tpu.memory_space<vmem>> -> memref<40x128xf32, #tpu.memory_space<vmem>>
      %dma_wait3A_142 = arith.constant 0 : i32
      %dma_wait3A_143 = tpu.memref_slice %arg8[%run_scoped3A_101, %dma_wait3A_142] : memref<2x40xi32, #tpu.memory_space<vmem>> -> memref<1x40xi32, #tpu.memory_space<vmem>>
      %dma_wait3A_144 = tpu.memref_squeeze %dma_wait3A_143 : memref<1x40xi32, #tpu.memory_space<vmem>> -> memref<40xi32, #tpu.memory_space<vmem>>
      %dma_wait3A_145 = arith.constant 0 : i32
      %dma_wait3A_146 = arith.constant 0 : i32
      %dma_wait3A_147 = tpu.memref_slice %arg10[%dma_wait3A_145, %dma_wait3A_146] : memref<80x128xf32, #tpu.memory_space<vmem_shared>> -> memref<80x128xf32, #tpu.memory_space<vmem_shared>>
      tpu.wait_indirect_dma semaphore(%run_scoped3A_128 : memref<!tpu.dma_semaphore, #tpu.memory_space<semaphore_mem>>) src(%dma_wait3A_141 : memref<40x128xf32, #tpu.memory_space<vmem>>) dst(%dma_wait3A_147 : memref<80x128xf32, #tpu.memory_space<vmem_shared>>)
      tpu.yield
    }) : () -> ()
    %run_scoped3A_102 = arith.constant 6 : i32
    %run_scoped3A_103 = arith.constant 1 : i32
    "tpu.region"() ({
      %run_scoped3A_128 = tpu.sem_alloc : memref<!tpu.dma_semaphore, #tpu.memory_space<semaphore_mem>>
      %dma_start3A_129 = arith.constant 0 : i32
      %dma_start3A_130 = arith.constant 0 : i32
      %dma_start3A_131 = tpu.memref_slice %arg7[%run_scoped3A_102, %dma_start3A_129, %dma_start3A_130] : memref<16x40x128xf32, #tpu.memory_space<vmem>> -> memref<1x40x128xf32, #tpu.memory_space<vmem>>
      %dma_start3A_132 = tpu.memref_squeeze %dma_start3A_131 : memref<1x40x128xf32, #tpu.memory_space<vmem>> -> memref<40x128xf32, #tpu.memory_space<vmem>>
      %dma_start3A_133 = arith.constant 0 : i32
      %dma_start3A_134 = tpu.memref_slice %arg8[%run_scoped3A_103, %dma_start3A_133] : memref<2x40xi32, #tpu.memory_space<vmem>> -> memref<1x40xi32, #tpu.memory_space<vmem>>
      %dma_start3A_135 = tpu.memref_squeeze %dma_start3A_134 : memref<1x40xi32, #tpu.memory_space<vmem>> -> memref<40xi32, #tpu.memory_space<vmem>>
      %dma_start3A_136 = arith.constant 0 : i32
      %dma_start3A_137 = arith.constant 0 : i32
      %dma_start3A_138 = tpu.memref_slice %arg10[%dma_start3A_136, %dma_start3A_137] : memref<80x128xf32, #tpu.memory_space<vmem_shared>> -> memref<80x128xf32, #tpu.memory_space<vmem_shared>>
      tpu.enqueue_indirect_dma source(%dma_start3A_132 : memref<40x128xf32, #tpu.memory_space<vmem>>) target(%dma_start3A_138 : memref<80x128xf32, #tpu.memory_space<vmem_shared>>) offsets(%dma_start3A_135 : memref<40xi32, #tpu.memory_space<vmem>>) semaphore(%run_scoped3A_128 : memref<!tpu.dma_semaphore, #tpu.memory_space<semaphore_mem>>) {add = true}
      %dma_wait3A = arith.constant 0 : i32
      %dma_wait3A_139 = arith.constant 0 : i32
      %dma_wait3A_140 = tpu.memref_slice %arg7[%run_scoped3A_102, %dma_wait3A, %dma_wait3A_139] : memref<16x40x128xf32, #tpu.memory_space<vmem>> -> memref<1x40x128xf32, #tpu.memory_space<vmem>>
      %dma_wait3A_141 = tpu.memref_squeeze %dma_wait3A_140 : memref<1x40x128xf32, #tpu.memory_space<vmem>> -> memref<40x128xf32, #tpu.memory_space<vmem>>
      %dma_wait3A_142 = arith.constant 0 : i32
      %dma_wait3A_143 = tpu.memref_slice %arg8[%run_scoped3A_103, %dma_wait3A_142] : memref<2x40xi32, #tpu.memory_space<vmem>> -> memref<1x40xi32, #tpu.memory_space<vmem>>
      %dma_wait3A_144 = tpu.memref_squeeze %dma_wait3A_143 : memref<1x40xi32, #tpu.memory_space<vmem>> -> memref<40xi32, #tpu.memory_space<vmem>>
      %dma_wait3A_145 = arith.constant 0 : i32
      %dma_wait3A_146 = arith.constant 0 : i32
      %dma_wait3A_147 = tpu.memref_slice %arg10[%dma_wait3A_145, %dma_wait3A_146] : memref<80x128xf32, #tpu.memory_space<vmem_shared>> -> memref<80x128xf32, #tpu.memory_space<vmem_shared>>
      tpu.wait_indirect_dma semaphore(%run_scoped3A_128 : memref<!tpu.dma_semaphore, #tpu.memory_space<semaphore_mem>>) src(%dma_wait3A_141 : memref<40x128xf32, #tpu.memory_space<vmem>>) dst(%dma_wait3A_147 : memref<80x128xf32, #tpu.memory_space<vmem_shared>>)
      tpu.yield
    }) : () -> ()
    %run_scoped3A_104 = arith.constant 7 : i32
    %run_scoped3A_105 = arith.constant 1 : i32
    "tpu.region"() ({
      %run_scoped3A_128 = tpu.sem_alloc : memref<!tpu.dma_semaphore, #tpu.memory_space<semaphore_mem>>
      %dma_start3A_129 = arith.constant 0 : i32
      %dma_start3A_130 = arith.constant 0 : i32
      %dma_start3A_131 = tpu.memref_slice %arg7[%run_scoped3A_104, %dma_start3A_129, %dma_start3A_130] : memref<16x40x128xf32, #tpu.memory_space<vmem>> -> memref<1x40x128xf32, #tpu.memory_space<vmem>>
      %dma_start3A_132 = tpu.memref_squeeze %dma_start3A_131 : memref<1x40x128xf32, #tpu.memory_space<vmem>> -> memref<40x128xf32, #tpu.memory_space<vmem>>
      %dma_start3A_133 = arith.constant 0 : i32
      %dma_start3A_134 = tpu.memref_slice %arg8[%run_scoped3A_105, %dma_start3A_133] : memref<2x40xi32, #tpu.memory_space<vmem>> -> memref<1x40xi32, #tpu.memory_space<vmem>>
      %dma_start3A_135 = tpu.memref_squeeze %dma_start3A_134 : memref<1x40xi32, #tpu.memory_space<vmem>> -> memref<40xi32, #tpu.memory_space<vmem>>
      %dma_start3A_136 = arith.constant 0 : i32
      %dma_start3A_137 = arith.constant 0 : i32
      %dma_start3A_138 = tpu.memref_slice %arg10[%dma_start3A_136, %dma_start3A_137] : memref<80x128xf32, #tpu.memory_space<vmem_shared>> -> memref<80x128xf32, #tpu.memory_space<vmem_shared>>
      tpu.enqueue_indirect_dma source(%dma_start3A_132 : memref<40x128xf32, #tpu.memory_space<vmem>>) target(%dma_start3A_138 : memref<80x128xf32, #tpu.memory_space<vmem_shared>>) offsets(%dma_start3A_135 : memref<40xi32, #tpu.memory_space<vmem>>) semaphore(%run_scoped3A_128 : memref<!tpu.dma_semaphore, #tpu.memory_space<semaphore_mem>>) {add = true}
      %dma_wait3A = arith.constant 0 : i32
      %dma_wait3A_139 = arith.constant 0 : i32
      %dma_wait3A_140 = tpu.memref_slice %arg7[%run_scoped3A_104, %dma_wait3A, %dma_wait3A_139] : memref<16x40x128xf32, #tpu.memory_space<vmem>> -> memref<1x40x128xf32, #tpu.memory_space<vmem>>
      %dma_wait3A_141 = tpu.memref_squeeze %dma_wait3A_140 : memref<1x40x128xf32, #tpu.memory_space<vmem>> -> memref<40x128xf32, #tpu.memory_space<vmem>>
      %dma_wait3A_142 = arith.constant 0 : i32
      %dma_wait3A_143 = tpu.memref_slice %arg8[%run_scoped3A_105, %dma_wait3A_142] : memref<2x40xi32, #tpu.memory_space<vmem>> -> memref<1x40xi32, #tpu.memory_space<vmem>>
      %dma_wait3A_144 = tpu.memref_squeeze %dma_wait3A_143 : memref<1x40xi32, #tpu.memory_space<vmem>> -> memref<40xi32, #tpu.memory_space<vmem>>
      %dma_wait3A_145 = arith.constant 0 : i32
      %dma_wait3A_146 = arith.constant 0 : i32
      %dma_wait3A_147 = tpu.memref_slice %arg10[%dma_wait3A_145, %dma_wait3A_146] : memref<80x128xf32, #tpu.memory_space<vmem_shared>> -> memref<80x128xf32, #tpu.memory_space<vmem_shared>>
      tpu.wait_indirect_dma semaphore(%run_scoped3A_128 : memref<!tpu.dma_semaphore, #tpu.memory_space<semaphore_mem>>) src(%dma_wait3A_141 : memref<40x128xf32, #tpu.memory_space<vmem>>) dst(%dma_wait3A_147 : memref<80x128xf32, #tpu.memory_space<vmem_shared>>)
      tpu.yield
    }) : () -> ()
    %run_scoped3A_106 = arith.constant 8 : i32
    %run_scoped3A_107 = arith.constant 1 : i32
    "tpu.region"() ({
      %run_scoped3A_128 = tpu.sem_alloc : memref<!tpu.dma_semaphore, #tpu.memory_space<semaphore_mem>>
      %dma_start3A_129 = arith.constant 0 : i32
      %dma_start3A_130 = arith.constant 0 : i32
      %dma_start3A_131 = tpu.memref_slice %arg7[%run_scoped3A_106, %dma_start3A_129, %dma_start3A_130] : memref<16x40x128xf32, #tpu.memory_space<vmem>> -> memref<1x40x128xf32, #tpu.memory_space<vmem>>
      %dma_start3A_132 = tpu.memref_squeeze %dma_start3A_131 : memref<1x40x128xf32, #tpu.memory_space<vmem>> -> memref<40x128xf32, #tpu.memory_space<vmem>>
      %dma_start3A_133 = arith.constant 0 : i32
      %dma_start3A_134 = tpu.memref_slice %arg8[%run_scoped3A_107, %dma_start3A_133] : memref<2x40xi32, #tpu.memory_space<vmem>> -> memref<1x40xi32, #tpu.memory_space<vmem>>
      %dma_start3A_135 = tpu.memref_squeeze %dma_start3A_134 : memref<1x40xi32, #tpu.memory_space<vmem>> -> memref<40xi32, #tpu.memory_space<vmem>>
      %dma_start3A_136 = arith.constant 0 : i32
      %dma_start3A_137 = arith.constant 0 : i32
      %dma_start3A_138 = tpu.memref_slice %arg10[%dma_start3A_136, %dma_start3A_137] : memref<80x128xf32, #tpu.memory_space<vmem_shared>> -> memref<80x128xf32, #tpu.memory_space<vmem_shared>>
      tpu.enqueue_indirect_dma source(%dma_start3A_132 : memref<40x128xf32, #tpu.memory_space<vmem>>) target(%dma_start3A_138 : memref<80x128xf32, #tpu.memory_space<vmem_shared>>) offsets(%dma_start3A_135 : memref<40xi32, #tpu.memory_space<vmem>>) semaphore(%run_scoped3A_128 : memref<!tpu.dma_semaphore, #tpu.memory_space<semaphore_mem>>) {add = true}
      %dma_wait3A = arith.constant 0 : i32
      %dma_wait3A_139 = arith.constant 0 : i32
      %dma_wait3A_140 = tpu.memref_slice %arg7[%run_scoped3A_106, %dma_wait3A, %dma_wait3A_139] : memref<16x40x128xf32, #tpu.memory_space<vmem>> -> memref<1x40x128xf32, #tpu.memory_space<vmem>>
      %dma_wait3A_141 = tpu.memref_squeeze %dma_wait3A_140 : memref<1x40x128xf32, #tpu.memory_space<vmem>> -> memref<40x128xf32, #tpu.memory_space<vmem>>
      %dma_wait3A_142 = arith.constant 0 : i32
      %dma_wait3A_143 = tpu.memref_slice %arg8[%run_scoped3A_107, %dma_wait3A_142] : memref<2x40xi32, #tpu.memory_space<vmem>> -> memref<1x40xi32, #tpu.memory_space<vmem>>
      %dma_wait3A_144 = tpu.memref_squeeze %dma_wait3A_143 : memref<1x40xi32, #tpu.memory_space<vmem>> -> memref<40xi32, #tpu.memory_space<vmem>>
      %dma_wait3A_145 = arith.constant 0 : i32
      %dma_wait3A_146 = arith.constant 0 : i32
      %dma_wait3A_147 = tpu.memref_slice %arg10[%dma_wait3A_145, %dma_wait3A_146] : memref<80x128xf32, #tpu.memory_space<vmem_shared>> -> memref<80x128xf32, #tpu.memory_space<vmem_shared>>
      tpu.wait_indirect_dma semaphore(%run_scoped3A_128 : memref<!tpu.dma_semaphore, #tpu.memory_space<semaphore_mem>>) src(%dma_wait3A_141 : memref<40x128xf32, #tpu.memory_space<vmem>>) dst(%dma_wait3A_147 : memref<80x128xf32, #tpu.memory_space<vmem_shared>>)
      tpu.yield
    }) : () -> ()
    %run_scoped3A_108 = arith.constant 9 : i32
    %run_scoped3A_109 = arith.constant 1 : i32
    "tpu.region"() ({
      %run_scoped3A_128 = tpu.sem_alloc : memref<!tpu.dma_semaphore, #tpu.memory_space<semaphore_mem>>
      %dma_start3A_129 = arith.constant 0 : i32
      %dma_start3A_130 = arith.constant 0 : i32
      %dma_start3A_131 = tpu.memref_slice %arg7[%run_scoped3A_108, %dma_start3A_129, %dma_start3A_130] : memref<16x40x128xf32, #tpu.memory_space<vmem>> -> memref<1x40x128xf32, #tpu.memory_space<vmem>>
      %dma_start3A_132 = tpu.memref_squeeze %dma_start3A_131 : memref<1x40x128xf32, #tpu.memory_space<vmem>> -> memref<40x128xf32, #tpu.memory_space<vmem>>
      %dma_start3A_133 = arith.constant 0 : i32
      %dma_start3A_134 = tpu.memref_slice %arg8[%run_scoped3A_109, %dma_start3A_133] : memref<2x40xi32, #tpu.memory_space<vmem>> -> memref<1x40xi32, #tpu.memory_space<vmem>>
      %dma_start3A_135 = tpu.memref_squeeze %dma_start3A_134 : memref<1x40xi32, #tpu.memory_space<vmem>> -> memref<40xi32, #tpu.memory_space<vmem>>
      %dma_start3A_136 = arith.constant 0 : i32
      %dma_start3A_137 = arith.constant 0 : i32
      %dma_start3A_138 = tpu.memref_slice %arg10[%dma_start3A_136, %dma_start3A_137] : memref<80x128xf32, #tpu.memory_space<vmem_shared>> -> memref<80x128xf32, #tpu.memory_space<vmem_shared>>
      tpu.enqueue_indirect_dma source(%dma_start3A_132 : memref<40x128xf32, #tpu.memory_space<vmem>>) target(%dma_start3A_138 : memref<80x128xf32, #tpu.memory_space<vmem_shared>>) offsets(%dma_start3A_135 : memref<40xi32, #tpu.memory_space<vmem>>) semaphore(%run_scoped3A_128 : memref<!tpu.dma_semaphore, #tpu.memory_space<semaphore_mem>>) {add = true}
      %dma_wait3A = arith.constant 0 : i32
      %dma_wait3A_139 = arith.constant 0 : i32
      %dma_wait3A_140 = tpu.memref_slice %arg7[%run_scoped3A_108, %dma_wait3A, %dma_wait3A_139] : memref<16x40x128xf32, #tpu.memory_space<vmem>> -> memref<1x40x128xf32, #tpu.memory_space<vmem>>
      %dma_wait3A_141 = tpu.memref_squeeze %dma_wait3A_140 : memref<1x40x128xf32, #tpu.memory_space<vmem>> -> memref<40x128xf32, #tpu.memory_space<vmem>>
      %dma_wait3A_142 = arith.constant 0 : i32
      %dma_wait3A_143 = tpu.memref_slice %arg8[%run_scoped3A_109, %dma_wait3A_142] : memref<2x40xi32, #tpu.memory_space<vmem>> -> memref<1x40xi32, #tpu.memory_space<vmem>>
      %dma_wait3A_144 = tpu.memref_squeeze %dma_wait3A_143 : memref<1x40xi32, #tpu.memory_space<vmem>> -> memref<40xi32, #tpu.memory_space<vmem>>
      %dma_wait3A_145 = arith.constant 0 : i32
      %dma_wait3A_146 = arith.constant 0 : i32
      %dma_wait3A_147 = tpu.memref_slice %arg10[%dma_wait3A_145, %dma_wait3A_146] : memref<80x128xf32, #tpu.memory_space<vmem_shared>> -> memref<80x128xf32, #tpu.memory_space<vmem_shared>>
      tpu.wait_indirect_dma semaphore(%run_scoped3A_128 : memref<!tpu.dma_semaphore, #tpu.memory_space<semaphore_mem>>) src(%dma_wait3A_141 : memref<40x128xf32, #tpu.memory_space<vmem>>) dst(%dma_wait3A_147 : memref<80x128xf32, #tpu.memory_space<vmem_shared>>)
      tpu.yield
    }) : () -> ()
    %run_scoped3A_110 = arith.constant 10 : i32
    %run_scoped3A_111 = arith.constant 1 : i32
    "tpu.region"() ({
      %run_scoped3A_128 = tpu.sem_alloc : memref<!tpu.dma_semaphore, #tpu.memory_space<semaphore_mem>>
      %dma_start3A_129 = arith.constant 0 : i32
      %dma_start3A_130 = arith.constant 0 : i32
      %dma_start3A_131 = tpu.memref_slice %arg7[%run_scoped3A_110, %dma_start3A_129, %dma_start3A_130] : memref<16x40x128xf32, #tpu.memory_space<vmem>> -> memref<1x40x128xf32, #tpu.memory_space<vmem>>
      %dma_start3A_132 = tpu.memref_squeeze %dma_start3A_131 : memref<1x40x128xf32, #tpu.memory_space<vmem>> -> memref<40x128xf32, #tpu.memory_space<vmem>>
      %dma_start3A_133 = arith.constant 0 : i32
      %dma_start3A_134 = tpu.memref_slice %arg8[%run_scoped3A_111, %dma_start3A_133] : memref<2x40xi32, #tpu.memory_space<vmem>> -> memref<1x40xi32, #tpu.memory_space<vmem>>
      %dma_start3A_135 = tpu.memref_squeeze %dma_start3A_134 : memref<1x40xi32, #tpu.memory_space<vmem>> -> memref<40xi32, #tpu.memory_space<vmem>>
      %dma_start3A_136 = arith.constant 0 : i32
      %dma_start3A_137 = arith.constant 0 : i32
      %dma_start3A_138 = tpu.memref_slice %arg10[%dma_start3A_136, %dma_start3A_137] : memref<80x128xf32, #tpu.memory_space<vmem_shared>> -> memref<80x128xf32, #tpu.memory_space<vmem_shared>>
      tpu.enqueue_indirect_dma source(%dma_start3A_132 : memref<40x128xf32, #tpu.memory_space<vmem>>) target(%dma_start3A_138 : memref<80x128xf32, #tpu.memory_space<vmem_shared>>) offsets(%dma_start3A_135 : memref<40xi32, #tpu.memory_space<vmem>>) semaphore(%run_scoped3A_128 : memref<!tpu.dma_semaphore, #tpu.memory_space<semaphore_mem>>) {add = true}
      %dma_wait3A = arith.constant 0 : i32
      %dma_wait3A_139 = arith.constant 0 : i32
      %dma_wait3A_140 = tpu.memref_slice %arg7[%run_scoped3A_110, %dma_wait3A, %dma_wait3A_139] : memref<16x40x128xf32, #tpu.memory_space<vmem>> -> memref<1x40x128xf32, #tpu.memory_space<vmem>>
      %dma_wait3A_141 = tpu.memref_squeeze %dma_wait3A_140 : memref<1x40x128xf32, #tpu.memory_space<vmem>> -> memref<40x128xf32, #tpu.memory_space<vmem>>
      %dma_wait3A_142 = arith.constant 0 : i32
      %dma_wait3A_143 = tpu.memref_slice %arg8[%run_scoped3A_111, %dma_wait3A_142] : memref<2x40xi32, #tpu.memory_space<vmem>> -> memref<1x40xi32, #tpu.memory_space<vmem>>
      %dma_wait3A_144 = tpu.memref_squeeze %dma_wait3A_143 : memref<1x40xi32, #tpu.memory_space<vmem>> -> memref<40xi32, #tpu.memory_space<vmem>>
      %dma_wait3A_145 = arith.constant 0 : i32
      %dma_wait3A_146 = arith.constant 0 : i32
      %dma_wait3A_147 = tpu.memref_slice %arg10[%dma_wait3A_145, %dma_wait3A_146] : memref<80x128xf32, #tpu.memory_space<vmem_shared>> -> memref<80x128xf32, #tpu.memory_space<vmem_shared>>
      tpu.wait_indirect_dma semaphore(%run_scoped3A_128 : memref<!tpu.dma_semaphore, #tpu.memory_space<semaphore_mem>>) src(%dma_wait3A_141 : memref<40x128xf32, #tpu.memory_space<vmem>>) dst(%dma_wait3A_147 : memref<80x128xf32, #tpu.memory_space<vmem_shared>>)
      tpu.yield
    }) : () -> ()
    %run_scoped3A_112 = arith.constant 11 : i32
    %run_scoped3A_113 = arith.constant 1 : i32
    "tpu.region"() ({
      %run_scoped3A_128 = tpu.sem_alloc : memref<!tpu.dma_semaphore, #tpu.memory_space<semaphore_mem>>
      %dma_start3A_129 = arith.constant 0 : i32
      %dma_start3A_130 = arith.constant 0 : i32
      %dma_start3A_131 = tpu.memref_slice %arg7[%run_scoped3A_112, %dma_start3A_129, %dma_start3A_130] : memref<16x40x128xf32, #tpu.memory_space<vmem>> -> memref<1x40x128xf32, #tpu.memory_space<vmem>>
      %dma_start3A_132 = tpu.memref_squeeze %dma_start3A_131 : memref<1x40x128xf32, #tpu.memory_space<vmem>> -> memref<40x128xf32, #tpu.memory_space<vmem>>
      %dma_start3A_133 = arith.constant 0 : i32
      %dma_start3A_134 = tpu.memref_slice %arg8[%run_scoped3A_113, %dma_start3A_133] : memref<2x40xi32, #tpu.memory_space<vmem>> -> memref<1x40xi32, #tpu.memory_space<vmem>>
      %dma_start3A_135 = tpu.memref_squeeze %dma_start3A_134 : memref<1x40xi32, #tpu.memory_space<vmem>> -> memref<40xi32, #tpu.memory_space<vmem>>
      %dma_start3A_136 = arith.constant 0 : i32
      %dma_start3A_137 = arith.constant 0 : i32
      %dma_start3A_138 = tpu.memref_slice %arg10[%dma_start3A_136, %dma_start3A_137] : memref<80x128xf32, #tpu.memory_space<vmem_shared>> -> memref<80x128xf32, #tpu.memory_space<vmem_shared>>
      tpu.enqueue_indirect_dma source(%dma_start3A_132 : memref<40x128xf32, #tpu.memory_space<vmem>>) target(%dma_start3A_138 : memref<80x128xf32, #tpu.memory_space<vmem_shared>>) offsets(%dma_start3A_135 : memref<40xi32, #tpu.memory_space<vmem>>) semaphore(%run_scoped3A_128 : memref<!tpu.dma_semaphore, #tpu.memory_space<semaphore_mem>>) {add = true}
      %dma_wait3A = arith.constant 0 : i32
      %dma_wait3A_139 = arith.constant 0 : i32
      %dma_wait3A_140 = tpu.memref_slice %arg7[%run_scoped3A_112, %dma_wait3A, %dma_wait3A_139] : memref<16x40x128xf32, #tpu.memory_space<vmem>> -> memref<1x40x128xf32, #tpu.memory_space<vmem>>
      %dma_wait3A_141 = tpu.memref_squeeze %dma_wait3A_140 : memref<1x40x128xf32, #tpu.memory_space<vmem>> -> memref<40x128xf32, #tpu.memory_space<vmem>>
      %dma_wait3A_142 = arith.constant 0 : i32
      %dma_wait3A_143 = tpu.memref_slice %arg8[%run_scoped3A_113, %dma_wait3A_142] : memref<2x40xi32, #tpu.memory_space<vmem>> -> memref<1x40xi32, #tpu.memory_space<vmem>>
      %dma_wait3A_144 = tpu.memref_squeeze %dma_wait3A_143 : memref<1x40xi32, #tpu.memory_space<vmem>> -> memref<40xi32, #tpu.memory_space<vmem>>
      %dma_wait3A_145 = arith.constant 0 : i32
      %dma_wait3A_146 = arith.constant 0 : i32
      %dma_wait3A_147 = tpu.memref_slice %arg10[%dma_wait3A_145, %dma_wait3A_146] : memref<80x128xf32, #tpu.memory_space<vmem_shared>> -> memref<80x128xf32, #tpu.memory_space<vmem_shared>>
      tpu.wait_indirect_dma semaphore(%run_scoped3A_128 : memref<!tpu.dma_semaphore, #tpu.memory_space<semaphore_mem>>) src(%dma_wait3A_141 : memref<40x128xf32, #tpu.memory_space<vmem>>) dst(%dma_wait3A_147 : memref<80x128xf32, #tpu.memory_space<vmem_shared>>)
      tpu.yield
    }) : () -> ()
    %run_scoped3A_114 = arith.constant 12 : i32
    %run_scoped3A_115 = arith.constant 1 : i32
    "tpu.region"() ({
      %run_scoped3A_128 = tpu.sem_alloc : memref<!tpu.dma_semaphore, #tpu.memory_space<semaphore_mem>>
      %dma_start3A_129 = arith.constant 0 : i32
      %dma_start3A_130 = arith.constant 0 : i32
      %dma_start3A_131 = tpu.memref_slice %arg7[%run_scoped3A_114, %dma_start3A_129, %dma_start3A_130] : memref<16x40x128xf32, #tpu.memory_space<vmem>> -> memref<1x40x128xf32, #tpu.memory_space<vmem>>
      %dma_start3A_132 = tpu.memref_squeeze %dma_start3A_131 : memref<1x40x128xf32, #tpu.memory_space<vmem>> -> memref<40x128xf32, #tpu.memory_space<vmem>>
      %dma_start3A_133 = arith.constant 0 : i32
      %dma_start3A_134 = tpu.memref_slice %arg8[%run_scoped3A_115, %dma_start3A_133] : memref<2x40xi32, #tpu.memory_space<vmem>> -> memref<1x40xi32, #tpu.memory_space<vmem>>
      %dma_start3A_135 = tpu.memref_squeeze %dma_start3A_134 : memref<1x40xi32, #tpu.memory_space<vmem>> -> memref<40xi32, #tpu.memory_space<vmem>>
      %dma_start3A_136 = arith.constant 0 : i32
      %dma_start3A_137 = arith.constant 0 : i32
      %dma_start3A_138 = tpu.memref_slice %arg10[%dma_start3A_136, %dma_start3A_137] : memref<80x128xf32, #tpu.memory_space<vmem_shared>> -> memref<80x128xf32, #tpu.memory_space<vmem_shared>>
      tpu.enqueue_indirect_dma source(%dma_start3A_132 : memref<40x128xf32, #tpu.memory_space<vmem>>) target(%dma_start3A_138 : memref<80x128xf32, #tpu.memory_space<vmem_shared>>) offsets(%dma_start3A_135 : memref<40xi32, #tpu.memory_space<vmem>>) semaphore(%run_scoped3A_128 : memref<!tpu.dma_semaphore, #tpu.memory_space<semaphore_mem>>) {add = true}
      %dma_wait3A = arith.constant 0 : i32
      %dma_wait3A_139 = arith.constant 0 : i32
      %dma_wait3A_140 = tpu.memref_slice %arg7[%run_scoped3A_114, %dma_wait3A, %dma_wait3A_139] : memref<16x40x128xf32, #tpu.memory_space<vmem>> -> memref<1x40x128xf32, #tpu.memory_space<vmem>>
      %dma_wait3A_141 = tpu.memref_squeeze %dma_wait3A_140 : memref<1x40x128xf32, #tpu.memory_space<vmem>> -> memref<40x128xf32, #tpu.memory_space<vmem>>
      %dma_wait3A_142 = arith.constant 0 : i32
      %dma_wait3A_143 = tpu.memref_slice %arg8[%run_scoped3A_115, %dma_wait3A_142] : memref<2x40xi32, #tpu.memory_space<vmem>> -> memref<1x40xi32, #tpu.memory_space<vmem>>
      %dma_wait3A_144 = tpu.memref_squeeze %dma_wait3A_143 : memref<1x40xi32, #tpu.memory_space<vmem>> -> memref<40xi32, #tpu.memory_space<vmem>>
      %dma_wait3A_145 = arith.constant 0 : i32
      %dma_wait3A_146 = arith.constant 0 : i32
      %dma_wait3A_147 = tpu.memref_slice %arg10[%dma_wait3A_145, %dma_wait3A_146] : memref<80x128xf32, #tpu.memory_space<vmem_shared>> -> memref<80x128xf32, #tpu.memory_space<vmem_shared>>
      tpu.wait_indirect_dma semaphore(%run_scoped3A_128 : memref<!tpu.dma_semaphore, #tpu.memory_space<semaphore_mem>>) src(%dma_wait3A_141 : memref<40x128xf32, #tpu.memory_space<vmem>>) dst(%dma_wait3A_147 : memref<80x128xf32, #tpu.memory_space<vmem_shared>>)
      tpu.yield
    }) : () -> ()
    %run_scoped3A_116 = arith.constant 13 : i32
    %run_scoped3A_117 = arith.constant 1 : i32
    "tpu.region"() ({
      %run_scoped3A_128 = tpu.sem_alloc : memref<!tpu.dma_semaphore, #tpu.memory_space<semaphore_mem>>
      %dma_start3A_129 = arith.constant 0 : i32
      %dma_start3A_130 = arith.constant 0 : i32
      %dma_start3A_131 = tpu.memref_slice %arg7[%run_scoped3A_116, %dma_start3A_129, %dma_start3A_130] : memref<16x40x128xf32, #tpu.memory_space<vmem>> -> memref<1x40x128xf32, #tpu.memory_space<vmem>>
      %dma_start3A_132 = tpu.memref_squeeze %dma_start3A_131 : memref<1x40x128xf32, #tpu.memory_space<vmem>> -> memref<40x128xf32, #tpu.memory_space<vmem>>
      %dma_start3A_133 = arith.constant 0 : i32
      %dma_start3A_134 = tpu.memref_slice %arg8[%run_scoped3A_117, %dma_start3A_133] : memref<2x40xi32, #tpu.memory_space<vmem>> -> memref<1x40xi32, #tpu.memory_space<vmem>>
      %dma_start3A_135 = tpu.memref_squeeze %dma_start3A_134 : memref<1x40xi32, #tpu.memory_space<vmem>> -> memref<40xi32, #tpu.memory_space<vmem>>
      %dma_start3A_136 = arith.constant 0 : i32
      %dma_start3A_137 = arith.constant 0 : i32
      %dma_start3A_138 = tpu.memref_slice %arg10[%dma_start3A_136, %dma_start3A_137] : memref<80x128xf32, #tpu.memory_space<vmem_shared>> -> memref<80x128xf32, #tpu.memory_space<vmem_shared>>
      tpu.enqueue_indirect_dma source(%dma_start3A_132 : memref<40x128xf32, #tpu.memory_space<vmem>>) target(%dma_start3A_138 : memref<80x128xf32, #tpu.memory_space<vmem_shared>>) offsets(%dma_start3A_135 : memref<40xi32, #tpu.memory_space<vmem>>) semaphore(%run_scoped3A_128 : memref<!tpu.dma_semaphore, #tpu.memory_space<semaphore_mem>>) {add = true}
      %dma_wait3A = arith.constant 0 : i32
      %dma_wait3A_139 = arith.constant 0 : i32
      %dma_wait3A_140 = tpu.memref_slice %arg7[%run_scoped3A_116, %dma_wait3A, %dma_wait3A_139] : memref<16x40x128xf32, #tpu.memory_space<vmem>> -> memref<1x40x128xf32, #tpu.memory_space<vmem>>
      %dma_wait3A_141 = tpu.memref_squeeze %dma_wait3A_140 : memref<1x40x128xf32, #tpu.memory_space<vmem>> -> memref<40x128xf32, #tpu.memory_space<vmem>>
      %dma_wait3A_142 = arith.constant 0 : i32
      %dma_wait3A_143 = tpu.memref_slice %arg8[%run_scoped3A_117, %dma_wait3A_142] : memref<2x40xi32, #tpu.memory_space<vmem>> -> memref<1x40xi32, #tpu.memory_space<vmem>>
      %dma_wait3A_144 = tpu.memref_squeeze %dma_wait3A_143 : memref<1x40xi32, #tpu.memory_space<vmem>> -> memref<40xi32, #tpu.memory_space<vmem>>
      %dma_wait3A_145 = arith.constant 0 : i32
      %dma_wait3A_146 = arith.constant 0 : i32
      %dma_wait3A_147 = tpu.memref_slice %arg10[%dma_wait3A_145, %dma_wait3A_146] : memref<80x128xf32, #tpu.memory_space<vmem_shared>> -> memref<80x128xf32, #tpu.memory_space<vmem_shared>>
      tpu.wait_indirect_dma semaphore(%run_scoped3A_128 : memref<!tpu.dma_semaphore, #tpu.memory_space<semaphore_mem>>) src(%dma_wait3A_141 : memref<40x128xf32, #tpu.memory_space<vmem>>) dst(%dma_wait3A_147 : memref<80x128xf32, #tpu.memory_space<vmem_shared>>)
      tpu.yield
    }) : () -> ()
    %run_scoped3A_118 = arith.constant 14 : i32
    %run_scoped3A_119 = arith.constant 1 : i32
    "tpu.region"() ({
      %run_scoped3A_128 = tpu.sem_alloc : memref<!tpu.dma_semaphore, #tpu.memory_space<semaphore_mem>>
      %dma_start3A_129 = arith.constant 0 : i32
      %dma_start3A_130 = arith.constant 0 : i32
      %dma_start3A_131 = tpu.memref_slice %arg7[%run_scoped3A_118, %dma_start3A_129, %dma_start3A_130] : memref<16x40x128xf32, #tpu.memory_space<vmem>> -> memref<1x40x128xf32, #tpu.memory_space<vmem>>
      %dma_start3A_132 = tpu.memref_squeeze %dma_start3A_131 : memref<1x40x128xf32, #tpu.memory_space<vmem>> -> memref<40x128xf32, #tpu.memory_space<vmem>>
      %dma_start3A_133 = arith.constant 0 : i32
      %dma_start3A_134 = tpu.memref_slice %arg8[%run_scoped3A_119, %dma_start3A_133] : memref<2x40xi32, #tpu.memory_space<vmem>> -> memref<1x40xi32, #tpu.memory_space<vmem>>
      %dma_start3A_135 = tpu.memref_squeeze %dma_start3A_134 : memref<1x40xi32, #tpu.memory_space<vmem>> -> memref<40xi32, #tpu.memory_space<vmem>>
      %dma_start3A_136 = arith.constant 0 : i32
      %dma_start3A_137 = arith.constant 0 : i32
      %dma_start3A_138 = tpu.memref_slice %arg10[%dma_start3A_136, %dma_start3A_137] : memref<80x128xf32, #tpu.memory_space<vmem_shared>> -> memref<80x128xf32, #tpu.memory_space<vmem_shared>>
      tpu.enqueue_indirect_dma source(%dma_start3A_132 : memref<40x128xf32, #tpu.memory_space<vmem>>) target(%dma_start3A_138 : memref<80x128xf32, #tpu.memory_space<vmem_shared>>) offsets(%dma_start3A_135 : memref<40xi32, #tpu.memory_space<vmem>>) semaphore(%run_scoped3A_128 : memref<!tpu.dma_semaphore, #tpu.memory_space<semaphore_mem>>) {add = true}
      %dma_wait3A = arith.constant 0 : i32
      %dma_wait3A_139 = arith.constant 0 : i32
      %dma_wait3A_140 = tpu.memref_slice %arg7[%run_scoped3A_118, %dma_wait3A, %dma_wait3A_139] : memref<16x40x128xf32, #tpu.memory_space<vmem>> -> memref<1x40x128xf32, #tpu.memory_space<vmem>>
      %dma_wait3A_141 = tpu.memref_squeeze %dma_wait3A_140 : memref<1x40x128xf32, #tpu.memory_space<vmem>> -> memref<40x128xf32, #tpu.memory_space<vmem>>
      %dma_wait3A_142 = arith.constant 0 : i32
      %dma_wait3A_143 = tpu.memref_slice %arg8[%run_scoped3A_119, %dma_wait3A_142] : memref<2x40xi32, #tpu.memory_space<vmem>> -> memref<1x40xi32, #tpu.memory_space<vmem>>
      %dma_wait3A_144 = tpu.memref_squeeze %dma_wait3A_143 : memref<1x40xi32, #tpu.memory_space<vmem>> -> memref<40xi32, #tpu.memory_space<vmem>>
      %dma_wait3A_145 = arith.constant 0 : i32
      %dma_wait3A_146 = arith.constant 0 : i32
      %dma_wait3A_147 = tpu.memref_slice %arg10[%dma_wait3A_145, %dma_wait3A_146] : memref<80x128xf32, #tpu.memory_space<vmem_shared>> -> memref<80x128xf32, #tpu.memory_space<vmem_shared>>
      tpu.wait_indirect_dma semaphore(%run_scoped3A_128 : memref<!tpu.dma_semaphore, #tpu.memory_space<semaphore_mem>>) src(%dma_wait3A_141 : memref<40x128xf32, #tpu.memory_space<vmem>>) dst(%dma_wait3A_147 : memref<80x128xf32, #tpu.memory_space<vmem_shared>>)
      tpu.yield
    }) : () -> ()
    %run_scoped3A_120 = arith.constant 15 : i32
    %run_scoped3A_121 = arith.constant 1 : i32
    "tpu.region"() ({
      %run_scoped3A_128 = tpu.sem_alloc : memref<!tpu.dma_semaphore, #tpu.memory_space<semaphore_mem>>
      %dma_start3A_129 = arith.constant 0 : i32
      %dma_start3A_130 = arith.constant 0 : i32
      %dma_start3A_131 = tpu.memref_slice %arg7[%run_scoped3A_120, %dma_start3A_129, %dma_start3A_130] : memref<16x40x128xf32, #tpu.memory_space<vmem>> -> memref<1x40x128xf32, #tpu.memory_space<vmem>>
      %dma_start3A_132 = tpu.memref_squeeze %dma_start3A_131 : memref<1x40x128xf32, #tpu.memory_space<vmem>> -> memref<40x128xf32, #tpu.memory_space<vmem>>
      %dma_start3A_133 = arith.constant 0 : i32
      %dma_start3A_134 = tpu.memref_slice %arg8[%run_scoped3A_121, %dma_start3A_133] : memref<2x40xi32, #tpu.memory_space<vmem>> -> memref<1x40xi32, #tpu.memory_space<vmem>>
      %dma_start3A_135 = tpu.memref_squeeze %dma_start3A_134 : memref<1x40xi32, #tpu.memory_space<vmem>> -> memref<40xi32, #tpu.memory_space<vmem>>
      %dma_start3A_136 = arith.constant 0 : i32
      %dma_start3A_137 = arith.constant 0 : i32
      %dma_start3A_138 = tpu.memref_slice %arg10[%dma_start3A_136, %dma_start3A_137] : memref<80x128xf32, #tpu.memory_space<vmem_shared>> -> memref<80x128xf32, #tpu.memory_space<vmem_shared>>
      tpu.enqueue_indirect_dma source(%dma_start3A_132 : memref<40x128xf32, #tpu.memory_space<vmem>>) target(%dma_start3A_138 : memref<80x128xf32, #tpu.memory_space<vmem_shared>>) offsets(%dma_start3A_135 : memref<40xi32, #tpu.memory_space<vmem>>) semaphore(%run_scoped3A_128 : memref<!tpu.dma_semaphore, #tpu.memory_space<semaphore_mem>>) {add = true}
      %dma_wait3A = arith.constant 0 : i32
      %dma_wait3A_139 = arith.constant 0 : i32
      %dma_wait3A_140 = tpu.memref_slice %arg7[%run_scoped3A_120, %dma_wait3A, %dma_wait3A_139] : memref<16x40x128xf32, #tpu.memory_space<vmem>> -> memref<1x40x128xf32, #tpu.memory_space<vmem>>
      %dma_wait3A_141 = tpu.memref_squeeze %dma_wait3A_140 : memref<1x40x128xf32, #tpu.memory_space<vmem>> -> memref<40x128xf32, #tpu.memory_space<vmem>>
      %dma_wait3A_142 = arith.constant 0 : i32
      %dma_wait3A_143 = tpu.memref_slice %arg8[%run_scoped3A_121, %dma_wait3A_142] : memref<2x40xi32, #tpu.memory_space<vmem>> -> memref<1x40xi32, #tpu.memory_space<vmem>>
      %dma_wait3A_144 = tpu.memref_squeeze %dma_wait3A_143 : memref<1x40xi32, #tpu.memory_space<vmem>> -> memref<40xi32, #tpu.memory_space<vmem>>
      %dma_wait3A_145 = arith.constant 0 : i32
      %dma_wait3A_146 = arith.constant 0 : i32
      %dma_wait3A_147 = tpu.memref_slice %arg10[%dma_wait3A_145, %dma_wait3A_146] : memref<80x128xf32, #tpu.memory_space<vmem_shared>> -> memref<80x128xf32, #tpu.memory_space<vmem_shared>>
      tpu.wait_indirect_dma semaphore(%run_scoped3A_128 : memref<!tpu.dma_semaphore, #tpu.memory_space<semaphore_mem>>) src(%dma_wait3A_141 : memref<40x128xf32, #tpu.memory_space<vmem>>) dst(%dma_wait3A_147 : memref<80x128xf32, #tpu.memory_space<vmem_shared>>)
      tpu.yield
    }) : () -> ()
    %barrier3A_122 = arith.constant 0 : index
    tpu.barrier barrier_id(%barrier3A_122)
    %eq3A_123 = arith.constant 0 : i32
    %eq3A_124 = arith.cmpi eq, %arg1, %eq3A_123 : i32
    %convert_element_type3A_125 = arith.extui %eq3A_124 : i1 to i32
    %cond3A_126 = arith.constant 0 : i32
    %cond3A_127 = arith.cmpi ne, %convert_element_type3A_125, %cond3A_126 : i32
    scf.if %cond3A_127 {
      %mul3A_128 = arith.constant 80 : i32
      %mul3A_129 = arith.muli %arg0, %mul3A_128 : i32
      "tpu.region"() ({
        %run_scoped3A_130 = tpu.sem_alloc : memref<!tpu.dma_semaphore, #tpu.memory_space<semaphore_mem>>
        %dma_start3A_131 = arith.constant 0 : i32
        %dma_start3A_132 = tpu.memref_slice %arg5[%mul3A_129, %dma_start3A_131] : memref<160x128xf32, #tpu.memory_space<hbm>> -> memref<80x128xf32, #tpu.memory_space<hbm>>
        tpu.enqueue_dma source(%arg10 : memref<80x128xf32, #tpu.memory_space<vmem_shared>>) target(%dma_start3A_132 : memref<80x128xf32, #tpu.memory_space<hbm>>) target_semaphore(%run_scoped3A_130 : memref<!tpu.dma_semaphore, #tpu.memory_space<semaphore_mem>>)
        %dma_wait3A = arith.constant 0 : i32
        %dma_wait3A_133 = tpu.memref_slice %arg5[%mul3A_129, %dma_wait3A] : memref<160x128xf32, #tpu.memory_space<hbm>> -> memref<80x128xf32, #tpu.memory_space<hbm>>
        tpu.wait_dma2 semaphore(%run_scoped3A_130 : memref<!tpu.dma_semaphore, #tpu.memory_space<semaphore_mem>>) src(%arg10 : memref<80x128xf32, #tpu.memory_space<vmem_shared>>) dst(%dma_wait3A_133 : memref<80x128xf32, #tpu.memory_space<hbm>>)
        tpu.yield
      }) : () -> ()
    } else {
    }
    return
  }
}

#map = affine_map<(d0, d1) -> (0, 0)>
#map1 = affine_map<(d0, d1) -> (0, 0, 0)>
module attributes {stable_mosaic.version = 14 : i64} {
  func.func @body(%arg0: i32, %arg1: i32, %arg2: memref<40000x128xf32, #tpu.memory_space<hbm>>, %arg3: memref<16000x2x80xi32, #tpu.memory_space<hbm>>, %arg4: memref<624x128xf32, #tpu.memory_space<hbm>>, %arg5: memref<40000x128xf32, #tpu.memory_space<hbm>>, %arg6: memref<2x2x80xi32, #tpu.memory_space<vmem>>, %arg7: memref<2x80x128xf32, #tpu.memory_space<vmem>>, %arg8: memref<2x!tpu.dma_semaphore, #tpu.memory_space<semaphore_mem>>, %arg9: memref<10016x128xf32, #tpu.memory_space<vmem_shared>>, %arg10: memref<!tpu.dma_semaphore, #tpu.memory_space<semaphore_mem>>) attributes {dimension_semantics = [#tpu.dimension_semantics<core_parallel>, #tpu.dimension_semantics<subcore_parallel>], iteration_bounds = array<i64: 2, 16>, scalar_prefetch = 0 : i64, scratch_operands = 5 : i64, tpu.core_type = #tpu.core_type<sc_vector_subcore>, window_params = [{transform_indices = #map}, {transform_indices = #map1}, {transform_indices = #map}, {transform_indices = #map}]} {
    %mul3A = arith.constant 624 : i32
    %mul3A_0 = arith.muli %arg1, %mul3A : i32
    %multiple_of3A = tpu.assume_multiple %mul3A_0, 8 : i32
    %mul3A_1 = arith.constant 2 : i32
    %mul3A_2 = arith.muli %arg0, %mul3A_1 : i32
    %add3A = arith.constant 0 : i32
    %add3A_3 = arith.addi %mul3A_2, %add3A : i32
    "tpu.region"() ({
      %run_scoped3A_95 = tpu.sem_alloc : memref<!tpu.dma_semaphore, #tpu.memory_space<semaphore_mem>>
      %dma_start3A_96 = arith.constant 0 : i32
      %dma_start3A_97 = tpu.memref_slice %arg9[%multiple_of3A, %dma_start3A_96] : memref<10016x128xf32, #tpu.memory_space<vmem_shared>> -> memref<624x128xf32, #tpu.memory_space<vmem_shared>>
      tpu.enqueue_dma source(%arg4 : memref<624x128xf32, #tpu.memory_space<hbm>>) target(%dma_start3A_97 : memref<624x128xf32, #tpu.memory_space<vmem_shared>>) target_semaphore(%run_scoped3A_95 : memref<!tpu.dma_semaphore, #tpu.memory_space<semaphore_mem>>)
      %dma_wait3A = arith.constant 0 : i32
      %dma_wait3A_98 = tpu.memref_slice %arg9[%multiple_of3A, %dma_wait3A] : memref<10016x128xf32, #tpu.memory_space<vmem_shared>> -> memref<624x128xf32, #tpu.memory_space<vmem_shared>>
      tpu.wait_dma2 semaphore(%run_scoped3A_95 : memref<!tpu.dma_semaphore, #tpu.memory_space<semaphore_mem>>) src(%arg4 : memref<624x128xf32, #tpu.memory_space<hbm>>) dst(%dma_wait3A_98 : memref<624x128xf32, #tpu.memory_space<vmem_shared>>)
      tpu.yield
    }) : () -> ()
    %eq3A = arith.constant 0 : i32
    %eq3A_4 = arith.cmpi eq, %arg1, %eq3A : i32
    %convert_element_type3A = arith.extui %eq3A_4 : i1 to i32
    %cond3A = arith.constant 0 : i32
    %cond3A_5 = arith.cmpi ne, %convert_element_type3A, %cond3A : i32
    scf.if %cond3A_5 {
      "tpu.region"() ({
        %run_scoped3A_95 = tpu.sem_alloc : memref<!tpu.dma_semaphore, #tpu.memory_space<semaphore_mem>>
        %dma_start3A_96 = arith.constant 9984 : i32
        %dma_start3A_97 = arith.constant 0 : i32
        %dma_start3A_98 = tpu.memref_slice %arg9[%dma_start3A_96, %dma_start3A_97] : memref<10016x128xf32, #tpu.memory_space<vmem_shared>> -> memref<32x128xf32, #tpu.memory_space<vmem_shared>>
        %dma_start3A_99 = arith.constant 0 : i32
        %dma_start3A_100 = arith.constant 0 : i32
        %dma_start3A_101 = tpu.memref_slice %arg4[%dma_start3A_99, %dma_start3A_100] : memref<624x128xf32, #tpu.memory_space<hbm>> -> memref<32x128xf32, #tpu.memory_space<hbm>>
        tpu.enqueue_dma source(%dma_start3A_101 : memref<32x128xf32, #tpu.memory_space<hbm>>) target(%dma_start3A_98 : memref<32x128xf32, #tpu.memory_space<vmem_shared>>) target_semaphore(%run_scoped3A_95 : memref<!tpu.dma_semaphore, #tpu.memory_space<semaphore_mem>>)
        %dma_wait3A = arith.constant 9984 : i32
        %dma_wait3A_102 = arith.constant 0 : i32
        %dma_wait3A_103 = tpu.memref_slice %arg9[%dma_wait3A, %dma_wait3A_102] : memref<10016x128xf32, #tpu.memory_space<vmem_shared>> -> memref<32x128xf32, #tpu.memory_space<vmem_shared>>
        %dma_wait3A_104 = arith.constant 0 : i32
        %dma_wait3A_105 = arith.constant 0 : i32
        %dma_wait3A_106 = tpu.memref_slice %arg4[%dma_wait3A_104, %dma_wait3A_105] : memref<624x128xf32, #tpu.memory_space<hbm>> -> memref<32x128xf32, #tpu.memory_space<hbm>>
        tpu.wait_dma2 semaphore(%run_scoped3A_95 : memref<!tpu.dma_semaphore, #tpu.memory_space<semaphore_mem>>) src(%dma_wait3A_106 : memref<32x128xf32, #tpu.memory_space<hbm>>) dst(%dma_wait3A_103 : memref<32x128xf32, #tpu.memory_space<vmem_shared>>)
        tpu.yield
      }) : () -> ()
    } else {
    }
    %barrier3A = arith.constant 0 : index
    tpu.barrier barrier_id(%barrier3A)
    %mul3A_6 = arith.constant 4000 : i32
    %mul3A_7 = arith.muli %add3A_3, %mul3A_6 : i32
    %mul3A_8 = arith.constant 250 : i32
    %mul3A_9 = arith.muli %arg1, %mul3A_8 : i32
    %add3A_10 = arith.addi %mul3A_7, %mul3A_9 : i32
    %add3A_11 = arith.constant 0 : i32
    %add3A_12 = arith.addi %add3A_10, %add3A_11 : i32
    %run_scoped3A = arith.constant 0 : i32
    "tpu.region"() ({
      %run_scoped3A_95 = tpu.sem_alloc : memref<!tpu.dma_semaphore, #tpu.memory_space<semaphore_mem>>
      %dma_start3A_96 = arith.constant 0 : i32
      %dma_start3A_97 = arith.constant 0 : i32
      %dma_start3A_98 = tpu.memref_slice %arg6[%run_scoped3A, %dma_start3A_96, %dma_start3A_97] : memref<2x2x80xi32, #tpu.memory_space<vmem>> -> memref<1x2x80xi32, #tpu.memory_space<vmem>>
      %dma_start3A_99 = tpu.memref_squeeze %dma_start3A_98 : memref<1x2x80xi32, #tpu.memory_space<vmem>> -> memref<2x80xi32, #tpu.memory_space<vmem>>
      %dma_start3A_100 = arith.constant 0 : i32
      %dma_start3A_101 = arith.constant 0 : i32
      %dma_start3A_102 = tpu.memref_slice %arg3[%add3A_12, %dma_start3A_100, %dma_start3A_101] : memref<16000x2x80xi32, #tpu.memory_space<hbm>> -> memref<1x2x80xi32, #tpu.memory_space<hbm>>
      %dma_start3A_103 = tpu.memref_squeeze %dma_start3A_102 : memref<1x2x80xi32, #tpu.memory_space<hbm>> -> memref<2x80xi32, #tpu.memory_space<hbm>>
      %dma_start3A_104 = arith.constant 0 : i32
      %dma_start3A_105 = arith.constant 0 : i32
      %dma_start3A_106 = tpu.memref_slice %arg6[%run_scoped3A, %dma_start3A_104, %dma_start3A_105] : memref<2x2x80xi32, #tpu.memory_space<vmem>> -> memref<1x2x80xi32, #tpu.memory_space<vmem>>
      %dma_start3A_107 = tpu.memref_squeeze %dma_start3A_106 : memref<1x2x80xi32, #tpu.memory_space<vmem>> -> memref<2x80xi32, #tpu.memory_space<vmem>>
      %dma_start3A_108 = arith.constant 0 : i32
      %dma_start3A_109 = arith.constant 0 : i32
      %dma_start3A_110 = tpu.memref_slice %arg3[%add3A_12, %dma_start3A_108, %dma_start3A_109] : memref<16000x2x80xi32, #tpu.memory_space<hbm>> -> memref<1x2x80xi32, #tpu.memory_space<hbm>>
      %dma_start3A_111 = tpu.memref_squeeze %dma_start3A_110 : memref<1x2x80xi32, #tpu.memory_space<hbm>> -> memref<2x80xi32, #tpu.memory_space<hbm>>
      tpu.enqueue_dma source(%dma_start3A_111 : memref<2x80xi32, #tpu.memory_space<hbm>>) target(%dma_start3A_107 : memref<2x80xi32, #tpu.memory_space<vmem>>) target_semaphore(%run_scoped3A_95 : memref<!tpu.dma_semaphore, #tpu.memory_space<semaphore_mem>>)
      %dma_wait3A = arith.constant 0 : i32
      %dma_wait3A_112 = arith.constant 0 : i32
      %dma_wait3A_113 = tpu.memref_slice %arg6[%run_scoped3A, %dma_wait3A, %dma_wait3A_112] : memref<2x2x80xi32, #tpu.memory_space<vmem>> -> memref<1x2x80xi32, #tpu.memory_space<vmem>>
      %dma_wait3A_114 = tpu.memref_squeeze %dma_wait3A_113 : memref<1x2x80xi32, #tpu.memory_space<vmem>> -> memref<2x80xi32, #tpu.memory_space<vmem>>
      %dma_wait3A_115 = arith.constant 0 : i32
      %dma_wait3A_116 = arith.constant 0 : i32
      %dma_wait3A_117 = tpu.memref_slice %arg3[%add3A_12, %dma_wait3A_115, %dma_wait3A_116] : memref<16000x2x80xi32, #tpu.memory_space<hbm>> -> memref<1x2x80xi32, #tpu.memory_space<hbm>>
      %dma_wait3A_118 = tpu.memref_squeeze %dma_wait3A_117 : memref<1x2x80xi32, #tpu.memory_space<hbm>> -> memref<2x80xi32, #tpu.memory_space<hbm>>
      %dma_wait3A_119 = arith.constant 0 : i32
      %dma_wait3A_120 = arith.constant 0 : i32
      %dma_wait3A_121 = tpu.memref_slice %arg6[%run_scoped3A, %dma_wait3A_119, %dma_wait3A_120] : memref<2x2x80xi32, #tpu.memory_space<vmem>> -> memref<1x2x80xi32, #tpu.memory_space<vmem>>
      %dma_wait3A_122 = tpu.memref_squeeze %dma_wait3A_121 : memref<1x2x80xi32, #tpu.memory_space<vmem>> -> memref<2x80xi32, #tpu.memory_space<vmem>>
      %dma_wait3A_123 = arith.constant 0 : i32
      %dma_wait3A_124 = arith.constant 0 : i32
      %dma_wait3A_125 = tpu.memref_slice %arg3[%add3A_12, %dma_wait3A_123, %dma_wait3A_124] : memref<16000x2x80xi32, #tpu.memory_space<hbm>> -> memref<1x2x80xi32, #tpu.memory_space<hbm>>
      %dma_wait3A_126 = tpu.memref_squeeze %dma_wait3A_125 : memref<1x2x80xi32, #tpu.memory_space<hbm>> -> memref<2x80xi32, #tpu.memory_space<hbm>>
      tpu.wait_dma2 semaphore(%run_scoped3A_95 : memref<!tpu.dma_semaphore, #tpu.memory_space<semaphore_mem>>) src(%dma_wait3A_126 : memref<2x80xi32, #tpu.memory_space<hbm>>) dst(%dma_wait3A_122 : memref<2x80xi32, #tpu.memory_space<vmem>>)
      tpu.yield
    }) : () -> ()
    %dma_start3A = arith.constant 0 : i32
    %dma_start3A_13 = arith.constant 0 : i32
    %dma_start3A_14 = arith.constant 0 : i32
    %dma_start3A_15 = arith.constant 0 : i32
    %dma_start3A_16 = arith.constant 0 : i32
    %dma_start3A_17 = arith.constant 0 : i32
    %dma_start3A_18 = tpu.memref_slice %arg7[%dma_start3A_14, %dma_start3A_16, %dma_start3A_17] : memref<2x80x128xf32, #tpu.memory_space<vmem>> -> memref<1x80x128xf32, #tpu.memory_space<vmem>>
    %dma_start3A_19 = tpu.memref_squeeze %dma_start3A_18 : memref<1x80x128xf32, #tpu.memory_space<vmem>> -> memref<80x128xf32, #tpu.memory_space<vmem>>
    %dma_start3A_20 = arith.constant 0 : i32
    %dma_start3A_21 = tpu.memref_slice %arg6[%dma_start3A, %dma_start3A_13, %dma_start3A_20] : memref<2x2x80xi32, #tpu.memory_space<vmem>> -> memref<1x1x80xi32, #tpu.memory_space<vmem>>
    %dma_start3A_22 = tpu.memref_squeeze %dma_start3A_21 : memref<1x1x80xi32, #tpu.memory_space<vmem>> -> memref<80xi32, #tpu.memory_space<vmem>>
    %dma_start3A_23 = arith.constant 0 : i32
    %dma_start3A_24 = arith.constant 0 : i32
    %dma_start3A_25 = tpu.memref_slice %arg2[%dma_start3A_23, %dma_start3A_24] : memref<40000x128xf32, #tpu.memory_space<hbm>> -> memref<40000x128xf32, #tpu.memory_space<hbm>>
    %dma_start3A_26 = tpu.memref_slice %arg8[%dma_start3A_15] : memref<2x!tpu.dma_semaphore, #tpu.memory_space<semaphore_mem>> -> memref<1x!tpu.dma_semaphore, #tpu.memory_space<semaphore_mem>>
    %dma_start3A_27 = tpu.memref_squeeze %dma_start3A_26 : memref<1x!tpu.dma_semaphore, #tpu.memory_space<semaphore_mem>> -> memref<!tpu.dma_semaphore, #tpu.memory_space<semaphore_mem>>
    tpu.enqueue_indirect_dma source(%dma_start3A_25 : memref<40000x128xf32, #tpu.memory_space<hbm>>) target(%dma_start3A_19 : memref<80x128xf32, #tpu.memory_space<vmem>>) offsets(%dma_start3A_22 : memref<80xi32, #tpu.memory_space<vmem>>) semaphore(%dma_start3A_27 : memref<!tpu.dma_semaphore, #tpu.memory_space<semaphore_mem>>)
    %scan3A = arith.constant 0 : i32
    %scan3A_28 = arith.constant 0 : i32
    %scan3A_29 = arith.constant 250 : i32
    %scan3A_30 = arith.addi %scan3A_28, %scan3A_29 : i32
    %scan3A_31 = arith.constant 1 : i32
    scf.for %scan3A_95 = %scan3A_28 to %scan3A_30 step %scan3A_31  : i32 {
      %rem3A = arith.constant 2 : i32
      %rem3A_96 = arith.remsi %scan3A_95, %rem3A : i32
      %add3A_97 = arith.constant 1 : i32
      %add3A_98 = arith.addi %scan3A_95, %add3A_97 : i32
      %lt3A = arith.constant 250 : i32
      %lt3A_99 = arith.cmpi slt, %add3A_98, %lt3A : i32
      %convert_element_type3A_100 = arith.extui %lt3A_99 : i1 to i32
      %cond3A_101 = arith.constant 0 : i32
      %cond3A_102 = arith.cmpi ne, %convert_element_type3A_100, %cond3A_101 : i32
      scf.if %cond3A_102 {
        %add3A_116 = arith.constant 1 : i32
        %add3A_117 = arith.addi %scan3A_95, %add3A_116 : i32
        %sub3A = arith.constant 1 : i32
        %sub3A_118 = arith.subi %sub3A, %rem3A_96 : i32
        %add3A_119 = arith.addi %add3A_10, %add3A_117 : i32
        "tpu.region"() ({
          %run_scoped3A_133 = tpu.sem_alloc : memref<!tpu.dma_semaphore, #tpu.memory_space<semaphore_mem>>
          %dma_start3A_134 = arith.constant 0 : i32
          %dma_start3A_135 = arith.constant 0 : i32
          %dma_start3A_136 = tpu.memref_slice %arg6[%sub3A_118, %dma_start3A_134, %dma_start3A_135] : memref<2x2x80xi32, #tpu.memory_space<vmem>> -> memref<1x2x80xi32, #tpu.memory_space<vmem>>
          %dma_start3A_137 = tpu.memref_squeeze %dma_start3A_136 : memref<1x2x80xi32, #tpu.memory_space<vmem>> -> memref<2x80xi32, #tpu.memory_space<vmem>>
          %dma_start3A_138 = arith.constant 0 : i32
          %dma_start3A_139 = arith.constant 0 : i32
          %dma_start3A_140 = tpu.memref_slice %arg3[%add3A_119, %dma_start3A_138, %dma_start3A_139] : memref<16000x2x80xi32, #tpu.memory_space<hbm>> -> memref<1x2x80xi32, #tpu.memory_space<hbm>>
          %dma_start3A_141 = tpu.memref_squeeze %dma_start3A_140 : memref<1x2x80xi32, #tpu.memory_space<hbm>> -> memref<2x80xi32, #tpu.memory_space<hbm>>
          %dma_start3A_142 = arith.constant 0 : i32
          %dma_start3A_143 = arith.constant 0 : i32
          %dma_start3A_144 = tpu.memref_slice %arg6[%sub3A_118, %dma_start3A_142, %dma_start3A_143] : memref<2x2x80xi32, #tpu.memory_space<vmem>> -> memref<1x2x80xi32, #tpu.memory_space<vmem>>
          %dma_start3A_145 = tpu.memref_squeeze %dma_start3A_144 : memref<1x2x80xi32, #tpu.memory_space<vmem>> -> memref<2x80xi32, #tpu.memory_space<vmem>>
          %dma_start3A_146 = arith.constant 0 : i32
          %dma_start3A_147 = arith.constant 0 : i32
          %dma_start3A_148 = tpu.memref_slice %arg3[%add3A_119, %dma_start3A_146, %dma_start3A_147] : memref<16000x2x80xi32, #tpu.memory_space<hbm>> -> memref<1x2x80xi32, #tpu.memory_space<hbm>>
          %dma_start3A_149 = tpu.memref_squeeze %dma_start3A_148 : memref<1x2x80xi32, #tpu.memory_space<hbm>> -> memref<2x80xi32, #tpu.memory_space<hbm>>
          tpu.enqueue_dma source(%dma_start3A_149 : memref<2x80xi32, #tpu.memory_space<hbm>>) target(%dma_start3A_145 : memref<2x80xi32, #tpu.memory_space<vmem>>) target_semaphore(%run_scoped3A_133 : memref<!tpu.dma_semaphore, #tpu.memory_space<semaphore_mem>>)
          %dma_wait3A_150 = arith.constant 0 : i32
          %dma_wait3A_151 = arith.constant 0 : i32
          %dma_wait3A_152 = tpu.memref_slice %arg6[%sub3A_118, %dma_wait3A_150, %dma_wait3A_151] : memref<2x2x80xi32, #tpu.memory_space<vmem>> -> memref<1x2x80xi32, #tpu.memory_space<vmem>>
          %dma_wait3A_153 = tpu.memref_squeeze %dma_wait3A_152 : memref<1x2x80xi32, #tpu.memory_space<vmem>> -> memref<2x80xi32, #tpu.memory_space<vmem>>
          %dma_wait3A_154 = arith.constant 0 : i32
          %dma_wait3A_155 = arith.constant 0 : i32
          %dma_wait3A_156 = tpu.memref_slice %arg3[%add3A_119, %dma_wait3A_154, %dma_wait3A_155] : memref<16000x2x80xi32, #tpu.memory_space<hbm>> -> memref<1x2x80xi32, #tpu.memory_space<hbm>>
          %dma_wait3A_157 = tpu.memref_squeeze %dma_wait3A_156 : memref<1x2x80xi32, #tpu.memory_space<hbm>> -> memref<2x80xi32, #tpu.memory_space<hbm>>
          %dma_wait3A_158 = arith.constant 0 : i32
          %dma_wait3A_159 = arith.constant 0 : i32
          %dma_wait3A_160 = tpu.memref_slice %arg6[%sub3A_118, %dma_wait3A_158, %dma_wait3A_159] : memref<2x2x80xi32, #tpu.memory_space<vmem>> -> memref<1x2x80xi32, #tpu.memory_space<vmem>>
          %dma_wait3A_161 = tpu.memref_squeeze %dma_wait3A_160 : memref<1x2x80xi32, #tpu.memory_space<vmem>> -> memref<2x80xi32, #tpu.memory_space<vmem>>
          %dma_wait3A_162 = arith.constant 0 : i32
          %dma_wait3A_163 = arith.constant 0 : i32
          %dma_wait3A_164 = tpu.memref_slice %arg3[%add3A_119, %dma_wait3A_162, %dma_wait3A_163] : memref<16000x2x80xi32, #tpu.memory_space<hbm>> -> memref<1x2x80xi32, #tpu.memory_space<hbm>>
          %dma_wait3A_165 = tpu.memref_squeeze %dma_wait3A_164 : memref<1x2x80xi32, #tpu.memory_space<hbm>> -> memref<2x80xi32, #tpu.memory_space<hbm>>
          tpu.wait_dma2 semaphore(%run_scoped3A_133 : memref<!tpu.dma_semaphore, #tpu.memory_space<semaphore_mem>>) src(%dma_wait3A_165 : memref<2x80xi32, #tpu.memory_space<hbm>>) dst(%dma_wait3A_161 : memref<2x80xi32, #tpu.memory_space<vmem>>)
          tpu.yield
        }) : () -> ()
        %dma_start3A_120 = arith.constant 0 : i32
        %dma_start3A_121 = arith.constant 0 : i32
        %dma_start3A_122 = arith.constant 0 : i32
        %dma_start3A_123 = tpu.memref_slice %arg7[%sub3A_118, %dma_start3A_121, %dma_start3A_122] : memref<2x80x128xf32, #tpu.memory_space<vmem>> -> memref<1x80x128xf32, #tpu.memory_space<vmem>>
        %dma_start3A_124 = tpu.memref_squeeze %dma_start3A_123 : memref<1x80x128xf32, #tpu.memory_space<vmem>> -> memref<80x128xf32, #tpu.memory_space<vmem>>
        %dma_start3A_125 = arith.constant 0 : i32
        %dma_start3A_126 = tpu.memref_slice %arg6[%sub3A_118, %dma_start3A_120, %dma_start3A_125] : memref<2x2x80xi32, #tpu.memory_space<vmem>> -> memref<1x1x80xi32, #tpu.memory_space<vmem>>
        %dma_start3A_127 = tpu.memref_squeeze %dma_start3A_126 : memref<1x1x80xi32, #tpu.memory_space<vmem>> -> memref<80xi32, #tpu.memory_space<vmem>>
        %dma_start3A_128 = arith.constant 0 : i32
        %dma_start3A_129 = arith.constant 0 : i32
        %dma_start3A_130 = tpu.memref_slice %arg2[%dma_start3A_128, %dma_start3A_129] : memref<40000x128xf32, #tpu.memory_space<hbm>> -> memref<40000x128xf32, #tpu.memory_space<hbm>>
        %dma_start3A_131 = tpu.memref_slice %arg8[%sub3A_118] : memref<2x!tpu.dma_semaphore, #tpu.memory_space<semaphore_mem>> -> memref<1x!tpu.dma_semaphore, #tpu.memory_space<semaphore_mem>>
        %dma_start3A_132 = tpu.memref_squeeze %dma_start3A_131 : memref<1x!tpu.dma_semaphore, #tpu.memory_space<semaphore_mem>> -> memref<!tpu.dma_semaphore, #tpu.memory_space<semaphore_mem>>
        tpu.enqueue_indirect_dma source(%dma_start3A_130 : memref<40000x128xf32, #tpu.memory_space<hbm>>) target(%dma_start3A_124 : memref<80x128xf32, #tpu.memory_space<vmem>>) offsets(%dma_start3A_127 : memref<80xi32, #tpu.memory_space<vmem>>) semaphore(%dma_start3A_132 : memref<!tpu.dma_semaphore, #tpu.memory_space<semaphore_mem>>)
      } else {
      }
      %dma_wait3A = arith.constant 0 : i32
      %dma_wait3A_103 = arith.constant 0 : i32
      %dma_wait3A_104 = arith.constant 0 : i32
      %dma_wait3A_105 = tpu.memref_slice %arg7[%rem3A_96, %dma_wait3A_103, %dma_wait3A_104] : memref<2x80x128xf32, #tpu.memory_space<vmem>> -> memref<1x80x128xf32, #tpu.memory_space<vmem>>
      %dma_wait3A_106 = tpu.memref_squeeze %dma_wait3A_105 : memref<1x80x128xf32, #tpu.memory_space<vmem>> -> memref<80x128xf32, #tpu.memory_space<vmem>>
      %dma_wait3A_107 = arith.constant 0 : i32
      %dma_wait3A_108 = tpu.memref_slice %arg6[%rem3A_96, %dma_wait3A, %dma_wait3A_107] : memref<2x2x80xi32, #tpu.memory_space<vmem>> -> memref<1x1x80xi32, #tpu.memory_space<vmem>>
      %dma_wait3A_109 = tpu.memref_squeeze %dma_wait3A_108 : memref<1x1x80xi32, #tpu.memory_space<vmem>> -> memref<80xi32, #tpu.memory_space<vmem>>
      %dma_wait3A_110 = arith.constant 0 : i32
      %dma_wait3A_111 = arith.constant 0 : i32
      %dma_wait3A_112 = tpu.memref_slice %arg2[%dma_wait3A_110, %dma_wait3A_111] : memref<40000x128xf32, #tpu.memory_space<hbm>> -> memref<40000x128xf32, #tpu.memory_space<hbm>>
      %dma_wait3A_113 = tpu.memref_slice %arg8[%rem3A_96] : memref<2x!tpu.dma_semaphore, #tpu.memory_space<semaphore_mem>> -> memref<1x!tpu.dma_semaphore, #tpu.memory_space<semaphore_mem>>
      %dma_wait3A_114 = tpu.memref_squeeze %dma_wait3A_113 : memref<1x!tpu.dma_semaphore, #tpu.memory_space<semaphore_mem>> -> memref<!tpu.dma_semaphore, #tpu.memory_space<semaphore_mem>>
      tpu.wait_indirect_dma semaphore(%dma_wait3A_114 : memref<!tpu.dma_semaphore, #tpu.memory_space<semaphore_mem>>) src(%dma_wait3A_112 : memref<40000x128xf32, #tpu.memory_space<hbm>>) dst(%dma_wait3A_106 : memref<80x128xf32, #tpu.memory_space<vmem>>)
      %run_scoped3A_115 = arith.constant 1 : i32
      "tpu.region"() ({
        %run_scoped3A_116 = tpu.sem_alloc : memref<!tpu.dma_semaphore, #tpu.memory_space<semaphore_mem>>
        %dma_start3A_117 = arith.constant 0 : i32
        %dma_start3A_118 = arith.constant 0 : i32
        %dma_start3A_119 = tpu.memref_slice %arg7[%rem3A_96, %dma_start3A_117, %dma_start3A_118] : memref<2x80x128xf32, #tpu.memory_space<vmem>> -> memref<1x80x128xf32, #tpu.memory_space<vmem>>
        %dma_start3A_120 = tpu.memref_squeeze %dma_start3A_119 : memref<1x80x128xf32, #tpu.memory_space<vmem>> -> memref<80x128xf32, #tpu.memory_space<vmem>>
        %dma_start3A_121 = arith.constant 0 : i32
        %dma_start3A_122 = tpu.memref_slice %arg6[%rem3A_96, %run_scoped3A_115, %dma_start3A_121] : memref<2x2x80xi32, #tpu.memory_space<vmem>> -> memref<1x1x80xi32, #tpu.memory_space<vmem>>
        %dma_start3A_123 = tpu.memref_squeeze %dma_start3A_122 : memref<1x1x80xi32, #tpu.memory_space<vmem>> -> memref<80xi32, #tpu.memory_space<vmem>>
        %dma_start3A_124 = arith.constant 0 : i32
        %dma_start3A_125 = arith.constant 0 : i32
        %dma_start3A_126 = tpu.memref_slice %arg9[%dma_start3A_124, %dma_start3A_125] : memref<10016x128xf32, #tpu.memory_space<vmem_shared>> -> memref<10016x128xf32, #tpu.memory_space<vmem_shared>>
        tpu.enqueue_indirect_dma source(%dma_start3A_120 : memref<80x128xf32, #tpu.memory_space<vmem>>) target(%dma_start3A_126 : memref<10016x128xf32, #tpu.memory_space<vmem_shared>>) offsets(%dma_start3A_123 : memref<80xi32, #tpu.memory_space<vmem>>) semaphore(%run_scoped3A_116 : memref<!tpu.dma_semaphore, #tpu.memory_space<semaphore_mem>>) {add = true}
        %dma_wait3A_127 = arith.constant 0 : i32
        %dma_wait3A_128 = arith.constant 0 : i32
        %dma_wait3A_129 = tpu.memref_slice %arg7[%rem3A_96, %dma_wait3A_127, %dma_wait3A_128] : memref<2x80x128xf32, #tpu.memory_space<vmem>> -> memref<1x80x128xf32, #tpu.memory_space<vmem>>
        %dma_wait3A_130 = tpu.memref_squeeze %dma_wait3A_129 : memref<1x80x128xf32, #tpu.memory_space<vmem>> -> memref<80x128xf32, #tpu.memory_space<vmem>>
        %dma_wait3A_131 = arith.constant 0 : i32
        %dma_wait3A_132 = tpu.memref_slice %arg6[%rem3A_96, %run_scoped3A_115, %dma_wait3A_131] : memref<2x2x80xi32, #tpu.memory_space<vmem>> -> memref<1x1x80xi32, #tpu.memory_space<vmem>>
        %dma_wait3A_133 = tpu.memref_squeeze %dma_wait3A_132 : memref<1x1x80xi32, #tpu.memory_space<vmem>> -> memref<80xi32, #tpu.memory_space<vmem>>
        %dma_wait3A_134 = arith.constant 0 : i32
        %dma_wait3A_135 = arith.constant 0 : i32
        %dma_wait3A_136 = tpu.memref_slice %arg9[%dma_wait3A_134, %dma_wait3A_135] : memref<10016x128xf32, #tpu.memory_space<vmem_shared>> -> memref<10016x128xf32, #tpu.memory_space<vmem_shared>>
        tpu.wait_indirect_dma semaphore(%run_scoped3A_116 : memref<!tpu.dma_semaphore, #tpu.memory_space<semaphore_mem>>) src(%dma_wait3A_130 : memref<80x128xf32, #tpu.memory_space<vmem>>) dst(%dma_wait3A_136 : memref<10016x128xf32, #tpu.memory_space<vmem_shared>>)
        tpu.yield
      }) : () -> ()
    }
    %scan3A_32 = arith.constant 250 : i32
    %barrier3A_33 = arith.constant 0 : index
    tpu.barrier barrier_id(%barrier3A_33)
    %mul3A_34 = arith.constant 10000 : i32
    %mul3A_35 = arith.muli %add3A_3, %mul3A_34 : i32
    %add3A_36 = arith.addi %mul3A_35, %multiple_of3A : i32
    %multiple_of3A_37 = tpu.assume_multiple %add3A_36, 8 : i32
    "tpu.region"() ({
      %run_scoped3A_95 = tpu.sem_alloc : memref<!tpu.dma_semaphore, #tpu.memory_space<semaphore_mem>>
      %dma_start3A_96 = arith.constant 0 : i32
      %dma_start3A_97 = tpu.memref_slice %arg5[%multiple_of3A_37, %dma_start3A_96] : memref<40000x128xf32, #tpu.memory_space<hbm>> -> memref<624x128xf32, #tpu.memory_space<hbm>>
      %dma_start3A_98 = arith.constant 0 : i32
      %dma_start3A_99 = tpu.memref_slice %arg9[%multiple_of3A, %dma_start3A_98] : memref<10016x128xf32, #tpu.memory_space<vmem_shared>> -> memref<624x128xf32, #tpu.memory_space<vmem_shared>>
      tpu.enqueue_dma source(%dma_start3A_99 : memref<624x128xf32, #tpu.memory_space<vmem_shared>>) target(%dma_start3A_97 : memref<624x128xf32, #tpu.memory_space<hbm>>) target_semaphore(%run_scoped3A_95 : memref<!tpu.dma_semaphore, #tpu.memory_space<semaphore_mem>>)
      %dma_wait3A = arith.constant 0 : i32
      %dma_wait3A_100 = tpu.memref_slice %arg5[%multiple_of3A_37, %dma_wait3A] : memref<40000x128xf32, #tpu.memory_space<hbm>> -> memref<624x128xf32, #tpu.memory_space<hbm>>
      %dma_wait3A_101 = arith.constant 0 : i32
      %dma_wait3A_102 = tpu.memref_slice %arg9[%multiple_of3A, %dma_wait3A_101] : memref<10016x128xf32, #tpu.memory_space<vmem_shared>> -> memref<624x128xf32, #tpu.memory_space<vmem_shared>>
      tpu.wait_dma2 semaphore(%run_scoped3A_95 : memref<!tpu.dma_semaphore, #tpu.memory_space<semaphore_mem>>) src(%dma_wait3A_102 : memref<624x128xf32, #tpu.memory_space<vmem_shared>>) dst(%dma_wait3A_100 : memref<624x128xf32, #tpu.memory_space<hbm>>)
      tpu.yield
    }) : () -> ()
    %eq3A_38 = arith.constant 0 : i32
    %eq3A_39 = arith.cmpi eq, %arg1, %eq3A_38 : i32
    %convert_element_type3A_40 = arith.extui %eq3A_39 : i1 to i32
    %cond3A_41 = arith.constant 0 : i32
    %cond3A_42 = arith.cmpi ne, %convert_element_type3A_40, %cond3A_41 : i32
    scf.if %cond3A_42 {
      %mul3A_95 = arith.constant 10000 : i32
      %mul3A_96 = arith.muli %add3A_3, %mul3A_95 : i32
      %add3A_97 = arith.constant 9984 : i32
      %add3A_98 = arith.addi %mul3A_96, %add3A_97 : i32
      %multiple_of3A_99 = tpu.assume_multiple %add3A_98, 8 : i32
      "tpu.region"() ({
        %run_scoped3A_100 = tpu.sem_alloc : memref<!tpu.dma_semaphore, #tpu.memory_space<semaphore_mem>>
        %dma_start3A_101 = arith.constant 0 : i32
        %dma_start3A_102 = tpu.memref_slice %arg5[%multiple_of3A_99, %dma_start3A_101] : memref<40000x128xf32, #tpu.memory_space<hbm>> -> memref<16x128xf32, #tpu.memory_space<hbm>>
        %dma_start3A_103 = arith.constant 9984 : i32
        %dma_start3A_104 = arith.constant 0 : i32
        %dma_start3A_105 = tpu.memref_slice %arg9[%dma_start3A_103, %dma_start3A_104] : memref<10016x128xf32, #tpu.memory_space<vmem_shared>> -> memref<16x128xf32, #tpu.memory_space<vmem_shared>>
        tpu.enqueue_dma source(%dma_start3A_105 : memref<16x128xf32, #tpu.memory_space<vmem_shared>>) target(%dma_start3A_102 : memref<16x128xf32, #tpu.memory_space<hbm>>) target_semaphore(%run_scoped3A_100 : memref<!tpu.dma_semaphore, #tpu.memory_space<semaphore_mem>>)
        %dma_wait3A = arith.constant 0 : i32
        %dma_wait3A_106 = tpu.memref_slice %arg5[%multiple_of3A_99, %dma_wait3A] : memref<40000x128xf32, #tpu.memory_space<hbm>> -> memref<16x128xf32, #tpu.memory_space<hbm>>
        %dma_wait3A_107 = arith.constant 9984 : i32
        %dma_wait3A_108 = arith.constant 0 : i32
        %dma_wait3A_109 = tpu.memref_slice %arg9[%dma_wait3A_107, %dma_wait3A_108] : memref<10016x128xf32, #tpu.memory_space<vmem_shared>> -> memref<16x128xf32, #tpu.memory_space<vmem_shared>>
        tpu.wait_dma2 semaphore(%run_scoped3A_100 : memref<!tpu.dma_semaphore, #tpu.memory_space<semaphore_mem>>) src(%dma_wait3A_109 : memref<16x128xf32, #tpu.memory_space<vmem_shared>>) dst(%dma_wait3A_106 : memref<16x128xf32, #tpu.memory_space<hbm>>)
        tpu.yield
      }) : () -> ()
    } else {
    }
    %barrier3A_43 = arith.constant 0 : index
    tpu.barrier barrier_id(%barrier3A_43)
    %mul3A_44 = arith.constant 2 : i32
    %mul3A_45 = arith.muli %arg0, %mul3A_44 : i32
    %add3A_46 = arith.constant 1 : i32
    %add3A_47 = arith.addi %mul3A_45, %add3A_46 : i32
    "tpu.region"() ({
      %run_scoped3A_95 = tpu.sem_alloc : memref<!tpu.dma_semaphore, #tpu.memory_space<semaphore_mem>>
      %dma_start3A_96 = arith.constant 0 : i32
      %dma_start3A_97 = tpu.memref_slice %arg9[%multiple_of3A, %dma_start3A_96] : memref<10016x128xf32, #tpu.memory_space<vmem_shared>> -> memref<624x128xf32, #tpu.memory_space<vmem_shared>>
      tpu.enqueue_dma source(%arg4 : memref<624x128xf32, #tpu.memory_space<hbm>>) target(%dma_start3A_97 : memref<624x128xf32, #tpu.memory_space<vmem_shared>>) target_semaphore(%run_scoped3A_95 : memref<!tpu.dma_semaphore, #tpu.memory_space<semaphore_mem>>)
      %dma_wait3A = arith.constant 0 : i32
      %dma_wait3A_98 = tpu.memref_slice %arg9[%multiple_of3A, %dma_wait3A] : memref<10016x128xf32, #tpu.memory_space<vmem_shared>> -> memref<624x128xf32, #tpu.memory_space<vmem_shared>>
      tpu.wait_dma2 semaphore(%run_scoped3A_95 : memref<!tpu.dma_semaphore, #tpu.memory_space<semaphore_mem>>) src(%arg4 : memref<624x128xf32, #tpu.memory_space<hbm>>) dst(%dma_wait3A_98 : memref<624x128xf32, #tpu.memory_space<vmem_shared>>)
      tpu.yield
    }) : () -> ()
    %eq3A_48 = arith.constant 0 : i32
    %eq3A_49 = arith.cmpi eq, %arg1, %eq3A_48 : i32
    %convert_element_type3A_50 = arith.extui %eq3A_49 : i1 to i32
    %cond3A_51 = arith.constant 0 : i32
    %cond3A_52 = arith.cmpi ne, %convert_element_type3A_50, %cond3A_51 : i32
    scf.if %cond3A_52 {
      "tpu.region"() ({
        %run_scoped3A_95 = tpu.sem_alloc : memref<!tpu.dma_semaphore, #tpu.memory_space<semaphore_mem>>
        %dma_start3A_96 = arith.constant 9984 : i32
        %dma_start3A_97 = arith.constant 0 : i32
        %dma_start3A_98 = tpu.memref_slice %arg9[%dma_start3A_96, %dma_start3A_97] : memref<10016x128xf32, #tpu.memory_space<vmem_shared>> -> memref<32x128xf32, #tpu.memory_space<vmem_shared>>
        %dma_start3A_99 = arith.constant 0 : i32
        %dma_start3A_100 = arith.constant 0 : i32
        %dma_start3A_101 = tpu.memref_slice %arg4[%dma_start3A_99, %dma_start3A_100] : memref<624x128xf32, #tpu.memory_space<hbm>> -> memref<32x128xf32, #tpu.memory_space<hbm>>
        tpu.enqueue_dma source(%dma_start3A_101 : memref<32x128xf32, #tpu.memory_space<hbm>>) target(%dma_start3A_98 : memref<32x128xf32, #tpu.memory_space<vmem_shared>>) target_semaphore(%run_scoped3A_95 : memref<!tpu.dma_semaphore, #tpu.memory_space<semaphore_mem>>)
        %dma_wait3A = arith.constant 9984 : i32
        %dma_wait3A_102 = arith.constant 0 : i32
        %dma_wait3A_103 = tpu.memref_slice %arg9[%dma_wait3A, %dma_wait3A_102] : memref<10016x128xf32, #tpu.memory_space<vmem_shared>> -> memref<32x128xf32, #tpu.memory_space<vmem_shared>>
        %dma_wait3A_104 = arith.constant 0 : i32
        %dma_wait3A_105 = arith.constant 0 : i32
        %dma_wait3A_106 = tpu.memref_slice %arg4[%dma_wait3A_104, %dma_wait3A_105] : memref<624x128xf32, #tpu.memory_space<hbm>> -> memref<32x128xf32, #tpu.memory_space<hbm>>
        tpu.wait_dma2 semaphore(%run_scoped3A_95 : memref<!tpu.dma_semaphore, #tpu.memory_space<semaphore_mem>>) src(%dma_wait3A_106 : memref<32x128xf32, #tpu.memory_space<hbm>>) dst(%dma_wait3A_103 : memref<32x128xf32, #tpu.memory_space<vmem_shared>>)
        tpu.yield
      }) : () -> ()
    } else {
    }
    %barrier3A_53 = arith.constant 0 : index
    tpu.barrier barrier_id(%barrier3A_53)
    %mul3A_54 = arith.constant 4000 : i32
    %mul3A_55 = arith.muli %add3A_47, %mul3A_54 : i32
    %mul3A_56 = arith.constant 250 : i32
    %mul3A_57 = arith.muli %arg1, %mul3A_56 : i32
    %add3A_58 = arith.addi %mul3A_55, %mul3A_57 : i32
    %add3A_59 = arith.constant 0 : i32
    %add3A_60 = arith.addi %add3A_58, %add3A_59 : i32
    %run_scoped3A_61 = arith.constant 0 : i32
    "tpu.region"() ({
      %run_scoped3A_95 = tpu.sem_alloc : memref<!tpu.dma_semaphore, #tpu.memory_space<semaphore_mem>>
      %dma_start3A_96 = arith.constant 0 : i32
      %dma_start3A_97 = arith.constant 0 : i32
      %dma_start3A_98 = tpu.memref_slice %arg6[%run_scoped3A_61, %dma_start3A_96, %dma_start3A_97] : memref<2x2x80xi32, #tpu.memory_space<vmem>> -> memref<1x2x80xi32, #tpu.memory_space<vmem>>
      %dma_start3A_99 = tpu.memref_squeeze %dma_start3A_98 : memref<1x2x80xi32, #tpu.memory_space<vmem>> -> memref<2x80xi32, #tpu.memory_space<vmem>>
      %dma_start3A_100 = arith.constant 0 : i32
      %dma_start3A_101 = arith.constant 0 : i32
      %dma_start3A_102 = tpu.memref_slice %arg3[%add3A_60, %dma_start3A_100, %dma_start3A_101] : memref<16000x2x80xi32, #tpu.memory_space<hbm>> -> memref<1x2x80xi32, #tpu.memory_space<hbm>>
      %dma_start3A_103 = tpu.memref_squeeze %dma_start3A_102 : memref<1x2x80xi32, #tpu.memory_space<hbm>> -> memref<2x80xi32, #tpu.memory_space<hbm>>
      %dma_start3A_104 = arith.constant 0 : i32
      %dma_start3A_105 = arith.constant 0 : i32
      %dma_start3A_106 = tpu.memref_slice %arg6[%run_scoped3A_61, %dma_start3A_104, %dma_start3A_105] : memref<2x2x80xi32, #tpu.memory_space<vmem>> -> memref<1x2x80xi32, #tpu.memory_space<vmem>>
      %dma_start3A_107 = tpu.memref_squeeze %dma_start3A_106 : memref<1x2x80xi32, #tpu.memory_space<vmem>> -> memref<2x80xi32, #tpu.memory_space<vmem>>
      %dma_start3A_108 = arith.constant 0 : i32
      %dma_start3A_109 = arith.constant 0 : i32
      %dma_start3A_110 = tpu.memref_slice %arg3[%add3A_60, %dma_start3A_108, %dma_start3A_109] : memref<16000x2x80xi32, #tpu.memory_space<hbm>> -> memref<1x2x80xi32, #tpu.memory_space<hbm>>
      %dma_start3A_111 = tpu.memref_squeeze %dma_start3A_110 : memref<1x2x80xi32, #tpu.memory_space<hbm>> -> memref<2x80xi32, #tpu.memory_space<hbm>>
      tpu.enqueue_dma source(%dma_start3A_111 : memref<2x80xi32, #tpu.memory_space<hbm>>) target(%dma_start3A_107 : memref<2x80xi32, #tpu.memory_space<vmem>>) target_semaphore(%run_scoped3A_95 : memref<!tpu.dma_semaphore, #tpu.memory_space<semaphore_mem>>)
      %dma_wait3A = arith.constant 0 : i32
      %dma_wait3A_112 = arith.constant 0 : i32
      %dma_wait3A_113 = tpu.memref_slice %arg6[%run_scoped3A_61, %dma_wait3A, %dma_wait3A_112] : memref<2x2x80xi32, #tpu.memory_space<vmem>> -> memref<1x2x80xi32, #tpu.memory_space<vmem>>
      %dma_wait3A_114 = tpu.memref_squeeze %dma_wait3A_113 : memref<1x2x80xi32, #tpu.memory_space<vmem>> -> memref<2x80xi32, #tpu.memory_space<vmem>>
      %dma_wait3A_115 = arith.constant 0 : i32
      %dma_wait3A_116 = arith.constant 0 : i32
      %dma_wait3A_117 = tpu.memref_slice %arg3[%add3A_60, %dma_wait3A_115, %dma_wait3A_116] : memref<16000x2x80xi32, #tpu.memory_space<hbm>> -> memref<1x2x80xi32, #tpu.memory_space<hbm>>
      %dma_wait3A_118 = tpu.memref_squeeze %dma_wait3A_117 : memref<1x2x80xi32, #tpu.memory_space<hbm>> -> memref<2x80xi32, #tpu.memory_space<hbm>>
      %dma_wait3A_119 = arith.constant 0 : i32
      %dma_wait3A_120 = arith.constant 0 : i32
      %dma_wait3A_121 = tpu.memref_slice %arg6[%run_scoped3A_61, %dma_wait3A_119, %dma_wait3A_120] : memref<2x2x80xi32, #tpu.memory_space<vmem>> -> memref<1x2x80xi32, #tpu.memory_space<vmem>>
      %dma_wait3A_122 = tpu.memref_squeeze %dma_wait3A_121 : memref<1x2x80xi32, #tpu.memory_space<vmem>> -> memref<2x80xi32, #tpu.memory_space<vmem>>
      %dma_wait3A_123 = arith.constant 0 : i32
      %dma_wait3A_124 = arith.constant 0 : i32
      %dma_wait3A_125 = tpu.memref_slice %arg3[%add3A_60, %dma_wait3A_123, %dma_wait3A_124] : memref<16000x2x80xi32, #tpu.memory_space<hbm>> -> memref<1x2x80xi32, #tpu.memory_space<hbm>>
      %dma_wait3A_126 = tpu.memref_squeeze %dma_wait3A_125 : memref<1x2x80xi32, #tpu.memory_space<hbm>> -> memref<2x80xi32, #tpu.memory_space<hbm>>
      tpu.wait_dma2 semaphore(%run_scoped3A_95 : memref<!tpu.dma_semaphore, #tpu.memory_space<semaphore_mem>>) src(%dma_wait3A_126 : memref<2x80xi32, #tpu.memory_space<hbm>>) dst(%dma_wait3A_122 : memref<2x80xi32, #tpu.memory_space<vmem>>)
      tpu.yield
    }) : () -> ()
    %dma_start3A_62 = arith.constant 0 : i32
    %dma_start3A_63 = arith.constant 0 : i32
    %dma_start3A_64 = arith.constant 0 : i32
    %dma_start3A_65 = arith.constant 0 : i32
    %dma_start3A_66 = arith.constant 0 : i32
    %dma_start3A_67 = arith.constant 0 : i32
    %dma_start3A_68 = tpu.memref_slice %arg7[%dma_start3A_64, %dma_start3A_66, %dma_start3A_67] : memref<2x80x128xf32, #tpu.memory_space<vmem>> -> memref<1x80x128xf32, #tpu.memory_space<vmem>>
    %dma_start3A_69 = tpu.memref_squeeze %dma_start3A_68 : memref<1x80x128xf32, #tpu.memory_space<vmem>> -> memref<80x128xf32, #tpu.memory_space<vmem>>
    %dma_start3A_70 = arith.constant 0 : i32
    %dma_start3A_71 = tpu.memref_slice %arg6[%dma_start3A_62, %dma_start3A_63, %dma_start3A_70] : memref<2x2x80xi32, #tpu.memory_space<vmem>> -> memref<1x1x80xi32, #tpu.memory_space<vmem>>
    %dma_start3A_72 = tpu.memref_squeeze %dma_start3A_71 : memref<1x1x80xi32, #tpu.memory_space<vmem>> -> memref<80xi32, #tpu.memory_space<vmem>>
    %dma_start3A_73 = arith.constant 0 : i32
    %dma_start3A_74 = arith.constant 0 : i32
    %dma_start3A_75 = tpu.memref_slice %arg2[%dma_start3A_73, %dma_start3A_74] : memref<40000x128xf32, #tpu.memory_space<hbm>> -> memref<40000x128xf32, #tpu.memory_space<hbm>>
    %dma_start3A_76 = tpu.memref_slice %arg8[%dma_start3A_65] : memref<2x!tpu.dma_semaphore, #tpu.memory_space<semaphore_mem>> -> memref<1x!tpu.dma_semaphore, #tpu.memory_space<semaphore_mem>>
    %dma_start3A_77 = tpu.memref_squeeze %dma_start3A_76 : memref<1x!tpu.dma_semaphore, #tpu.memory_space<semaphore_mem>> -> memref<!tpu.dma_semaphore, #tpu.memory_space<semaphore_mem>>
    tpu.enqueue_indirect_dma source(%dma_start3A_75 : memref<40000x128xf32, #tpu.memory_space<hbm>>) target(%dma_start3A_69 : memref<80x128xf32, #tpu.memory_space<vmem>>) offsets(%dma_start3A_72 : memref<80xi32, #tpu.memory_space<vmem>>) semaphore(%dma_start3A_77 : memref<!tpu.dma_semaphore, #tpu.memory_space<semaphore_mem>>)
    %scan3A_78 = arith.constant 0 : i32
    %scan3A_79 = arith.constant 0 : i32
    %scan3A_80 = arith.constant 250 : i32
    %scan3A_81 = arith.addi %scan3A_79, %scan3A_80 : i32
    %scan3A_82 = arith.constant 1 : i32
    scf.for %scan3A_95 = %scan3A_79 to %scan3A_81 step %scan3A_82  : i32 {
      %rem3A = arith.constant 2 : i32
      %rem3A_96 = arith.remsi %scan3A_95, %rem3A : i32
      %add3A_97 = arith.constant 1 : i32
      %add3A_98 = arith.addi %scan3A_95, %add3A_97 : i32
      %lt3A = arith.constant 250 : i32
      %lt3A_99 = arith.cmpi slt, %add3A_98, %lt3A : i32
      %convert_element_type3A_100 = arith.extui %lt3A_99 : i1 to i32
      %cond3A_101 = arith.constant 0 : i32
      %cond3A_102 = arith.cmpi ne, %convert_element_type3A_100, %cond3A_101 : i32
      scf.if %cond3A_102 {
        %add3A_116 = arith.constant 1 : i32
        %add3A_117 = arith.addi %scan3A_95, %add3A_116 : i32
        %sub3A = arith.constant 1 : i32
        %sub3A_118 = arith.subi %sub3A, %rem3A_96 : i32
        %add3A_119 = arith.addi %add3A_58, %add3A_117 : i32
        "tpu.region"() ({
          %run_scoped3A_133 = tpu.sem_alloc : memref<!tpu.dma_semaphore, #tpu.memory_space<semaphore_mem>>
          %dma_start3A_134 = arith.constant 0 : i32
          %dma_start3A_135 = arith.constant 0 : i32
          %dma_start3A_136 = tpu.memref_slice %arg6[%sub3A_118, %dma_start3A_134, %dma_start3A_135] : memref<2x2x80xi32, #tpu.memory_space<vmem>> -> memref<1x2x80xi32, #tpu.memory_space<vmem>>
          %dma_start3A_137 = tpu.memref_squeeze %dma_start3A_136 : memref<1x2x80xi32, #tpu.memory_space<vmem>> -> memref<2x80xi32, #tpu.memory_space<vmem>>
          %dma_start3A_138 = arith.constant 0 : i32
          %dma_start3A_139 = arith.constant 0 : i32
          %dma_start3A_140 = tpu.memref_slice %arg3[%add3A_119, %dma_start3A_138, %dma_start3A_139] : memref<16000x2x80xi32, #tpu.memory_space<hbm>> -> memref<1x2x80xi32, #tpu.memory_space<hbm>>
          %dma_start3A_141 = tpu.memref_squeeze %dma_start3A_140 : memref<1x2x80xi32, #tpu.memory_space<hbm>> -> memref<2x80xi32, #tpu.memory_space<hbm>>
          %dma_start3A_142 = arith.constant 0 : i32
          %dma_start3A_143 = arith.constant 0 : i32
          %dma_start3A_144 = tpu.memref_slice %arg6[%sub3A_118, %dma_start3A_142, %dma_start3A_143] : memref<2x2x80xi32, #tpu.memory_space<vmem>> -> memref<1x2x80xi32, #tpu.memory_space<vmem>>
          %dma_start3A_145 = tpu.memref_squeeze %dma_start3A_144 : memref<1x2x80xi32, #tpu.memory_space<vmem>> -> memref<2x80xi32, #tpu.memory_space<vmem>>
          %dma_start3A_146 = arith.constant 0 : i32
          %dma_start3A_147 = arith.constant 0 : i32
          %dma_start3A_148 = tpu.memref_slice %arg3[%add3A_119, %dma_start3A_146, %dma_start3A_147] : memref<16000x2x80xi32, #tpu.memory_space<hbm>> -> memref<1x2x80xi32, #tpu.memory_space<hbm>>
          %dma_start3A_149 = tpu.memref_squeeze %dma_start3A_148 : memref<1x2x80xi32, #tpu.memory_space<hbm>> -> memref<2x80xi32, #tpu.memory_space<hbm>>
          tpu.enqueue_dma source(%dma_start3A_149 : memref<2x80xi32, #tpu.memory_space<hbm>>) target(%dma_start3A_145 : memref<2x80xi32, #tpu.memory_space<vmem>>) target_semaphore(%run_scoped3A_133 : memref<!tpu.dma_semaphore, #tpu.memory_space<semaphore_mem>>)
          %dma_wait3A_150 = arith.constant 0 : i32
          %dma_wait3A_151 = arith.constant 0 : i32
          %dma_wait3A_152 = tpu.memref_slice %arg6[%sub3A_118, %dma_wait3A_150, %dma_wait3A_151] : memref<2x2x80xi32, #tpu.memory_space<vmem>> -> memref<1x2x80xi32, #tpu.memory_space<vmem>>
          %dma_wait3A_153 = tpu.memref_squeeze %dma_wait3A_152 : memref<1x2x80xi32, #tpu.memory_space<vmem>> -> memref<2x80xi32, #tpu.memory_space<vmem>>
          %dma_wait3A_154 = arith.constant 0 : i32
          %dma_wait3A_155 = arith.constant 0 : i32
          %dma_wait3A_156 = tpu.memref_slice %arg3[%add3A_119, %dma_wait3A_154, %dma_wait3A_155] : memref<16000x2x80xi32, #tpu.memory_space<hbm>> -> memref<1x2x80xi32, #tpu.memory_space<hbm>>
          %dma_wait3A_157 = tpu.memref_squeeze %dma_wait3A_156 : memref<1x2x80xi32, #tpu.memory_space<hbm>> -> memref<2x80xi32, #tpu.memory_space<hbm>>
          %dma_wait3A_158 = arith.constant 0 : i32
          %dma_wait3A_159 = arith.constant 0 : i32
          %dma_wait3A_160 = tpu.memref_slice %arg6[%sub3A_118, %dma_wait3A_158, %dma_wait3A_159] : memref<2x2x80xi32, #tpu.memory_space<vmem>> -> memref<1x2x80xi32, #tpu.memory_space<vmem>>
          %dma_wait3A_161 = tpu.memref_squeeze %dma_wait3A_160 : memref<1x2x80xi32, #tpu.memory_space<vmem>> -> memref<2x80xi32, #tpu.memory_space<vmem>>
          %dma_wait3A_162 = arith.constant 0 : i32
          %dma_wait3A_163 = arith.constant 0 : i32
          %dma_wait3A_164 = tpu.memref_slice %arg3[%add3A_119, %dma_wait3A_162, %dma_wait3A_163] : memref<16000x2x80xi32, #tpu.memory_space<hbm>> -> memref<1x2x80xi32, #tpu.memory_space<hbm>>
          %dma_wait3A_165 = tpu.memref_squeeze %dma_wait3A_164 : memref<1x2x80xi32, #tpu.memory_space<hbm>> -> memref<2x80xi32, #tpu.memory_space<hbm>>
          tpu.wait_dma2 semaphore(%run_scoped3A_133 : memref<!tpu.dma_semaphore, #tpu.memory_space<semaphore_mem>>) src(%dma_wait3A_165 : memref<2x80xi32, #tpu.memory_space<hbm>>) dst(%dma_wait3A_161 : memref<2x80xi32, #tpu.memory_space<vmem>>)
          tpu.yield
        }) : () -> ()
        %dma_start3A_120 = arith.constant 0 : i32
        %dma_start3A_121 = arith.constant 0 : i32
        %dma_start3A_122 = arith.constant 0 : i32
        %dma_start3A_123 = tpu.memref_slice %arg7[%sub3A_118, %dma_start3A_121, %dma_start3A_122] : memref<2x80x128xf32, #tpu.memory_space<vmem>> -> memref<1x80x128xf32, #tpu.memory_space<vmem>>
        %dma_start3A_124 = tpu.memref_squeeze %dma_start3A_123 : memref<1x80x128xf32, #tpu.memory_space<vmem>> -> memref<80x128xf32, #tpu.memory_space<vmem>>
        %dma_start3A_125 = arith.constant 0 : i32
        %dma_start3A_126 = tpu.memref_slice %arg6[%sub3A_118, %dma_start3A_120, %dma_start3A_125] : memref<2x2x80xi32, #tpu.memory_space<vmem>> -> memref<1x1x80xi32, #tpu.memory_space<vmem>>
        %dma_start3A_127 = tpu.memref_squeeze %dma_start3A_126 : memref<1x1x80xi32, #tpu.memory_space<vmem>> -> memref<80xi32, #tpu.memory_space<vmem>>
        %dma_start3A_128 = arith.constant 0 : i32
        %dma_start3A_129 = arith.constant 0 : i32
        %dma_start3A_130 = tpu.memref_slice %arg2[%dma_start3A_128, %dma_start3A_129] : memref<40000x128xf32, #tpu.memory_space<hbm>> -> memref<40000x128xf32, #tpu.memory_space<hbm>>
        %dma_start3A_131 = tpu.memref_slice %arg8[%sub3A_118] : memref<2x!tpu.dma_semaphore, #tpu.memory_space<semaphore_mem>> -> memref<1x!tpu.dma_semaphore, #tpu.memory_space<semaphore_mem>>
        %dma_start3A_132 = tpu.memref_squeeze %dma_start3A_131 : memref<1x!tpu.dma_semaphore, #tpu.memory_space<semaphore_mem>> -> memref<!tpu.dma_semaphore, #tpu.memory_space<semaphore_mem>>
        tpu.enqueue_indirect_dma source(%dma_start3A_130 : memref<40000x128xf32, #tpu.memory_space<hbm>>) target(%dma_start3A_124 : memref<80x128xf32, #tpu.memory_space<vmem>>) offsets(%dma_start3A_127 : memref<80xi32, #tpu.memory_space<vmem>>) semaphore(%dma_start3A_132 : memref<!tpu.dma_semaphore, #tpu.memory_space<semaphore_mem>>)
      } else {
      }
      %dma_wait3A = arith.constant 0 : i32
      %dma_wait3A_103 = arith.constant 0 : i32
      %dma_wait3A_104 = arith.constant 0 : i32
      %dma_wait3A_105 = tpu.memref_slice %arg7[%rem3A_96, %dma_wait3A_103, %dma_wait3A_104] : memref<2x80x128xf32, #tpu.memory_space<vmem>> -> memref<1x80x128xf32, #tpu.memory_space<vmem>>
      %dma_wait3A_106 = tpu.memref_squeeze %dma_wait3A_105 : memref<1x80x128xf32, #tpu.memory_space<vmem>> -> memref<80x128xf32, #tpu.memory_space<vmem>>
      %dma_wait3A_107 = arith.constant 0 : i32
      %dma_wait3A_108 = tpu.memref_slice %arg6[%rem3A_96, %dma_wait3A, %dma_wait3A_107] : memref<2x2x80xi32, #tpu.memory_space<vmem>> -> memref<1x1x80xi32, #tpu.memory_space<vmem>>
      %dma_wait3A_109 = tpu.memref_squeeze %dma_wait3A_108 : memref<1x1x80xi32, #tpu.memory_space<vmem>> -> memref<80xi32, #tpu.memory_space<vmem>>
      %dma_wait3A_110 = arith.constant 0 : i32
      %dma_wait3A_111 = arith.constant 0 : i32
      %dma_wait3A_112 = tpu.memref_slice %arg2[%dma_wait3A_110, %dma_wait3A_111] : memref<40000x128xf32, #tpu.memory_space<hbm>> -> memref<40000x128xf32, #tpu.memory_space<hbm>>
      %dma_wait3A_113 = tpu.memref_slice %arg8[%rem3A_96] : memref<2x!tpu.dma_semaphore, #tpu.memory_space<semaphore_mem>> -> memref<1x!tpu.dma_semaphore, #tpu.memory_space<semaphore_mem>>
      %dma_wait3A_114 = tpu.memref_squeeze %dma_wait3A_113 : memref<1x!tpu.dma_semaphore, #tpu.memory_space<semaphore_mem>> -> memref<!tpu.dma_semaphore, #tpu.memory_space<semaphore_mem>>
      tpu.wait_indirect_dma semaphore(%dma_wait3A_114 : memref<!tpu.dma_semaphore, #tpu.memory_space<semaphore_mem>>) src(%dma_wait3A_112 : memref<40000x128xf32, #tpu.memory_space<hbm>>) dst(%dma_wait3A_106 : memref<80x128xf32, #tpu.memory_space<vmem>>)
      %run_scoped3A_115 = arith.constant 1 : i32
      "tpu.region"() ({
        %run_scoped3A_116 = tpu.sem_alloc : memref<!tpu.dma_semaphore, #tpu.memory_space<semaphore_mem>>
        %dma_start3A_117 = arith.constant 0 : i32
        %dma_start3A_118 = arith.constant 0 : i32
        %dma_start3A_119 = tpu.memref_slice %arg7[%rem3A_96, %dma_start3A_117, %dma_start3A_118] : memref<2x80x128xf32, #tpu.memory_space<vmem>> -> memref<1x80x128xf32, #tpu.memory_space<vmem>>
        %dma_start3A_120 = tpu.memref_squeeze %dma_start3A_119 : memref<1x80x128xf32, #tpu.memory_space<vmem>> -> memref<80x128xf32, #tpu.memory_space<vmem>>
        %dma_start3A_121 = arith.constant 0 : i32
        %dma_start3A_122 = tpu.memref_slice %arg6[%rem3A_96, %run_scoped3A_115, %dma_start3A_121] : memref<2x2x80xi32, #tpu.memory_space<vmem>> -> memref<1x1x80xi32, #tpu.memory_space<vmem>>
        %dma_start3A_123 = tpu.memref_squeeze %dma_start3A_122 : memref<1x1x80xi32, #tpu.memory_space<vmem>> -> memref<80xi32, #tpu.memory_space<vmem>>
        %dma_start3A_124 = arith.constant 0 : i32
        %dma_start3A_125 = arith.constant 0 : i32
        %dma_start3A_126 = tpu.memref_slice %arg9[%dma_start3A_124, %dma_start3A_125] : memref<10016x128xf32, #tpu.memory_space<vmem_shared>> -> memref<10016x128xf32, #tpu.memory_space<vmem_shared>>
        tpu.enqueue_indirect_dma source(%dma_start3A_120 : memref<80x128xf32, #tpu.memory_space<vmem>>) target(%dma_start3A_126 : memref<10016x128xf32, #tpu.memory_space<vmem_shared>>) offsets(%dma_start3A_123 : memref<80xi32, #tpu.memory_space<vmem>>) semaphore(%run_scoped3A_116 : memref<!tpu.dma_semaphore, #tpu.memory_space<semaphore_mem>>) {add = true}
        %dma_wait3A_127 = arith.constant 0 : i32
        %dma_wait3A_128 = arith.constant 0 : i32
        %dma_wait3A_129 = tpu.memref_slice %arg7[%rem3A_96, %dma_wait3A_127, %dma_wait3A_128] : memref<2x80x128xf32, #tpu.memory_space<vmem>> -> memref<1x80x128xf32, #tpu.memory_space<vmem>>
        %dma_wait3A_130 = tpu.memref_squeeze %dma_wait3A_129 : memref<1x80x128xf32, #tpu.memory_space<vmem>> -> memref<80x128xf32, #tpu.memory_space<vmem>>
        %dma_wait3A_131 = arith.constant 0 : i32
        %dma_wait3A_132 = tpu.memref_slice %arg6[%rem3A_96, %run_scoped3A_115, %dma_wait3A_131] : memref<2x2x80xi32, #tpu.memory_space<vmem>> -> memref<1x1x80xi32, #tpu.memory_space<vmem>>
        %dma_wait3A_133 = tpu.memref_squeeze %dma_wait3A_132 : memref<1x1x80xi32, #tpu.memory_space<vmem>> -> memref<80xi32, #tpu.memory_space<vmem>>
        %dma_wait3A_134 = arith.constant 0 : i32
        %dma_wait3A_135 = arith.constant 0 : i32
        %dma_wait3A_136 = tpu.memref_slice %arg9[%dma_wait3A_134, %dma_wait3A_135] : memref<10016x128xf32, #tpu.memory_space<vmem_shared>> -> memref<10016x128xf32, #tpu.memory_space<vmem_shared>>
        tpu.wait_indirect_dma semaphore(%run_scoped3A_116 : memref<!tpu.dma_semaphore, #tpu.memory_space<semaphore_mem>>) src(%dma_wait3A_130 : memref<80x128xf32, #tpu.memory_space<vmem>>) dst(%dma_wait3A_136 : memref<10016x128xf32, #tpu.memory_space<vmem_shared>>)
        tpu.yield
      }) : () -> ()
    }
    %scan3A_83 = arith.constant 250 : i32
    %barrier3A_84 = arith.constant 0 : index
    tpu.barrier barrier_id(%barrier3A_84)
    %mul3A_85 = arith.constant 10000 : i32
    %mul3A_86 = arith.muli %add3A_47, %mul3A_85 : i32
    %add3A_87 = arith.addi %mul3A_86, %multiple_of3A : i32
    %multiple_of3A_88 = tpu.assume_multiple %add3A_87, 8 : i32
    "tpu.region"() ({
      %run_scoped3A_95 = tpu.sem_alloc : memref<!tpu.dma_semaphore, #tpu.memory_space<semaphore_mem>>
      %dma_start3A_96 = arith.constant 0 : i32
      %dma_start3A_97 = tpu.memref_slice %arg5[%multiple_of3A_88, %dma_start3A_96] : memref<40000x128xf32, #tpu.memory_space<hbm>> -> memref<624x128xf32, #tpu.memory_space<hbm>>
      %dma_start3A_98 = arith.constant 0 : i32
      %dma_start3A_99 = tpu.memref_slice %arg9[%multiple_of3A, %dma_start3A_98] : memref<10016x128xf32, #tpu.memory_space<vmem_shared>> -> memref<624x128xf32, #tpu.memory_space<vmem_shared>>
      tpu.enqueue_dma source(%dma_start3A_99 : memref<624x128xf32, #tpu.memory_space<vmem_shared>>) target(%dma_start3A_97 : memref<624x128xf32, #tpu.memory_space<hbm>>) target_semaphore(%run_scoped3A_95 : memref<!tpu.dma_semaphore, #tpu.memory_space<semaphore_mem>>)
      %dma_wait3A = arith.constant 0 : i32
      %dma_wait3A_100 = tpu.memref_slice %arg5[%multiple_of3A_88, %dma_wait3A] : memref<40000x128xf32, #tpu.memory_space<hbm>> -> memref<624x128xf32, #tpu.memory_space<hbm>>
      %dma_wait3A_101 = arith.constant 0 : i32
      %dma_wait3A_102 = tpu.memref_slice %arg9[%multiple_of3A, %dma_wait3A_101] : memref<10016x128xf32, #tpu.memory_space<vmem_shared>> -> memref<624x128xf32, #tpu.memory_space<vmem_shared>>
      tpu.wait_dma2 semaphore(%run_scoped3A_95 : memref<!tpu.dma_semaphore, #tpu.memory_space<semaphore_mem>>) src(%dma_wait3A_102 : memref<624x128xf32, #tpu.memory_space<vmem_shared>>) dst(%dma_wait3A_100 : memref<624x128xf32, #tpu.memory_space<hbm>>)
      tpu.yield
    }) : () -> ()
    %eq3A_89 = arith.constant 0 : i32
    %eq3A_90 = arith.cmpi eq, %arg1, %eq3A_89 : i32
    %convert_element_type3A_91 = arith.extui %eq3A_90 : i1 to i32
    %cond3A_92 = arith.constant 0 : i32
    %cond3A_93 = arith.cmpi ne, %convert_element_type3A_91, %cond3A_92 : i32
    scf.if %cond3A_93 {
      %mul3A_95 = arith.constant 10000 : i32
      %mul3A_96 = arith.muli %add3A_47, %mul3A_95 : i32
      %add3A_97 = arith.constant 9984 : i32
      %add3A_98 = arith.addi %mul3A_96, %add3A_97 : i32
      %multiple_of3A_99 = tpu.assume_multiple %add3A_98, 8 : i32
      "tpu.region"() ({
        %run_scoped3A_100 = tpu.sem_alloc : memref<!tpu.dma_semaphore, #tpu.memory_space<semaphore_mem>>
        %dma_start3A_101 = arith.constant 0 : i32
        %dma_start3A_102 = tpu.memref_slice %arg5[%multiple_of3A_99, %dma_start3A_101] : memref<40000x128xf32, #tpu.memory_space<hbm>> -> memref<16x128xf32, #tpu.memory_space<hbm>>
        %dma_start3A_103 = arith.constant 9984 : i32
        %dma_start3A_104 = arith.constant 0 : i32
        %dma_start3A_105 = tpu.memref_slice %arg9[%dma_start3A_103, %dma_start3A_104] : memref<10016x128xf32, #tpu.memory_space<vmem_shared>> -> memref<16x128xf32, #tpu.memory_space<vmem_shared>>
        tpu.enqueue_dma source(%dma_start3A_105 : memref<16x128xf32, #tpu.memory_space<vmem_shared>>) target(%dma_start3A_102 : memref<16x128xf32, #tpu.memory_space<hbm>>) target_semaphore(%run_scoped3A_100 : memref<!tpu.dma_semaphore, #tpu.memory_space<semaphore_mem>>)
        %dma_wait3A = arith.constant 0 : i32
        %dma_wait3A_106 = tpu.memref_slice %arg5[%multiple_of3A_99, %dma_wait3A] : memref<40000x128xf32, #tpu.memory_space<hbm>> -> memref<16x128xf32, #tpu.memory_space<hbm>>
        %dma_wait3A_107 = arith.constant 9984 : i32
        %dma_wait3A_108 = arith.constant 0 : i32
        %dma_wait3A_109 = tpu.memref_slice %arg9[%dma_wait3A_107, %dma_wait3A_108] : memref<10016x128xf32, #tpu.memory_space<vmem_shared>> -> memref<16x128xf32, #tpu.memory_space<vmem_shared>>
        tpu.wait_dma2 semaphore(%run_scoped3A_100 : memref<!tpu.dma_semaphore, #tpu.memory_space<semaphore_mem>>) src(%dma_wait3A_109 : memref<16x128xf32, #tpu.memory_space<vmem_shared>>) dst(%dma_wait3A_106 : memref<16x128xf32, #tpu.memory_space<hbm>>)
        tpu.yield
      }) : () -> ()
    } else {
    }
    %barrier3A_94 = arith.constant 0 : index
    tpu.barrier barrier_id(%barrier3A_94)
    return
  }
}

#map = affine_map<(d0, d1) -> (0, 0)>
#map1 = affine_map<(d0, d1) -> (0, 0, 0)>
module attributes {stable_mosaic.version = 14 : i64} {
  func.func @body(%arg0: i32, %arg1: i32, %arg2: memref<10000x128xf32, #tpu.memory_space<hbm>>, %arg3: memref<8000x2x80xi32, #tpu.memory_space<hbm>>, %arg4: memref<624x128xf32, #tpu.memory_space<hbm>>, %arg5: memref<20000x128xf32, #tpu.memory_space<hbm>>, %arg6: memref<2x2x80xi32, #tpu.memory_space<vmem>>, %arg7: memref<2x80x128xf32, #tpu.memory_space<vmem>>, %arg8: memref<2x!tpu.dma_semaphore, #tpu.memory_space<semaphore_mem>>, %arg9: memref<10016x128xf32, #tpu.memory_space<vmem_shared>>, %arg10: memref<!tpu.dma_semaphore, #tpu.memory_space<semaphore_mem>>) attributes {dimension_semantics = [#tpu.dimension_semantics<core_parallel>, #tpu.dimension_semantics<subcore_parallel>], iteration_bounds = array<i64: 2, 16>, scalar_prefetch = 0 : i64, scratch_operands = 5 : i64, tpu.core_type = #tpu.core_type<sc_vector_subcore>, window_params = [{transform_indices = #map}, {transform_indices = #map1}, {transform_indices = #map}, {transform_indices = #map}]} {
    %mul3A = arith.constant 624 : i32
    %mul3A_0 = arith.muli %arg1, %mul3A : i32
    %multiple_of3A = tpu.assume_multiple %mul3A_0, 8 : i32
    %mul3A_1 = arith.constant 1 : i32
    %mul3A_2 = arith.muli %arg0, %mul3A_1 : i32
    %add3A = arith.constant 0 : i32
    %add3A_3 = arith.addi %mul3A_2, %add3A : i32
    "tpu.region"() ({
      %run_scoped3A_44 = tpu.sem_alloc : memref<!tpu.dma_semaphore, #tpu.memory_space<semaphore_mem>>
      %dma_start3A_45 = arith.constant 0 : i32
      %dma_start3A_46 = tpu.memref_slice %arg9[%multiple_of3A, %dma_start3A_45] : memref<10016x128xf32, #tpu.memory_space<vmem_shared>> -> memref<624x128xf32, #tpu.memory_space<vmem_shared>>
      tpu.enqueue_dma source(%arg4 : memref<624x128xf32, #tpu.memory_space<hbm>>) target(%dma_start3A_46 : memref<624x128xf32, #tpu.memory_space<vmem_shared>>) target_semaphore(%run_scoped3A_44 : memref<!tpu.dma_semaphore, #tpu.memory_space<semaphore_mem>>)
      %dma_wait3A = arith.constant 0 : i32
      %dma_wait3A_47 = tpu.memref_slice %arg9[%multiple_of3A, %dma_wait3A] : memref<10016x128xf32, #tpu.memory_space<vmem_shared>> -> memref<624x128xf32, #tpu.memory_space<vmem_shared>>
      tpu.wait_dma2 semaphore(%run_scoped3A_44 : memref<!tpu.dma_semaphore, #tpu.memory_space<semaphore_mem>>) src(%arg4 : memref<624x128xf32, #tpu.memory_space<hbm>>) dst(%dma_wait3A_47 : memref<624x128xf32, #tpu.memory_space<vmem_shared>>)
      tpu.yield
    }) : () -> ()
    %eq3A = arith.constant 0 : i32
    %eq3A_4 = arith.cmpi eq, %arg1, %eq3A : i32
    %convert_element_type3A = arith.extui %eq3A_4 : i1 to i32
    %cond3A = arith.constant 0 : i32
    %cond3A_5 = arith.cmpi ne, %convert_element_type3A, %cond3A : i32
    scf.if %cond3A_5 {
      "tpu.region"() ({
        %run_scoped3A_44 = tpu.sem_alloc : memref<!tpu.dma_semaphore, #tpu.memory_space<semaphore_mem>>
        %dma_start3A_45 = arith.constant 9984 : i32
        %dma_start3A_46 = arith.constant 0 : i32
        %dma_start3A_47 = tpu.memref_slice %arg9[%dma_start3A_45, %dma_start3A_46] : memref<10016x128xf32, #tpu.memory_space<vmem_shared>> -> memref<32x128xf32, #tpu.memory_space<vmem_shared>>
        %dma_start3A_48 = arith.constant 0 : i32
        %dma_start3A_49 = arith.constant 0 : i32
        %dma_start3A_50 = tpu.memref_slice %arg4[%dma_start3A_48, %dma_start3A_49] : memref<624x128xf32, #tpu.memory_space<hbm>> -> memref<32x128xf32, #tpu.memory_space<hbm>>
        tpu.enqueue_dma source(%dma_start3A_50 : memref<32x128xf32, #tpu.memory_space<hbm>>) target(%dma_start3A_47 : memref<32x128xf32, #tpu.memory_space<vmem_shared>>) target_semaphore(%run_scoped3A_44 : memref<!tpu.dma_semaphore, #tpu.memory_space<semaphore_mem>>)
        %dma_wait3A = arith.constant 9984 : i32
        %dma_wait3A_51 = arith.constant 0 : i32
        %dma_wait3A_52 = tpu.memref_slice %arg9[%dma_wait3A, %dma_wait3A_51] : memref<10016x128xf32, #tpu.memory_space<vmem_shared>> -> memref<32x128xf32, #tpu.memory_space<vmem_shared>>
        %dma_wait3A_53 = arith.constant 0 : i32
        %dma_wait3A_54 = arith.constant 0 : i32
        %dma_wait3A_55 = tpu.memref_slice %arg4[%dma_wait3A_53, %dma_wait3A_54] : memref<624x128xf32, #tpu.memory_space<hbm>> -> memref<32x128xf32, #tpu.memory_space<hbm>>
        tpu.wait_dma2 semaphore(%run_scoped3A_44 : memref<!tpu.dma_semaphore, #tpu.memory_space<semaphore_mem>>) src(%dma_wait3A_55 : memref<32x128xf32, #tpu.memory_space<hbm>>) dst(%dma_wait3A_52 : memref<32x128xf32, #tpu.memory_space<vmem_shared>>)
        tpu.yield
      }) : () -> ()
    } else {
    }
    %barrier3A = arith.constant 0 : index
    tpu.barrier barrier_id(%barrier3A)
    %mul3A_6 = arith.constant 4000 : i32
    %mul3A_7 = arith.muli %add3A_3, %mul3A_6 : i32
    %mul3A_8 = arith.constant 250 : i32
    %mul3A_9 = arith.muli %arg1, %mul3A_8 : i32
    %add3A_10 = arith.addi %mul3A_7, %mul3A_9 : i32
    %add3A_11 = arith.constant 0 : i32
    %add3A_12 = arith.addi %add3A_10, %add3A_11 : i32
    %run_scoped3A = arith.constant 0 : i32
    "tpu.region"() ({
      %run_scoped3A_44 = tpu.sem_alloc : memref<!tpu.dma_semaphore, #tpu.memory_space<semaphore_mem>>
      %dma_start3A_45 = arith.constant 0 : i32
      %dma_start3A_46 = arith.constant 0 : i32
      %dma_start3A_47 = tpu.memref_slice %arg6[%run_scoped3A, %dma_start3A_45, %dma_start3A_46] : memref<2x2x80xi32, #tpu.memory_space<vmem>> -> memref<1x2x80xi32, #tpu.memory_space<vmem>>
      %dma_start3A_48 = tpu.memref_squeeze %dma_start3A_47 : memref<1x2x80xi32, #tpu.memory_space<vmem>> -> memref<2x80xi32, #tpu.memory_space<vmem>>
      %dma_start3A_49 = arith.constant 0 : i32
      %dma_start3A_50 = arith.constant 0 : i32
      %dma_start3A_51 = tpu.memref_slice %arg3[%add3A_12, %dma_start3A_49, %dma_start3A_50] : memref<8000x2x80xi32, #tpu.memory_space<hbm>> -> memref<1x2x80xi32, #tpu.memory_space<hbm>>
      %dma_start3A_52 = tpu.memref_squeeze %dma_start3A_51 : memref<1x2x80xi32, #tpu.memory_space<hbm>> -> memref<2x80xi32, #tpu.memory_space<hbm>>
      %dma_start3A_53 = arith.constant 0 : i32
      %dma_start3A_54 = arith.constant 0 : i32
      %dma_start3A_55 = tpu.memref_slice %arg6[%run_scoped3A, %dma_start3A_53, %dma_start3A_54] : memref<2x2x80xi32, #tpu.memory_space<vmem>> -> memref<1x2x80xi32, #tpu.memory_space<vmem>>
      %dma_start3A_56 = tpu.memref_squeeze %dma_start3A_55 : memref<1x2x80xi32, #tpu.memory_space<vmem>> -> memref<2x80xi32, #tpu.memory_space<vmem>>
      %dma_start3A_57 = arith.constant 0 : i32
      %dma_start3A_58 = arith.constant 0 : i32
      %dma_start3A_59 = tpu.memref_slice %arg3[%add3A_12, %dma_start3A_57, %dma_start3A_58] : memref<8000x2x80xi32, #tpu.memory_space<hbm>> -> memref<1x2x80xi32, #tpu.memory_space<hbm>>
      %dma_start3A_60 = tpu.memref_squeeze %dma_start3A_59 : memref<1x2x80xi32, #tpu.memory_space<hbm>> -> memref<2x80xi32, #tpu.memory_space<hbm>>
      tpu.enqueue_dma source(%dma_start3A_60 : memref<2x80xi32, #tpu.memory_space<hbm>>) target(%dma_start3A_56 : memref<2x80xi32, #tpu.memory_space<vmem>>) target_semaphore(%run_scoped3A_44 : memref<!tpu.dma_semaphore, #tpu.memory_space<semaphore_mem>>)
      %dma_wait3A = arith.constant 0 : i32
      %dma_wait3A_61 = arith.constant 0 : i32
      %dma_wait3A_62 = tpu.memref_slice %arg6[%run_scoped3A, %dma_wait3A, %dma_wait3A_61] : memref<2x2x80xi32, #tpu.memory_space<vmem>> -> memref<1x2x80xi32, #tpu.memory_space<vmem>>
      %dma_wait3A_63 = tpu.memref_squeeze %dma_wait3A_62 : memref<1x2x80xi32, #tpu.memory_space<vmem>> -> memref<2x80xi32, #tpu.memory_space<vmem>>
      %dma_wait3A_64 = arith.constant 0 : i32
      %dma_wait3A_65 = arith.constant 0 : i32
      %dma_wait3A_66 = tpu.memref_slice %arg3[%add3A_12, %dma_wait3A_64, %dma_wait3A_65] : memref<8000x2x80xi32, #tpu.memory_space<hbm>> -> memref<1x2x80xi32, #tpu.memory_space<hbm>>
      %dma_wait3A_67 = tpu.memref_squeeze %dma_wait3A_66 : memref<1x2x80xi32, #tpu.memory_space<hbm>> -> memref<2x80xi32, #tpu.memory_space<hbm>>
      %dma_wait3A_68 = arith.constant 0 : i32
      %dma_wait3A_69 = arith.constant 0 : i32
      %dma_wait3A_70 = tpu.memref_slice %arg6[%run_scoped3A, %dma_wait3A_68, %dma_wait3A_69] : memref<2x2x80xi32, #tpu.memory_space<vmem>> -> memref<1x2x80xi32, #tpu.memory_space<vmem>>
      %dma_wait3A_71 = tpu.memref_squeeze %dma_wait3A_70 : memref<1x2x80xi32, #tpu.memory_space<vmem>> -> memref<2x80xi32, #tpu.memory_space<vmem>>
      %dma_wait3A_72 = arith.constant 0 : i32
      %dma_wait3A_73 = arith.constant 0 : i32
      %dma_wait3A_74 = tpu.memref_slice %arg3[%add3A_12, %dma_wait3A_72, %dma_wait3A_73] : memref<8000x2x80xi32, #tpu.memory_space<hbm>> -> memref<1x2x80xi32, #tpu.memory_space<hbm>>
      %dma_wait3A_75 = tpu.memref_squeeze %dma_wait3A_74 : memref<1x2x80xi32, #tpu.memory_space<hbm>> -> memref<2x80xi32, #tpu.memory_space<hbm>>
      tpu.wait_dma2 semaphore(%run_scoped3A_44 : memref<!tpu.dma_semaphore, #tpu.memory_space<semaphore_mem>>) src(%dma_wait3A_75 : memref<2x80xi32, #tpu.memory_space<hbm>>) dst(%dma_wait3A_71 : memref<2x80xi32, #tpu.memory_space<vmem>>)
      tpu.yield
    }) : () -> ()
    %dma_start3A = arith.constant 0 : i32
    %dma_start3A_13 = arith.constant 0 : i32
    %dma_start3A_14 = arith.constant 0 : i32
    %dma_start3A_15 = arith.constant 0 : i32
    %dma_start3A_16 = arith.constant 0 : i32
    %dma_start3A_17 = arith.constant 0 : i32
    %dma_start3A_18 = tpu.memref_slice %arg7[%dma_start3A_14, %dma_start3A_16, %dma_start3A_17] : memref<2x80x128xf32, #tpu.memory_space<vmem>> -> memref<1x80x128xf32, #tpu.memory_space<vmem>>
    %dma_start3A_19 = tpu.memref_squeeze %dma_start3A_18 : memref<1x80x128xf32, #tpu.memory_space<vmem>> -> memref<80x128xf32, #tpu.memory_space<vmem>>
    %dma_start3A_20 = arith.constant 0 : i32
    %dma_start3A_21 = tpu.memref_slice %arg6[%dma_start3A, %dma_start3A_13, %dma_start3A_20] : memref<2x2x80xi32, #tpu.memory_space<vmem>> -> memref<1x1x80xi32, #tpu.memory_space<vmem>>
    %dma_start3A_22 = tpu.memref_squeeze %dma_start3A_21 : memref<1x1x80xi32, #tpu.memory_space<vmem>> -> memref<80xi32, #tpu.memory_space<vmem>>
    %dma_start3A_23 = arith.constant 0 : i32
    %dma_start3A_24 = arith.constant 0 : i32
    %dma_start3A_25 = tpu.memref_slice %arg2[%dma_start3A_23, %dma_start3A_24] : memref<10000x128xf32, #tpu.memory_space<hbm>> -> memref<10000x128xf32, #tpu.memory_space<hbm>>
    %dma_start3A_26 = tpu.memref_slice %arg8[%dma_start3A_15] : memref<2x!tpu.dma_semaphore, #tpu.memory_space<semaphore_mem>> -> memref<1x!tpu.dma_semaphore, #tpu.memory_space<semaphore_mem>>
    %dma_start3A_27 = tpu.memref_squeeze %dma_start3A_26 : memref<1x!tpu.dma_semaphore, #tpu.memory_space<semaphore_mem>> -> memref<!tpu.dma_semaphore, #tpu.memory_space<semaphore_mem>>
    tpu.enqueue_indirect_dma source(%dma_start3A_25 : memref<10000x128xf32, #tpu.memory_space<hbm>>) target(%dma_start3A_19 : memref<80x128xf32, #tpu.memory_space<vmem>>) offsets(%dma_start3A_22 : memref<80xi32, #tpu.memory_space<vmem>>) semaphore(%dma_start3A_27 : memref<!tpu.dma_semaphore, #tpu.memory_space<semaphore_mem>>)
    %scan3A = arith.constant 0 : i32
    %scan3A_28 = arith.constant 0 : i32
    %scan3A_29 = arith.constant 250 : i32
    %scan3A_30 = arith.addi %scan3A_28, %scan3A_29 : i32
    %scan3A_31 = arith.constant 1 : i32
    scf.for %scan3A_44 = %scan3A_28 to %scan3A_30 step %scan3A_31  : i32 {
      %rem3A = arith.constant 2 : i32
      %rem3A_45 = arith.remsi %scan3A_44, %rem3A : i32
      %add3A_46 = arith.constant 1 : i32
      %add3A_47 = arith.addi %scan3A_44, %add3A_46 : i32
      %lt3A = arith.constant 250 : i32
      %lt3A_48 = arith.cmpi slt, %add3A_47, %lt3A : i32
      %convert_element_type3A_49 = arith.extui %lt3A_48 : i1 to i32
      %cond3A_50 = arith.constant 0 : i32
      %cond3A_51 = arith.cmpi ne, %convert_element_type3A_49, %cond3A_50 : i32
      scf.if %cond3A_51 {
        %add3A_65 = arith.constant 1 : i32
        %add3A_66 = arith.addi %scan3A_44, %add3A_65 : i32
        %sub3A = arith.constant 1 : i32
        %sub3A_67 = arith.subi %sub3A, %rem3A_45 : i32
        %add3A_68 = arith.addi %add3A_10, %add3A_66 : i32
        "tpu.region"() ({
          %run_scoped3A_82 = tpu.sem_alloc : memref<!tpu.dma_semaphore, #tpu.memory_space<semaphore_mem>>
          %dma_start3A_83 = arith.constant 0 : i32
          %dma_start3A_84 = arith.constant 0 : i32
          %dma_start3A_85 = tpu.memref_slice %arg6[%sub3A_67, %dma_start3A_83, %dma_start3A_84] : memref<2x2x80xi32, #tpu.memory_space<vmem>> -> memref<1x2x80xi32, #tpu.memory_space<vmem>>
          %dma_start3A_86 = tpu.memref_squeeze %dma_start3A_85 : memref<1x2x80xi32, #tpu.memory_space<vmem>> -> memref<2x80xi32, #tpu.memory_space<vmem>>
          %dma_start3A_87 = arith.constant 0 : i32
          %dma_start3A_88 = arith.constant 0 : i32
          %dma_start3A_89 = tpu.memref_slice %arg3[%add3A_68, %dma_start3A_87, %dma_start3A_88] : memref<8000x2x80xi32, #tpu.memory_space<hbm>> -> memref<1x2x80xi32, #tpu.memory_space<hbm>>
          %dma_start3A_90 = tpu.memref_squeeze %dma_start3A_89 : memref<1x2x80xi32, #tpu.memory_space<hbm>> -> memref<2x80xi32, #tpu.memory_space<hbm>>
          %dma_start3A_91 = arith.constant 0 : i32
          %dma_start3A_92 = arith.constant 0 : i32
          %dma_start3A_93 = tpu.memref_slice %arg6[%sub3A_67, %dma_start3A_91, %dma_start3A_92] : memref<2x2x80xi32, #tpu.memory_space<vmem>> -> memref<1x2x80xi32, #tpu.memory_space<vmem>>
          %dma_start3A_94 = tpu.memref_squeeze %dma_start3A_93 : memref<1x2x80xi32, #tpu.memory_space<vmem>> -> memref<2x80xi32, #tpu.memory_space<vmem>>
          %dma_start3A_95 = arith.constant 0 : i32
          %dma_start3A_96 = arith.constant 0 : i32
          %dma_start3A_97 = tpu.memref_slice %arg3[%add3A_68, %dma_start3A_95, %dma_start3A_96] : memref<8000x2x80xi32, #tpu.memory_space<hbm>> -> memref<1x2x80xi32, #tpu.memory_space<hbm>>
          %dma_start3A_98 = tpu.memref_squeeze %dma_start3A_97 : memref<1x2x80xi32, #tpu.memory_space<hbm>> -> memref<2x80xi32, #tpu.memory_space<hbm>>
          tpu.enqueue_dma source(%dma_start3A_98 : memref<2x80xi32, #tpu.memory_space<hbm>>) target(%dma_start3A_94 : memref<2x80xi32, #tpu.memory_space<vmem>>) target_semaphore(%run_scoped3A_82 : memref<!tpu.dma_semaphore, #tpu.memory_space<semaphore_mem>>)
          %dma_wait3A_99 = arith.constant 0 : i32
          %dma_wait3A_100 = arith.constant 0 : i32
          %dma_wait3A_101 = tpu.memref_slice %arg6[%sub3A_67, %dma_wait3A_99, %dma_wait3A_100] : memref<2x2x80xi32, #tpu.memory_space<vmem>> -> memref<1x2x80xi32, #tpu.memory_space<vmem>>
          %dma_wait3A_102 = tpu.memref_squeeze %dma_wait3A_101 : memref<1x2x80xi32, #tpu.memory_space<vmem>> -> memref<2x80xi32, #tpu.memory_space<vmem>>
          %dma_wait3A_103 = arith.constant 0 : i32
          %dma_wait3A_104 = arith.constant 0 : i32
          %dma_wait3A_105 = tpu.memref_slice %arg3[%add3A_68, %dma_wait3A_103, %dma_wait3A_104] : memref<8000x2x80xi32, #tpu.memory_space<hbm>> -> memref<1x2x80xi32, #tpu.memory_space<hbm>>
          %dma_wait3A_106 = tpu.memref_squeeze %dma_wait3A_105 : memref<1x2x80xi32, #tpu.memory_space<hbm>> -> memref<2x80xi32, #tpu.memory_space<hbm>>
          %dma_wait3A_107 = arith.constant 0 : i32
          %dma_wait3A_108 = arith.constant 0 : i32
          %dma_wait3A_109 = tpu.memref_slice %arg6[%sub3A_67, %dma_wait3A_107, %dma_wait3A_108] : memref<2x2x80xi32, #tpu.memory_space<vmem>> -> memref<1x2x80xi32, #tpu.memory_space<vmem>>
          %dma_wait3A_110 = tpu.memref_squeeze %dma_wait3A_109 : memref<1x2x80xi32, #tpu.memory_space<vmem>> -> memref<2x80xi32, #tpu.memory_space<vmem>>
          %dma_wait3A_111 = arith.constant 0 : i32
          %dma_wait3A_112 = arith.constant 0 : i32
          %dma_wait3A_113 = tpu.memref_slice %arg3[%add3A_68, %dma_wait3A_111, %dma_wait3A_112] : memref<8000x2x80xi32, #tpu.memory_space<hbm>> -> memref<1x2x80xi32, #tpu.memory_space<hbm>>
          %dma_wait3A_114 = tpu.memref_squeeze %dma_wait3A_113 : memref<1x2x80xi32, #tpu.memory_space<hbm>> -> memref<2x80xi32, #tpu.memory_space<hbm>>
          tpu.wait_dma2 semaphore(%run_scoped3A_82 : memref<!tpu.dma_semaphore, #tpu.memory_space<semaphore_mem>>) src(%dma_wait3A_114 : memref<2x80xi32, #tpu.memory_space<hbm>>) dst(%dma_wait3A_110 : memref<2x80xi32, #tpu.memory_space<vmem>>)
          tpu.yield
        }) : () -> ()
        %dma_start3A_69 = arith.constant 0 : i32
        %dma_start3A_70 = arith.constant 0 : i32
        %dma_start3A_71 = arith.constant 0 : i32
        %dma_start3A_72 = tpu.memref_slice %arg7[%sub3A_67, %dma_start3A_70, %dma_start3A_71] : memref<2x80x128xf32, #tpu.memory_space<vmem>> -> memref<1x80x128xf32, #tpu.memory_space<vmem>>
        %dma_start3A_73 = tpu.memref_squeeze %dma_start3A_72 : memref<1x80x128xf32, #tpu.memory_space<vmem>> -> memref<80x128xf32, #tpu.memory_space<vmem>>
        %dma_start3A_74 = arith.constant 0 : i32
        %dma_start3A_75 = tpu.memref_slice %arg6[%sub3A_67, %dma_start3A_69, %dma_start3A_74] : memref<2x2x80xi32, #tpu.memory_space<vmem>> -> memref<1x1x80xi32, #tpu.memory_space<vmem>>
        %dma_start3A_76 = tpu.memref_squeeze %dma_start3A_75 : memref<1x1x80xi32, #tpu.memory_space<vmem>> -> memref<80xi32, #tpu.memory_space<vmem>>
        %dma_start3A_77 = arith.constant 0 : i32
        %dma_start3A_78 = arith.constant 0 : i32
        %dma_start3A_79 = tpu.memref_slice %arg2[%dma_start3A_77, %dma_start3A_78] : memref<10000x128xf32, #tpu.memory_space<hbm>> -> memref<10000x128xf32, #tpu.memory_space<hbm>>
        %dma_start3A_80 = tpu.memref_slice %arg8[%sub3A_67] : memref<2x!tpu.dma_semaphore, #tpu.memory_space<semaphore_mem>> -> memref<1x!tpu.dma_semaphore, #tpu.memory_space<semaphore_mem>>
        %dma_start3A_81 = tpu.memref_squeeze %dma_start3A_80 : memref<1x!tpu.dma_semaphore, #tpu.memory_space<semaphore_mem>> -> memref<!tpu.dma_semaphore, #tpu.memory_space<semaphore_mem>>
        tpu.enqueue_indirect_dma source(%dma_start3A_79 : memref<10000x128xf32, #tpu.memory_space<hbm>>) target(%dma_start3A_73 : memref<80x128xf32, #tpu.memory_space<vmem>>) offsets(%dma_start3A_76 : memref<80xi32, #tpu.memory_space<vmem>>) semaphore(%dma_start3A_81 : memref<!tpu.dma_semaphore, #tpu.memory_space<semaphore_mem>>)
      } else {
      }
      %dma_wait3A = arith.constant 0 : i32
      %dma_wait3A_52 = arith.constant 0 : i32
      %dma_wait3A_53 = arith.constant 0 : i32
      %dma_wait3A_54 = tpu.memref_slice %arg7[%rem3A_45, %dma_wait3A_52, %dma_wait3A_53] : memref<2x80x128xf32, #tpu.memory_space<vmem>> -> memref<1x80x128xf32, #tpu.memory_space<vmem>>
      %dma_wait3A_55 = tpu.memref_squeeze %dma_wait3A_54 : memref<1x80x128xf32, #tpu.memory_space<vmem>> -> memref<80x128xf32, #tpu.memory_space<vmem>>
      %dma_wait3A_56 = arith.constant 0 : i32
      %dma_wait3A_57 = tpu.memref_slice %arg6[%rem3A_45, %dma_wait3A, %dma_wait3A_56] : memref<2x2x80xi32, #tpu.memory_space<vmem>> -> memref<1x1x80xi32, #tpu.memory_space<vmem>>
      %dma_wait3A_58 = tpu.memref_squeeze %dma_wait3A_57 : memref<1x1x80xi32, #tpu.memory_space<vmem>> -> memref<80xi32, #tpu.memory_space<vmem>>
      %dma_wait3A_59 = arith.constant 0 : i32
      %dma_wait3A_60 = arith.constant 0 : i32
      %dma_wait3A_61 = tpu.memref_slice %arg2[%dma_wait3A_59, %dma_wait3A_60] : memref<10000x128xf32, #tpu.memory_space<hbm>> -> memref<10000x128xf32, #tpu.memory_space<hbm>>
      %dma_wait3A_62 = tpu.memref_slice %arg8[%rem3A_45] : memref<2x!tpu.dma_semaphore, #tpu.memory_space<semaphore_mem>> -> memref<1x!tpu.dma_semaphore, #tpu.memory_space<semaphore_mem>>
      %dma_wait3A_63 = tpu.memref_squeeze %dma_wait3A_62 : memref<1x!tpu.dma_semaphore, #tpu.memory_space<semaphore_mem>> -> memref<!tpu.dma_semaphore, #tpu.memory_space<semaphore_mem>>
      tpu.wait_indirect_dma semaphore(%dma_wait3A_63 : memref<!tpu.dma_semaphore, #tpu.memory_space<semaphore_mem>>) src(%dma_wait3A_61 : memref<10000x128xf32, #tpu.memory_space<hbm>>) dst(%dma_wait3A_55 : memref<80x128xf32, #tpu.memory_space<vmem>>)
      %run_scoped3A_64 = arith.constant 1 : i32
      "tpu.region"() ({
        %run_scoped3A_65 = tpu.sem_alloc : memref<!tpu.dma_semaphore, #tpu.memory_space<semaphore_mem>>
        %dma_start3A_66 = arith.constant 0 : i32
        %dma_start3A_67 = arith.constant 0 : i32
        %dma_start3A_68 = tpu.memref_slice %arg7[%rem3A_45, %dma_start3A_66, %dma_start3A_67] : memref<2x80x128xf32, #tpu.memory_space<vmem>> -> memref<1x80x128xf32, #tpu.memory_space<vmem>>
        %dma_start3A_69 = tpu.memref_squeeze %dma_start3A_68 : memref<1x80x128xf32, #tpu.memory_space<vmem>> -> memref<80x128xf32, #tpu.memory_space<vmem>>
        %dma_start3A_70 = arith.constant 0 : i32
        %dma_start3A_71 = tpu.memref_slice %arg6[%rem3A_45, %run_scoped3A_64, %dma_start3A_70] : memref<2x2x80xi32, #tpu.memory_space<vmem>> -> memref<1x1x80xi32, #tpu.memory_space<vmem>>
        %dma_start3A_72 = tpu.memref_squeeze %dma_start3A_71 : memref<1x1x80xi32, #tpu.memory_space<vmem>> -> memref<80xi32, #tpu.memory_space<vmem>>
        %dma_start3A_73 = arith.constant 0 : i32
        %dma_start3A_74 = arith.constant 0 : i32
        %dma_start3A_75 = tpu.memref_slice %arg9[%dma_start3A_73, %dma_start3A_74] : memref<10016x128xf32, #tpu.memory_space<vmem_shared>> -> memref<10016x128xf32, #tpu.memory_space<vmem_shared>>
        tpu.enqueue_indirect_dma source(%dma_start3A_69 : memref<80x128xf32, #tpu.memory_space<vmem>>) target(%dma_start3A_75 : memref<10016x128xf32, #tpu.memory_space<vmem_shared>>) offsets(%dma_start3A_72 : memref<80xi32, #tpu.memory_space<vmem>>) semaphore(%run_scoped3A_65 : memref<!tpu.dma_semaphore, #tpu.memory_space<semaphore_mem>>) {add = true}
        %dma_wait3A_76 = arith.constant 0 : i32
        %dma_wait3A_77 = arith.constant 0 : i32
        %dma_wait3A_78 = tpu.memref_slice %arg7[%rem3A_45, %dma_wait3A_76, %dma_wait3A_77] : memref<2x80x128xf32, #tpu.memory_space<vmem>> -> memref<1x80x128xf32, #tpu.memory_space<vmem>>
        %dma_wait3A_79 = tpu.memref_squeeze %dma_wait3A_78 : memref<1x80x128xf32, #tpu.memory_space<vmem>> -> memref<80x128xf32, #tpu.memory_space<vmem>>
        %dma_wait3A_80 = arith.constant 0 : i32
        %dma_wait3A_81 = tpu.memref_slice %arg6[%rem3A_45, %run_scoped3A_64, %dma_wait3A_80] : memref<2x2x80xi32, #tpu.memory_space<vmem>> -> memref<1x1x80xi32, #tpu.memory_space<vmem>>
        %dma_wait3A_82 = tpu.memref_squeeze %dma_wait3A_81 : memref<1x1x80xi32, #tpu.memory_space<vmem>> -> memref<80xi32, #tpu.memory_space<vmem>>
        %dma_wait3A_83 = arith.constant 0 : i32
        %dma_wait3A_84 = arith.constant 0 : i32
        %dma_wait3A_85 = tpu.memref_slice %arg9[%dma_wait3A_83, %dma_wait3A_84] : memref<10016x128xf32, #tpu.memory_space<vmem_shared>> -> memref<10016x128xf32, #tpu.memory_space<vmem_shared>>
        tpu.wait_indirect_dma semaphore(%run_scoped3A_65 : memref<!tpu.dma_semaphore, #tpu.memory_space<semaphore_mem>>) src(%dma_wait3A_79 : memref<80x128xf32, #tpu.memory_space<vmem>>) dst(%dma_wait3A_85 : memref<10016x128xf32, #tpu.memory_space<vmem_shared>>)
        tpu.yield
      }) : () -> ()
    }
    %scan3A_32 = arith.constant 250 : i32
    %barrier3A_33 = arith.constant 0 : index
    tpu.barrier barrier_id(%barrier3A_33)
    %mul3A_34 = arith.constant 10000 : i32
    %mul3A_35 = arith.muli %add3A_3, %mul3A_34 : i32
    %add3A_36 = arith.addi %mul3A_35, %multiple_of3A : i32
    %multiple_of3A_37 = tpu.assume_multiple %add3A_36, 8 : i32
    "tpu.region"() ({
      %run_scoped3A_44 = tpu.sem_alloc : memref<!tpu.dma_semaphore, #tpu.memory_space<semaphore_mem>>
      %dma_start3A_45 = arith.constant 0 : i32
      %dma_start3A_46 = tpu.memref_slice %arg5[%multiple_of3A_37, %dma_start3A_45] : memref<20000x128xf32, #tpu.memory_space<hbm>> -> memref<624x128xf32, #tpu.memory_space<hbm>>
      %dma_start3A_47 = arith.constant 0 : i32
      %dma_start3A_48 = tpu.memref_slice %arg9[%multiple_of3A, %dma_start3A_47] : memref<10016x128xf32, #tpu.memory_space<vmem_shared>> -> memref<624x128xf32, #tpu.memory_space<vmem_shared>>
      tpu.enqueue_dma source(%dma_start3A_48 : memref<624x128xf32, #tpu.memory_space<vmem_shared>>) target(%dma_start3A_46 : memref<624x128xf32, #tpu.memory_space<hbm>>) target_semaphore(%run_scoped3A_44 : memref<!tpu.dma_semaphore, #tpu.memory_space<semaphore_mem>>)
      %dma_wait3A = arith.constant 0 : i32
      %dma_wait3A_49 = tpu.memref_slice %arg5[%multiple_of3A_37, %dma_wait3A] : memref<20000x128xf32, #tpu.memory_space<hbm>> -> memref<624x128xf32, #tpu.memory_space<hbm>>
      %dma_wait3A_50 = arith.constant 0 : i32
      %dma_wait3A_51 = tpu.memref_slice %arg9[%multiple_of3A, %dma_wait3A_50] : memref<10016x128xf32, #tpu.memory_space<vmem_shared>> -> memref<624x128xf32, #tpu.memory_space<vmem_shared>>
      tpu.wait_dma2 semaphore(%run_scoped3A_44 : memref<!tpu.dma_semaphore, #tpu.memory_space<semaphore_mem>>) src(%dma_wait3A_51 : memref<624x128xf32, #tpu.memory_space<vmem_shared>>) dst(%dma_wait3A_49 : memref<624x128xf32, #tpu.memory_space<hbm>>)
      tpu.yield
    }) : () -> ()
    %eq3A_38 = arith.constant 0 : i32
    %eq3A_39 = arith.cmpi eq, %arg1, %eq3A_38 : i32
    %convert_element_type3A_40 = arith.extui %eq3A_39 : i1 to i32
    %cond3A_41 = arith.constant 0 : i32
    %cond3A_42 = arith.cmpi ne, %convert_element_type3A_40, %cond3A_41 : i32
    scf.if %cond3A_42 {
      %mul3A_44 = arith.constant 10000 : i32
      %mul3A_45 = arith.muli %add3A_3, %mul3A_44 : i32
      %add3A_46 = arith.constant 9984 : i32
      %add3A_47 = arith.addi %mul3A_45, %add3A_46 : i32
      %multiple_of3A_48 = tpu.assume_multiple %add3A_47, 8 : i32
      "tpu.region"() ({
        %run_scoped3A_49 = tpu.sem_alloc : memref<!tpu.dma_semaphore, #tpu.memory_space<semaphore_mem>>
        %dma_start3A_50 = arith.constant 0 : i32
        %dma_start3A_51 = tpu.memref_slice %arg5[%multiple_of3A_48, %dma_start3A_50] : memref<20000x128xf32, #tpu.memory_space<hbm>> -> memref<16x128xf32, #tpu.memory_space<hbm>>
        %dma_start3A_52 = arith.constant 9984 : i32
        %dma_start3A_53 = arith.constant 0 : i32
        %dma_start3A_54 = tpu.memref_slice %arg9[%dma_start3A_52, %dma_start3A_53] : memref<10016x128xf32, #tpu.memory_space<vmem_shared>> -> memref<16x128xf32, #tpu.memory_space<vmem_shared>>
        tpu.enqueue_dma source(%dma_start3A_54 : memref<16x128xf32, #tpu.memory_space<vmem_shared>>) target(%dma_start3A_51 : memref<16x128xf32, #tpu.memory_space<hbm>>) target_semaphore(%run_scoped3A_49 : memref<!tpu.dma_semaphore, #tpu.memory_space<semaphore_mem>>)
        %dma_wait3A = arith.constant 0 : i32
        %dma_wait3A_55 = tpu.memref_slice %arg5[%multiple_of3A_48, %dma_wait3A] : memref<20000x128xf32, #tpu.memory_space<hbm>> -> memref<16x128xf32, #tpu.memory_space<hbm>>
        %dma_wait3A_56 = arith.constant 9984 : i32
        %dma_wait3A_57 = arith.constant 0 : i32
        %dma_wait3A_58 = tpu.memref_slice %arg9[%dma_wait3A_56, %dma_wait3A_57] : memref<10016x128xf32, #tpu.memory_space<vmem_shared>> -> memref<16x128xf32, #tpu.memory_space<vmem_shared>>
        tpu.wait_dma2 semaphore(%run_scoped3A_49 : memref<!tpu.dma_semaphore, #tpu.memory_space<semaphore_mem>>) src(%dma_wait3A_58 : memref<16x128xf32, #tpu.memory_space<vmem_shared>>) dst(%dma_wait3A_55 : memref<16x128xf32, #tpu.memory_space<hbm>>)
        tpu.yield
      }) : () -> ()
    } else {
    }
    %barrier3A_43 = arith.constant 0 : index
    tpu.barrier barrier_id(%barrier3A_43)
    return
  }
}

module attributes {stable_mosaic.version = 14 : i64} {
  func.func @_tc1_body(%arg0: i32, %arg1: i32, %arg2: memref<400x128xf32, #tpu.memory_space<vmem>>, %arg3: memref<400x128xf32, #tpu.memory_space<vmem>>, %arg4: memref<400x1xf32, #tpu.memory_space<vmem>>, %arg5: memref<1x128x128xf32, #tpu.memory_space<vmem>>, %arg6: memref<1x128x128xf32, #tpu.memory_space<vmem>>, %arg7: memref<1x8x128xf32, #tpu.memory_space<vmem>>, %arg8: memref<400x128xf32, #tpu.memory_space<vmem>>) attributes {dimension_semantics = [#tpu.dimension_semantics<arbitrary>, #tpu.dimension_semantics<arbitrary>], iteration_bounds = array<i64: 25, 4>, scalar_prefetch = 0 : i64, scratch_operands = 0 : i64, tpu.core_type = #tpu.core_type<tc>, window_params = [{transform_indices = @transform_0, window_bounds = array<i64: 400, 128>}, {transform_indices = @transform_1, window_bounds = array<i64: 400, 128>}, {transform_indices = @transform_2, window_bounds = array<i64: 400, 1>}, {transform_indices = @transform_3, window_bounds = array<i64: 1, 128, 128>}, {transform_indices = @transform_4, window_bounds = array<i64: 1, 128, 128>}, {transform_indices = @transform_5, window_bounds = array<i64: 1, 8, 128>}, {transform_indices = @transform_6, window_bounds = array<i64: 400, 128>}]} {
    %get3A = arith.constant 0 : index
    %get3A_0 = arith.constant 0 : index
    %get3A_1 = vector.load %arg4[%get3A, %get3A_0] : memref<400x1xf32, #tpu.memory_space<vmem>>, vector<400x1xf32>
    %max3A = arith.constant 1.000000e+00 : f32
    %max3A_2 = vector.broadcast %max3A : f32 to vector<400x1xf32>
    %max3A_3 = arith.maximumf %get3A_1, %max3A_2 : vector<400x1xf32>
    %get3A_4 = arith.constant 0 : index
    %get3A_5 = arith.constant 0 : index
    %get3A_6 = vector.load %arg3[%get3A_4, %get3A_5] : memref<400x128xf32, #tpu.memory_space<vmem>>, vector<400x128xf32>
    %div3A = vector.broadcast %max3A_3 : vector<400x1xf32> to vector<400x128xf32>
    %div3A_7 = arith.divf %get3A_6, %div3A : vector<400x128xf32>
    %get3A_8 = arith.constant 0 : index
    %get3A_9 = arith.constant 0 : index
    %get3A_10 = vector.load %arg2[%get3A_8, %get3A_9] : memref<400x128xf32, #tpu.memory_space<vmem>>, vector<400x128xf32>
    %get3A_11 = arith.constant 0 : index
    %get3A_12 = arith.constant 0 : index
    %get3A_13 = arith.constant 0 : index
    %get3A_14 = vector.load %arg5[%get3A_11, %get3A_12, %get3A_13] : memref<1x128x128xf32, #tpu.memory_space<vmem>>, vector<1x128x128xf32>
    %get3A_15 = vector.shape_cast %get3A_14 : vector<1x128x128xf32> to vector<128x128xf32>
    %dot_general3A = arith.constant dense<0.000000e+00> : vector<400x128xf32>
    %dot_general3A_16 = tpu.matmul %get3A_10, %get3A_15, %dot_general3A {dimension_numbers = #tpu.dot_dimension_numbers<[1], [0], [0], [1], [0, 0, 1, 1], [], []>, transpose_lhs_hint = false} : vector<400x128xf32>, vector<128x128xf32>, vector<400x128xf32> -> vector<400x128xf32>
    %get3A_17 = arith.constant 0 : index
    %get3A_18 = arith.constant 0 : index
    %get3A_19 = arith.constant 0 : index
    %get3A_20 = vector.load %arg6[%get3A_17, %get3A_18, %get3A_19] : memref<1x128x128xf32, #tpu.memory_space<vmem>>, vector<1x128x128xf32>
    %get3A_21 = vector.shape_cast %get3A_20 : vector<1x128x128xf32> to vector<128x128xf32>
    %dot_general3A_22 = arith.constant dense<0.000000e+00> : vector<400x128xf32>
    %dot_general3A_23 = tpu.matmul %div3A_7, %get3A_21, %dot_general3A_22 {dimension_numbers = #tpu.dot_dimension_numbers<[1], [0], [0], [1], [0, 0, 1, 1], [], []>, transpose_lhs_hint = false} : vector<400x128xf32>, vector<128x128xf32>, vector<400x128xf32> -> vector<400x128xf32>
    %add3A = arith.addf %dot_general3A_16, %dot_general3A_23 : vector<400x128xf32>
    %get3A_24 = arith.constant 0 : index
    %get3A_25 = arith.constant 0 : index
    %get3A_26 = arith.constant 0 : index
    %get3A_27 = vector.load %arg7[%get3A_24, %get3A_25, %get3A_26] : memref<1x8x128xf32, #tpu.memory_space<vmem>>, vector<1x1x128xf32>
    %get3A_28 = vector.shape_cast %get3A_27 : vector<1x1x128xf32> to vector<1x128xf32>
    %add3A_29 = vector.broadcast %get3A_28 : vector<1x128xf32> to vector<400x128xf32>
    %add3A_30 = arith.addf %add3A, %add3A_29 : vector<400x128xf32>
    %max3A_31 = arith.constant 0.000000e+00 : f32
    %max3A_32 = vector.broadcast %max3A_31 : f32 to vector<400x128xf32>
    %max3A_33 = arith.maximumf %add3A_30, %max3A_32 : vector<400x128xf32>
    %swap3A = arith.constant 0 : index
    %swap3A_34 = arith.constant 0 : index
    %swap3A_35 = vector.load %arg8[%swap3A, %swap3A_34] : memref<400x128xf32, #tpu.memory_space<vmem>>, vector<400x128xf32>
    tpu.vector_store %arg8[%swap3A, %swap3A_34], %max3A_33 {strides = array<i32>} : memref<400x128xf32, #tpu.memory_space<vmem>>, vector<400x128xf32>,
    return
  }
  func.func @transform_0(%arg0: i32, %arg1: i32) -> (i32, i32) {
    %c0_i32 = arith.constant 0 : i32
    %c0_i32_0 = arith.constant 0 : i32
    return %arg0, %c0_i32 : i32, i32
  }
  func.func @transform_1(%arg0: i32, %arg1: i32) -> (i32, i32) {
    %jit3A = arith.constant 2 : i32
    %div3A = arith.divsi %arg1, %jit3A : i32
    %sign3A = arith.constant 0 : i32
    %sign3A_0 = arith.cmpi sgt, %arg1, %sign3A : i32
    %sign3A_1 = arith.extui %sign3A_0 : i1 to i32
    %sign3A_2 = arith.constant 0 : i32
    %sign3A_3 = arith.cmpi slt, %arg1, %sign3A_2 : i32
    %sign3A_4 = arith.extui %sign3A_3 : i1 to i32
    %sign3A_5 = arith.subi %sign3A_1, %sign3A_4 : i32
    %sign3A_6 = arith.constant 0 : i32
    %sign3A_7 = arith.cmpi sgt, %jit3A, %sign3A_6 : i32
    %sign3A_8 = arith.extui %sign3A_7 : i1 to i32
    %sign3A_9 = arith.constant 0 : i32
    %sign3A_10 = arith.cmpi slt, %jit3A, %sign3A_9 : i32
    %sign3A_11 = arith.extui %sign3A_10 : i1 to i32
    %sign3A_12 = arith.subi %sign3A_8, %sign3A_11 : i32
    %ne3A = arith.cmpi ne, %sign3A_5, %sign3A_12 : i32
    %rem3A = arith.remsi %arg1, %jit3A : i32
    %ne3A_13 = arith.constant 0 : i32
    %ne3A_14 = arith.cmpi ne, %rem3A, %ne3A_13 : i32
    %and3A = arith.andi %ne3A, %ne3A_14 : i1
    %sub3A = arith.constant 1 : i32
    %sub3A_15 = arith.subi %div3A, %sub3A : i32
    %select_n3A = arith.select %and3A, %sub3A_15, %div3A : i32
    %mul3A = arith.constant 25 : i32
    %mul3A_16 = arith.muli %select_n3A, %mul3A : i32
    %add3A = arith.addi %mul3A_16, %arg0 : i32
    %c0_i32 = arith.constant 0 : i32
    %c0_i32_17 = arith.constant 0 : i32
    return %add3A, %c0_i32 : i32, i32
  }
  func.func @transform_2(%arg0: i32, %arg1: i32) -> (i32, i32) {
    %jit3A = arith.constant 2 : i32
    %div3A = arith.divsi %arg1, %jit3A : i32
    %sign3A = arith.constant 0 : i32
    %sign3A_0 = arith.cmpi sgt, %arg1, %sign3A : i32
    %sign3A_1 = arith.extui %sign3A_0 : i1 to i32
    %sign3A_2 = arith.constant 0 : i32
    %sign3A_3 = arith.cmpi slt, %arg1, %sign3A_2 : i32
    %sign3A_4 = arith.extui %sign3A_3 : i1 to i32
    %sign3A_5 = arith.subi %sign3A_1, %sign3A_4 : i32
    %sign3A_6 = arith.constant 0 : i32
    %sign3A_7 = arith.cmpi sgt, %jit3A, %sign3A_6 : i32
    %sign3A_8 = arith.extui %sign3A_7 : i1 to i32
    %sign3A_9 = arith.constant 0 : i32
    %sign3A_10 = arith.cmpi slt, %jit3A, %sign3A_9 : i32
    %sign3A_11 = arith.extui %sign3A_10 : i1 to i32
    %sign3A_12 = arith.subi %sign3A_8, %sign3A_11 : i32
    %ne3A = arith.cmpi ne, %sign3A_5, %sign3A_12 : i32
    %rem3A = arith.remsi %arg1, %jit3A : i32
    %ne3A_13 = arith.constant 0 : i32
    %ne3A_14 = arith.cmpi ne, %rem3A, %ne3A_13 : i32
    %and3A = arith.andi %ne3A, %ne3A_14 : i1
    %sub3A = arith.constant 1 : i32
    %sub3A_15 = arith.subi %div3A, %sub3A : i32
    %select_n3A = arith.select %and3A, %sub3A_15, %div3A : i32
    %mul3A = arith.constant 25 : i32
    %mul3A_16 = arith.muli %select_n3A, %mul3A : i32
    %add3A = arith.addi %mul3A_16, %arg0 : i32
    %c0_i32 = arith.constant 0 : i32
    %c0_i32_17 = arith.constant 0 : i32
    return %add3A, %c0_i32 : i32, i32
  }
  func.func @transform_3(%arg0: i32, %arg1: i32) -> (i32, i32, i32) {
    %jit3A = arith.constant 2 : i32
    %div3A = arith.divsi %arg1, %jit3A : i32
    %sign3A = arith.constant 0 : i32
    %sign3A_0 = arith.cmpi sgt, %arg1, %sign3A : i32
    %sign3A_1 = arith.extui %sign3A_0 : i1 to i32
    %sign3A_2 = arith.constant 0 : i32
    %sign3A_3 = arith.cmpi slt, %arg1, %sign3A_2 : i32
    %sign3A_4 = arith.extui %sign3A_3 : i1 to i32
    %sign3A_5 = arith.subi %sign3A_1, %sign3A_4 : i32
    %sign3A_6 = arith.constant 0 : i32
    %sign3A_7 = arith.cmpi sgt, %jit3A, %sign3A_6 : i32
    %sign3A_8 = arith.extui %sign3A_7 : i1 to i32
    %sign3A_9 = arith.constant 0 : i32
    %sign3A_10 = arith.cmpi slt, %jit3A, %sign3A_9 : i32
    %sign3A_11 = arith.extui %sign3A_10 : i1 to i32
    %sign3A_12 = arith.subi %sign3A_8, %sign3A_11 : i32
    %ne3A = arith.cmpi ne, %sign3A_5, %sign3A_12 : i32
    %rem3A = arith.remsi %arg1, %jit3A : i32
    %ne3A_13 = arith.constant 0 : i32
    %ne3A_14 = arith.cmpi ne, %rem3A, %ne3A_13 : i32
    %and3A = arith.andi %ne3A, %ne3A_14 : i1
    %sub3A = arith.constant 1 : i32
    %sub3A_15 = arith.subi %div3A, %sub3A : i32
    %select_n3A = arith.select %and3A, %sub3A_15, %div3A : i32
    %jit3A_16 = arith.constant 2 : i32
    %eq3A = arith.constant 0 : i32
    %eq3A_17 = arith.cmpi eq, %jit3A_16, %eq3A : i32
    %jit3A_18 = arith.constant 1 : i32
    %select_n3A_19 = arith.select %eq3A_17, %jit3A_18, %jit3A_16 : i32
    %rem3A_20 = arith.remsi %arg1, %select_n3A_19 : i32
    %ne3A_21 = arith.constant 0 : i32
    %ne3A_22 = arith.cmpi ne, %rem3A_20, %ne3A_21 : i32
    %lt3A = arith.constant 0 : i32
    %lt3A_23 = arith.cmpi slt, %rem3A_20, %lt3A : i32
    %lt3A_24 = arith.constant 0 : i32
    %lt3A_25 = arith.cmpi slt, %select_n3A_19, %lt3A_24 : i32
    %ne3A_26 = arith.xori %lt3A_23, %lt3A_25 : i1
    %and3A_27 = arith.andi %ne3A_26, %ne3A_22 : i1
    %add3A = arith.addi %rem3A_20, %select_n3A_19 : i32
    %select_n3A_28 = arith.select %and3A_27, %add3A, %rem3A_20 : i32
    %c0_i32 = arith.constant 0 : i32
    %c0_i32_29 = arith.constant 0 : i32
    return %select_n3A, %c0_i32, %select_n3A_28 : i32, i32, i32
  }
  func.func @transform_4(%arg0: i32, %arg1: i32) -> (i32, i32, i32) {
    %jit3A = arith.constant 2 : i32
    %div3A = arith.divsi %arg1, %jit3A : i32
    %sign3A = arith.constant 0 : i32
    %sign3A_0 = arith.cmpi sgt, %arg1, %sign3A : i32
    %sign3A_1 = arith.extui %sign3A_0 : i1 to i32
    %sign3A_2 = arith.constant 0 : i32
    %sign3A_3 = arith.cmpi slt, %arg1, %sign3A_2 : i32
    %sign3A_4 = arith.extui %sign3A_3 : i1 to i32
    %sign3A_5 = arith.subi %sign3A_1, %sign3A_4 : i32
    %sign3A_6 = arith.constant 0 : i32
    %sign3A_7 = arith.cmpi sgt, %jit3A, %sign3A_6 : i32
    %sign3A_8 = arith.extui %sign3A_7 : i1 to i32
    %sign3A_9 = arith.constant 0 : i32
    %sign3A_10 = arith.cmpi slt, %jit3A, %sign3A_9 : i32
    %sign3A_11 = arith.extui %sign3A_10 : i1 to i32
    %sign3A_12 = arith.subi %sign3A_8, %sign3A_11 : i32
    %ne3A = arith.cmpi ne, %sign3A_5, %sign3A_12 : i32
    %rem3A = arith.remsi %arg1, %jit3A : i32
    %ne3A_13 = arith.constant 0 : i32
    %ne3A_14 = arith.cmpi ne, %rem3A, %ne3A_13 : i32
    %and3A = arith.andi %ne3A, %ne3A_14 : i1
    %sub3A = arith.constant 1 : i32
    %sub3A_15 = arith.subi %div3A, %sub3A : i32
    %select_n3A = arith.select %and3A, %sub3A_15, %div3A : i32
    %jit3A_16 = arith.constant 2 : i32
    %eq3A = arith.constant 0 : i32
    %eq3A_17 = arith.cmpi eq, %jit3A_16, %eq3A : i32
    %jit3A_18 = arith.constant 1 : i32
    %select_n3A_19 = arith.select %eq3A_17, %jit3A_18, %jit3A_16 : i32
    %rem3A_20 = arith.remsi %arg1, %select_n3A_19 : i32
    %ne3A_21 = arith.constant 0 : i32
    %ne3A_22 = arith.cmpi ne, %rem3A_20, %ne3A_21 : i32
    %lt3A = arith.constant 0 : i32
    %lt3A_23 = arith.cmpi slt, %rem3A_20, %lt3A : i32
    %lt3A_24 = arith.constant 0 : i32
    %lt3A_25 = arith.cmpi slt, %select_n3A_19, %lt3A_24 : i32
    %ne3A_26 = arith.xori %lt3A_23, %lt3A_25 : i1
    %and3A_27 = arith.andi %ne3A_26, %ne3A_22 : i1
    %add3A = arith.addi %rem3A_20, %select_n3A_19 : i32
    %select_n3A_28 = arith.select %and3A_27, %add3A, %rem3A_20 : i32
    %c0_i32 = arith.constant 0 : i32
    %c0_i32_29 = arith.constant 0 : i32
    return %select_n3A, %c0_i32, %select_n3A_28 : i32, i32, i32
  }
  func.func @transform_5(%arg0: i32, %arg1: i32) -> (i32, i32, i32) {
    %jit3A = arith.constant 2 : i32
    %div3A = arith.divsi %arg1, %jit3A : i32
    %sign3A = arith.constant 0 : i32
    %sign3A_0 = arith.cmpi sgt, %arg1, %sign3A : i32
    %sign3A_1 = arith.extui %sign3A_0 : i1 to i32
    %sign3A_2 = arith.constant 0 : i32
    %sign3A_3 = arith.cmpi slt, %arg1, %sign3A_2 : i32
    %sign3A_4 = arith.extui %sign3A_3 : i1 to i32
    %sign3A_5 = arith.subi %sign3A_1, %sign3A_4 : i32
    %sign3A_6 = arith.constant 0 : i32
    %sign3A_7 = arith.cmpi sgt, %jit3A, %sign3A_6 : i32
    %sign3A_8 = arith.extui %sign3A_7 : i1 to i32
    %sign3A_9 = arith.constant 0 : i32
    %sign3A_10 = arith.cmpi slt, %jit3A, %sign3A_9 : i32
    %sign3A_11 = arith.extui %sign3A_10 : i1 to i32
    %sign3A_12 = arith.subi %sign3A_8, %sign3A_11 : i32
    %ne3A = arith.cmpi ne, %sign3A_5, %sign3A_12 : i32
    %rem3A = arith.remsi %arg1, %jit3A : i32
    %ne3A_13 = arith.constant 0 : i32
    %ne3A_14 = arith.cmpi ne, %rem3A, %ne3A_13 : i32
    %and3A = arith.andi %ne3A, %ne3A_14 : i1
    %sub3A = arith.constant 1 : i32
    %sub3A_15 = arith.subi %div3A, %sub3A : i32
    %select_n3A = arith.select %and3A, %sub3A_15, %div3A : i32
    %jit3A_16 = arith.constant 2 : i32
    %eq3A = arith.constant 0 : i32
    %eq3A_17 = arith.cmpi eq, %jit3A_16, %eq3A : i32
    %jit3A_18 = arith.constant 1 : i32
    %select_n3A_19 = arith.select %eq3A_17, %jit3A_18, %jit3A_16 : i32
    %rem3A_20 = arith.remsi %arg1, %select_n3A_19 : i32
    %ne3A_21 = arith.constant 0 : i32
    %ne3A_22 = arith.cmpi ne, %rem3A_20, %ne3A_21 : i32
    %lt3A = arith.constant 0 : i32
    %lt3A_23 = arith.cmpi slt, %rem3A_20, %lt3A : i32
    %lt3A_24 = arith.constant 0 : i32
    %lt3A_25 = arith.cmpi slt, %select_n3A_19, %lt3A_24 : i32
    %ne3A_26 = arith.xori %lt3A_23, %lt3A_25 : i1
    %and3A_27 = arith.andi %ne3A_26, %ne3A_22 : i1
    %add3A = arith.addi %rem3A_20, %select_n3A_19 : i32
    %select_n3A_28 = arith.select %and3A_27, %add3A, %rem3A_20 : i32
    %c0_i32 = arith.constant 0 : i32
    %c0_i32_29 = arith.constant 0 : i32
    return %select_n3A, %c0_i32, %select_n3A_28 : i32, i32, i32
  }
  func.func @transform_6(%arg0: i32, %arg1: i32) -> (i32, i32) {
    %mul3A = arith.constant 25 : i32
    %mul3A_0 = arith.muli %arg1, %mul3A : i32
    %add3A = arith.addi %mul3A_0, %arg0 : i32
    %c0_i32 = arith.constant 0 : i32
    %c0_i32_1 = arith.constant 0 : i32
    return %add3A, %c0_i32 : i32, i32
  }
}

module attributes {stable_mosaic.version = 14 : i64} {
  func.func @_tc2_body(%arg0: i32, %arg1: i32, %arg2: memref<400x128xf32, #tpu.memory_space<vmem>>, %arg3: memref<400x128xf32, #tpu.memory_space<vmem>>, %arg4: memref<400x128xf32, #tpu.memory_space<vmem>>, %arg5: memref<400x128xf32, #tpu.memory_space<vmem>>, %arg6: memref<400x1xf32, #tpu.memory_space<vmem>>, %arg7: memref<1x256x256xf32, #tpu.memory_space<vmem>>, %arg8: memref<1x256x256xf32, #tpu.memory_space<vmem>>, %arg9: memref<1x8x256xf32, #tpu.memory_space<vmem>>, %arg10: memref<2x256x128xf32, #tpu.memory_space<vmem>>, %arg11: memref<1x128xf32, #tpu.memory_space<vmem>>, %arg12: memref<8x256xf32, #tpu.memory_space<vmem>>) attributes {dimension_semantics = [#tpu.dimension_semantics<arbitrary>, #tpu.dimension_semantics<arbitrary>], iteration_bounds = array<i64: 2, 25>, scalar_prefetch = 0 : i64, scratch_operands = 1 : i64, tpu.core_type = #tpu.core_type<tc>, window_params = [{transform_indices = @transform_0, window_bounds = array<i64: 400, 128>}, {transform_indices = @transform_1, window_bounds = array<i64: 400, 128>}, {transform_indices = @transform_2, window_bounds = array<i64: 400, 128>}, {transform_indices = @transform_3, window_bounds = array<i64: 400, 128>}, {transform_indices = @transform_4, window_bounds = array<i64: 400, 1>}, {transform_indices = @transform_5, window_bounds = array<i64: 1, 256, 256>}, {transform_indices = @transform_6, window_bounds = array<i64: 1, 256, 256>}, {transform_indices = @transform_7, window_bounds = array<i64: 1, 8, 256>}, {pipeline_mode = #tpu.pipeline_mode<synchronous>, transform_indices = @transform_8, window_bounds = array<i64: 2, 256, 128>}, {pipeline_mode = #tpu.pipeline_mode<synchronous>, transform_indices = @transform_9, window_bounds = array<i64: 1, 128>}]} {
    %get3A = arith.constant 0 : index
    %get3A_0 = arith.constant 0 : index
    %get3A_1 = vector.load %arg2[%get3A, %get3A_0] : memref<400x128xf32, #tpu.memory_space<vmem>>, vector<400x128xf32>
    %get3A_2 = arith.constant 0 : index
    %get3A_3 = arith.constant 0 : index
    %get3A_4 = vector.load %arg3[%get3A_2, %get3A_3] : memref<400x128xf32, #tpu.memory_space<vmem>>, vector<400x128xf32>
    %concatenate3A = tpu.concatenate %get3A_1, %get3A_4 in 1 : vector<400x128xf32>, vector<400x128xf32> -> vector<400x256xf32>
    %get3A_5 = arith.constant 0 : index
    %get3A_6 = arith.constant 0 : index
    %get3A_7 = vector.load %arg6[%get3A_5, %get3A_6] : memref<400x1xf32, #tpu.memory_space<vmem>>, vector<400x1xf32>
    %max3A = arith.constant 1.000000e+00 : f32
    %max3A_8 = vector.broadcast %max3A : f32 to vector<400x1xf32>
    %max3A_9 = arith.maximumf %get3A_7, %max3A_8 : vector<400x1xf32>
    %get3A_10 = arith.constant 0 : index
    %get3A_11 = arith.constant 0 : index
    %get3A_12 = vector.load %arg4[%get3A_10, %get3A_11] : memref<400x128xf32, #tpu.memory_space<vmem>>, vector<400x128xf32>
    %get3A_13 = arith.constant 0 : index
    %get3A_14 = arith.constant 0 : index
    %get3A_15 = vector.load %arg5[%get3A_13, %get3A_14] : memref<400x128xf32, #tpu.memory_space<vmem>>, vector<400x128xf32>
    %concatenate3A_16 = tpu.concatenate %get3A_12, %get3A_15 in 1 : vector<400x128xf32>, vector<400x128xf32> -> vector<400x256xf32>
    %div3A = vector.broadcast %max3A_9 : vector<400x1xf32> to vector<400x256xf32>
    %div3A_17 = arith.divf %concatenate3A_16, %div3A : vector<400x256xf32>
    %get3A_18 = arith.constant 0 : index
    %get3A_19 = arith.constant 0 : index
    %get3A_20 = arith.constant 0 : index
    %get3A_21 = vector.load %arg7[%get3A_18, %get3A_19, %get3A_20] : memref<1x256x256xf32, #tpu.memory_space<vmem>>, vector<1x256x256xf32>
    %get3A_22 = vector.shape_cast %get3A_21 : vector<1x256x256xf32> to vector<256x256xf32>
    %dot_general3A = arith.constant dense<0.000000e+00> : vector<400x256xf32>
    %dot_general3A_23 = tpu.matmul %concatenate3A, %get3A_22, %dot_general3A {dimension_numbers = #tpu.dot_dimension_numbers<[1], [0], [0], [1], [0, 0, 1, 1], [], []>, transpose_lhs_hint = false} : vector<400x256xf32>, vector<256x256xf32>, vector<400x256xf32> -> vector<400x256xf32>
    %get3A_24 = arith.constant 0 : index
    %get3A_25 = arith.constant 0 : index
    %get3A_26 = arith.constant 0 : index
    %get3A_27 = vector.load %arg8[%get3A_24, %get3A_25, %get3A_26] : memref<1x256x256xf32, #tpu.memory_space<vmem>>, vector<1x256x256xf32>
    %get3A_28 = vector.shape_cast %get3A_27 : vector<1x256x256xf32> to vector<256x256xf32>
    %dot_general3A_29 = arith.constant dense<0.000000e+00> : vector<400x256xf32>
    %dot_general3A_30 = tpu.matmul %div3A_17, %get3A_28, %dot_general3A_29 {dimension_numbers = #tpu.dot_dimension_numbers<[1], [0], [0], [1], [0, 0, 1, 1], [], []>, transpose_lhs_hint = false} : vector<400x256xf32>, vector<256x256xf32>, vector<400x256xf32> -> vector<400x256xf32>
    %add3A = arith.addf %dot_general3A_23, %dot_general3A_30 : vector<400x256xf32>
    %get3A_31 = arith.constant 0 : index
    %get3A_32 = arith.constant 0 : index
    %get3A_33 = arith.constant 0 : index
    %get3A_34 = vector.load %arg9[%get3A_31, %get3A_32, %get3A_33] : memref<1x8x256xf32, #tpu.memory_space<vmem>>, vector<1x1x256xf32>
    %get3A_35 = vector.shape_cast %get3A_34 : vector<1x1x256xf32> to vector<1x256xf32>
    %add3A_36 = vector.broadcast %get3A_35 : vector<1x256xf32> to vector<400x256xf32>
    %add3A_37 = arith.addf %add3A, %add3A_36 : vector<400x256xf32>
    %max3A_38 = arith.constant 0.000000e+00 : f32
    %max3A_39 = vector.broadcast %max3A_38 : f32 to vector<400x256xf32>
    %max3A_40 = arith.maximumf %add3A_37, %max3A_39 : vector<400x256xf32>
    %reduce_sum3A = arith.constant dense<0.000000e+00> : vector<256xf32>
    %reduce_sum3A_41 = vector.multi_reduction <add>, %max3A_40, %reduce_sum3A [0] : vector<400x256xf32> to vector<256xf32>
    %broadcast_in_dim3A = vector.shape_cast %reduce_sum3A_41 : vector<256xf32> to vector<1x256xf32>
    %eq3A = arith.constant 0 : i32
    %eq3A_42 = arith.cmpi eq, %arg1, %eq3A : i32
    %convert_element_type3A = arith.extui %eq3A_42 : i1 to i32
    %cond3A = arith.constant 0 : i32
    %cond3A_43 = arith.cmpi ne, %convert_element_type3A, %cond3A : i32
    scf.if %cond3A_43 {
      %swap3A = arith.index_cast %arg0 : i32 to index
      %swap3A_55 = arith.constant 0 : index
      %swap3A_56 = vector.load %arg12[%swap3A, %swap3A_55] : memref<8x256xf32, #tpu.memory_space<vmem>>, vector<1x256xf32>
      tpu.vector_store %arg12[%swap3A, %swap3A_55], %broadcast_in_dim3A {strides = array<i32>} : memref<8x256xf32, #tpu.memory_space<vmem>>, vector<1x256xf32>,
    } else {
    }
    %gt3A = arith.constant 0 : i32
    %gt3A_44 = arith.cmpi sgt, %arg1, %gt3A : i32
    %convert_element_type3A_45 = arith.extui %gt3A_44 : i1 to i32
    %cond3A_46 = arith.constant 0 : i32
    %cond3A_47 = arith.cmpi ne, %convert_element_type3A_45, %cond3A_46 : i32
    scf.if %cond3A_47 {
      %get3A_55 = arith.index_cast %arg0 : i32 to index
      %get3A_56 = arith.constant 0 : index
      %get3A_57 = vector.load %arg12[%get3A_55, %get3A_56] : memref<8x256xf32, #tpu.memory_space<vmem>>, vector<1x256xf32>
      %add3A_58 = arith.addf %get3A_57, %broadcast_in_dim3A : vector<1x256xf32>
      %swap3A = arith.index_cast %arg0 : i32 to index
      %swap3A_59 = arith.constant 0 : index
      %swap3A_60 = vector.load %arg12[%swap3A, %swap3A_59] : memref<8x256xf32, #tpu.memory_space<vmem>>, vector<1x256xf32>
      tpu.vector_store %arg12[%swap3A, %swap3A_59], %add3A_58 {strides = array<i32>} : memref<8x256xf32, #tpu.memory_space<vmem>>, vector<1x256xf32>,
    } else {
    }
    %eq3A_48 = arith.constant 1 : i32
    %eq3A_49 = arith.cmpi eq, %arg0, %eq3A_48 : i32
    %eq3A_50 = arith.constant 24 : i32
    %eq3A_51 = arith.cmpi eq, %arg1, %eq3A_50 : i32
    %and3A = arith.andi %eq3A_49, %eq3A_51 : i1
    %convert_element_type3A_52 = arith.extui %and3A : i1 to i32
    %cond3A_53 = arith.constant 0 : i32
    %cond3A_54 = arith.cmpi ne, %convert_element_type3A_52, %cond3A_53 : i32
    scf.if %cond3A_54 {
      %get3A_55 = arith.constant 0 : index
      %get3A_56 = arith.constant 0 : index
      %get3A_57 = vector.load %arg12[%get3A_55, %get3A_56] : memref<8x256xf32, #tpu.memory_space<vmem>>, vector<1x256xf32>
      %mul3A = arith.constant 9.99999974E-5 : f32
      %mul3A_58 = vector.broadcast %mul3A : f32 to vector<1x256xf32>
      %mul3A_59 = arith.mulf %get3A_57, %mul3A_58 : vector<1x256xf32>
      %get3A_60 = arith.constant 0 : index
      %get3A_61 = arith.constant 0 : index
      %get3A_62 = arith.constant 0 : index
      %get3A_63 = vector.load %arg10[%get3A_60, %get3A_61, %get3A_62] : memref<2x256x128xf32, #tpu.memory_space<vmem>>, vector<1x256x128xf32>
      %get3A_64 = vector.shape_cast %get3A_63 : vector<1x256x128xf32> to vector<256x128xf32>
      %dot_general3A_65 = arith.constant dense<0.000000e+00> : vector<1x128xf32>
      %dot_general3A_66 = tpu.matmul %mul3A_59, %get3A_64, %dot_general3A_65 {dimension_numbers = #tpu.dot_dimension_numbers<[1], [0], [0], [1], [0, 0, 1, 1], [], []>, transpose_lhs_hint = false} : vector<1x256xf32>, vector<256x128xf32>, vector<1x128xf32> -> vector<1x128xf32>
      %max3A_67 = arith.constant 0.000000e+00 : f32
      %max3A_68 = vector.broadcast %max3A_67 : f32 to vector<1x128xf32>
      %max3A_69 = arith.maximumf %dot_general3A_66, %max3A_68 : vector<1x128xf32>
      %get3A_70 = arith.constant 1 : index
      %get3A_71 = arith.constant 0 : index
      %get3A_72 = vector.load %arg12[%get3A_70, %get3A_71] : memref<8x256xf32, #tpu.memory_space<vmem>>, vector<1x256xf32>
      %mul3A_73 = arith.constant 9.99999974E-5 : f32
      %mul3A_74 = vector.broadcast %mul3A_73 : f32 to vector<1x256xf32>
      %mul3A_75 = arith.mulf %get3A_72, %mul3A_74 : vector<1x256xf32>
      %get3A_76 = arith.constant 1 : index
      %get3A_77 = arith.constant 0 : index
      %get3A_78 = arith.constant 0 : index
      %get3A_79 = vector.load %arg10[%get3A_76, %get3A_77, %get3A_78] : memref<2x256x128xf32, #tpu.memory_space<vmem>>, vector<1x256x128xf32>
      %get3A_80 = vector.shape_cast %get3A_79 : vector<1x256x128xf32> to vector<256x128xf32>
      %dot_general3A_81 = arith.constant dense<0.000000e+00> : vector<1x128xf32>
      %dot_general3A_82 = tpu.matmul %mul3A_75, %get3A_80, %dot_general3A_81 {dimension_numbers = #tpu.dot_dimension_numbers<[1], [0], [0], [1], [0, 0, 1, 1], [], []>, transpose_lhs_hint = false} : vector<1x256xf32>, vector<256x128xf32>, vector<1x128xf32> -> vector<1x128xf32>
      %add3A_83 = arith.addf %max3A_69, %dot_general3A_82 : vector<1x128xf32>
      %mul3A_84 = arith.constant 5.000000e-01 : f32
      %mul3A_85 = vector.broadcast %mul3A_84 : f32 to vector<1x128xf32>
      %mul3A_86 = arith.mulf %add3A_83, %mul3A_85 : vector<1x128xf32>
      %logistic3A = arith.negf %mul3A_86 : vector<1x128xf32>
      %logistic3A_87 = math.exp %logistic3A : vector<1x128xf32>
      %logistic3A_88 = arith.constant 1.000000e+00 : f32
      %logistic3A_89 = vector.broadcast %logistic3A_88 : f32 to vector<1x128xf32>
      %logistic3A_90 = arith.addf %logistic3A_89, %logistic3A_87 : vector<1x128xf32>
      %logistic3A_91 = arith.divf %logistic3A_89, %logistic3A_90 : vector<1x128xf32>
      %swap3A = arith.constant 0 : index
      %swap3A_92 = arith.constant 0 : index
      %swap3A_93 = vector.load %arg11[%swap3A, %swap3A_92] : memref<1x128xf32, #tpu.memory_space<vmem>>, vector<1x128xf32>
      tpu.vector_store %arg11[%swap3A, %swap3A_92], %logistic3A_91 {strides = array<i32>} : memref<1x128xf32, #tpu.memory_space<vmem>>, vector<1x128xf32>,
    } else {
    }
    return
  }
  func.func @transform_0(%arg0: i32, %arg1: i32) -> (i32, i32) {
    %mul3A = arith.constant 2 : i32
    %mul3A_0 = arith.muli %arg0, %mul3A : i32
    %mul3A_1 = arith.constant 25 : i32
    %mul3A_2 = arith.muli %mul3A_0, %mul3A_1 : i32
    %add3A = arith.addi %mul3A_2, %arg1 : i32
    %c0_i32 = arith.constant 0 : i32
    %c0_i32_3 = arith.constant 0 : i32
    return %add3A, %c0_i32 : i32, i32
  }
  func.func @transform_1(%arg0: i32, %arg1: i32) -> (i32, i32) {
    %mul3A = arith.constant 2 : i32
    %mul3A_0 = arith.muli %arg0, %mul3A : i32
    %add3A = arith.constant 1 : i32
    %add3A_1 = arith.addi %mul3A_0, %add3A : i32
    %mul3A_2 = arith.constant 25 : i32
    %mul3A_3 = arith.muli %add3A_1, %mul3A_2 : i32
    %add3A_4 = arith.addi %mul3A_3, %arg1 : i32
    %c0_i32 = arith.constant 0 : i32
    %c0_i32_5 = arith.constant 0 : i32
    return %add3A_4, %c0_i32 : i32, i32
  }
  func.func @transform_2(%arg0: i32, %arg1: i32) -> (i32, i32) {
    %mul3A = arith.constant 2 : i32
    %mul3A_0 = arith.muli %arg0, %mul3A : i32
    %mul3A_1 = arith.constant 25 : i32
    %mul3A_2 = arith.muli %mul3A_0, %mul3A_1 : i32
    %add3A = arith.addi %mul3A_2, %arg1 : i32
    %c0_i32 = arith.constant 0 : i32
    %c0_i32_3 = arith.constant 0 : i32
    return %add3A, %c0_i32 : i32, i32
  }
  func.func @transform_3(%arg0: i32, %arg1: i32) -> (i32, i32) {
    %mul3A = arith.constant 2 : i32
    %mul3A_0 = arith.muli %arg0, %mul3A : i32
    %add3A = arith.constant 1 : i32
    %add3A_1 = arith.addi %mul3A_0, %add3A : i32
    %mul3A_2 = arith.constant 25 : i32
    %mul3A_3 = arith.muli %add3A_1, %mul3A_2 : i32
    %add3A_4 = arith.addi %mul3A_3, %arg1 : i32
    %c0_i32 = arith.constant 0 : i32
    %c0_i32_5 = arith.constant 0 : i32
    return %add3A_4, %c0_i32 : i32, i32
  }
  func.func @transform_4(%arg0: i32, %arg1: i32) -> (i32, i32) {
    %mul3A = arith.constant 25 : i32
    %mul3A_0 = arith.muli %arg0, %mul3A : i32
    %add3A = arith.addi %mul3A_0, %arg1 : i32
    %c0_i32 = arith.constant 0 : i32
    %c0_i32_1 = arith.constant 0 : i32
    return %add3A, %c0_i32 : i32, i32
  }
  func.func @transform_5(%arg0: i32, %arg1: i32) -> (i32, i32, i32) {
    %c0_i32 = arith.constant 0 : i32
    %c0_i32_0 = arith.constant 0 : i32
    %c0_i32_1 = arith.constant 0 : i32
    return %arg0, %c0_i32, %c0_i32_0 : i32, i32, i32
  }
  func.func @transform_6(%arg0: i32, %arg1: i32) -> (i32, i32, i32) {
    %c0_i32 = arith.constant 0 : i32
    %c0_i32_0 = arith.constant 0 : i32
    %c0_i32_1 = arith.constant 0 : i32
    return %arg0, %c0_i32, %c0_i32_0 : i32, i32, i32
  }
  func.func @transform_7(%arg0: i32, %arg1: i32) -> (i32, i32, i32) {
    %c0_i32 = arith.constant 0 : i32
    %c0_i32_0 = arith.constant 0 : i32
    %c0_i32_1 = arith.constant 0 : i32
    return %arg0, %c0_i32, %c0_i32_0 : i32, i32, i32
  }
  func.func @transform_8(%arg0: i32, %arg1: i32) -> (i32, i32, i32) {
    %c0_i32 = arith.constant 0 : i32
    %c0_i32_0 = arith.constant 0 : i32
    %c0_i32_1 = arith.constant 0 : i32
    %c0_i32_2 = arith.constant 0 : i32
    return %c0_i32, %c0_i32_0, %c0_i32_1 : i32, i32, i32
  }
  func.func @transform_9(%arg0: i32, %arg1: i32) -> (i32, i32) {
    %c0_i32 = arith.constant 0 : i32
    %c0_i32_0 = arith.constant 0 : i32
    %c0_i32_1 = arith.constant 0 : i32
    return %c0_i32, %c0_i32_0 : i32, i32
  }
}

</mosaic_0001>

<sc_bundles>
// kernel: kernel.10.cloned.1.call-start
scs
__scs_entry_jumppad:
0x0: {  	(pc) =	sbr.rel $0x88, $3  }
0x1: {  	(tag) =	ssettag $0x0;
	lr =	simm.s32 $0x1  }
0x2: {  	[smem:$0x3F90] =	sst lr;
	_ =	strace $0xD0000000  }
0x3: {  	_ = 	snop  }
0x4: {  	_ = 	snop  }
0x5: {  	_ = 	snop  }
0x6: {  	_ = 	snop  }
0x7: {  	_ = 	snop  }
__scs_overlays_trampoline_lowered:
0x8: {  	[smem:$0x3F9F] =	sst s0  }
0x9: {  	[smem:$0x3FA0] =	sst s1  }
0xa: {  	[smem:$0x3FA1] =	sst s2  }
0xb: {  	[smem:$0x3FA2] =	sst s3  }
0xc: {  	[smem:$0x3FA3] =	sst s4  }
0xd: {  	[smem:$0x3FA4] =	sst s5  }
0xe: {  	[smem:$0x3FA5] =	sst s6  }
0xf: {  	[smem:$0x3FA6] =	sst s7  }
0x10: {  	[smem:$0x3FA7] =	sst s8  }
0x11: {  	[smem:$0x3FA8] =	sst s9;
	s0 =	simm.s32 @!p0 $0x0  }
0x12: {  	s1 =	sld [smem:$0x3F8E];
	s0 =	simm.s32 @p0 $0x1  }
0x13: {  	[smem:$0x3FA9] =	sst s0;
	s0 =	simm.s32 @!p1 $0x0  }
0x14: {  	s2 =	sld [smem:$0x3F8D];
	s0 =	simm.s32 @p1 $0x1  }
0x15: {  	[smem:$0x3FAA] =	sst s0;
	s0 =	simm.s32 @!p2 $0x0  }
0x16: {  	s3 =	sld [smem:$0x3FDB];
	s0 =	simm.s32 @p2 $0x1  }
0x17: {  	s4 =	simm.s32 $0x1BF5;
	[smem:$0x3FAC] =	sst s0  }
0x18: {  	s0 =	sld [smem:$0x3F8F];
	_ =	swait.ge [sflag:s4], $0x0  }
0x19: {  	s7 =	sld [smem:$0x3F90]  }
0x1a: {  	s8 =	sadd.s32 $0xFFFFE003, lr  }
0x1b: {  	s9 =	sadd.s32 $0xFFFFFEF7, lr;
	s5 =	simm.s32 $0xFFFFFFFF;
	p2 =	slt.u32 s8, $0xFFFFF086  }
0x1c: {  	p1 =	slt.u32 s9, $0xF7A;
	s5 =	simm.s32 @!p2 $0x0  }
0x1d: {  	s5 =	simm.s32 @p1 $0x1;
	p0 =	seq.s32 s7, s2  }
0x1e: {  	s7 =	smul.u32 @!p0 $0xF7A, s2;
	p2 =	seq.s32 @!p0 s5, $0x0  }
0x1f: {  	s9 =	smul.u32 $0xF7A, s1;
	s8 =	simm.s32 @!p0 $0x1BF5;
	p2 =	por !p2, p0  }
0x20: {  	[sflag:s8] =	ssyncset.s32 @!p0 $0xFFFFF086;
	s6 =	sadd.s32 @!p0 s3, s7;
	s7 =	simm.s32 @!p0 $0x108  }
0x21: {  	s3 =	sadd.s32 s3, s9;
	s6 =	sadd.s32 @!p0 $0x88, s6;
	s7 =	simm.s32 @p2 $0x1082  }
0x22: {  	[simem:s7], [sflag:s8] =	dma.local @!p0 [hbm:s6], $0xF7A  }
0x23: {  	s9 =	sor.u32 $0xD0000000, s2;
	s6 =	simm.s32 $0x108;
	_ =	swait.ge @!p0 [sflag:s8], $0x0  }
0x24: {  	s3 =	sadd.s32 $0x88, s3;
	s6 =	simm.s32 @!p1 $0x1082;
	[sflag:s4] =	ssyncset.s32 $0xFFFFF086  }
0x25: {  	[simem:s6], [sflag:s4] =	dma.local [hbm:s3], $0xF7A  }
0x26: {  	[smem:$0x3F90] =	sst s1;
	(tag) =	ssettag s2;
	_ =	strace s9  }
0x27: {  	s1 =	sld [smem:$0x3FA0]  }
0x28: {  	s2 =	sld [smem:$0x3FA1]  }
0x29: {  	s4 =	sld [smem:$0x3FA3]  }
0x2a: {  	p0 =	seq.s32 s5, $0x0;
	s5 =	sld [smem:$0x3FA4]  }
0x2b: {  	s6 =	sld [smem:$0x3FA5]  }
0x2c: {  	s7 =	sld [smem:$0x3FA6]  }
0x2d: {  	s3 =	simm.s32 $0x108;
	s8 =	sld [smem:$0x3FA7]  }
0x2e: {  	s3 =	simm.s32 @!p0 $0x1082;
	s9 =	sld [smem:$0x3FA8]  }
0x2f: {  	lr =	sadd.s32 s0, s3;
	s0 =	sld [smem:$0x3F9F]  }
0x30: {  	s3 =	sld [smem:$0x3FA2]  }
0x31: {  	[smem:$0x3FAB] =	sst s10  }
0x32: {  	s10 =	sld [smem:$0x3FA9];
	_ =	sdelay $0x3  }
0x33: {  	p0 =	seq.s32 s10, $0x1;
	s10 =	sld [smem:$0x3FAB];
	_ =	sdelay $0x3  }
0x34: {  	[smem:$0x3FAB] =	sst s10  }
0x35: {  	s10 =	sld [smem:$0x3FAA];
	_ =	sdelay $0x3  }
0x36: {  	p1 =	seq.s32 s10, $0x1;
	s10 =	sld [smem:$0x3FAB];
	_ =	sdelay $0x3  }
0x37: {  	[smem:$0x3FAB] =	sst s10  }
0x38: {  	s10 =	sld [smem:$0x3FAC]  }
0x39: {  	_ = 	snop;
	(pc) =	sbr.ind lr, $3  }
0x3a: {  	_ = 	snop  }
0x3b: {  	_ = 	snop  }
0x3c: {  	p2 =	seq.s32 s10, $0x1;
	s10 =	sld [smem:$0x3FAB]  }
0x3d: {  	_ =	shalt  }
0x3e: {  	_ =	shalt  }
0x3f: {  	_ =	shalt  }
0x40: {  	_ =	shalt  }
0x41: {  	_ =	shalt  }
0x42: {  	_ =	shalt  }
0x43: {  	_ =	shalt  }
0x44: {  	_ =	shalt  }
0x45: {  	_ =	shalt  }
0x46: {  	_ =	shalt  }
0x47: {  	_ =	shalt  }
0x48: {  	_ =	shalt  }
0x49: {  	_ =	shalt  }
0x4a: {  	_ =	shalt  }
0x4b: {  	_ =	shalt  }
0x4c: {  	_ =	shalt  }
0x4d: {  	_ =	shalt  }
0x4e: {  	_ =	shalt  }
0x4f: {  	_ =	shalt  }
0x50: {  	_ =	shalt  }
0x51: {  	_ =	shalt  }
0x52: {  	_ =	shalt  }
0x53: {  	_ =	shalt  }
0x54: {  	_ =	shalt  }
0x55: {  	_ =	shalt  }
0x56: {  	_ =	shalt  }
0x57: {  	_ =	shalt  }
0x58: {  	_ =	shalt  }
0x59: {  	_ =	shalt  }
0x5a: {  	_ =	shalt  }
0x5b: {  	_ =	shalt  }
0x5c: {  	_ =	shalt  }
0x5d: {  	_ =	shalt  }
0x5e: {  	_ =	shalt  }
0x5f: {  	_ =	shalt  }
0x60: {  	_ =	shalt  }
0x61: {  	_ =	shalt  }
0x62: {  	_ =	shalt  }
0x63: {  	_ =	shalt  }
0x64: {  	_ =	shalt  }
0x65: {  	_ =	shalt  }
0x66: {  	_ =	shalt  }
0x67: {  	_ =	shalt  }
0x68: {  	_ =	shalt  }
0x69: {  	_ =	shalt  }
0x6a: {  	_ =	shalt  }
0x6b: {  	_ =	shalt  }
0x6c: {  	_ =	shalt  }
0x6d: {  	_ =	shalt  }
0x6e: {  	_ =	shalt  }
0x6f: {  	_ =	shalt  }
0x70: {  	_ =	shalt  }
0x71: {  	_ =	shalt  }
0x72: {  	_ =	shalt  }
0x73: {  	_ =	shalt  }
0x74: {  	_ =	shalt  }
0x75: {  	_ =	shalt  }
0x76: {  	_ =	shalt  }
0x77: {  	_ =	shalt  }
0x78: {  	_ =	shalt  }
0x79: {  	_ =	shalt  }
0x7a: {  	_ =	shalt  }
0x7b: {  	_ =	shalt  }
0x7c: {  	_ =	shalt  }
0x7d: {  	_ =	shalt  }
0x7e: {  	_ =	shalt  }
0x7f: {  	_ =	shalt  }
0x80: {  	_ =	shalt  }
0x81: {  	_ =	shalt  }
0x82: {  	_ =	shalt  }
0x83: {  	_ =	shalt  }
0x84: {  	_ =	shalt  }
0x85: {  	_ =	shalt  }
0x86: {  	_ =	shalt  }
0x87: {  	_ =	shalt  }
.Lfunc_end0:
.L_simem_size_0:
called_computation.1_lowered:
.L_overlay_start_0:
0x88: {  	s2 =	sld [smem:$0x3FD9]  }
0x89: {  	s3 =	sld [smem:$0x3FFE];
	_ =	sdelay $0x1  }
0x8a: {  	s1 =	srdreg.scid  }
0x8b: {  	s0 =	sand.u32 $0x1, s1  }
0x8c: {  	s16 =	sshll.u32 s0, $0xA;
	s2 =	sadd.s32 s3, s2  }
0x8d: {  	s2 =	sadd.s32 s2, s16  }
0x8e: {  	[smem:$0x3FB7] =	sst s2  }
0x8f: {  	_ = 	snop  }
0x90: {  	(tm) =	ssettm $0x1  }
0x91: {  	s17 =	sld [smem:$0x3FFB];
	_ =	sdelay $0x3  }
0x92: {  	_ =	strace s17  }
0x93: {  	s2 =	sld [smem:$0x3FFC];
	_ =	sdelay $0x3  }
0x94: {  	_ =	strace s2  }
0x95: {  	s2 =	sld [smem:$0x3FFD];
	_ =	sdelay $0x3  }
0x96: {  	_ =	strace s2  }
0x97: {  	_ =	strace $0x8FFFFFFF  }
0x98: {  	s18 =	sld [smem:$0x3FDB];
	_ =	sdelay $0x1  }
0x99: {  	s19 =	simm.s32 $_scs_section_size  }
0x9a: {  	s4 =	simm.s32 $_size__tile_overlayer_lowered;
	s5 =	simm.s32 $_tile_overlayer_lowered  }
0x9b: {  	s22 =	simm.s32 $0x1BFF;
	s21 =	sshll.u32 s5, $0x1;
	s2 =	sadd.s32 s19, s18  }
0x9c: {  	s6 =	simm.s32 $0x0;
	s20 =	sshll.u32 s4, $0x1;
	s4 =	sadd.s32 s21, s2  }
0x9d: {  	[timem:s6], [sflag:s22] =	dma.local [hbm:s4], s20  }
0x9e: {  	_ =	swait.ge [sflag:s22], s20  }
0x9f: {  	s3 =	ssub.s32 $0x0, s20;
	[sflag:s22] =	ssyncset.done $0x0  }
0xa0: {  	[sflag:s22] =	ssyncadd.s32 s3;
	_ =	sdelay $0x1  }
0xa1: {  	s23 =	simm.s32 $0x1B8B  }
0xa2: {  	_ =	swait.ge [sflag:s23], $0x1  }
0xa3: {  	[sflag:s23] =	ssyncset.done $0x0  }
0xa4: {  	s25 =	simm.s32 $0x1B8E;
	s24 =	sld [smem:$0x3FFE];
	[sflag:s23] =	ssyncadd.s32 $0xFFFFFFFF  }
0xa5: {  	s26 =	simm.s32 $execute0_lowered;
	[smem:$0x3FD2] =	sst s25  }
0xa6: {  	s4 =	sshll.u32 s26, $0x1;
	_ =	strace $0x80000046;
	[dreg:$0x1] =	wrdreg $0xFFFFFFFF  }
0xa7: {  	s28 =	simm.s32 $_size_execute0_lowered;
	s2 =	sadd.s32 s2, s4;
	[dreg:$0x0] =	wrdreg $0x0  }
0xa8: {  	s4 =	sshll.u32 s28, $0x1;
	[dreg:$0x2] =	wrdreg s2  }
0xa9: {  	[dreg:$0x3] =	wrdreg s4  }
0xaa: {  	[dreg:$0x4] =	wrdreg $0xC0  }
0xab: {  	_ =	task [dreg:s6], $0x5FFFF  }
0xac: {  	[dreg:$0x1] =	wrdreg $0xFFFFFFFF  }
0xad: {  	[dreg:$0x0] =	wrdreg $0x60  }
0xae: {  	[dreg:$0x2] =	wrdreg s24  }
0xaf: {  	[dreg:$0x3] =	wrdreg $0x143000  }
0xb0: {  	[dreg:$0x4] =	wrdreg $0xA  }
0xb1: {  	_ =	task.clear_ibuf [dreg:s6], $0x5FFFF;
	_ =	strace $0x90000046  }
0xb2: {  	s29 =	simm.s32 $0xA;
	_ =	strace $0x80000048  }
0xb3: {  	_ =	swait.ge [sflag:s29], $0x1  }
0xb4: {  	[sflag:s29] =	ssyncadd.s32 $0xFFFFFFFF  }
0xb5: {  	_ =	strace $0x90000048  }
0xb6: {  	_ =	sfence  }
0xb7: {  	s30 =	sld [smem:$0x0];
	_ =	sdelay $0x2  }
0xb8: {  	s31 =	sshll.u32 s1, $0xD;
	s1 =	sshrl.u32 s1, $0x2  }
0xb9: {  	s3 =	sand.u32 $0x4000, s31;
	s1 =	sadd.s32 s1, s30  }
0xba: {  	s0 =	sor.u32 s3, s0;
	s1 =	sshll.u32 s1, $0x11  }
0xbb: {  	s0 =	sor.u32 s1, s0  }
0xbc: {  	s0 =	sadd.s32 $0x8F2B, s0  }
0xbd: {  	[sflag:s0] =	ssyncadd.remote.s32 $0x1  }
0xbe: {  	_ =	sfence.sel $0xFFFF  }
0xbf: {  	[dreg:$0x0] =	wrdreg $0xFFFFFFFF;
	(pc) =	sbr.abs _section_cstart, $3  }
0xc0: {  	[dreg:$0x1] =	wrdreg $0xFFFFFFFF  }
0xc1: {  	_ =	task.clear_ibuf [dreg:s6], $0x2FFFF;
	_ =	strace $0x9FFFFFFF  }
0xc2: {  	(tm) =	ssettm $0x7FFFFFFF  }
0xc3: {  	_ =	shalt  }
tec
execute0_lowered:
.L_overlay_start_1:
0x0: {  	(tag) =	ssettag $0x1  }
0x1: {  	s0 =	rddreg [dreg:$0x0]  }
0x2: {  	s1 =	rddreg [dreg:$0x1];
	s2 =	simm.s32 $0x0;
	s3 =	srdreg.scid  }
0x3: {  	s8 =	stileid.u32;
	s14 =	simm.s32 $0x200;
	s15 =	simm.s32 $0x100  }
0x4: {  	s16 =	simm.s32 $0x1;
	s17 =	simm.s32 $0x2;
	s18 =	simm.s32 $0x28  }
0x5: {  	s28 =	simm.s32 $0xB600;
	s29 =	simm.s32 $0xCA00;
	s30 =	simm.s32 $0xDE00  }
0x6: {  	s31 =	simm.s32 $0xF200;
	[smem:$0x7FF] =	sst s2;
	s4 =	sand.u32 $0x1, s3  }
0x7: {  	s7 =	sadd.s32 $0x3600, s0;
	s3 =	sadd.s32 $0x41E00, s0;
	s10 =	smul.u32 $0xFA, s8  }
0x8: {  	s11 =	sadd.s32 $0x3400, s0;
	s13 =	sadd.s32 $0x1400, s1;
	s23 =	smul.u32 $0x1F40, s8  }
0x9: {  	p0 =	sne.s32 s8, $0x0;
	s8 =	simm.s32 $0x0;
	s5 =	smul.u32 $0x500, s4  }
0xa: {  	_ =	strace $0x80000047;
	s6 =	smul.u32 $0xFA0, s4;
	s9 =	ssub.s32 $0x2, s4  }
0xb: {  	[dreg:$0x3] =	wrdreg s11;
	s4 =	smul.u32 $0x1F400, s4;
	s11 =	simm.s32 $0x3  }
0xc: {  	s12 =	sshrl.u32 @!p0 s1, $0x3;
	s22 =	sshrl.u32 s9, $0x1;
	s5 =	sadd.s32 s5, s0  }
0xd: {  	s9 =	ssub.s32 s9, s22;
	s6 =	sadd.s32 s10, s6;
	s0 =	sadd.s32 $0x42080, s0  }
0xe: {  	s24 =	sadd.s32 s4, s7;
	s10 =	simm.s32 $0x14200;
	s22 =	simm.s32 $0x5200  }
0xf: {  	s4 =	simm.s32 $0x11A00;
	s6 =	sshll.u32 s6, $0x5;
	[dreg:$0x4] =	wrdreg s0  }
0x10: {  	s25 =	sadd.s32 $0x44600, s5;
	s26 =	smax.u32 s9, $0x1;
	s9 =	sadd.s32 s23, s24  }
0x11: {  	s0 =	sshrl.u32 @!p0 s13, $0x3;
	s23 =	simm.s32 $0x6600;
	[dreg:$0x5] =	wrdreg s25  }
0x12: {  	s24 =	simm.s32 $0x7A00;
	s5 =	simm.s32 $0x12E00;
	[dreg:$0x6] =	wrdreg s26  }
0x13: {  	v0 =	vlaneseq.u32;
	s6 =	sadd.s32 s7, s6;
	[dreg:$0x7] =	wrdreg s0;
	s25 =	simm.s32 $0x8E00  }
0x14: {  	v0 =	vmul.u32 $0x1400, v0;
	s26 =	simm.s32 $0xA200;
	s0 =	simm.s32 $0x10600;
	s7 =	simm.s32 $0x14280  }
.LBB2_1:
0x15: {  	s13 =	rddreg [dreg:$0x3]  }
0x16: {  	[tilespmem:s10], [sflag:$0x3] =	stream.linear.gather [hbm4b:s13+s2], $0x100, $0x38;
	[tilespmem:$0x14580] =	vst v63  }
0x17: {  	_ =	swait.ge [sflag:s11], $0x100  }
0x18: {  	[sflag:s11] =	ssyncset.done $0x0  }
0x19: {  	s19 =	simm.s32 @!p0 $0x1C03;
	s13 =	simm.s32 @!p0 $0x3;
	[sflag:s11] =	ssyncadd.s32 $0xFFFFFF00  }
0x1a: {  	[spmem:s12], [sflag:s19] =	dma.local @!p0 [hbm:s3], $0x280  }
0x1b: {  	_ =	swait.ge @!p0 [sflag:s13], $0x280  }
0x1c: {  	[sflag:s13] =	ssyncset.done @!p0 $0x0;
	s20 =	rddreg [dreg:$0x4]  }
0x1d: {  	s21 =	rddreg [dreg:$0x7];
	[sflag:s13] =	ssyncadd.s32 @!p0 $0xFFFFFD80  }
0x1e: {  	[spmem:s21], [sflag:s19] =	dma.local @!p0 [hbm:s20], $0x280  }
0x1f: {  	_ =	swait.ge @!p0 [sflag:s13], $0x280  }
0x20: {  	[sflag:s13] =	ssyncset.done @!p0 $0x0  }
0x21: {  	[sflag:s13] =	ssyncadd.s32 @!p0 $0xFFFFFD80  }
0x22: {  	[bflag:$0x0] =	sbarrier.arrive $0xFFFF  }
0x23: {  	[tilespmem:s14], [sflag:$0x3] =	stream.linear.gather [hbm4b:s3+s2], $0x14000, $0x38;
	[tilespmem:$0x14580] =	vst v63  }
0x24: {  	_ =	swait.ge [sflag:s11], $0x14000  }
0x25: {  	[sflag:s11] =	ssyncset.done $0x0  }
0x26: {  	s19 =	simm.s32 $0xFFFFE0C0;
	[sflag:s11] =	ssyncadd.s32 $0xFFFEC000  }
0x27: {  	[tilespmem:s2], [sflag:$0x1] =	stream.linear.gather [hbm4b:s6+s2], $0x100, $0x38;
	[tilespmem:$0x14580] =	vst v63  }
.LBB2_2:
0x28: {  	s13 =	sadd.s32 s19, s9  }
0x29: {  	s13 =	sadd.s32 $0x1F60, s13  }
0x2a: {  	[tilespmem:s15], [sflag:$0x2] =	stream.linear.gather [hbm4b:s13+s2], $0x100, $0x38;
	[tilespmem:$0x14580] =	vst v63  }
0x2b: {  	_ =	swait.ge [sflag:s16], $0x100  }
0x2c: {  	[sflag:s16] =	ssyncset.done $0x0  }
0x2d: {  	[sflag:s16] =	ssyncadd.s32 $0xFFFFFF00  }
0x2e: {  	v1 =	vld [tilespmem:$0x80];
	_ =	sdelay $0x4  }
0x2f: {  	vm0 =	vgt.s32 v1, $0x0  }
0x30: {  	v2 =	vnsel vm0, $0x0, v1  }
0x31: {  	vm9 =	vlt.u32 v1, $0x1400;
	v1 =	vmin.u32 v2, $0x13FF  }
0x32: {  	v1 =	vadd.s32 v0, v1;
	_ =	sdelay $0x4  }
0x33: {  	v2 =	vld.idx.msk [tilespmem:v1+s14+$0x0], vm9;
	_ =	sdelay $0x4  }
0x34: {  	v2 =	vadd.f32 $1.000000000e+00, v2;
	_ =	sdelay $0x1  }
0x35: {  	[tilespmem:v1+s14+$0x0] =	vst.idx.msk vm9, v2  }
0x36: {  	v1 =	vld [tilespmem:$0x90];
	_ =	sdelay $0x4  }
0x37: {  	vm10 =	vgt.s32 v1, $0x0  }
0x38: {  	v2 =	vnsel vm10, $0x0, v1  }
0x39: {  	vm11 =	vlt.u32 v1, $0x1400;
	v1 =	vmin.u32 v2, $0x13FF  }
0x3a: {  	v1 =	vadd.s32 v0, v1;
	_ =	sdelay $0x4  }
0x3b: {  	v2 =	vld.idx.msk [tilespmem:v1+s14+$0x0], vm11;
	_ =	sdelay $0x4  }
0x3c: {  	v2 =	vadd.f32 $1.000000000e+00, v2;
	_ =	sdelay $0x1  }
0x3d: {  	[tilespmem:v1+s14+$0x0] =	vst.idx.msk vm11, v2  }
0x3e: {  	v1 =	vld [tilespmem:$0xA0];
	_ =	sdelay $0x4  }
0x3f: {  	vm12 =	vgt.s32 v1, $0x0  }
0x40: {  	v2 =	vnsel vm12, $0x0, v1  }
0x41: {  	vm13 =	vlt.u32 v1, $0x1400;
	v1 =	vmin.u32 v2, $0x13FF  }
0x42: {  	v1 =	vadd.s32 v0, v1;
	_ =	sdelay $0x4  }
0x43: {  	v2 =	vld.idx.msk [tilespmem:v1+s14+$0x0], vm13;
	_ =	sdelay $0x4  }
0x44: {  	v2 =	vadd.f32 $1.000000000e+00, v2;
	_ =	sdelay $0x1  }
0x45: {  	[tilespmem:v1+s14+$0x0] =	vst.idx.msk vm13, v2  }
0x46: {  	v1 =	vld [tilespmem:$0xB0];
	_ =	sdelay $0x4  }
0x47: {  	vm14 =	vgt.s32 v1, $0x0  }
0x48: {  	v2 =	vnsel vm14, $0x0, v1  }
0x49: {  	vm15 =	vlt.u32 v1, $0x1400;
	v1 =	vmin.u32 v2, $0x13FF  }
0x4a: {  	v1 =	vadd.s32 v0, v1;
	_ =	sdelay $0x4  }
0x4b: {  	v2 =	vld.idx.msk [tilespmem:v1+s14+$0x0], vm15;
	_ =	sdelay $0x4  }
0x4c: {  	v2 =	vadd.f32 $1.000000000e+00, v2;
	_ =	sdelay $0x1  }
0x4d: {  	[tilespmem:v1+s14+$0x0] =	vst.idx.msk vm15, v2  }
0x4e: {  	v1 =	vld [tilespmem:$0xC0];
	_ =	sdelay $0x4  }
0x4f: {  	vm4 =	vgt.s32 v1, $0x0  }
0x50: {  	v2 =	vnsel vm4, $0x0, v1  }
0x51: {  	vm5 =	vlt.u32 v1, $0x1400;
	v1 =	vmin.u32 v2, $0x13FF  }
0x52: {  	v1 =	vadd.s32 v0, v1;
	_ =	sdelay $0x4  }
0x53: {  	v2 =	vld.idx.msk [tilespmem:v1+s14+$0x0], vm5;
	_ =	sdelay $0x4  }
0x54: {  	p1 =	seq.s32 s19, $0xFFFFFFC0;
	v2 =	vadd.f32 $1.000000000e+00, v2  }
0x55: {  	s13 =	sadd.s32 @!p1 s19, s9  }
0x56: {  	s20 =	simm.s32 @!p1 $0x0;
	s13 =	sadd.s32 @!p1 $0x1F80, s13;
	[tilespmem:v1+s14+$0x0] =	vst.idx.msk vm5, v2  }
0x57: {  	[tilespmem:s20], [sflag:$0x1] =	stream.linear.gather @!p1 [hbm4b:s13+s20], $0x100, $0x38;
	[tilespmem:$0x14580] =	vst v63  }
0x58: {  	_ =	swait.ge [sflag:s17], $0x100  }
0x59: {  	[sflag:s17] =	ssyncset.done $0x0  }
0x5a: {  	[sflag:s17] =	ssyncadd.s32 $0xFFFFFF00  }
0x5b: {  	v1 =	vld [tilespmem:$0x180];
	_ =	sdelay $0x4  }
0x5c: {  	vm6 =	vgt.s32 v1, $0x0  }
0x5d: {  	v2 =	vnsel vm6, $0x0, v1  }
0x5e: {  	vm7 =	vlt.u32 v1, $0x1400;
	v1 =	vmin.u32 v2, $0x13FF  }
0x5f: {  	v1 =	vadd.s32 v0, v1;
	_ =	sdelay $0x4  }
0x60: {  	v2 =	vld.idx.msk [tilespmem:v1+s14+$0x0], vm7;
	_ =	sdelay $0x4  }
0x61: {  	v2 =	vadd.f32 $1.000000000e+00, v2;
	_ =	sdelay $0x1  }
0x62: {  	[tilespmem:v1+s14+$0x0] =	vst.idx.msk vm7, v2  }
0x63: {  	v1 =	vld [tilespmem:$0x190];
	_ =	sdelay $0x4  }
0x64: {  	vm8 =	vgt.s32 v1, $0x0  }
0x65: {  	v2 =	vnsel vm8, $0x0, v1  }
0x66: {  	vm9 =	vlt.u32 v1, $0x1400;
	v1 =	vmin.u32 v2, $0x13FF  }
0x67: {  	v1 =	vadd.s32 v0, v1;
	_ =	sdelay $0x4  }
0x68: {  	v2 =	vld.idx.msk [tilespmem:v1+s14+$0x0], vm9;
	_ =	sdelay $0x4  }
0x69: {  	v2 =	vadd.f32 $1.000000000e+00, v2;
	_ =	sdelay $0x1  }
0x6a: {  	[tilespmem:v1+s14+$0x0] =	vst.idx.msk vm9, v2  }
0x6b: {  	v1 =	vld [tilespmem:$0x1A0];
	_ =	sdelay $0x4  }
0x6c: {  	vm10 =	vgt.s32 v1, $0x0  }
0x6d: {  	v2 =	vnsel vm10, $0x0, v1  }
0x6e: {  	vm11 =	vlt.u32 v1, $0x1400;
	v1 =	vmin.u32 v2, $0x13FF  }
0x6f: {  	v1 =	vadd.s32 v0, v1;
	_ =	sdelay $0x4  }
0x70: {  	v2 =	vld.idx.msk [tilespmem:v1+s14+$0x0], vm11;
	_ =	sdelay $0x4  }
0x71: {  	v2 =	vadd.f32 $1.000000000e+00, v2;
	_ =	sdelay $0x1  }
0x72: {  	[tilespmem:v1+s14+$0x0] =	vst.idx.msk vm11, v2  }
0x73: {  	v1 =	vld [tilespmem:$0x1B0];
	_ =	sdelay $0x4  }
0x74: {  	vm12 =	vgt.s32 v1, $0x0  }
0x75: {  	v2 =	vnsel vm12, $0x0, v1  }
0x76: {  	vm13 =	vlt.u32 v1, $0x1400;
	v1 =	vmin.u32 v2, $0x13FF  }
0x77: {  	v1 =	vadd.s32 v0, v1;
	_ =	sdelay $0x4  }
0x78: {  	v2 =	vld.idx.msk [tilespmem:v1+s14+$0x0], vm13;
	_ =	sdelay $0x4  }
0x79: {  	v2 =	vadd.f32 $1.000000000e+00, v2;
	_ =	sdelay $0x1  }
0x7a: {  	[tilespmem:v1+s14+$0x0] =	vst.idx.msk vm13, v2  }
0x7b: {  	v1 =	vld [tilespmem:$0x1C0];
	_ =	sdelay $0x4  }
0x7c: {  	vm14 =	vgt.s32 v1, $0x0  }
0x7d: {  	v2 =	vnsel vm14, $0x0, v1  }
0x7e: {  	vm15 =	vlt.u32 v1, $0x1400;
	v1 =	vmin.u32 v2, $0x13FF  }
0x7f: {  	v1 =	vadd.s32 v0, v1;
	_ =	sdelay $0x4  }
0x80: {  	v2 =	vld.idx.msk [tilespmem:v1+s14+$0x0], vm15  }
0x81: {  	s19 =	sadd.s32 $0x40, s19  }
0x82: {  	p1 =	sne.s32 s19, $0x0  }
.Ltmp0:
0x83: {  	_ = 	snop;
	(pc) =	sbr.rel @p1 .LBB2_2-.Ltmp0, $3  }
0x84: {  	_ = 	snop  }
0x85: {  	v2 =	vadd.f32 $1.000000000e+00, v2;
	_ =	sdelay $0x1  }
0x86: {  	[tilespmem:v1+s14+$0x0] =	vst.idx.msk vm15, v2  }
0x87: {  	[spmem:s1] =	stream.indirect.scatter.add.f32 [tilespmem:s14], [sflag:$0x3], $0x80, s10, s18, $0xb8;
	[tilespmem:$0x14580] =	vst v63  }
0x88: {  	_ =	swait.ge [sflag:s11], $0x1400  }
0x89: {  	[sflag:s11] =	ssyncset.done $0x0  }
0x8a: {  	s21 =	simm.s32 $0x1600;
	[sflag:s11] =	ssyncadd.s32 $0xFFFFEC00  }
0x8b: {  	[spmem:s1] =	stream.indirect.scatter.add.f32 [tilespmem:s21], [sflag:$0x3], $0x80, s10, s18, $0xb8;
	[tilespmem:$0x14580] =	vst v63  }
0x8c: {  	_ =	swait.ge [sflag:s11], $0x1400  }
0x8d: {  	[sflag:s11] =	ssyncset.done $0x0  }
0x8e: {  	s13 =	simm.s32 $0x2A00;
	[sflag:s11] =	ssyncadd.s32 $0xFFFFEC00  }
0x8f: {  	[spmem:s1] =	stream.indirect.scatter.add.f32 [tilespmem:s13], [sflag:$0x3], $0x80, s10, s18, $0xb8;
	[tilespmem:$0x14580] =	vst v63  }
0x90: {  	_ =	swait.ge [sflag:s11], $0x1400  }
0x91: {  	[sflag:s11] =	ssyncset.done $0x0  }
0x92: {  	s20 =	simm.s32 $0x3E00;
	[sflag:s11] =	ssyncadd.s32 $0xFFFFEC00  }
0x93: {  	[spmem:s1] =	stream.indirect.scatter.add.f32 [tilespmem:s20], [sflag:$0x3], $0x80, s10, s18, $0xb8;
	[tilespmem:$0x14580] =	vst v63  }
0x94: {  	_ =	swait.ge [sflag:s11], $0x1400  }
0x95: {  	[sflag:s11] =	ssyncset.done $0x0  }
0x96: {  	[sflag:s11] =	ssyncadd.s32 $0xFFFFEC00  }
0x97: {  	[spmem:s1] =	stream.indirect.scatter.add.f32 [tilespmem:s22], [sflag:$0x3], $0x80, s10, s18, $0xb8;
	[tilespmem:$0x14580] =	vst v63  }
0x98: {  	_ =	swait.ge [sflag:s11], $0x1400  }
0x99: {  	[sflag:s11] =	ssyncset.done $0x0  }
0x9a: {  	[sflag:s11] =	ssyncadd.s32 $0xFFFFEC00  }
0x9b: {  	[spmem:s1] =	stream.indirect.scatter.add.f32 [tilespmem:s23], [sflag:$0x3], $0x80, s10, s18, $0xb8;
	[tilespmem:$0x14580] =	vst v63  }
0x9c: {  	_ =	swait.ge [sflag:s11], $0x1400  }
0x9d: {  	[sflag:s11] =	ssyncset.done $0x0  }
0x9e: {  	[sflag:s11] =	ssyncadd.s32 $0xFFFFEC00  }
0x9f: {  	[spmem:s1] =	stream.indirect.scatter.add.f32 [tilespmem:s24], [sflag:$0x3], $0x80, s10, s18, $0xb8;
	[tilespmem:$0x14580] =	vst v63  }
0xa0: {  	_ =	swait.ge [sflag:s11], $0x1400  }
0xa1: {  	[sflag:s11] =	ssyncset.done $0x0  }
0xa2: {  	[sflag:s11] =	ssyncadd.s32 $0xFFFFEC00  }
0xa3: {  	[spmem:s1] =	stream.indirect.scatter.add.f32 [tilespmem:s25], [sflag:$0x3], $0x80, s10, s18, $0xb8;
	[tilespmem:$0x14580] =	vst v63  }
0xa4: {  	_ =	swait.ge [sflag:s11], $0x1400  }
0xa5: {  	[sflag:s11] =	ssyncset.done $0x0  }
0xa6: {  	[sflag:s11] =	ssyncadd.s32 $0xFFFFEC00  }
0xa7: {  	[spmem:s1] =	stream.indirect.scatter.add.f32 [tilespmem:s26], [sflag:$0x3], $0x80, s10, s18, $0xb8;
	[tilespmem:$0x14580] =	vst v63  }
0xa8: {  	_ =	swait.ge [sflag:s11], $0x1400  }
0xa9: {  	[sflag:s11] =	ssyncset.done $0x0  }
0xaa: {  	[sflag:s11] =	ssyncadd.s32 $0xFFFFEC00  }
0xab: {  	[spmem:s1] =	stream.indirect.scatter.add.f32 [tilespmem:s28], [sflag:$0x3], $0x80, s10, s18, $0xb8;
	[tilespmem:$0x14580] =	vst v63  }
0xac: {  	_ =	swait.ge [sflag:s11], $0x1400  }
0xad: {  	[sflag:s11] =	ssyncset.done $0x0  }
0xae: {  	[sflag:s11] =	ssyncadd.s32 $0xFFFFEC00  }
0xaf: {  	[spmem:s1] =	stream.indirect.scatter.add.f32 [tilespmem:s29], [sflag:$0x3], $0x80, s10, s18, $0xb8;
	[tilespmem:$0x14580] =	vst v63  }
0xb0: {  	_ =	swait.ge [sflag:s11], $0x1400  }
0xb1: {  	[sflag:s11] =	ssyncset.done $0x0  }
0xb2: {  	[sflag:s11] =	ssyncadd.s32 $0xFFFFEC00  }
0xb3: {  	[spmem:s1] =	stream.indirect.scatter.add.f32 [tilespmem:s30], [sflag:$0x3], $0x80, s10, s18, $0xb8;
	[tilespmem:$0x14580] =	vst v63  }
0xb4: {  	_ =	swait.ge [sflag:s11], $0x1400  }
0xb5: {  	[sflag:s11] =	ssyncset.done $0x0  }
0xb6: {  	[sflag:s11] =	ssyncadd.s32 $0xFFFFEC00  }
0xb7: {  	[spmem:s1] =	stream.indirect.scatter.add.f32 [tilespmem:s31], [sflag:$0x3], $0x80, s10, s18, $0xb8;
	[tilespmem:$0x14580] =	vst v63  }
0xb8: {  	_ =	swait.ge [sflag:s11], $0x1400  }
0xb9: {  	[sflag:s11] =	ssyncset.done $0x0  }
0xba: {  	[sflag:s11] =	ssyncadd.s32 $0xFFFFEC00  }
0xbb: {  	[spmem:s1] =	stream.indirect.scatter.add.f32 [tilespmem:s0], [sflag:$0x3], $0x80, s10, s18, $0xb8;
	[tilespmem:$0x14580] =	vst v63  }
0xbc: {  	_ =	swait.ge [sflag:s11], $0x1400  }
0xbd: {  	[sflag:s11] =	ssyncset.done $0x0  }
0xbe: {  	[sflag:s11] =	ssyncadd.s32 $0xFFFFEC00  }
0xbf: {  	[spmem:s1] =	stream.indirect.scatter.add.f32 [tilespmem:s4], [sflag:$0x3], $0x80, s10, s18, $0xb8;
	[tilespmem:$0x14580] =	vst v63  }
0xc0: {  	_ =	swait.ge [sflag:s11], $0x1400  }
0xc1: {  	[sflag:s11] =	ssyncset.done $0x0  }
0xc2: {  	[sflag:s11] =	ssyncadd.s32 $0xFFFFEC00  }
0xc3: {  	[spmem:s1] =	stream.indirect.scatter.add.f32 [tilespmem:s5], [sflag:$0x3], $0x80, s10, s18, $0xb8;
	[tilespmem:$0x14580] =	vst v63  }
0xc4: {  	_ =	swait.ge [sflag:s11], $0x1400  }
0xc5: {  	[sflag:s11] =	ssyncset.done $0x0  }
0xc6: {  	[sflag:s11] =	ssyncadd.s32 $0xFFFFEC00  }
0xc7: {  	[tilespmem:s14], [sflag:$0x3] =	stream.linear.gather [hbm4b:s3+s2], $0x14000, $0x38;
	[tilespmem:$0x14580] =	vst v63  }
0xc8: {  	_ =	swait.ge [sflag:s11], $0x14000  }
0xc9: {  	[sflag:s11] =	ssyncset.done $0x0  }
0xca: {  	s19 =	simm.s32 $0xFFFFE0C0;
	[sflag:s11] =	ssyncadd.s32 $0xFFFEC000  }
0xcb: {  	[tilespmem:s2], [sflag:$0x1] =	stream.linear.gather [hbm4b:s6+s2], $0x100, $0x38;
	[tilespmem:$0x14580] =	vst v63  }
.LBB2_4:
0xcc: {  	s13 =	sadd.s32 s19, s9  }
0xcd: {  	s13 =	sadd.s32 $0x1F60, s13  }
0xce: {  	[tilespmem:s15], [sflag:$0x2] =	stream.linear.gather [hbm4b:s13+s2], $0x100, $0x38;
	[tilespmem:$0x14580] =	vst v63  }
0xcf: {  	_ =	swait.ge [sflag:s16], $0x100  }
0xd0: {  	[sflag:s16] =	ssyncset.done $0x0  }
0xd1: {  	[sflag:s16] =	ssyncadd.s32 $0xFFFFFF00  }
0xd2: {  	v1 =	vld [tilespmem:$0x80];
	_ =	sdelay $0x4  }
0xd3: {  	v1 =	vadd.s32 $0xFFFFEC00, v1  }
0xd4: {  	vm0 =	vgt.s32 v1, $0x0  }
0xd5: {  	v2 =	vnsel vm0, $0x0, v1  }
0xd6: {  	vm9 =	vlt.u32 v1, $0x1400;
	v1 =	vmin.u32 v2, $0x13FF  }
0xd7: {  	v1 =	vadd.s32 v0, v1;
	_ =	sdelay $0x4  }
0xd8: {  	v2 =	vld.idx.msk [tilespmem:v1+s14+$0x0], vm9;
	_ =	sdelay $0x4  }
0xd9: {  	v2 =	vadd.f32 $1.000000000e+00, v2;
	_ =	sdelay $0x1  }
0xda: {  	[tilespmem:v1+s14+$0x0] =	vst.idx.msk vm9, v2  }
0xdb: {  	v1 =	vld [tilespmem:$0x90];
	_ =	sdelay $0x4  }
0xdc: {  	v1 =	vadd.s32 $0xFFFFEC00, v1  }
0xdd: {  	vm10 =	vgt.s32 v1, $0x0  }
0xde: {  	v2 =	vnsel vm10, $0x0, v1  }
0xdf: {  	vm11 =	vlt.u32 v1, $0x1400;
	v1 =	vmin.u32 v2, $0x13FF  }
0xe0: {  	v1 =	vadd.s32 v0, v1;
	_ =	sdelay $0x4  }
0xe1: {  	v2 =	vld.idx.msk [tilespmem:v1+s14+$0x0], vm11;
	_ =	sdelay $0x4  }
0xe2: {  	v2 =	vadd.f32 $1.000000000e+00, v2;
	_ =	sdelay $0x1  }
0xe3: {  	[tilespmem:v1+s14+$0x0] =	vst.idx.msk vm11, v2  }
0xe4: {  	v1 =	vld [tilespmem:$0xA0];
	_ =	sdelay $0x4  }
0xe5: {  	v1 =	vadd.s32 $0xFFFFEC00, v1  }
0xe6: {  	vm12 =	vgt.s32 v1, $0x0  }
0xe7: {  	v2 =	vnsel vm12, $0x0, v1  }
0xe8: {  	vm13 =	vlt.u32 v1, $0x1400;
	v1 =	vmin.u32 v2, $0x13FF  }
0xe9: {  	v1 =	vadd.s32 v0, v1;
	_ =	sdelay $0x4  }
0xea: {  	v2 =	vld.idx.msk [tilespmem:v1+s14+$0x0], vm13;
	_ =	sdelay $0x4  }
0xeb: {  	v2 =	vadd.f32 $1.000000000e+00, v2;
	_ =	sdelay $0x1  }
0xec: {  	[tilespmem:v1+s14+$0x0] =	vst.idx.msk vm13, v2  }
0xed: {  	v1 =	vld [tilespmem:$0xB0];
	_ =	sdelay $0x4  }
0xee: {  	v1 =	vadd.s32 $0xFFFFEC00, v1  }
0xef: {  	vm14 =	vgt.s32 v1, $0x0  }
0xf0: {  	v2 =	vnsel vm14, $0x0, v1  }
0xf1: {  	vm15 =	vlt.u32 v1, $0x1400;
	v1 =	vmin.u32 v2, $0x13FF  }
0xf2: {  	v1 =	vadd.s32 v0, v1;
	_ =	sdelay $0x4  }
0xf3: {  	v2 =	vld.idx.msk [tilespmem:v1+s14+$0x0], vm15;
	_ =	sdelay $0x4  }
0xf4: {  	v2 =	vadd.f32 $1.000000000e+00, v2;
	_ =	sdelay $0x1  }
0xf5: {  	[tilespmem:v1+s14+$0x0] =	vst.idx.msk vm15, v2  }
0xf6: {  	v1 =	vld [tilespmem:$0xC0];
	_ =	sdelay $0x4  }
0xf7: {  	v1 =	vadd.s32 $0xFFFFEC00, v1  }
0xf8: {  	vm4 =	vgt.s32 v1, $0x0  }
0xf9: {  	v2 =	vnsel vm4, $0x0, v1  }
0xfa: {  	vm5 =	vlt.u32 v1, $0x1400;
	v1 =	vmin.u32 v2, $0x13FF  }
0xfb: {  	v1 =	vadd.s32 v0, v1;
	_ =	sdelay $0x4  }
0xfc: {  	v2 =	vld.idx.msk [tilespmem:v1+s14+$0x0], vm5;
	_ =	sdelay $0x4  }
0xfd: {  	p1 =	seq.s32 s19, $0xFFFFFFC0;
	v2 =	vadd.f32 $1.000000000e+00, v2  }
0xfe: {  	s13 =	sadd.s32 @!p1 s19, s9  }
0xff: {  	s20 =	simm.s32 @!p1 $0x0;
	s13 =	sadd.s32 @!p1 $0x1F80, s13;
	[tilespmem:v1+s14+$0x0] =	vst.idx.msk vm5, v2  }
0x100: {  	[tilespmem:s20], [sflag:$0x1] =	stream.linear.gather @!p1 [hbm4b:s13+s20], $0x100, $0x38;
	[tilespmem:$0x14580] =	vst v63  }
0x101: {  	_ =	swait.ge [sflag:s17], $0x100  }
0x102: {  	[sflag:s17] =	ssyncset.done $0x0  }
0x103: {  	[sflag:s17] =	ssyncadd.s32 $0xFFFFFF00  }
0x104: {  	v1 =	vld [tilespmem:$0x180];
	_ =	sdelay $0x4  }
0x105: {  	v1 =	vadd.s32 $0xFFFFEC00, v1  }
0x106: {  	vm6 =	vgt.s32 v1, $0x0  }
0x107: {  	v2 =	vnsel vm6, $0x0, v1  }
0x108: {  	vm7 =	vlt.u32 v1, $0x1400;
	v1 =	vmin.u32 v2, $0x13FF  }
0x109: {  	v1 =	vadd.s32 v0, v1;
	_ =	sdelay $0x4  }
0x10a: {  	v2 =	vld.idx.msk [tilespmem:v1+s14+$0x0], vm7;
	_ =	sdelay $0x4  }
0x10b: {  	v2 =	vadd.f32 $1.000000000e+00, v2;
	_ =	sdelay $0x1  }
0x10c: {  	[tilespmem:v1+s14+$0x0] =	vst.idx.msk vm7, v2  }
0x10d: {  	v1 =	vld [tilespmem:$0x190];
	_ =	sdelay $0x4  }
0x10e: {  	v1 =	vadd.s32 $0xFFFFEC00, v1  }
0x10f: {  	vm8 =	vgt.s32 v1, $0x0  }
0x110: {  	v2 =	vnsel vm8, $0x0, v1  }
0x111: {  	vm9 =	vlt.u32 v1, $0x1400;
	v1 =	vmin.u32 v2, $0x13FF  }
0x112: {  	v1 =	vadd.s32 v0, v1;
	_ =	sdelay $0x4  }
0x113: {  	v2 =	vld.idx.msk [tilespmem:v1+s14+$0x0], vm9;
	_ =	sdelay $0x4  }
0x114: {  	v2 =	vadd.f32 $1.000000000e+00, v2;
	_ =	sdelay $0x1  }
0x115: {  	[tilespmem:v1+s14+$0x0] =	vst.idx.msk vm9, v2  }
0x116: {  	v1 =	vld [tilespmem:$0x1A0];
	_ =	sdelay $0x4  }
0x117: {  	v1 =	vadd.s32 $0xFFFFEC00, v1  }
0x118: {  	vm10 =	vgt.s32 v1, $0x0  }
0x119: {  	v2 =	vnsel vm10, $0x0, v1  }
0x11a: {  	vm11 =	vlt.u32 v1, $0x1400;
	v1 =	vmin.u32 v2, $0x13FF  }
0x11b: {  	v1 =	vadd.s32 v0, v1;
	_ =	sdelay $0x4  }
0x11c: {  	v2 =	vld.idx.msk [tilespmem:v1+s14+$0x0], vm11;
	_ =	sdelay $0x4  }
0x11d: {  	v2 =	vadd.f32 $1.000000000e+00, v2;
	_ =	sdelay $0x1  }
0x11e: {  	[tilespmem:v1+s14+$0x0] =	vst.idx.msk vm11, v2  }
0x11f: {  	v1 =	vld [tilespmem:$0x1B0];
	_ =	sdelay $0x4  }
0x120: {  	v1 =	vadd.s32 $0xFFFFEC00, v1  }
0x121: {  	vm12 =	vgt.s32 v1, $0x0  }
0x122: {  	v2 =	vnsel vm12, $0x0, v1  }
0x123: {  	vm13 =	vlt.u32 v1, $0x1400;
	v1 =	vmin.u32 v2, $0x13FF  }
0x124: {  	v1 =	vadd.s32 v0, v1;
	_ =	sdelay $0x4  }
0x125: {  	v2 =	vld.idx.msk [tilespmem:v1+s14+$0x0], vm13;
	_ =	sdelay $0x4  }
0x126: {  	v2 =	vadd.f32 $1.000000000e+00, v2;
	_ =	sdelay $0x1  }
0x127: {  	[tilespmem:v1+s14+$0x0] =	vst.idx.msk vm13, v2  }
0x128: {  	v1 =	vld [tilespmem:$0x1C0];
	_ =	sdelay $0x4  }
0x129: {  	v1 =	vadd.s32 $0xFFFFEC00, v1  }
0x12a: {  	vm14 =	vgt.s32 v1, $0x0  }
0x12b: {  	v2 =	vnsel vm14, $0x0, v1  }
0x12c: {  	vm15 =	vlt.u32 v1, $0x1400;
	v1 =	vmin.u32 v2, $0x13FF  }
0x12d: {  	v1 =	vadd.s32 v0, v1;
	_ =	sdelay $0x4  }
0x12e: {  	v2 =	vld.idx.msk [tilespmem:v1+s14+$0x0], vm15  }
0x12f: {  	s19 =	sadd.s32 $0x40, s19  }
0x130: {  	p1 =	sne.s32 s19, $0x0  }
.Ltmp1:
0x131: {  	_ = 	snop;
	(pc) =	sbr.rel @p1 .LBB2_4-.Ltmp1, $3  }
0x132: {  	_ = 	snop  }
0x133: {  	v2 =	vadd.f32 $1.000000000e+00, v2;
	_ =	sdelay $0x1  }
0x134: {  	[tilespmem:v1+s14+$0x0] =	vst.idx.msk vm15, v2  }
0x135: {  	[spmem:s1] =	stream.indirect.scatter.add.f32 [tilespmem:s14], [sflag:$0x3], $0x80, s7, s18, $0xb8;
	[tilespmem:$0x14580] =	vst v63  }
0x136: {  	_ =	swait.ge [sflag:s11], $0x1400  }
0x137: {  	[sflag:s11] =	ssyncset.done $0x0  }
0x138: {  	[sflag:s11] =	ssyncadd.s32 $0xFFFFEC00  }
0x139: {  	[spmem:s1] =	stream.indirect.scatter.add.f32 [tilespmem:s21], [sflag:$0x3], $0x80, s7, s18, $0xb8;
	[tilespmem:$0x14580] =	vst v63  }
0x13a: {  	_ =	swait.ge [sflag:s11], $0x1400  }
0x13b: {  	[sflag:s11] =	ssyncset.done $0x0  }
0x13c: {  	s13 =	simm.s32 $0x2A00;
	[sflag:s11] =	ssyncadd.s32 $0xFFFFEC00  }
0x13d: {  	[spmem:s1] =	stream.indirect.scatter.add.f32 [tilespmem:s13], [sflag:$0x3], $0x80, s7, s18, $0xb8;
	[tilespmem:$0x14580] =	vst v63  }
0x13e: {  	_ =	swait.ge [sflag:s11], $0x1400  }
0x13f: {  	[sflag:s11] =	ssyncset.done $0x0  }
0x140: {  	s20 =	simm.s32 $0x3E00;
	[sflag:s11] =	ssyncadd.s32 $0xFFFFEC00  }
0x141: {  	[spmem:s1] =	stream.indirect.scatter.add.f32 [tilespmem:s20], [sflag:$0x3], $0x80, s7, s18, $0xb8;
	[tilespmem:$0x14580] =	vst v63  }
0x142: {  	_ =	swait.ge [sflag:s11], $0x1400  }
0x143: {  	[sflag:s11] =	ssyncset.done $0x0  }
0x144: {  	[sflag:s11] =	ssyncadd.s32 $0xFFFFEC00  }
0x145: {  	[spmem:s1] =	stream.indirect.scatter.add.f32 [tilespmem:s22], [sflag:$0x3], $0x80, s7, s18, $0xb8;
	[tilespmem:$0x14580] =	vst v63  }
0x146: {  	_ =	swait.ge [sflag:s11], $0x1400  }
0x147: {  	[sflag:s11] =	ssyncset.done $0x0  }
0x148: {  	[sflag:s11] =	ssyncadd.s32 $0xFFFFEC00  }
0x149: {  	[spmem:s1] =	stream.indirect.scatter.add.f32 [tilespmem:s23], [sflag:$0x3], $0x80, s7, s18, $0xb8;
	[tilespmem:$0x14580] =	vst v63  }
0x14a: {  	_ =	swait.ge [sflag:s11], $0x1400  }
0x14b: {  	[sflag:s11] =	ssyncset.done $0x0  }
0x14c: {  	[sflag:s11] =	ssyncadd.s32 $0xFFFFEC00  }
0x14d: {  	[spmem:s1] =	stream.indirect.scatter.add.f32 [tilespmem:s24], [sflag:$0x3], $0x80, s7, s18, $0xb8;
	[tilespmem:$0x14580] =	vst v63  }
0x14e: {  	_ =	swait.ge [sflag:s11], $0x1400  }
0x14f: {  	[sflag:s11] =	ssyncset.done $0x0  }
0x150: {  	[sflag:s11] =	ssyncadd.s32 $0xFFFFEC00  }
0x151: {  	[spmem:s1] =	stream.indirect.scatter.add.f32 [tilespmem:s25], [sflag:$0x3], $0x80, s7, s18, $0xb8;
	[tilespmem:$0x14580] =	vst v63  }
0x152: {  	_ =	swait.ge [sflag:s11], $0x1400  }
0x153: {  	[sflag:s11] =	ssyncset.done $0x0  }
0x154: {  	[sflag:s11] =	ssyncadd.s32 $0xFFFFEC00  }
0x155: {  	[spmem:s1] =	stream.indirect.scatter.add.f32 [tilespmem:s26], [sflag:$0x3], $0x80, s7, s18, $0xb8;
	[tilespmem:$0x14580] =	vst v63  }
0x156: {  	_ =	swait.ge [sflag:s11], $0x1400  }
0x157: {  	[sflag:s11] =	ssyncset.done $0x0  }
0x158: {  	[sflag:s11] =	ssyncadd.s32 $0xFFFFEC00  }
0x159: {  	[spmem:s1] =	stream.indirect.scatter.add.f32 [tilespmem:s28], [sflag:$0x3], $0x80, s7, s18, $0xb8;
	[tilespmem:$0x14580] =	vst v63  }
0x15a: {  	_ =	swait.ge [sflag:s11], $0x1400  }
0x15b: {  	[sflag:s11] =	ssyncset.done $0x0  }
0x15c: {  	[sflag:s11] =	ssyncadd.s32 $0xFFFFEC00  }
0x15d: {  	[spmem:s1] =	stream.indirect.scatter.add.f32 [tilespmem:s29], [sflag:$0x3], $0x80, s7, s18, $0xb8;
	[tilespmem:$0x14580] =	vst v63  }
0x15e: {  	_ =	swait.ge [sflag:s11], $0x1400  }
0x15f: {  	[sflag:s11] =	ssyncset.done $0x0  }
0x160: {  	[sflag:s11] =	ssyncadd.s32 $0xFFFFEC00  }
0x161: {  	[spmem:s1] =	stream.indirect.scatter.add.f32 [tilespmem:s30], [sflag:$0x3], $0x80, s7, s18, $0xb8;
	[tilespmem:$0x14580] =	vst v63  }
0x162: {  	_ =	swait.ge [sflag:s11], $0x1400  }
0x163: {  	[sflag:s11] =	ssyncset.done $0x0  }
0x164: {  	[sflag:s11] =	ssyncadd.s32 $0xFFFFEC00  }
0x165: {  	[spmem:s1] =	stream.indirect.scatter.add.f32 [tilespmem:s31], [sflag:$0x3], $0x80, s7, s18, $0xb8;
	[tilespmem:$0x14580] =	vst v63  }
0x166: {  	_ =	swait.ge [sflag:s11], $0x1400  }
0x167: {  	[sflag:s11] =	ssyncset.done $0x0  }
0x168: {  	[sflag:s11] =	ssyncadd.s32 $0xFFFFEC00  }
0x169: {  	[spmem:s1] =	stream.indirect.scatter.add.f32 [tilespmem:s0], [sflag:$0x3], $0x80, s7, s18, $0xb8;
	[tilespmem:$0x14580] =	vst v63  }
0x16a: {  	_ =	swait.ge [sflag:s11], $0x1400  }
0x16b: {  	[sflag:s11] =	ssyncset.done $0x0  }
0x16c: {  	[sflag:s11] =	ssyncadd.s32 $0xFFFFEC00  }
0x16d: {  	[spmem:s1] =	stream.indirect.scatter.add.f32 [tilespmem:s4], [sflag:$0x3], $0x80, s7, s18, $0xb8;
	[tilespmem:$0x14580] =	vst v63  }
0x16e: {  	_ =	swait.ge [sflag:s11], $0x1400  }
0x16f: {  	[sflag:s11] =	ssyncset.done $0x0  }
0x170: {  	[sflag:s11] =	ssyncadd.s32 $0xFFFFEC00  }
0x171: {  	[spmem:s1] =	stream.indirect.scatter.add.f32 [tilespmem:s5], [sflag:$0x3], $0x80, s7, s18, $0xb8;
	[tilespmem:$0x14580] =	vst v63  }
0x172: {  	_ =	swait.ge [sflag:s11], $0x1400  }
0x173: {  	[sflag:s11] =	ssyncset.done $0x0  }
0x174: {  	[sflag:s11] =	ssyncadd.s32 $0xFFFFEC00  }
0x175: {  	[bflag:$0x0] =	sbarrier.arrive $0xFFFF  }
0x176: {  	s13 =	simm.s32 @!p0 $0x1C03;
	s19 =	rddreg [dreg:$0x5]  }
0x177: {  	[hbm:s19], [sflag:s13] =	dma.local @!p0 [spmem:s12], $0x500  }
0x178: {  	s13 =	simm.s32 @!p0 $0x3  }
0x179: {  	_ =	swait.ge @!p0 [sflag:s13], $0x500  }
0x17a: {  	s8 =	sadd.s32 $0x1, s8;
	s21 =	rddreg [dreg:$0x6]  }
0x17b: {  	p1 =	sne.s32 s8, s21  }
.Ltmp2:
0x17c: {  	_ = 	snop;
	(pc) =	sbr.rel @p1 .LBB2_1-.Ltmp2, $3  }
0x17d: {  	_ =	sdelay $0x1  }
0x17e: {  	[sflag:s13] =	ssyncset.done @!p0 $0x0  }
0x17f: {  	[sflag:s13] =	ssyncadd.s32 @!p0 $0xFFFFFB00  }
0x180: {  	_ =	sfence.sel $0x180000  }
0x181: {  	[bflag:$0x0] =	sbarrier.arrive $0xFFFF  }
0x182: {  	_ =	strace $0x90000047  }
0x183: {  	[bflag:$0x2] =	sbarrier.arrive $0xFFFF  }
0x184: {  	s0 =	rddreg [dreg:$0x2]  }
0x185: {  	s0 =	sadd.s32 @!p0 $0x100000, s0  }
0x186: {  	[sflag:s0] =	ssyncadd.tile.s32 @!p0 $0x1;
	_ =	shalt  }
.Lfunc_end2:
_tile_overlayer_lowered:
.L_overlay_start_2:
0x187: {  	(tag) =	ssettag $0x2  }
0x188: {  	s0 =	rddreg [dreg:$0x0];
	s2 =	stileid.u32  }
0x189: {  	s1 =	rddreg [dreg:$0x1];
	p0 =	sne.s32 s2, $0x0  }
0x18a: {  	s3 =	rddreg [dreg:$0x2];
	[bflag:$0x3] =	sbarrier.arrive $0xFFFF;
	s2 =	simm.s32 @!p0 $0x1C03  }
0x18b: {  	[timem:s3], [sflag:s2] =	dma.local @!p0 [hbm:s0], s1  }
0x18c: {  	s0 =	simm.s32 @!p0 $0x3  }
0x18d: {  	_ =	swait.ge @!p0 [sflag:s0], s1  }
0x18e: {  	s1 =	ssub.s32 @!p0 $0x0, s1;
	[sflag:s0] =	ssyncset.done @!p0 $0x0  }
0x18f: {  	[sflag:s0] =	ssyncadd.s32 @!p0 s1  }
0x190: {  	[bflag:$0x3] =	sbarrier.arrive $0xFFFF  }
0x191: {  	_ =	shalt  }

// kernel: kernel.13.cloned.1.call-start
scs
__scs_entry_jumppad:
0x0: {  	(pc) =	sbr.rel $0x88, $3  }
0x1: {  	(tag) =	ssettag $0x0;
	lr =	simm.s32 $0x1  }
0x2: {  	[smem:$0x3F90] =	sst lr;
	_ =	strace $0xD0000000  }
0x3: {  	_ = 	snop  }
0x4: {  	_ = 	snop  }
0x5: {  	_ = 	snop  }
0x6: {  	_ = 	snop  }
0x7: {  	_ = 	snop  }
__scs_overlays_trampoline_lowered:
0x8: {  	[smem:$0x3F9F] =	sst s0  }
0x9: {  	[smem:$0x3FA0] =	sst s1  }
0xa: {  	[smem:$0x3FA1] =	sst s2  }
0xb: {  	[smem:$0x3FA2] =	sst s3  }
0xc: {  	[smem:$0x3FA3] =	sst s4  }
0xd: {  	[smem:$0x3FA4] =	sst s5  }
0xe: {  	[smem:$0x3FA5] =	sst s6  }
0xf: {  	[smem:$0x3FA6] =	sst s7  }
0x10: {  	[smem:$0x3FA7] =	sst s8  }
0x11: {  	[smem:$0x3FA8] =	sst s9;
	s0 =	simm.s32 @!p0 $0x0  }
0x12: {  	s1 =	sld [smem:$0x3F8E];
	s0 =	simm.s32 @p0 $0x1  }
0x13: {  	[smem:$0x3FA9] =	sst s0;
	s0 =	simm.s32 @!p1 $0x0  }
0x14: {  	s2 =	sld [smem:$0x3F8D];
	s0 =	simm.s32 @p1 $0x1  }
0x15: {  	[smem:$0x3FAA] =	sst s0;
	s0 =	simm.s32 @!p2 $0x0  }
0x16: {  	s3 =	sld [smem:$0x3FDB];
	s0 =	simm.s32 @p2 $0x1  }
0x17: {  	s4 =	simm.s32 $0x1BF5;
	[smem:$0x3FAC] =	sst s0  }
0x18: {  	s0 =	sld [smem:$0x3F8F];
	_ =	swait.ge [sflag:s4], $0x0  }
0x19: {  	s7 =	sld [smem:$0x3F90]  }
0x1a: {  	s8 =	sadd.s32 $0xFFFFE003, lr  }
0x1b: {  	s9 =	sadd.s32 $0xFFFFFEF7, lr;
	s5 =	simm.s32 $0xFFFFFFFF;
	p2 =	slt.u32 s8, $0xFFFFF086  }
0x1c: {  	p1 =	slt.u32 s9, $0xF7A;
	s5 =	simm.s32 @!p2 $0x0  }
0x1d: {  	s5 =	simm.s32 @p1 $0x1;
	p0 =	seq.s32 s7, s2  }
0x1e: {  	s7 =	smul.u32 @!p0 $0xF7A, s2;
	p2 =	seq.s32 @!p0 s5, $0x0  }
0x1f: {  	s9 =	smul.u32 $0xF7A, s1;
	s8 =	simm.s32 @!p0 $0x1BF5;
	p2 =	por !p2, p0  }
0x20: {  	[sflag:s8] =	ssyncset.s32 @!p0 $0xFFFFF086;
	s6 =	sadd.s32 @!p0 s3, s7;
	s7 =	simm.s32 @!p0 $0x108  }
0x21: {  	s3 =	sadd.s32 s3, s9;
	s6 =	sadd.s32 @!p0 $0x88, s6;
	s7 =	simm.s32 @p2 $0x1082  }
0x22: {  	[simem:s7], [sflag:s8] =	dma.local @!p0 [hbm:s6], $0xF7A  }
0x23: {  	s9 =	sor.u32 $0xD0000000, s2;
	s6 =	simm.s32 $0x108;
	_ =	swait.ge @!p0 [sflag:s8], $0x0  }
0x24: {  	s3 =	sadd.s32 $0x88, s3;
	s6 =	simm.s32 @!p1 $0x1082;
	[sflag:s4] =	ssyncset.s32 $0xFFFFF086  }
0x25: {  	[simem:s6], [sflag:s4] =	dma.local [hbm:s3], $0xF7A  }
0x26: {  	[smem:$0x3F90] =	sst s1;
	(tag) =	ssettag s2;
	_ =	strace s9  }
0x27: {  	s1 =	sld [smem:$0x3FA0]  }
0x28: {  	s2 =	sld [smem:$0x3FA1]  }
0x29: {  	s4 =	sld [smem:$0x3FA3]  }
0x2a: {  	p0 =	seq.s32 s5, $0x0;
	s5 =	sld [smem:$0x3FA4]  }
0x2b: {  	s6 =	sld [smem:$0x3FA5]  }
0x2c: {  	s7 =	sld [smem:$0x3FA6]  }
0x2d: {  	s3 =	simm.s32 $0x108;
	s8 =	sld [smem:$0x3FA7]  }
0x2e: {  	s3 =	simm.s32 @!p0 $0x1082;
	s9 =	sld [smem:$0x3FA8]  }
0x2f: {  	lr =	sadd.s32 s0, s3;
	s0 =	sld [smem:$0x3F9F]  }
0x30: {  	s3 =	sld [smem:$0x3FA2]  }
0x31: {  	[smem:$0x3FAB] =	sst s10  }
0x32: {  	s10 =	sld [smem:$0x3FA9];
	_ =	sdelay $0x3  }
0x33: {  	p0 =	seq.s32 s10, $0x1;
	s10 =	sld [smem:$0x3FAB];
	_ =	sdelay $0x3  }
0x34: {  	[smem:$0x3FAB] =	sst s10  }
0x35: {  	s10 =	sld [smem:$0x3FAA];
	_ =	sdelay $0x3  }
0x36: {  	p1 =	seq.s32 s10, $0x1;
	s10 =	sld [smem:$0x3FAB];
	_ =	sdelay $0x3  }
0x37: {  	[smem:$0x3FAB] =	sst s10  }
0x38: {  	s10 =	sld [smem:$0x3FAC]  }
0x39: {  	_ = 	snop;
	(pc) =	sbr.ind lr, $3  }
0x3a: {  	_ = 	snop  }
0x3b: {  	_ = 	snop  }
0x3c: {  	p2 =	seq.s32 s10, $0x1;
	s10 =	sld [smem:$0x3FAB]  }
0x3d: {  	_ =	shalt  }
0x3e: {  	_ =	shalt  }
0x3f: {  	_ =	shalt  }
0x40: {  	_ =	shalt  }
0x41: {  	_ =	shalt  }
0x42: {  	_ =	shalt  }
0x43: {  	_ =	shalt  }
0x44: {  	_ =	shalt  }
0x45: {  	_ =	shalt  }
0x46: {  	_ =	shalt  }
0x47: {  	_ =	shalt  }
0x48: {  	_ =	shalt  }
0x49: {  	_ =	shalt  }
0x4a: {  	_ =	shalt  }
0x4b: {  	_ =	shalt  }
0x4c: {  	_ =	shalt  }
0x4d: {  	_ =	shalt  }
0x4e: {  	_ =	shalt  }
0x4f: {  	_ =	shalt  }
0x50: {  	_ =	shalt  }
0x51: {  	_ =	shalt  }
0x52: {  	_ =	shalt  }
0x53: {  	_ =	shalt  }
0x54: {  	_ =	shalt  }
0x55: {  	_ =	shalt  }
0x56: {  	_ =	shalt  }
0x57: {  	_ =	shalt  }
0x58: {  	_ =	shalt  }
0x59: {  	_ =	shalt  }
0x5a: {  	_ =	shalt  }
0x5b: {  	_ =	shalt  }
0x5c: {  	_ =	shalt  }
0x5d: {  	_ =	shalt  }
0x5e: {  	_ =	shalt  }
0x5f: {  	_ =	shalt  }
0x60: {  	_ =	shalt  }
0x61: {  	_ =	shalt  }
0x62: {  	_ =	shalt  }
0x63: {  	_ =	shalt  }
0x64: {  	_ =	shalt  }
0x65: {  	_ =	shalt  }
0x66: {  	_ =	shalt  }
0x67: {  	_ =	shalt  }
0x68: {  	_ =	shalt  }
0x69: {  	_ =	shalt  }
0x6a: {  	_ =	shalt  }
0x6b: {  	_ =	shalt  }
0x6c: {  	_ =	shalt  }
0x6d: {  	_ =	shalt  }
0x6e: {  	_ =	shalt  }
0x6f: {  	_ =	shalt  }
0x70: {  	_ =	shalt  }
0x71: {  	_ =	shalt  }
0x72: {  	_ =	shalt  }
0x73: {  	_ =	shalt  }
0x74: {  	_ =	shalt  }
0x75: {  	_ =	shalt  }
0x76: {  	_ =	shalt  }
0x77: {  	_ =	shalt  }
0x78: {  	_ =	shalt  }
0x79: {  	_ =	shalt  }
0x7a: {  	_ =	shalt  }
0x7b: {  	_ =	shalt  }
0x7c: {  	_ =	shalt  }
0x7d: {  	_ =	shalt  }
0x7e: {  	_ =	shalt  }
0x7f: {  	_ =	shalt  }
0x80: {  	_ =	shalt  }
0x81: {  	_ =	shalt  }
0x82: {  	_ =	shalt  }
0x83: {  	_ =	shalt  }
0x84: {  	_ =	shalt  }
0x85: {  	_ =	shalt  }
0x86: {  	_ =	shalt  }
0x87: {  	_ =	shalt  }
.Lfunc_end0:
.L_simem_size_0:
called_computation.2_lowered:
.L_overlay_start_0:
0x88: {  	s2 =	sld [smem:$0x3FD9]  }
0x89: {  	s3 =	sld [smem:$0x3FFE];
	_ =	sdelay $0x1  }
0x8a: {  	s1 =	srdreg.scid  }
0x8b: {  	s0 =	sand.u32 $0x1, s1  }
0x8c: {  	s16 =	sshll.u32 s0, $0xA;
	s2 =	sadd.s32 s3, s2  }
0x8d: {  	s2 =	sadd.s32 s2, s16  }
0x8e: {  	[smem:$0x3FB7] =	sst s2  }
0x8f: {  	_ = 	snop  }
0x90: {  	(tm) =	ssettm $0x1  }
0x91: {  	s17 =	sld [smem:$0x3FFB];
	_ =	sdelay $0x3  }
0x92: {  	_ =	strace s17  }
0x93: {  	s2 =	sld [smem:$0x3FFC];
	_ =	sdelay $0x3  }
0x94: {  	_ =	strace s2  }
0x95: {  	s2 =	sld [smem:$0x3FFD];
	_ =	sdelay $0x3  }
0x96: {  	_ =	strace s2  }
0x97: {  	_ =	strace $0x8FFFFFFF  }
0x98: {  	s18 =	sld [smem:$0x3FDB];
	_ =	sdelay $0x1  }
0x99: {  	s19 =	simm.s32 $_scs_section_size  }
0x9a: {  	s4 =	simm.s32 $_size__tile_overlayer_lowered;
	s5 =	simm.s32 $_tile_overlayer_lowered  }
0x9b: {  	s22 =	simm.s32 $0x1BFF;
	s21 =	sshll.u32 s5, $0x1;
	s2 =	sadd.s32 s19, s18  }
0x9c: {  	s6 =	simm.s32 $0x0;
	s20 =	sshll.u32 s4, $0x1;
	s4 =	sadd.s32 s21, s2  }
0x9d: {  	[timem:s6], [sflag:s22] =	dma.local [hbm:s4], s20  }
0x9e: {  	_ =	swait.ge [sflag:s22], s20  }
0x9f: {  	s3 =	ssub.s32 $0x0, s20;
	[sflag:s22] =	ssyncset.done $0x0  }
0xa0: {  	[sflag:s22] =	ssyncadd.s32 s3;
	_ =	sdelay $0x1  }
0xa1: {  	s23 =	simm.s32 $0x1B8B  }
0xa2: {  	_ =	swait.ge [sflag:s23], $0x1  }
0xa3: {  	[sflag:s23] =	ssyncset.done $0x0  }
0xa4: {  	s25 =	simm.s32 $0x1B8E;
	s24 =	sld [smem:$0x3FFE];
	[sflag:s23] =	ssyncadd.s32 $0xFFFFFFFF  }
0xa5: {  	s26 =	simm.s32 $execute0_lowered;
	[smem:$0x3FD2] =	sst s25  }
0xa6: {  	s4 =	sshll.u32 s26, $0x1;
	_ =	strace $0x8000004C;
	[dreg:$0x1] =	wrdreg $0xFFFFFFFF  }
0xa7: {  	s28 =	simm.s32 $_size_execute0_lowered;
	s2 =	sadd.s32 s2, s4;
	[dreg:$0x0] =	wrdreg $0x0  }
0xa8: {  	s4 =	sshll.u32 s28, $0x1;
	[dreg:$0x2] =	wrdreg s2  }
0xa9: {  	[dreg:$0x3] =	wrdreg s4  }
0xaa: {  	[dreg:$0x4] =	wrdreg $0xC0  }
0xab: {  	_ =	task [dreg:s6], $0x5FFFF  }
0xac: {  	[dreg:$0x1] =	wrdreg $0xFFFFFFFF  }
0xad: {  	[dreg:$0x0] =	wrdreg $0x60  }
0xae: {  	[dreg:$0x2] =	wrdreg s24  }
0xaf: {  	[dreg:$0x3] =	wrdreg $0x52000  }
0xb0: {  	[dreg:$0x4] =	wrdreg $0x9  }
0xb1: {  	_ =	task.clear_ibuf [dreg:s6], $0x5FFFF;
	_ =	strace $0x9000004C  }
0xb2: {  	s29 =	simm.s32 $0x9;
	_ =	strace $0x8000004E  }
0xb3: {  	_ =	swait.ge [sflag:s29], $0x1  }
0xb4: {  	[sflag:s29] =	ssyncadd.s32 $0xFFFFFFFF  }
0xb5: {  	_ =	strace $0x9000004E  }
0xb6: {  	_ =	sfence  }
0xb7: {  	s30 =	sld [smem:$0x0];
	_ =	sdelay $0x2  }
0xb8: {  	s31 =	sshll.u32 s1, $0xD;
	s1 =	sshrl.u32 s1, $0x2  }
0xb9: {  	s3 =	sand.u32 $0x4000, s31;
	s1 =	sadd.s32 s1, s30  }
0xba: {  	s0 =	sor.u32 s3, s0;
	s1 =	sshll.u32 s1, $0x11  }
0xbb: {  	s0 =	sor.u32 s1, s0  }
0xbc: {  	s0 =	sadd.s32 $0x8F2B, s0  }
0xbd: {  	[sflag:s0] =	ssyncadd.remote.s32 $0x1  }
0xbe: {  	_ =	sfence.sel $0xFFFF  }
0xbf: {  	[dreg:$0x0] =	wrdreg $0xFFFFFFFF;
	(pc) =	sbr.abs _section_cstart, $3  }
0xc0: {  	[dreg:$0x1] =	wrdreg $0xFFFFFFFF  }
0xc1: {  	_ =	task.clear_ibuf [dreg:s6], $0x2FFFF;
	_ =	strace $0x9FFFFFFF  }
0xc2: {  	(tm) =	ssettm $0x7FFFFFFF  }
0xc3: {  	_ =	shalt  }
tec
execute0_lowered:
.L_overlay_start_1:
0x0: {  	(tag) =	ssettag $0x1  }
0x1: {  	s5 =	rddreg [dreg:$0x0];
	s16 =	stileid.u32  }
0x2: {  	s1 =	rddreg [dreg:$0x1];
	s13 =	smul.u32 $0x270, s16  }
0x3: {  	s2 =	simm.s32 $0x0;
	s4 =	srdreg.scid;
	s7 =	smul.u32 $0x4E000, s16  }
0x4: {  	[smem:$0x7FF] =	sst s2;
	s3 =	sadd.s32 $0x160C00, s5;
	s9 =	smul.u32 $0xFA, s16  }
0x5: {  	s12 =	sadd.s32 $0x95A00, s5;
	s11 =	sand.u32 $0x1, s4;
	s30 =	smul.u32 $0x1F40, s16  }
0x6: {  	s4 =	sadd.s32 $0x45000, s5;
	s14 =	sadd.s32 $0x1FD000, s5;
	s8 =	smul.u32 $0x1F40, s11  }
0x7: {  	s20 =	sshll.u32 s16, $0x6;
	p0 =	sne.s32 s16, $0x0;
	s21 =	smul.u32 $0x4E20, s11  }
0x8: {  	_ =	strace $0x8000004D;
	s6 =	ssub.s32 $0x2, s11;
	s10 =	smul.u32 $0x271000, s11  }
0x9: {  	s17 =	sshllo.u32 s11, $0x1;
	s26 =	smul.u32 $0x3E800, s11;
	s18 =	sshrl.u32 s6, $0x1  }
0xa: {  	s19 =	sshrl.u32 s7, $0x2;
	s23 =	smul.u32 $0x2710, s17;
	s15 =	ssub.s32 s6, s18  }
0xb: {  	s5 =	sadd.s32 s19, s1;
	s6 =	sor.u32 $0x1C03, s20;
	s18 =	sadd.s32 $0x138000, s1  }
0xc: {  	s8 =	sadd.s32 s9, s8;
	s7 =	sadd.s32 s13, s21;
	s20 =	smul.u32 $0xFA0, s17  }
0xd: {  	s10 =	sshrl.u32 s10, $0x3;
	s17 =	smul.u32 $0x138800, s17;
	s31 =	sadd.s32 s26, s12  }
0xe: {  	s21 =	simm.s32 $0x2;
	s8 =	sshll.u32 s8, $0x5;
	s19 =	sshll.u32 s7, $0x4  }
0xf: {  	s10 =	sadd.s32 s14, s10;
	s13 =	sadd.s32 s13, s23;
	s16 =	sshrl.u32 s5, $0x3  }
0x10: {  	s18 =	sshrl.u32 @!p0 s18, $0x3;
	s23 =	simm.s32 $0x2A00;
	s7 =	sadd.s32 s12, s8  }
0x11: {  	s0 =	sadd.s32 s14, s19;
	s22 =	sadd.s32 s9, s20;
	s24 =	sadd.s32 $0x27000, s10  }
0x12: {  	s28 =	sshll.u32 s13, $0x4;
	s29 =	sshrl.u32 s17, $0x3;
	s17 =	simm.s32 $0x3  }
0x13: {  	s19 =	simm.s32 $0x50;
	s20 =	simm.s32 $0x200;
	[dreg:$0x3] =	wrdreg s0  }
0x14: {  	[dreg:$0x4] =	wrdreg s24;
	s25 =	sshll.u32 s22, $0x5;
	s11 =	sadd.s32 s14, s28  }
0x15: {  	s13 =	sadd.s32 s14, s29;
	s14 =	sadd.s32 s30, s31;
	s22 =	simm.s32 $0x180  }
0x16: {  	s24 =	simm.s32 $0x0;
	s10 =	sadd.s32 s12, s25;
	s12 =	sadd.s32 $0x27000, s13  }
0x17: {  	s13 =	smax.u32 s15, $0x1;
	s14 =	sadd.s32 $0x20, s14;
	s15 =	sadd.s32 $0x1F420, s7  }
.LBB2_1:
0x18: {  	[spmem:s16], [sflag:s6] =	dma.local [hbm:s4], $0x2700  }
0x19: {  	_ =	swait.ge [sflag:s17], $0x2700  }
0x1a: {  	[sflag:s17] =	ssyncset.done $0x0  }
0x1b: {  	s25 =	simm.s32 @!p0 $0x3;
	[sflag:s17] =	ssyncadd.s32 $0xFFFFD900  }
0x1c: {  	[spmem:s18], [sflag:s6] =	dma.local @!p0 [hbm:s4], $0x200  }
0x1d: {  	_ =	swait.ge @!p0 [sflag:s25], $0x200  }
0x1e: {  	[sflag:s25] =	ssyncset.done @!p0 $0x0  }
0x1f: {  	[sflag:s25] =	ssyncadd.s32 @!p0 $0xFFFFFE00  }
0x20: {  	[bflag:$0x0] =	sbarrier.arrive $0xFFFF  }
0x21: {  	[tilespmem:s2], [sflag:$0x3] =	stream.linear.gather [hbm4b:s7+s2], $0x100, $0x38;
	[tilespmem:$0x18B00] =	vst v63  }
0x22: {  	_ =	swait.ge [sflag:s17], $0x100  }
0x23: {  	s8 =	sand.u32 $0x1, s2;
	[sflag:s17] =	ssyncset.done $0x0  }
0x24: {  	s26 =	sxor.u32 $0x1, s8;
	[sflag:s17] =	ssyncadd.s32 $0xFFFFFF00  }
0x25: {  	[tilespmem:s20], [sflag:$0x1] =	stream.indirect.gather [hbm4b:s3+s19], $0x80, s2, s19, $0xb8;
	[tilespmem:$0x18B00] =	vst v63  }
0x26: {  	s28 =	sshll.u32 s26, $0x8;
	s29 =	smul.u32 $0xA000, s26  }
0x27: {  	[tilespmem:s28], [sflag:$0x3] =	stream.linear.gather [hbm4b:s14+s2], $0x100, $0x38;
	[tilespmem:$0x18B00] =	vst v63  }
0x28: {  	s30 =	smul.u32 $0xA000, s8;
	_ =	swait.ge [sflag:s17], $0x100  }
0x29: {  	s31 =	sadd.s32 $0x1, s8;
	s29 =	sshrl.u32 s29, $0x2;
	[sflag:s17] =	ssyncset.done $0x0  }
0x2a: {  	s26 =	sadd.s32 $0x1, s26;
	s29 =	sor.u32 $0x200, s29;
	[sflag:s17] =	ssyncadd.s32 $0xFFFFFF00  }
0x2b: {  	[tilespmem:s29], [sflag:s26] =	stream.indirect.gather [hbm4b:s3+s19], $0x80, s28, s19, $0xb8;
	[tilespmem:$0x18B00] =	vst v63  }
0x2c: {  	s9 =	simm.s32 $0x1;
	s25 =	simm.s32 $0x2;
	_ =	swait.ge [sflag:s31], $0x2800  }
0x2d: {  	s28 =	sshrl.u32 s30, $0x2;
	s29 =	sshll.u32 s8, $0x8;
	[sflag:s31] =	ssyncset.done $0x0  }
0x2e: {  	s28 =	sor.u32 $0x200, s28;
	s29 =	sor.u32 $0x80, s29;
	[sflag:s31] =	ssyncadd.s32 $0xFFFFD800  }
0x2f: {  	[spmem:s1] =	stream.indirect.scatter.add.f32 [tilespmem:s28], [sflag:$0x3], $0x80, s29, s19, $0xb8;
	[tilespmem:$0x18B00] =	vst v63  }
0x30: {  	s26 =	sadd.s32 $0x20, s14;
	s28 =	sand.u32 $0x1, s9;
	_ =	swait.ge [sflag:s17], $0x2800  }
0x31: {  	s29 =	sxor.u32 $0x1, s28;
	s30 =	smul.u32 $0xA000, s28;
	[sflag:s17] =	ssyncset.done $0x0  }
.LBB2_2:
0x32: {  	s31 =	sshll.u32 s29, $0x8  }
0x33: {  	s0 =	smul.u32 $0xA000, s29;
	[sflag:s17] =	ssyncadd.s32 $0xFFFFD800;
	s8 =	smov.u32 s25  }
0x34: {  	[tilespmem:s31], [sflag:$0x3] =	stream.linear.gather [hbm4b:s26+s2], $0x100, $0x38;
	[tilespmem:$0x18B00] =	vst v63  }
0x35: {  	s30 =	sshrl.u32 s30, $0x2;
	_ =	swait.ge [sflag:s17], $0x100;
	s0 =	sshrl.u32 s0, $0x2  }
0x36: {  	s9 =	sshll.u32 s28, $0x8;
	[sflag:s17] =	ssyncset.done $0x0;
	s0 =	sor.u32 $0x200, s0  }
0x37: {  	s29 =	sadd.s32 $0x1, s29;
	s28 =	sadd.s32 $0x1, s28;
	[sflag:s17] =	ssyncadd.s32 $0xFFFFFF00  }
0x38: {  	[tilespmem:s0], [sflag:s29] =	stream.indirect.gather [hbm4b:s3+s19], $0x80, s31, s19, $0xb8;
	[tilespmem:$0x18B00] =	vst v63  }
0x39: {  	p1 =	sne.s32 s25, $0xF8;
	s25 =	sadd.s32 $0x1, s25;
	_ =	swait.ge [sflag:s28], $0x2800  }
.Ltmp0:
0x3a: {  	[sflag:s28] =	ssyncset.done $0x0;
	(pc) =	sbr.rel @p1 .LBB2_2-.Ltmp0, $4  }
0x3b: {  	s9 =	sor.u32 $0x80, s9;
	s0 =	sor.u32 $0x200, s30;
	[sflag:s28] =	ssyncadd.s32 $0xFFFFD800  }
0x3c: {  	[spmem:s1] =	stream.indirect.scatter.add.f32 [tilespmem:s0], [sflag:$0x3], $0x80, s9, s19, $0xb8;
	[tilespmem:$0x18B00] =	vst v63  }
0x3d: {  	s26 =	sadd.s32 $0x20, s26;
	s28 =	sand.u32 $0x1, s8;
	_ =	swait.ge [sflag:s17], $0x2800  }
0x3e: {  	s29 =	sxor.u32 $0x1, s28;
	s30 =	smul.u32 $0xA000, s28;
	[sflag:s17] =	ssyncset.done $0x0  }
0x3f: {  	s0 =	sshll.u32 s29, $0x8;
	s8 =	smul.u32 $0xA000, s29;
	[sflag:s17] =	ssyncadd.s32 $0xFFFFD800  }
0x40: {  	[tilespmem:s0], [sflag:$0x3] =	stream.linear.gather [hbm4b:s26+s2], $0x100, $0x38;
	[tilespmem:$0x18B00] =	vst v63  }
0x41: {  	_ =	swait.ge [sflag:s17], $0x100  }
0x42: {  	s9 =	sadd.s32 $0x1, s29;
	s8 =	sshrl.u32 s8, $0x2;
	[sflag:s17] =	ssyncset.done $0x0  }
0x43: {  	s25 =	sadd.s32 $0x1, s28;
	s8 =	sor.u32 $0x200, s8;
	[sflag:s17] =	ssyncadd.s32 $0xFFFFFF00  }
0x44: {  	[tilespmem:s8], [sflag:s9] =	stream.indirect.gather [hbm4b:s3+s19], $0x80, s0, s19, $0xb8;
	[tilespmem:$0x18B00] =	vst v63  }
0x45: {  	_ =	swait.ge [sflag:s25], $0x2800  }
0x46: {  	s31 =	sshll.u32 s28, $0x8;
	s26 =	sshrl.u32 s30, $0x2;
	[sflag:s25] =	ssyncset.done $0x0  }
0x47: {  	s0 =	sor.u32 $0x200, s26;
	s8 =	sor.u32 $0x80, s31;
	[sflag:s25] =	ssyncadd.s32 $0xFFFFD800  }
0x48: {  	[spmem:s1] =	stream.indirect.scatter.add.f32 [tilespmem:s0], [sflag:$0x3], $0x80, s8, s19, $0xb8;
	[tilespmem:$0x18B00] =	vst v63  }
0x49: {  	_ =	swait.ge [sflag:s17], $0x2800  }
0x4a: {  	[sflag:s17] =	ssyncset.done $0x0  }
0x4b: {  	[sflag:s17] =	ssyncadd.s32 $0xFFFFD800  }
0x4c: {  	_ =	swait.ge [sflag:s21], $0x2800  }
0x4d: {  	[sflag:s21] =	ssyncset.done $0x0  }
0x4e: {  	[sflag:s21] =	ssyncadd.s32 $0xFFFFD800  }
0x4f: {  	[spmem:s1] =	stream.indirect.scatter.add.f32 [tilespmem:s23], [sflag:$0x3], $0x80, s22, s19, $0xb8;
	[tilespmem:$0x18B00] =	vst v63  }
0x50: {  	_ =	swait.ge [sflag:s17], $0x2800  }
0x51: {  	[sflag:s17] =	ssyncset.done $0x0  }
0x52: {  	[sflag:s17] =	ssyncadd.s32 $0xFFFFD800  }
0x53: {  	[bflag:$0x0] =	sbarrier.arrive $0xFFFF  }
0x54: {  	s9 =	rddreg [dreg:$0x3]  }
0x55: {  	[hbm:s9], [sflag:s6] =	dma.local [spmem:s16], $0x2700  }
0x56: {  	_ =	swait.ge [sflag:s17], $0x2700  }
0x57: {  	[sflag:s17] =	ssyncset.done $0x0  }
0x58: {  	[sflag:s17] =	ssyncadd.s32 $0xFFFFD900  }
0x59: {  	s0 =	sshrl.u32 @p0 s5, $0x3;
	[bflag:$0x0] =	sbarrier.arrive @p0 $0xFFFF  }
0x5a: {  	[spmem:s0], [sflag:s6] =	dma.local @p0 [hbm:s4], $0x2700  }
0x5b: {  	s0 =	simm.s32 @p0 $0x3  }
0x5c: {  	_ =	swait.ge @p0 [sflag:s0], $0x2700  }
0x5d: {  	[sflag:s0] =	ssyncset.done @p0 $0x0  }
0x5e: {  	[sflag:s0] =	ssyncadd.s32 @p0 $0xFFFFD900;
	s0 =	rddreg [dreg:$0x4]  }
0x5f: {  	[hbm:s0], [sflag:s6] =	dma.local @!p0 [spmem:s18], $0x100  }
0x60: {  	s0 =	simm.s32 @!p0 $0x3  }
0x61: {  	_ =	swait.ge @!p0 [sflag:s0], $0x100  }
0x62: {  	[sflag:s0] =	ssyncset.done @!p0 $0x0  }
0x63: {  	[sflag:s0] =	ssyncadd.s32 @!p0 $0xFFFFFF00  }
0x64: {  	s8 =	sshrl.u32 @!p0 s5, $0x3;
	[bflag:$0x0] =	sbarrier.arrive @!p0 $0xFFFF  }
0x65: {  	[spmem:s8], [sflag:s6] =	dma.local @!p0 [hbm:s4], $0x2700  }
0x66: {  	_ =	swait.ge @!p0 [sflag:s0], $0x2700  }
0x67: {  	[sflag:s0] =	ssyncset.done @!p0 $0x0  }
0x68: {  	[sflag:s0] =	ssyncadd.s32 @!p0 $0xFFFFD900  }
0x69: {  	[spmem:s18], [sflag:s6] =	dma.local @!p0 [hbm:s4], $0x200  }
0x6a: {  	_ =	swait.ge @!p0 [sflag:s0], $0x200  }
0x6b: {  	[sflag:s0] =	ssyncset.done @!p0 $0x0  }
0x6c: {  	[sflag:s0] =	ssyncadd.s32 @!p0 $0xFFFFFE00  }
0x6d: {  	s25 =	simm.s32 $0x0;
	[bflag:$0x0] =	sbarrier.arrive $0xFFFF  }
0x6e: {  	[tilespmem:s25], [sflag:$0x3] =	stream.linear.gather [hbm4b:s10+s25], $0x100, $0x38;
	[tilespmem:$0x18B00] =	vst v63  }
0x6f: {  	_ =	swait.ge [sflag:s17], $0x100  }
0x70: {  	s0 =	sand.u32 $0x1, s25;
	[sflag:s17] =	ssyncset.done $0x0  }
0x71: {  	s8 =	sxor.u32 $0x1, s0;
	[sflag:s17] =	ssyncadd.s32 $0xFFFFFF00  }
0x72: {  	[tilespmem:s20], [sflag:$0x1] =	stream.indirect.gather [hbm4b:s3+s19], $0x80, s25, s19, $0xb8;
	[tilespmem:$0x18B00] =	vst v63  }
0x73: {  	s9 =	sshll.u32 s8, $0x8;
	s26 =	smul.u32 $0xA000, s8  }
0x74: {  	[tilespmem:s9], [sflag:$0x3] =	stream.linear.gather [hbm4b:s15+s2], $0x100, $0x38;
	[tilespmem:$0x18B00] =	vst v63  }
0x75: {  	s31 =	smul.u32 $0xA000, s0;
	s28 =	sadd.s32 $0x1, s0;
	_ =	swait.ge [sflag:s17], $0x100  }
0x76: {  	s0 =	sshll.u32 s0, $0x8;
	s25 =	sshrl.u32 s26, $0x2;
	[sflag:s17] =	ssyncset.done $0x0  }
0x77: {  	s8 =	sadd.s32 $0x1, s8;
	s25 =	sor.u32 $0x200, s25;
	[sflag:s17] =	ssyncadd.s32 $0xFFFFFF00  }
0x78: {  	[tilespmem:s25], [sflag:s8] =	stream.indirect.gather [hbm4b:s3+s19], $0x80, s9, s19, $0xb8;
	[tilespmem:$0x18B00] =	vst v63  }
0x79: {  	s0 =	sor.u32 $0x80, s0;
	_ =	swait.ge [sflag:s28], $0x2800  }
0x7a: {  	s31 =	sshrl.u32 s31, $0x2;
	s26 =	sadd.s32 $0x20, s15;
	[sflag:s28] =	ssyncset.done $0x0  }
0x7b: {  	s8 =	simm.s32 $0x1;
	s9 =	sor.u32 $0x200, s31;
	[sflag:s28] =	ssyncadd.s32 $0xFFFFD800  }
0x7c: {  	[spmem:s1] =	stream.indirect.scatter.add.f32 [tilespmem:s9], [sflag:$0x3], $0x80, s0, s19, $0xb8;
	[tilespmem:$0x18B00] =	vst v63  }
0x7d: {  	s25 =	simm.s32 $0x2;
	s28 =	sand.u32 $0x1, s8;
	_ =	swait.ge [sflag:s17], $0x2800  }
0x7e: {  	s29 =	sxor.u32 $0x1, s28;
	s30 =	smul.u32 $0xA000, s28;
	[sflag:s17] =	ssyncset.done $0x0  }
.LBB2_4:
0x7f: {  	s0 =	sshll.u32 s29, $0x8  }
0x80: {  	s8 =	smul.u32 $0xA000, s29;
	[sflag:s17] =	ssyncadd.s32 $0xFFFFD800;
	s9 =	smov.u32 s25  }
0x81: {  	[tilespmem:s0], [sflag:$0x3] =	stream.linear.gather [hbm4b:s26+s2], $0x100, $0x38;
	[tilespmem:$0x18B00] =	vst v63  }
0x82: {  	s30 =	sshrl.u32 s30, $0x2;
	_ =	swait.ge [sflag:s17], $0x100;
	s8 =	sshrl.u32 s8, $0x2  }
0x83: {  	s31 =	sshll.u32 s28, $0x8;
	[sflag:s17] =	ssyncset.done $0x0;
	s8 =	sor.u32 $0x200, s8  }
0x84: {  	s29 =	sadd.s32 $0x1, s29;
	s28 =	sadd.s32 $0x1, s28;
	[sflag:s17] =	ssyncadd.s32 $0xFFFFFF00  }
0x85: {  	[tilespmem:s8], [sflag:s29] =	stream.indirect.gather [hbm4b:s3+s19], $0x80, s0, s19, $0xb8;
	[tilespmem:$0x18B00] =	vst v63  }
0x86: {  	p1 =	sne.s32 s25, $0xF8;
	s25 =	sadd.s32 $0x1, s25;
	_ =	swait.ge [sflag:s28], $0x2800  }
.Ltmp1:
0x87: {  	[sflag:s28] =	ssyncset.done $0x0;
	(pc) =	sbr.rel @p1 .LBB2_4-.Ltmp1, $4  }
0x88: {  	s0 =	sor.u32 $0x200, s30;
	s8 =	sor.u32 $0x80, s31;
	[sflag:s28] =	ssyncadd.s32 $0xFFFFD800  }
0x89: {  	[spmem:s1] =	stream.indirect.scatter.add.f32 [tilespmem:s0], [sflag:$0x3], $0x80, s8, s19, $0xb8;
	[tilespmem:$0x18B00] =	vst v63  }
0x8a: {  	s26 =	sadd.s32 $0x20, s26;
	s28 =	sand.u32 $0x1, s9;
	_ =	swait.ge [sflag:s17], $0x2800  }
0x8b: {  	s29 =	sxor.u32 $0x1, s28;
	s30 =	smul.u32 $0xA000, s28;
	[sflag:s17] =	ssyncset.done $0x0  }
0x8c: {  	s0 =	sshll.u32 s29, $0x8;
	s8 =	smul.u32 $0xA000, s29;
	[sflag:s17] =	ssyncadd.s32 $0xFFFFD800  }
0x8d: {  	[tilespmem:s0], [sflag:$0x3] =	stream.linear.gather [hbm4b:s26+s2], $0x100, $0x38;
	[tilespmem:$0x18B00] =	vst v63  }
0x8e: {  	_ =	swait.ge [sflag:s17], $0x100  }
0x8f: {  	s9 =	sadd.s32 $0x1, s29;
	s8 =	sshrl.u32 s8, $0x2;
	[sflag:s17] =	ssyncset.done $0x0  }
0x90: {  	s25 =	sadd.s32 $0x1, s28;
	s8 =	sor.u32 $0x200, s8;
	[sflag:s17] =	ssyncadd.s32 $0xFFFFFF00  }
0x91: {  	[tilespmem:s8], [sflag:s9] =	stream.indirect.gather [hbm4b:s3+s19], $0x80, s0, s19, $0xb8;
	[tilespmem:$0x18B00] =	vst v63  }
0x92: {  	_ =	swait.ge [sflag:s25], $0x2800  }
0x93: {  	s31 =	sshll.u32 s28, $0x8;
	s30 =	sshrl.u32 s30, $0x2;
	[sflag:s25] =	ssyncset.done $0x0  }
0x94: {  	s0 =	sor.u32 $0x200, s30;
	s8 =	sor.u32 $0x80, s31;
	[sflag:s25] =	ssyncadd.s32 $0xFFFFD800  }
0x95: {  	[spmem:s1] =	stream.indirect.scatter.add.f32 [tilespmem:s0], [sflag:$0x3], $0x80, s8, s19, $0xb8;
	[tilespmem:$0x18B00] =	vst v63  }
0x96: {  	_ =	swait.ge [sflag:s17], $0x2800  }
0x97: {  	[sflag:s17] =	ssyncset.done $0x0  }
0x98: {  	[sflag:s17] =	ssyncadd.s32 $0xFFFFD800  }
0x99: {  	_ =	swait.ge [sflag:s21], $0x2800  }
0x9a: {  	[sflag:s21] =	ssyncset.done $0x0  }
0x9b: {  	[sflag:s21] =	ssyncadd.s32 $0xFFFFD800  }
0x9c: {  	[spmem:s1] =	stream.indirect.scatter.add.f32 [tilespmem:s23], [sflag:$0x3], $0x80, s22, s19, $0xb8;
	[tilespmem:$0x18B00] =	vst v63  }
0x9d: {  	_ =	swait.ge [sflag:s17], $0x2800  }
0x9e: {  	[sflag:s17] =	ssyncset.done $0x0  }
0x9f: {  	[sflag:s17] =	ssyncadd.s32 $0xFFFFD800  }
0xa0: {  	[bflag:$0x0] =	sbarrier.arrive $0xFFFF  }
0xa1: {  	[hbm:s11], [sflag:s6] =	dma.local [spmem:s16], $0x2700  }
0xa2: {  	_ =	swait.ge [sflag:s17], $0x2700  }
0xa3: {  	s24 =	sadd.s32 $0x1, s24;
	[sflag:s17] =	ssyncset.done $0x0  }
0xa4: {  	p1 =	sne.s32 s24, s13;
	s0 =	simm.s32 @!p0 $0x3;
	[sflag:s17] =	ssyncadd.s32 $0xFFFFD900  }
0xa5: {  	[hbm:s12], [sflag:s6] =	dma.local @!p0 [spmem:s18], $0x100  }
.Ltmp2:
0xa6: {  	_ =	swait.ge @!p0 [sflag:s0], $0x100;
	(pc) =	sbr.rel @p1 .LBB2_1-.Ltmp2, $3  }
0xa7: {  	[sflag:s0] =	ssyncset.done @!p0 $0x0  }
0xa8: {  	[sflag:s0] =	ssyncadd.s32 @!p0 $0xFFFFFF00  }
0xa9: {  	[bflag:$0x0] =	sbarrier.arrive $0xFFFF;
	_ =	sdelay $0x1  }
0xaa: {  	_ =	sfence.sel $0x180000  }
0xab: {  	[bflag:$0x0] =	sbarrier.arrive $0xFFFF  }
0xac: {  	_ =	strace $0x9000004D  }
0xad: {  	[bflag:$0x2] =	sbarrier.arrive $0xFFFF  }
0xae: {  	s0 =	rddreg [dreg:$0x2]  }
0xaf: {  	s0 =	sadd.s32 @!p0 $0x100000, s0  }
0xb0: {  	[sflag:s0] =	ssyncadd.tile.s32 @!p0 $0x1;
	_ =	shalt  }
.Lfunc_end2:
_tile_overlayer_lowered:
.L_overlay_start_2:
0xb1: {  	(tag) =	ssettag $0x2  }
0xb2: {  	s0 =	rddreg [dreg:$0x0];
	s2 =	stileid.u32  }
0xb3: {  	s1 =	rddreg [dreg:$0x1];
	p0 =	sne.s32 s2, $0x0  }
0xb4: {  	s3 =	rddreg [dreg:$0x2];
	[bflag:$0x3] =	sbarrier.arrive $0xFFFF;
	s2 =	simm.s32 @!p0 $0x1C03  }
0xb5: {  	[timem:s3], [sflag:s2] =	dma.local @!p0 [hbm:s0], s1  }
0xb6: {  	s0 =	simm.s32 @!p0 $0x3  }
0xb7: {  	_ =	swait.ge @!p0 [sflag:s0], s1  }
0xb8: {  	s1 =	ssub.s32 @!p0 $0x0, s1;
	[sflag:s0] =	ssyncset.done @!p0 $0x0  }
0xb9: {  	[sflag:s0] =	ssyncadd.s32 @!p0 s1  }
0xba: {  	[bflag:$0x3] =	sbarrier.arrive $0xFFFF  }
0xbb: {  	_ =	shalt  }

// kernel: kernel.7.cloned.1.call-start
scs
__scs_entry_jumppad:
0x0: {  	(pc) =	sbr.rel $0x88, $3  }
0x1: {  	(tag) =	ssettag $0x0;
	lr =	simm.s32 $0x1  }
0x2: {  	[smem:$0x3F90] =	sst lr;
	_ =	strace $0xD0000000  }
0x3: {  	_ = 	snop  }
0x4: {  	_ = 	snop  }
0x5: {  	_ = 	snop  }
0x6: {  	_ = 	snop  }
0x7: {  	_ = 	snop  }
__scs_overlays_trampoline_lowered:
0x8: {  	[smem:$0x3F9F] =	sst s0  }
0x9: {  	[smem:$0x3FA0] =	sst s1  }
0xa: {  	[smem:$0x3FA1] =	sst s2  }
0xb: {  	[smem:$0x3FA2] =	sst s3  }
0xc: {  	[smem:$0x3FA3] =	sst s4  }
0xd: {  	[smem:$0x3FA4] =	sst s5  }
0xe: {  	[smem:$0x3FA5] =	sst s6  }
0xf: {  	[smem:$0x3FA6] =	sst s7  }
0x10: {  	[smem:$0x3FA7] =	sst s8  }
0x11: {  	[smem:$0x3FA8] =	sst s9;
	s0 =	simm.s32 @!p0 $0x0  }
0x12: {  	s1 =	sld [smem:$0x3F8E];
	s0 =	simm.s32 @p0 $0x1  }
0x13: {  	[smem:$0x3FA9] =	sst s0;
	s0 =	simm.s32 @!p1 $0x0  }
0x14: {  	s2 =	sld [smem:$0x3F8D];
	s0 =	simm.s32 @p1 $0x1  }
0x15: {  	[smem:$0x3FAA] =	sst s0;
	s0 =	simm.s32 @!p2 $0x0  }
0x16: {  	s3 =	sld [smem:$0x3FDB];
	s0 =	simm.s32 @p2 $0x1  }
0x17: {  	s4 =	simm.s32 $0x1BF5;
	[smem:$0x3FAC] =	sst s0  }
0x18: {  	s0 =	sld [smem:$0x3F8F];
	_ =	swait.ge [sflag:s4], $0x0  }
0x19: {  	s7 =	sld [smem:$0x3F90]  }
0x1a: {  	s8 =	sadd.s32 $0xFFFFE003, lr  }
0x1b: {  	s9 =	sadd.s32 $0xFFFFFEF7, lr;
	s5 =	simm.s32 $0xFFFFFFFF;
	p2 =	slt.u32 s8, $0xFFFFF086  }
0x1c: {  	p1 =	slt.u32 s9, $0xF7A;
	s5 =	simm.s32 @!p2 $0x0  }
0x1d: {  	s5 =	simm.s32 @p1 $0x1;
	p0 =	seq.s32 s7, s2  }
0x1e: {  	s7 =	smul.u32 @!p0 $0xF7A, s2;
	p2 =	seq.s32 @!p0 s5, $0x0  }
0x1f: {  	s9 =	smul.u32 $0xF7A, s1;
	s8 =	simm.s32 @!p0 $0x1BF5;
	p2 =	por !p2, p0  }
0x20: {  	[sflag:s8] =	ssyncset.s32 @!p0 $0xFFFFF086;
	s6 =	sadd.s32 @!p0 s3, s7;
	s7 =	simm.s32 @!p0 $0x108  }
0x21: {  	s3 =	sadd.s32 s3, s9;
	s6 =	sadd.s32 @!p0 $0x88, s6;
	s7 =	simm.s32 @p2 $0x1082  }
0x22: {  	[simem:s7], [sflag:s8] =	dma.local @!p0 [hbm:s6], $0xF7A  }
0x23: {  	s9 =	sor.u32 $0xD0000000, s2;
	s6 =	simm.s32 $0x108;
	_ =	swait.ge @!p0 [sflag:s8], $0x0  }
0x24: {  	s3 =	sadd.s32 $0x88, s3;
	s6 =	simm.s32 @!p1 $0x1082;
	[sflag:s4] =	ssyncset.s32 $0xFFFFF086  }
0x25: {  	[simem:s6], [sflag:s4] =	dma.local [hbm:s3], $0xF7A  }
0x26: {  	[smem:$0x3F90] =	sst s1;
	(tag) =	ssettag s2;
	_ =	strace s9  }
0x27: {  	s1 =	sld [smem:$0x3FA0]  }
0x28: {  	s2 =	sld [smem:$0x3FA1]  }
0x29: {  	s4 =	sld [smem:$0x3FA3]  }
0x2a: {  	p0 =	seq.s32 s5, $0x0;
	s5 =	sld [smem:$0x3FA4]  }
0x2b: {  	s6 =	sld [smem:$0x3FA5]  }
0x2c: {  	s7 =	sld [smem:$0x3FA6]  }
0x2d: {  	s3 =	simm.s32 $0x108;
	s8 =	sld [smem:$0x3FA7]  }
0x2e: {  	s3 =	simm.s32 @!p0 $0x1082;
	s9 =	sld [smem:$0x3FA8]  }
0x2f: {  	lr =	sadd.s32 s0, s3;
	s0 =	sld [smem:$0x3F9F]  }
0x30: {  	s3 =	sld [smem:$0x3FA2]  }
0x31: {  	[smem:$0x3FAB] =	sst s10  }
0x32: {  	s10 =	sld [smem:$0x3FA9];
	_ =	sdelay $0x3  }
0x33: {  	p0 =	seq.s32 s10, $0x1;
	s10 =	sld [smem:$0x3FAB];
	_ =	sdelay $0x3  }
0x34: {  	[smem:$0x3FAB] =	sst s10  }
0x35: {  	s10 =	sld [smem:$0x3FAA];
	_ =	sdelay $0x3  }
0x36: {  	p1 =	seq.s32 s10, $0x1;
	s10 =	sld [smem:$0x3FAB];
	_ =	sdelay $0x3  }
0x37: {  	[smem:$0x3FAB] =	sst s10  }
0x38: {  	s10 =	sld [smem:$0x3FAC]  }
0x39: {  	_ = 	snop;
	(pc) =	sbr.ind lr, $3  }
0x3a: {  	_ = 	snop  }
0x3b: {  	_ = 	snop  }
0x3c: {  	p2 =	seq.s32 s10, $0x1;
	s10 =	sld [smem:$0x3FAB]  }
0x3d: {  	_ =	shalt  }
0x3e: {  	_ =	shalt  }
0x3f: {  	_ =	shalt  }
0x40: {  	_ =	shalt  }
0x41: {  	_ =	shalt  }
0x42: {  	_ =	shalt  }
0x43: {  	_ =	shalt  }
0x44: {  	_ =	shalt  }
0x45: {  	_ =	shalt  }
0x46: {  	_ =	shalt  }
0x47: {  	_ =	shalt  }
0x48: {  	_ =	shalt  }
0x49: {  	_ =	shalt  }
0x4a: {  	_ =	shalt  }
0x4b: {  	_ =	shalt  }
0x4c: {  	_ =	shalt  }
0x4d: {  	_ =	shalt  }
0x4e: {  	_ =	shalt  }
0x4f: {  	_ =	shalt  }
0x50: {  	_ =	shalt  }
0x51: {  	_ =	shalt  }
0x52: {  	_ =	shalt  }
0x53: {  	_ =	shalt  }
0x54: {  	_ =	shalt  }
0x55: {  	_ =	shalt  }
0x56: {  	_ =	shalt  }
0x57: {  	_ =	shalt  }
0x58: {  	_ =	shalt  }
0x59: {  	_ =	shalt  }
0x5a: {  	_ =	shalt  }
0x5b: {  	_ =	shalt  }
0x5c: {  	_ =	shalt  }
0x5d: {  	_ =	shalt  }
0x5e: {  	_ =	shalt  }
0x5f: {  	_ =	shalt  }
0x60: {  	_ =	shalt  }
0x61: {  	_ =	shalt  }
0x62: {  	_ =	shalt  }
0x63: {  	_ =	shalt  }
0x64: {  	_ =	shalt  }
0x65: {  	_ =	shalt  }
0x66: {  	_ =	shalt  }
0x67: {  	_ =	shalt  }
0x68: {  	_ =	shalt  }
0x69: {  	_ =	shalt  }
0x6a: {  	_ =	shalt  }
0x6b: {  	_ =	shalt  }
0x6c: {  	_ =	shalt  }
0x6d: {  	_ =	shalt  }
0x6e: {  	_ =	shalt  }
0x6f: {  	_ =	shalt  }
0x70: {  	_ =	shalt  }
0x71: {  	_ =	shalt  }
0x72: {  	_ =	shalt  }
0x73: {  	_ =	shalt  }
0x74: {  	_ =	shalt  }
0x75: {  	_ =	shalt  }
0x76: {  	_ =	shalt  }
0x77: {  	_ =	shalt  }
0x78: {  	_ =	shalt  }
0x79: {  	_ =	shalt  }
0x7a: {  	_ =	shalt  }
0x7b: {  	_ =	shalt  }
0x7c: {  	_ =	shalt  }
0x7d: {  	_ =	shalt  }
0x7e: {  	_ =	shalt  }
0x7f: {  	_ =	shalt  }
0x80: {  	_ =	shalt  }
0x81: {  	_ =	shalt  }
0x82: {  	_ =	shalt  }
0x83: {  	_ =	shalt  }
0x84: {  	_ =	shalt  }
0x85: {  	_ =	shalt  }
0x86: {  	_ =	shalt  }
0x87: {  	_ =	shalt  }
.Lfunc_end0:
.L_simem_size_0:
called_computation_lowered:
.L_overlay_start_0:
0x88: {  	s2 =	sld [smem:$0x3FD9]  }
0x89: {  	s3 =	sld [smem:$0x3FFE];
	_ =	sdelay $0x1  }
0x8a: {  	s1 =	srdreg.scid  }
0x8b: {  	s0 =	sand.u32 $0x1, s1  }
0x8c: {  	s17 =	sshll.u32 s0, $0xA;
	s2 =	sadd.s32 s3, s2  }
0x8d: {  	s2 =	sadd.s32 s2, s17  }
0x8e: {  	[smem:$0x3FB7] =	sst s2  }
0x8f: {  	_ = 	snop  }
0x90: {  	s18 =	sld [smem:$0x3FC9];
	(tm) =	ssettm $0x1  }
0x91: {  	s19 =	sld [smem:$0x3FFB];
	_ =	sdelay $0x3  }
0x92: {  	_ =	strace s19  }
0x93: {  	s2 =	sld [smem:$0x3FFC];
	_ =	sdelay $0x3  }
0x94: {  	_ =	strace s2  }
0x95: {  	s2 =	sld [smem:$0x3FFD];
	_ =	sdelay $0x3  }
0x96: {  	_ =	strace s2  }
0x97: {  	_ =	strace $0x8FFFFFFF  }
0x98: {  	s20 =	sld [smem:$0x3FDB];
	_ =	sdelay $0x1  }
0x99: {  	s4 =	simm.s32 $_scs_section_size  }
0x9a: {  	s5 =	simm.s32 $_size__tile_overlayer_lowered;
	s6 =	simm.s32 $_tile_overlayer_lowered  }
0x9b: {  	s7 =	simm.s32 $0x1BFF;
	s21 =	sshll.u32 s6, $0x1;
	s4 =	sadd.s32 s4, s20  }
0x9c: {  	s22 =	simm.s32 $0x0;
	s5 =	sshll.u32 s5, $0x1;
	s6 =	sadd.s32 s21, s4  }
0x9d: {  	[timem:s22], [sflag:s7] =	dma.local [hbm:s6], s5  }
0x9e: {  	_ =	swait.ge [sflag:s7], s5  }
0x9f: {  	s5 =	ssub.s32 $0x0, s5;
	[sflag:s7] =	ssyncset.done $0x0  }
0xa0: {  	[sflag:s7] =	ssyncadd.s32 s5;
	_ =	sdelay $0x1  }
0xa1: {  	s23 =	simm.s32 $0x1B8B  }
0xa2: {  	_ =	swait.ge [sflag:s23], $0x1  }
0xa3: {  	[sflag:s23] =	ssyncset.done $0x0  }
0xa4: {  	[sflag:s23] =	ssyncadd.s32 $0xFFFFFFFF  }
0xa5: {  	s5 =	sld [smem:$0x0]  }
0xa6: {  	s6 =	sand.u32 $0xFFFFFFFE, s1  }
0xa7: {  	p0 =	sne.s32 s1, s6  }
0xa8: {  	s6 =	sshll.u32 @p0 s6, $0xE  }
0xa9: {  	s6 =	sadd.s32 @p0 $0x11B8D, s6;
	s7 =	sshll.u32 @p0 s5, $0x11  }
0xaa: {  	s6 =	sor.u32 @p0 s7, s6  }
0xab: {  	[sflag:s6] =	ssyncadd.remote.s32 @p0 $0x1;
	_ =	sdelay $0x1  }
0xac: {  	s6 =	simm.s32 @p0 $0x1B8D  }
0xad: {  	_ =	swait.eq @p0 [sflag:s6], $0x1  }
0xae: {  	[sflag:s6] =	ssyncadd.s32 @p0 $0xFFFFFFFF  }
0xaf: {  	s7 =	sshll.u32 @!p0 s1, $0xE  }
0xb0: {  	s7 =	sor.u32 @!p0 $0x4000, s7;
	s6 =	simm.s32 @!p0 $0x1B8D  }
0xb1: {  	s5 =	sshll.u32 @!p0 s5, $0x11;
	s7 =	sadd.s32 @!p0 $0x11B8D, s7;
	_ =	swait.eq @!p0 [sflag:s6], $0x1  }
0xb2: {  	s5 =	sor.u32 @!p0 s5, s7;
	[sflag:s6] =	ssyncadd.s32 @!p0 $0xFFFFFFFF  }
0xb3: {  	s25 =	simm.s32 $0x1B8E;
	s24 =	sld [smem:$0x3FFE];
	[sflag:s5] =	ssyncadd.remote.s32 @!p0 $0x1  }
0xb4: {  	s26 =	simm.s32 $execute0_lowered;
	[smem:$0x3FD2] =	sst s25  }
0xb5: {  	s6 =	sshll.u32 s26, $0x1;
	_ =	strace $0x80000049;
	[dreg:$0x1] =	wrdreg $0xFFFFFFFF  }
0xb6: {  	s28 =	simm.s32 $_size_execute0_lowered;
	s4 =	sadd.s32 s4, s6;
	[dreg:$0x0] =	wrdreg $0x0  }
0xb7: {  	s6 =	sshll.u32 s28, $0x1;
	[dreg:$0x2] =	wrdreg s4  }
0xb8: {  	[dreg:$0x3] =	wrdreg s6  }
0xb9: {  	[dreg:$0x4] =	wrdreg $0xC0  }
0xba: {  	_ =	task [dreg:s22], $0x5FFFF  }
0xbb: {  	[dreg:$0x1] =	wrdreg $0xFFFFFFFF  }
0xbc: {  	[dreg:$0x0] =	wrdreg $0x60  }
0xbd: {  	[dreg:$0x2] =	wrdreg s18  }
0xbe: {  	[dreg:$0x3] =	wrdreg s24  }
0xbf: {  	[dreg:$0x4] =	wrdreg $0x52000  }
0xc0: {  	[dreg:$0x5] =	wrdreg $0x9  }
0xc1: {  	_ =	task.clear_ibuf [dreg:s22], $0x6FFFF;
	_ =	strace $0x90000049  }
0xc2: {  	s29 =	simm.s32 $0x9;
	_ =	strace $0x8000004B  }
0xc3: {  	_ =	swait.ge [sflag:s29], $0x1  }
0xc4: {  	[sflag:s29] =	ssyncadd.s32 $0xFFFFFFFF  }
0xc5: {  	_ =	strace $0x9000004B  }
0xc6: {  	_ =	sfence  }
0xc7: {  	s30 =	sld [smem:$0x0];
	_ =	sdelay $0x2  }
0xc8: {  	s31 =	sshll.u32 s1, $0xD;
	s1 =	sshrl.u32 s1, $0x2  }
0xc9: {  	s4 =	sand.u32 $0x4000, s31;
	s1 =	sadd.s32 s1, s30  }
0xca: {  	s0 =	sor.u32 s4, s0;
	s1 =	sshll.u32 s1, $0x11  }
0xcb: {  	s0 =	sor.u32 s1, s0  }
0xcc: {  	s0 =	sadd.s32 $0x8F2B, s0  }
0xcd: {  	[sflag:s0] =	ssyncadd.remote.s32 $0x1  }
0xce: {  	_ =	sfence.sel $0xFFFF  }
0xcf: {  	[dreg:$0x0] =	wrdreg $0xFFFFFFFF;
	(pc) =	sbr.abs _section_cstart, $3  }
0xd0: {  	[dreg:$0x1] =	wrdreg $0xFFFFFFFF  }
0xd1: {  	_ =	task.clear_ibuf [dreg:s22], $0x2FFFF;
	_ =	strace $0x9FFFFFFF  }
0xd2: {  	(tm) =	ssettm $0x7FFFFFFF  }
0xd3: {  	_ =	shalt  }
tec
execute0_lowered:
.L_overlay_start_1:
0x0: {  	(tag) =	ssettag $0x1  }
0x1: {  	s1 =	rddreg [dreg:$0x0]  }
0x2: {  	s5 =	rddreg [dreg:$0x1]  }
0x3: {  	s2 =	rddreg [dreg:$0x2]  }
0x4: {  	s0 =	rddreg [dreg:$0x3];
	s3 =	simm.s32 $0x0;
	s11 =	stileid.u32  }
0x5: {  	s4 =	srdreg.scid;
	s18 =	simm.s32 $0x2A00;
	s8 =	smul.u32 $0x2700, s11  }
0x6: {  	s19 =	simm.s32 $0x0;
	[smem:$0x7FF] =	sst s3;
	s10 =	smul.u32 $0x4E000, s11  }
0x7: {  	s7 =	sadd.s32 $0x3600, s5;
	s6 =	sand.u32 $0x1, s4;
	s24 =	smul.u32 $0xFA, s11  }
0x8: {  	s4 =	sadd.s32 $0x45000, s5;
	s12 =	sadd.s32 $0x47800, s5;
	s29 =	smul.u32 $0x1F40, s11  }
0x9: {  	s25 =	sshll.u32 s11, $0x6;
	s16 =	sadd.s32 $0x138000, s2;
	s13 =	smul.u32 $0xFA0, s6  }
0xa: {  	p0 =	sne.s32 s11, $0x0;
	_ =	strace $0x8000004A;
	s15 =	smul.u32 $0x27100, s6  }
0xb: {  	s9 =	ssub.s32 $0x2, s6;
	s5 =	sor.u32 $0x1C03, s25;
	s26 =	smul.u32 $0x138800, s6  }
0xc: {  	s17 =	smul.u32 $0x1F400, s6;
	s22 =	sshrl.u32 s9, $0x1;
	s23 =	sshrl.u32 s10, $0x2  }
0xd: {  	s9 =	ssub.s32 s9, s22;
	s14 =	sadd.s32 s23, s2;
	s10 =	sadd.s32 s24, s13  }
0xe: {  	s28 =	sshrl.u32 s26, $0x3;
	s8 =	sadd.s32 s8, s15;
	s30 =	sadd.s32 s17, s7  }
0xf: {  	s13 =	sshrl.u32 @!p0 s16, $0x3;
	s15 =	simm.s32 $0x200;
	s16 =	simm.s32 $0x2  }
0x10: {  	s17 =	simm.s32 $0x180;
	s10 =	sshll.u32 s10, $0x5;
	s31 =	sadd.s32 s29, s30  }
0x11: {  	s9 =	smax.u32 s9, $0x1;
	s11 =	sshrl.u32 s14, $0x3;
	s14 =	simm.s32 $0x50  }
0x12: {  	s6 =	sadd.s32 s7, s10;
	s10 =	sadd.s32 s12, s28;
	s7 =	sadd.s32 s12, s8  }
0x13: {  	s12 =	simm.s32 $0x3;
	s8 =	sadd.s32 $0x27000, s10;
	s10 =	sadd.s32 $0x20, s31  }
.LBB2_1:
0x14: {  	[spmem:s11], [sflag:s5] =	dma.local [hbm:s4], $0x2700  }
0x15: {  	_ =	swait.ge [sflag:s12], $0x2700  }
0x16: {  	[sflag:s12] =	ssyncset.done $0x0  }
0x17: {  	s20 =	simm.s32 @!p0 $0x3;
	[sflag:s12] =	ssyncadd.s32 $0xFFFFD900  }
0x18: {  	[spmem:s13], [sflag:s5] =	dma.local @!p0 [hbm:s4], $0x200  }
0x19: {  	_ =	swait.ge @!p0 [sflag:s20], $0x200  }
0x1a: {  	[sflag:s20] =	ssyncset.done @!p0 $0x0  }
0x1b: {  	[sflag:s20] =	ssyncadd.s32 @!p0 $0xFFFFFE00  }
0x1c: {  	[bflag:$0x0] =	sbarrier.arrive $0xFFFF  }
0x1d: {  	[tilespmem:s3], [sflag:$0x3] =	stream.linear.gather [hbm4b:s6+s3], $0x100, $0x38;
	[tilespmem:$0x18B00] =	vst v63  }
0x1e: {  	_ =	swait.ge [sflag:s12], $0x100  }
0x1f: {  	s28 =	sand.u32 $0x1, s3;
	[sflag:s12] =	ssyncset.done $0x0  }
0x20: {  	s21 =	sxor.u32 $0x1, s28;
	[sflag:s12] =	ssyncadd.s32 $0xFFFFFF00  }
0x21: {  	[tilespmem:s15], [sflag:$0x1] =	stream.indirect.gather [hbm4b:s1+s14], $0x80, s3, s14, $0xb8;
	[tilespmem:$0x18B00] =	vst v63  }
0x22: {  	s22 =	sshll.u32 s21, $0x8;
	s23 =	smul.u32 $0xA000, s21  }
0x23: {  	[tilespmem:s22], [sflag:$0x3] =	stream.linear.gather [hbm4b:s10+s3], $0x100, $0x38;
	[tilespmem:$0x18B00] =	vst v63  }
0x24: {  	s24 =	smul.u32 $0xA000, s28;
	_ =	swait.ge [sflag:s12], $0x100  }
0x25: {  	s25 =	sadd.s32 $0x1, s28;
	s23 =	sshrl.u32 s23, $0x2;
	[sflag:s12] =	ssyncset.done $0x0  }
0x26: {  	s21 =	sadd.s32 $0x1, s21;
	s23 =	sor.u32 $0x200, s23;
	[sflag:s12] =	ssyncadd.s32 $0xFFFFFF00  }
0x27: {  	[tilespmem:s23], [sflag:s21] =	stream.indirect.gather [hbm4b:s1+s14], $0x80, s22, s14, $0xb8;
	[tilespmem:$0x18B00] =	vst v63  }
0x28: {  	s29 =	simm.s32 $0x1;
	s31 =	sshll.u32 s28, $0x8;
	_ =	swait.ge [sflag:s25], $0x2800  }
0x29: {  	s30 =	sshrl.u32 s24, $0x2;
	s20 =	simm.s32 $0x2;
	[sflag:s25] =	ssyncset.done $0x0  }
0x2a: {  	s22 =	sor.u32 $0x200, s30;
	s23 =	sor.u32 $0x80, s31;
	[sflag:s25] =	ssyncadd.s32 $0xFFFFD800  }
0x2b: {  	[spmem:s2] =	stream.indirect.scatter.add.f32 [tilespmem:s22], [sflag:$0x3], $0x80, s23, s14, $0xb8;
	[tilespmem:$0x18B00] =	vst v63  }
0x2c: {  	s21 =	sadd.s32 $0x20, s10;
	s22 =	sand.u32 $0x1, s29;
	_ =	swait.ge [sflag:s12], $0x2800  }
0x2d: {  	s23 =	sxor.u32 $0x1, s22;
	s24 =	smul.u32 $0xA000, s22;
	[sflag:s12] =	ssyncset.done $0x0  }
.LBB2_2:
0x2e: {  	s25 =	sshll.u32 s23, $0x8  }
0x2f: {  	s26 =	smul.u32 $0xA000, s23;
	[sflag:s12] =	ssyncadd.s32 $0xFFFFD800;
	s28 =	smov.u32 s20  }
0x30: {  	[tilespmem:s25], [sflag:$0x3] =	stream.linear.gather [hbm4b:s21+s3], $0x100, $0x38;
	[tilespmem:$0x18B00] =	vst v63  }
0x31: {  	s24 =	sshrl.u32 s24, $0x2;
	_ =	swait.ge [sflag:s12], $0x100;
	s26 =	sshrl.u32 s26, $0x2  }
0x32: {  	s29 =	sshll.u32 s22, $0x8;
	[sflag:s12] =	ssyncset.done $0x0;
	s26 =	sor.u32 $0x200, s26  }
0x33: {  	s23 =	sadd.s32 $0x1, s23;
	s22 =	sadd.s32 $0x1, s22;
	[sflag:s12] =	ssyncadd.s32 $0xFFFFFF00  }
0x34: {  	[tilespmem:s26], [sflag:s23] =	stream.indirect.gather [hbm4b:s1+s14], $0x80, s25, s14, $0xb8;
	[tilespmem:$0x18B00] =	vst v63  }
0x35: {  	p1 =	sne.s32 s20, $0xF8;
	s20 =	sadd.s32 $0x1, s20;
	_ =	swait.ge [sflag:s22], $0x2800  }
.Ltmp0:
0x36: {  	[sflag:s22] =	ssyncset.done $0x0;
	(pc) =	sbr.rel @p1 .LBB2_2-.Ltmp0, $4  }
0x37: {  	s23 =	sor.u32 $0x200, s24;
	[sflag:s22] =	ssyncadd.s32 $0xFFFFD800;
	s22 =	sor.u32 $0x80, s29  }
0x38: {  	[spmem:s2] =	stream.indirect.scatter.add.f32 [tilespmem:s23], [sflag:$0x3], $0x80, s22, s14, $0xb8;
	[tilespmem:$0x18B00] =	vst v63  }
0x39: {  	s21 =	sadd.s32 $0x20, s21;
	s22 =	sand.u32 $0x1, s28;
	_ =	swait.ge [sflag:s12], $0x2800  }
0x3a: {  	s23 =	sxor.u32 $0x1, s22;
	s24 =	smul.u32 $0xA000, s22;
	[sflag:s12] =	ssyncset.done $0x0  }
0x3b: {  	s20 =	sshll.u32 s23, $0x8;
	s25 =	smul.u32 $0xA000, s23;
	[sflag:s12] =	ssyncadd.s32 $0xFFFFD800  }
0x3c: {  	[tilespmem:s20], [sflag:$0x3] =	stream.linear.gather [hbm4b:s21+s3], $0x100, $0x38;
	[tilespmem:$0x18B00] =	vst v63  }
0x3d: {  	_ =	swait.ge [sflag:s12], $0x100  }
0x3e: {  	s28 =	sadd.s32 $0x1, s23;
	s26 =	sshrl.u32 s25, $0x2;
	[sflag:s12] =	ssyncset.done $0x0  }
0x3f: {  	s29 =	sadd.s32 $0x1, s22;
	s21 =	sor.u32 $0x200, s26;
	[sflag:s12] =	ssyncadd.s32 $0xFFFFFF00  }
0x40: {  	[tilespmem:s21], [sflag:s28] =	stream.indirect.gather [hbm4b:s1+s14], $0x80, s20, s14, $0xb8;
	[tilespmem:$0x18B00] =	vst v63  }
0x41: {  	_ =	swait.ge [sflag:s29], $0x2800  }
0x42: {  	s31 =	sshll.u32 s22, $0x8;
	s30 =	sshrl.u32 s24, $0x2;
	[sflag:s29] =	ssyncset.done $0x0  }
0x43: {  	s20 =	sor.u32 $0x200, s30;
	s21 =	sor.u32 $0x80, s31;
	[sflag:s29] =	ssyncadd.s32 $0xFFFFD800  }
0x44: {  	[spmem:s2] =	stream.indirect.scatter.add.f32 [tilespmem:s20], [sflag:$0x3], $0x80, s21, s14, $0xb8;
	[tilespmem:$0x18B00] =	vst v63  }
0x45: {  	_ =	swait.ge [sflag:s12], $0x2800  }
0x46: {  	[sflag:s12] =	ssyncset.done $0x0  }
0x47: {  	[sflag:s12] =	ssyncadd.s32 $0xFFFFD800  }
0x48: {  	_ =	swait.ge [sflag:s16], $0x2800  }
0x49: {  	[sflag:s16] =	ssyncset.done $0x0  }
0x4a: {  	[sflag:s16] =	ssyncadd.s32 $0xFFFFD800  }
0x4b: {  	[spmem:s2] =	stream.indirect.scatter.add.f32 [tilespmem:s18], [sflag:$0x3], $0x80, s17, s14, $0xb8;
	[tilespmem:$0x18B00] =	vst v63  }
0x4c: {  	_ =	swait.ge [sflag:s12], $0x2800  }
0x4d: {  	[sflag:s12] =	ssyncset.done $0x0  }
0x4e: {  	[sflag:s12] =	ssyncadd.s32 $0xFFFFD800  }
0x4f: {  	[bflag:$0x0] =	sbarrier.arrive $0xFFFF  }
0x50: {  	[hbm:s7], [sflag:s5] =	dma.local [spmem:s11], $0x2700  }
0x51: {  	_ =	swait.ge [sflag:s12], $0x2700  }
0x52: {  	s19 =	sadd.s32 $0x1, s19;
	[sflag:s12] =	ssyncset.done $0x0  }
0x53: {  	p1 =	sne.s32 s19, s9;
	s20 =	simm.s32 @!p0 $0x3;
	[sflag:s12] =	ssyncadd.s32 $0xFFFFD900  }
0x54: {  	[hbm:s8], [sflag:s5] =	dma.local @!p0 [spmem:s13], $0x100  }
.Ltmp1:
0x55: {  	_ =	swait.ge @!p0 [sflag:s20], $0x100;
	(pc) =	sbr.rel @p1 .LBB2_1-.Ltmp1, $3  }
0x56: {  	[sflag:s20] =	ssyncset.done @!p0 $0x0  }
0x57: {  	[sflag:s20] =	ssyncadd.s32 @!p0 $0xFFFFFF00  }
0x58: {  	[bflag:$0x0] =	sbarrier.arrive $0xFFFF;
	_ =	sdelay $0x1  }
0x59: {  	_ =	sfence.sel $0x180000  }
0x5a: {  	[bflag:$0x0] =	sbarrier.arrive $0xFFFF  }
0x5b: {  	_ =	strace $0x9000004A  }
0x5c: {  	s0 =	sadd.s32 @!p0 $0x100000, s0;
	[bflag:$0x2] =	sbarrier.arrive $0xFFFF  }
0x5d: {  	[sflag:s0] =	ssyncadd.tile.s32 @!p0 $0x1;
	_ =	shalt  }
.Lfunc_end2:
_tile_overlayer_lowered:
.L_overlay_start_2:
0x5e: {  	(tag) =	ssettag $0x2  }
0x5f: {  	s0 =	rddreg [dreg:$0x0];
	s2 =	stileid.u32  }
0x60: {  	s1 =	rddreg [dreg:$0x1];
	p0 =	sne.s32 s2, $0x0  }
0x61: {  	s3 =	rddreg [dreg:$0x2];
	[bflag:$0x3] =	sbarrier.arrive $0xFFFF;
	s2 =	simm.s32 @!p0 $0x1C03  }
0x62: {  	[timem:s3], [sflag:s2] =	dma.local @!p0 [hbm:s0], s1  }
0x63: {  	s0 =	simm.s32 @!p0 $0x3  }
0x64: {  	_ =	swait.ge @!p0 [sflag:s0], s1  }
0x65: {  	s1 =	ssub.s32 @!p0 $0x0, s1;
	[sflag:s0] =	ssyncset.done @!p0 $0x0  }
0x66: {  	[sflag:s0] =	ssyncadd.s32 @!p0 s1  }
0x67: {  	[bflag:$0x3] =	sbarrier.arrive $0xFFFF  }
0x68: {  	_ =	shalt  }

</sc_bundles>
